<compile_context>
chip_gen: v7x
topology: tpu7x:2x2x1
jax: 0.10.2.dev20260603
libtpu: 0.0.44.dev20260713+nightly
codegen_flags: <defaults>
</compile_context>

<pallas_src>
import functools

import jax
import jax.numpy as jnp
from jax import lax
from jax.experimental import pallas as pl
from jax.experimental.pallas import tpu as pltpu
from jax.experimental.pallas import tpu_sc as plsc

_NUM_CORES = 2
_NUM_SUBCORES = 16
_NW = _NUM_CORES * _NUM_SUBCORES
_LANES = 16
_IC = 32
_ACCS = 4


@functools.lru_cache(maxsize=None)
def _make_sc_hinge(B: int, C: int):
    R = B // _NW
    n_chunks = R // _IC
    n_groups = _IC // _LANES
    n_full = C // _LANES
    rem = C - n_full * _LANES

    mesh = plsc.VectorSubcoreMesh(core_axis_name="c", subcore_axis_name="s")

    @functools.partial(
        pl.kernel,
        mesh=mesh,
        out_type=jax.ShapeDtypeStruct((B,), jnp.float32),
        compiler_params=pltpu.CompilerParams(needs_layout_passes=False),
        scratch_types=[
            pltpu.VMEM((R,), jnp.int32),
            pltpu.VMEM((R,), jnp.float32),
            pltpu.VMEM((_IC,), jnp.float32),
            pltpu.VMEM((_IC, C), jnp.float32),
            pltpu.VMEM((_IC, C), jnp.float32),
            pltpu.SemaphoreType.DMA,
            pltpu.SemaphoreType.DMA,
        ],
    )
    def sc_hinge(x_hbm, y_hbm, out_hbm, y_v, out_v, a_v, xb0, xb1,
                 sem0, sem1):
        wid = lax.axis_index("s") * _NUM_CORES + lax.axis_index("c")
        base = wid * R
        pltpu.sync_copy(y_hbm.at[pl.ds(base, R)], y_v)

        bufs = (xb0, xb1)
        sems = (sem0, sem1)

        def start_slab(ci, b):
            pltpu.async_copy(
                x_hbm.at[pl.ds(base + ci * _IC, _IC), :],
                bufs[b],
                sems[b],
            )

        def wait_slab(b):
            pltpu.make_async_copy(
                x_hbm.at[pl.ds(0, _IC), :], bufs[b], sems[b]
            ).wait()

        lanes = lax.iota(jnp.int32, _LANES)
        zero = jnp.zeros((_LANES,), jnp.float32)
        last_lane = lanes == (_LANES - 1)
        tail_keep = lanes >= (_LANES - rem)

        def compute(ci, buf):
            for g in range(n_groups):
                col = g * _LANES
                yv = y_v[pl.ds(ci * _IC + col, _LANES)]
                t_vec = plsc.load_gather(buf, [lanes + col, yv])
                a_v[pl.ds(col, _LANES)] = 1.0 - t_vec

            def row_body(r, _):
                rv = jnp.full((_LANES,), r, jnp.int32)
                a_splat = plsc.load_gather(a_v, [rv])
                accs = [zero] * _ACCS
                for c in range(n_full):
                    x = buf[r, pl.ds(c * _LANES, _LANES)]
                    accs[c % _ACCS] = accs[c % _ACCS] + jnp.maximum(
                        x + a_splat, 0.0
                    )
                acc = (accs[0] + accs[1]) + (accs[2] + accs[3])
                if rem:
                    x = buf[r, pl.ds(C - _LANES, _LANES)]
                    h = jnp.maximum(x + a_splat, 0.0)
                    acc = acc + jnp.where(tail_keep, h, 0.0)
                total = plsc.cumsum(acc)
                loss = (total - 1.0) * (1.0 / C)
                plsc.store_scatter(
                    out_v, [rv + ci * _IC], loss, mask=last_lane
                )
                return _

            plsc.parallel_loop(0, _IC, unroll=4, carry=jnp.int32(0))(
                row_body
            )

        start_slab(0, 0)
        start_slab(1, 1)

        @pl.loop(0, n_chunks - 2, step=2)
        def _slab_ring(cil):
            for b in range(2):
                wait_slab(b)
                compute(cil + b, bufs[b])
                start_slab(cil + b + 2, b)

        for b in range(2):
            wait_slab(b)
            compute(n_chunks - 2 + b, bufs[b])

        pltpu.sync_copy(out_v, out_hbm.at[pl.ds(base, R)])

    return sc_hinge


@jax.jit
def kernel(output, y):
    B, C = output.shape
    y32 = y.astype(jnp.int32)
    return _make_sc_hinge(B, C)(output, y32)

# --- scband reference (transcript-rebuilt; emitter-appended) ---
"""Pipeline reference for scband-multi-class-hinge-loss-86328842649637 (READ-ONLY COPY).

The authoritative reference and input builder live on the scoring server;
editing this copy changes nothing except your own understanding.
"""

import jax, jax.numpy as jnp
import numpy as np

B = 16384
C = 1000

def setup_inputs(seed: int = 0) -> dict:
    key = jax.random.key(seed)
    k1, k2 = jax.random.split(key)
    output = jax.random.normal(k1, (B, C), dtype=jnp.float32)
    y = jax.random.randint(k2, (B,), 0, C, dtype=jnp.int64)
    return {"output": output, "y": y}

def reference(output, y):
    b, c = output.shape
    index = jnp.arange(b)
    # gather the score of the true class for each row
    output_y = output[index, y].reshape(-1, 1)
    loss = output - output_y + 1.0
    # zero out the true-class position (scatter-overwrite)
    loss = loss.at[index, y].set(0.0)
    # hinge: clamp negatives to zero
    loss = jnp.where(loss < 0.0, 0.0, loss)
    loss = jnp.sum(loss, axis=1) / c
    return loss

if __name__ == "__main__":
    import jax
    _d = setup_inputs()
    print(jax.jit(kernel)(*tuple(_d.values())))

</pallas_src>

<mosaic_0001>
#map = affine_map<(d0, d1) -> (0, 0)>
#map1 = affine_map<(d0, d1) -> (0)>
module attributes {stable_mosaic.version = 14 : i64} {
  func.func @sc_hinge(%arg0: i32, %arg1: i32, %arg2: memref<16384x1000xf32, #tpu.memory_space<hbm>>, %arg3: memref<16384xi32, #tpu.memory_space<hbm>>, %arg4: memref<16384xf32, #tpu.memory_space<hbm>>, %arg5: memref<512xi32, #tpu.memory_space<vmem>>, %arg6: memref<512xf32, #tpu.memory_space<vmem>>, %arg7: memref<32xf32, #tpu.memory_space<vmem>>, %arg8: memref<32x1000xf32, #tpu.memory_space<vmem>>, %arg9: memref<32x1000xf32, #tpu.memory_space<vmem>>, %arg10: memref<!tpu.dma_semaphore, #tpu.memory_space<semaphore_mem>>, %arg11: memref<!tpu.dma_semaphore, #tpu.memory_space<semaphore_mem>>) attributes {dimension_semantics = [#tpu.dimension_semantics<core_parallel>, #tpu.dimension_semantics<subcore_parallel>], iteration_bounds = array<i64: 2, 16>, scalar_prefetch = 0 : i64, scratch_operands = 7 : i64, tpu.core_type = #tpu.core_type<sc_vector_subcore>, window_params = [{transform_indices = #map}, {transform_indices = #map1}, {transform_indices = #map1}]} {
    %mul3A = arith.constant 2 : i32
    %mul3A_0 = arith.muli %arg1, %mul3A : i32
    %add3A = arith.addi %mul3A_0, %arg0 : i32
    %mul3A_1 = arith.constant 512 : i32
    %mul3A_2 = arith.muli %add3A, %mul3A_1 : i32
    "tpu.region"() ({
      %run_scoped3A = tpu.sem_alloc : memref<!tpu.dma_semaphore, #tpu.memory_space<semaphore_mem>>
      %dma_start3A_83 = tpu.memref_slice %arg3[%mul3A_2] : memref<16384xi32, #tpu.memory_space<hbm>> -> memref<512xi32, #tpu.memory_space<hbm>>
      %dma_start3A_84 = tpu.memref_slice %arg3[%mul3A_2] : memref<16384xi32, #tpu.memory_space<hbm>> -> memref<512xi32, #tpu.memory_space<hbm>>
      tpu.enqueue_dma source(%dma_start3A_84 : memref<512xi32, #tpu.memory_space<hbm>>) target(%arg5 : memref<512xi32, #tpu.memory_space<vmem>>) target_semaphore(%run_scoped3A : memref<!tpu.dma_semaphore, #tpu.memory_space<semaphore_mem>>)
      %dma_wait3A_85 = tpu.memref_slice %arg3[%mul3A_2] : memref<16384xi32, #tpu.memory_space<hbm>> -> memref<512xi32, #tpu.memory_space<hbm>>
      %dma_wait3A_86 = tpu.memref_slice %arg3[%mul3A_2] : memref<16384xi32, #tpu.memory_space<hbm>> -> memref<512xi32, #tpu.memory_space<hbm>>
      tpu.wait_dma2 semaphore(%run_scoped3A : memref<!tpu.dma_semaphore, #tpu.memory_space<semaphore_mem>>) src(%dma_wait3A_86 : memref<512xi32, #tpu.memory_space<hbm>>) dst(%arg5 : memref<512xi32, #tpu.memory_space<vmem>>)
      tpu.yield
    }) : () -> ()
    %iota3A = tpu.iota {dimensions = array<i32: 0>} : vector<16xi32>
    %broadcast_in_dim3A = arith.constant 0.000000e+00 : f32
    %broadcast_in_dim3A_3 = vector.broadcast %broadcast_in_dim3A : f32 to vector<16xf32>
    %eq3A = arith.constant 15 : i32
    %eq3A_4 = vector.broadcast %eq3A : i32 to vector<16xi32>
    %eq3A_5 = arith.cmpi eq, %iota3A, %eq3A_4 : vector<16xi32>
    %ge3A = arith.constant 8 : i32
    %ge3A_6 = vector.broadcast %ge3A : i32 to vector<16xi32>
    %ge3A_7 = arith.cmpi sge, %iota3A, %ge3A_6 : vector<16xi32>
    %add3A_8 = arith.constant 0 : i32
    %add3A_9 = arith.addi %mul3A_2, %add3A_8 : i32
    %dma_start3A = arith.constant 0 : i32
    %dma_start3A_10 = tpu.memref_slice %arg2[%add3A_9, %dma_start3A] : memref<16384x1000xf32, #tpu.memory_space<hbm>> -> memref<32x1000xf32, #tpu.memory_space<hbm>>
    %dma_start3A_11 = arith.constant 0 : i32
    %dma_start3A_12 = tpu.memref_slice %arg2[%add3A_9, %dma_start3A_11] : memref<16384x1000xf32, #tpu.memory_space<hbm>> -> memref<32x1000xf32, #tpu.memory_space<hbm>>
    tpu.enqueue_dma source(%dma_start3A_12 : memref<32x1000xf32, #tpu.memory_space<hbm>>) target(%arg8 : memref<32x1000xf32, #tpu.memory_space<vmem>>) target_semaphore(%arg10 : memref<!tpu.dma_semaphore, #tpu.memory_space<semaphore_mem>>)
    %add3A_13 = arith.constant 32 : i32
    %add3A_14 = arith.addi %mul3A_2, %add3A_13 : i32
    %dma_start3A_15 = arith.constant 0 : i32
    %dma_start3A_16 = tpu.memref_slice %arg2[%add3A_14, %dma_start3A_15] : memref<16384x1000xf32, #tpu.memory_space<hbm>> -> memref<32x1000xf32, #tpu.memory_space<hbm>>
    %dma_start3A_17 = arith.constant 0 : i32
    %dma_start3A_18 = tpu.memref_slice %arg2[%add3A_14, %dma_start3A_17] : memref<16384x1000xf32, #tpu.memory_space<hbm>> -> memref<32x1000xf32, #tpu.memory_space<hbm>>
    tpu.enqueue_dma source(%dma_start3A_18 : memref<32x1000xf32, #tpu.memory_space<hbm>>) target(%arg9 : memref<32x1000xf32, #tpu.memory_space<vmem>>) target_semaphore(%arg11 : memref<!tpu.dma_semaphore, #tpu.memory_space<semaphore_mem>>)
    %scan3A = arith.constant 0 : i32
    %scan3A_19 = arith.constant 7 : i32
    %scan3A_20 = arith.addi %scan3A, %scan3A_19 : i32
    %scan3A_21 = arith.constant 1 : i32
    scf.for %scan3A_83 = %scan3A to %scan3A_20 step %scan3A_21  : i32 {
      %mul3A_84 = arith.constant 2 : i32
      %mul3A_85 = arith.muli %scan3A_83, %mul3A_84 : i32
      %add3A_86 = arith.constant 0 : i32
      %add3A_87 = arith.addi %add3A_86, %mul3A_85 : i32
      %dma_wait3A_88 = arith.constant 0 : i32
      %dma_wait3A_89 = arith.constant 0 : i32
      %dma_wait3A_90 = tpu.memref_slice %arg2[%dma_wait3A_88, %dma_wait3A_89] : memref<16384x1000xf32, #tpu.memory_space<hbm>> -> memref<32x1000xf32, #tpu.memory_space<hbm>>
      %dma_wait3A_91 = arith.constant 0 : i32
      %dma_wait3A_92 = arith.constant 0 : i32
      %dma_wait3A_93 = tpu.memref_slice %arg2[%dma_wait3A_91, %dma_wait3A_92] : memref<16384x1000xf32, #tpu.memory_space<hbm>> -> memref<32x1000xf32, #tpu.memory_space<hbm>>
      tpu.wait_dma2 semaphore(%arg10 : memref<!tpu.dma_semaphore, #tpu.memory_space<semaphore_mem>>) src(%dma_wait3A_93 : memref<32x1000xf32, #tpu.memory_space<hbm>>) dst(%arg8 : memref<32x1000xf32, #tpu.memory_space<vmem>>)
      %add3A_94 = arith.constant 0 : i32
      %add3A_95 = arith.addi %add3A_87, %add3A_94 : i32
      %mul3A_96 = arith.constant 32 : i32
      %mul3A_97 = arith.muli %add3A_95, %mul3A_96 : i32
      %add3A_98 = arith.constant 0 : i32
      %add3A_99 = arith.addi %mul3A_97, %add3A_98 : i32
      %get3A_100 = arith.index_cast %add3A_99 : i32 to index
      %get3A_101 = tpu.vector_load %arg5[%get3A_100] {strides = array<i32>} : memref<512xi32, #tpu.memory_space<vmem>>, vector<16xi32>,
      %add3A_102 = arith.constant 0 : i32
      %add3A_103 = vector.broadcast %add3A_102 : i32 to vector<16xi32>
      %add3A_104 = arith.addi %iota3A, %add3A_103 : vector<16xi32>
      %gather3A_105 = tpu.vector_load_idx %arg8[%add3A_104, %get3A_101] : memref<32x1000xf32, #tpu.memory_space<vmem>>[vector<16xi32>, vector<16xi32>], vector<16xf32>,
      %sub3A_106 = arith.constant 1.000000e+00 : f32
      %sub3A_107 = vector.broadcast %sub3A_106 : f32 to vector<16xf32>
      %sub3A_108 = arith.subf %sub3A_107, %gather3A_105 : vector<16xf32>
      %swap3A_109 = arith.constant 0 : index
      %swap3A_110 = tpu.vector_load %arg7[%swap3A_109] {strides = array<i32>} : memref<32xf32, #tpu.memory_space<vmem>>, vector<16xf32>,
      tpu.vector_store %arg7[%swap3A_109], %sub3A_108 {strides = array<i32>} : memref<32xf32, #tpu.memory_space<vmem>>, vector<16xf32>,
      %mul3A_111 = arith.constant 32 : i32
      %mul3A_112 = arith.muli %add3A_95, %mul3A_111 : i32
      %add3A_113 = arith.constant 16 : i32
      %add3A_114 = arith.addi %mul3A_112, %add3A_113 : i32
      %get3A_115 = arith.index_cast %add3A_114 : i32 to index
      %get3A_116 = tpu.vector_load %arg5[%get3A_115] {strides = array<i32>} : memref<512xi32, #tpu.memory_space<vmem>>, vector<16xi32>,
      %add3A_117 = arith.constant 16 : i32
      %add3A_118 = vector.broadcast %add3A_117 : i32 to vector<16xi32>
      %add3A_119 = arith.addi %iota3A, %add3A_118 : vector<16xi32>
      %gather3A_120 = tpu.vector_load_idx %arg8[%add3A_119, %get3A_116] : memref<32x1000xf32, #tpu.memory_space<vmem>>[vector<16xi32>, vector<16xi32>], vector<16xf32>,
      %sub3A_121 = arith.constant 1.000000e+00 : f32
      %sub3A_122 = vector.broadcast %sub3A_121 : f32 to vector<16xf32>
      %sub3A_123 = arith.subf %sub3A_122, %gather3A_120 : vector<16xf32>
      %swap3A_124 = arith.constant 16 : index
      %swap3A_125 = tpu.vector_load %arg7[%swap3A_124] {strides = array<i32>} : memref<32xf32, #tpu.memory_space<vmem>>, vector<16xf32>,
      tpu.vector_store %arg7[%swap3A_124], %sub3A_123 {strides = array<i32>} : memref<32xf32, #tpu.memory_space<vmem>>, vector<16xf32>,
      %parallel_loop3A_126 = arith.constant 0 : i32
      %parallel_loop3A_127 = arith.constant 32 : i32
      %parallel_loop3A_128 = arith.constant 1 : i32
      %parallel_loop3A_129 = arith.constant 0 : i32
      %parallel_loop3A_130 = scf.for %parallel_loop3A_196 = %parallel_loop3A_126 to %parallel_loop3A_127 step %parallel_loop3A_128 iter_args(%parallel_loop3A_197 = %parallel_loop3A_129) -> (i32)  : i32 {
        %parallel_loop3A_198 = vector.broadcast %parallel_loop3A_196 : i32 to vector<16xi32>
        %parallel_loop3A_199 = tpu.vector_load_idx %arg7[%parallel_loop3A_198] : memref<32xf32, #tpu.memory_space<vmem>>[vector<16xi32>], vector<16xf32>,
        %parallel_loop3A_200 = arith.index_cast %parallel_loop3A_196 : i32 to index
        %parallel_loop3A_201 = arith.constant 0 : index
        %parallel_loop3A_202 = tpu.vector_load %arg8[%parallel_loop3A_200, %parallel_loop3A_201] {strides = array<i32>} : memref<32x1000xf32, #tpu.memory_space<vmem>>, vector<16xf32>,
        %parallel_loop3A_203 = arith.addf %parallel_loop3A_202, %parallel_loop3A_199 : vector<16xf32>
        %parallel_loop3A_204 = arith.constant 0.000000e+00 : f32
        %parallel_loop3A_205 = vector.broadcast %parallel_loop3A_204 : f32 to vector<16xf32>
        %parallel_loop3A_206 = arith.maximumf %parallel_loop3A_203, %parallel_loop3A_205 : vector<16xf32>
        %parallel_loop3A_207 = arith.addf %broadcast_in_dim3A_3, %parallel_loop3A_206 : vector<16xf32>
        %parallel_loop3A_208 = arith.index_cast %parallel_loop3A_196 : i32 to index
        %parallel_loop3A_209 = arith.constant 16 : index
        %parallel_loop3A_210 = tpu.vector_load %arg8[%parallel_loop3A_208, %parallel_loop3A_209] {strides = array<i32>} : memref<32x1000xf32, #tpu.memory_space<vmem>>, vector<16xf32>,
        %parallel_loop3A_211 = arith.addf %parallel_loop3A_210, %parallel_loop3A_199 : vector<16xf32>
        %parallel_loop3A_212 = arith.constant 0.000000e+00 : f32
        %parallel_loop3A_213 = vector.broadcast %parallel_loop3A_212 : f32 to vector<16xf32>
        %parallel_loop3A_214 = arith.maximumf %parallel_loop3A_211, %parallel_loop3A_213 : vector<16xf32>
        %parallel_loop3A_215 = arith.addf %broadcast_in_dim3A_3, %parallel_loop3A_214 : vector<16xf32>
        %parallel_loop3A_216 = arith.index_cast %parallel_loop3A_196 : i32 to index
        %parallel_loop3A_217 = arith.constant 32 : index
        %parallel_loop3A_218 = tpu.vector_load %arg8[%parallel_loop3A_216, %parallel_loop3A_217] {strides = array<i32>} : memref<32x1000xf32, #tpu.memory_space<vmem>>, vector<16xf32>,
        %parallel_loop3A_219 = arith.addf %parallel_loop3A_218, %parallel_loop3A_199 : vector<16xf32>
        %parallel_loop3A_220 = arith.constant 0.000000e+00 : f32
        %parallel_loop3A_221 = vector.broadcast %parallel_loop3A_220 : f32 to vector<16xf32>
        %parallel_loop3A_222 = arith.maximumf %parallel_loop3A_219, %parallel_loop3A_221 : vector<16xf32>
        %parallel_loop3A_223 = arith.addf %broadcast_in_dim3A_3, %parallel_loop3A_222 : vector<16xf32>
        %parallel_loop3A_224 = arith.index_cast %parallel_loop3A_196 : i32 to index
        %parallel_loop3A_225 = arith.constant 48 : index
        %parallel_loop3A_226 = tpu.vector_load %arg8[%parallel_loop3A_224, %parallel_loop3A_225] {strides = array<i32>} : memref<32x1000xf32, #tpu.memory_space<vmem>>, vector<16xf32>,
        %parallel_loop3A_227 = arith.addf %parallel_loop3A_226, %parallel_loop3A_199 : vector<16xf32>
        %parallel_loop3A_228 = arith.constant 0.000000e+00 : f32
        %parallel_loop3A_229 = vector.broadcast %parallel_loop3A_228 : f32 to vector<16xf32>
        %parallel_loop3A_230 = arith.maximumf %parallel_loop3A_227, %parallel_loop3A_229 : vector<16xf32>
        %parallel_loop3A_231 = arith.addf %broadcast_in_dim3A_3, %parallel_loop3A_230 : vector<16xf32>
        %parallel_loop3A_232 = arith.index_cast %parallel_loop3A_196 : i32 to index
        %parallel_loop3A_233 = arith.constant 64 : index
        %parallel_loop3A_234 = tpu.vector_load %arg8[%parallel_loop3A_232, %parallel_loop3A_233] {strides = array<i32>} : memref<32x1000xf32, #tpu.memory_space<vmem>>, vector<16xf32>,
        %parallel_loop3A_235 = arith.addf %parallel_loop3A_234, %parallel_loop3A_199 : vector<16xf32>
        %parallel_loop3A_236 = arith.constant 0.000000e+00 : f32
        %parallel_loop3A_237 = vector.broadcast %parallel_loop3A_236 : f32 to vector<16xf32>
        %parallel_loop3A_238 = arith.maximumf %parallel_loop3A_235, %parallel_loop3A_237 : vector<16xf32>
        %parallel_loop3A_239 = arith.addf %parallel_loop3A_207, %parallel_loop3A_238 : vector<16xf32>
        %parallel_loop3A_240 = arith.index_cast %parallel_loop3A_196 : i32 to index
        %parallel_loop3A_241 = arith.constant 80 : index
        %parallel_loop3A_242 = tpu.vector_load %arg8[%parallel_loop3A_240, %parallel_loop3A_241] {strides = array<i32>} : memref<32x1000xf32, #tpu.memory_space<vmem>>, vector<16xf32>,
        %parallel_loop3A_243 = arith.addf %parallel_loop3A_242, %parallel_loop3A_199 : vector<16xf32>
        %parallel_loop3A_244 = arith.constant 0.000000e+00 : f32
        %parallel_loop3A_245 = vector.broadcast %parallel_loop3A_244 : f32 to vector<16xf32>
        %parallel_loop3A_246 = arith.maximumf %parallel_loop3A_243, %parallel_loop3A_245 : vector<16xf32>
        %parallel_loop3A_247 = arith.addf %parallel_loop3A_215, %parallel_loop3A_246 : vector<16xf32>
        %parallel_loop3A_248 = arith.index_cast %parallel_loop3A_196 : i32 to index
        %parallel_loop3A_249 = arith.constant 96 : index
        %parallel_loop3A_250 = tpu.vector_load %arg8[%parallel_loop3A_248, %parallel_loop3A_249] {strides = array<i32>} : memref<32x1000xf32, #tpu.memory_space<vmem>>, vector<16xf32>,
        %parallel_loop3A_251 = arith.addf %parallel_loop3A_250, %parallel_loop3A_199 : vector<16xf32>
        %parallel_loop3A_252 = arith.constant 0.000000e+00 : f32
        %parallel_loop3A_253 = vector.broadcast %parallel_loop3A_252 : f32 to vector<16xf32>
        %parallel_loop3A_254 = arith.maximumf %parallel_loop3A_251, %parallel_loop3A_253 : vector<16xf32>
        %parallel_loop3A_255 = arith.addf %parallel_loop3A_223, %parallel_loop3A_254 : vector<16xf32>
        %parallel_loop3A_256 = arith.index_cast %parallel_loop3A_196 : i32 to index
        %parallel_loop3A_257 = arith.constant 112 : index
        %parallel_loop3A_258 = tpu.vector_load %arg8[%parallel_loop3A_256, %parallel_loop3A_257] {strides = array<i32>} : memref<32x1000xf32, #tpu.memory_space<vmem>>, vector<16xf32>,
        %parallel_loop3A_259 = arith.addf %parallel_loop3A_258, %parallel_loop3A_199 : vector<16xf32>
        %parallel_loop3A_260 = arith.constant 0.000000e+00 : f32
        %parallel_loop3A_261 = vector.broadcast %parallel_loop3A_260 : f32 to vector<16xf32>
        %parallel_loop3A_262 = arith.maximumf %parallel_loop3A_259, %parallel_loop3A_261 : vector<16xf32>
        %parallel_loop3A_263 = arith.addf %parallel_loop3A_231, %parallel_loop3A_262 : vector<16xf32>
        %parallel_loop3A_264 = arith.index_cast %parallel_loop3A_196 : i32 to index
        %parallel_loop3A_265 = arith.constant 128 : index
        %parallel_loop3A_266 = tpu.vector_load %arg8[%parallel_loop3A_264, %parallel_loop3A_265] {strides = array<i32>} : memref<32x1000xf32, #tpu.memory_space<vmem>>, vector<16xf32>,
        %parallel_loop3A_267 = arith.addf %parallel_loop3A_266, %parallel_loop3A_199 : vector<16xf32>
        %parallel_loop3A_268 = arith.constant 0.000000e+00 : f32
        %parallel_loop3A_269 = vector.broadcast %parallel_loop3A_268 : f32 to vector<16xf32>
        %parallel_loop3A_270 = arith.maximumf %parallel_loop3A_267, %parallel_loop3A_269 : vector<16xf32>
        %parallel_loop3A_271 = arith.addf %parallel_loop3A_239, %parallel_loop3A_270 : vector<16xf32>
        %parallel_loop3A_272 = arith.index_cast %parallel_loop3A_196 : i32 to index
        %parallel_loop3A_273 = arith.constant 144 : index
        %parallel_loop3A_274 = tpu.vector_load %arg8[%parallel_loop3A_272, %parallel_loop3A_273] {strides = array<i32>} : memref<32x1000xf32, #tpu.memory_space<vmem>>, vector<16xf32>,
        %parallel_loop3A_275 = arith.addf %parallel_loop3A_274, %parallel_loop3A_199 : vector<16xf32>
        %parallel_loop3A_276 = arith.constant 0.000000e+00 : f32
        %parallel_loop3A_277 = vector.broadcast %parallel_loop3A_276 : f32 to vector<16xf32>
        %parallel_loop3A_278 = arith.maximumf %parallel_loop3A_275, %parallel_loop3A_277 : vector<16xf32>
        %parallel_loop3A_279 = arith.addf %parallel_loop3A_247, %parallel_loop3A_278 : vector<16xf32>
        %parallel_loop3A_280 = arith.index_cast %parallel_loop3A_196 : i32 to index
        %parallel_loop3A_281 = arith.constant 160 : index
        %parallel_loop3A_282 = tpu.vector_load %arg8[%parallel_loop3A_280, %parallel_loop3A_281] {strides = array<i32>} : memref<32x1000xf32, #tpu.memory_space<vmem>>, vector<16xf32>,
        %parallel_loop3A_283 = arith.addf %parallel_loop3A_282, %parallel_loop3A_199 : vector<16xf32>
        %parallel_loop3A_284 = arith.constant 0.000000e+00 : f32
        %parallel_loop3A_285 = vector.broadcast %parallel_loop3A_284 : f32 to vector<16xf32>
        %parallel_loop3A_286 = arith.maximumf %parallel_loop3A_283, %parallel_loop3A_285 : vector<16xf32>
        %parallel_loop3A_287 = arith.addf %parallel_loop3A_255, %parallel_loop3A_286 : vector<16xf32>
        %parallel_loop3A_288 = arith.index_cast %parallel_loop3A_196 : i32 to index
        %parallel_loop3A_289 = arith.constant 176 : index
        %parallel_loop3A_290 = tpu.vector_load %arg8[%parallel_loop3A_288, %parallel_loop3A_289] {strides = array<i32>} : memref<32x1000xf32, #tpu.memory_space<vmem>>, vector<16xf32>,
        %parallel_loop3A_291 = arith.addf %parallel_loop3A_290, %parallel_loop3A_199 : vector<16xf32>
        %parallel_loop3A_292 = arith.constant 0.000000e+00 : f32
        %parallel_loop3A_293 = vector.broadcast %parallel_loop3A_292 : f32 to vector<16xf32>
        %parallel_loop3A_294 = arith.maximumf %parallel_loop3A_291, %parallel_loop3A_293 : vector<16xf32>
        %parallel_loop3A_295 = arith.addf %parallel_loop3A_263, %parallel_loop3A_294 : vector<16xf32>
        %parallel_loop3A_296 = arith.index_cast %parallel_loop3A_196 : i32 to index
        %parallel_loop3A_297 = arith.constant 192 : index
        %parallel_loop3A_298 = tpu.vector_load %arg8[%parallel_loop3A_296, %parallel_loop3A_297] {strides = array<i32>} : memref<32x1000xf32, #tpu.memory_space<vmem>>, vector<16xf32>,
        %parallel_loop3A_299 = arith.addf %parallel_loop3A_298, %parallel_loop3A_199 : vector<16xf32>
        %parallel_loop3A_300 = arith.constant 0.000000e+00 : f32
        %parallel_loop3A_301 = vector.broadcast %parallel_loop3A_300 : f32 to vector<16xf32>
        %parallel_loop3A_302 = arith.maximumf %parallel_loop3A_299, %parallel_loop3A_301 : vector<16xf32>
        %parallel_loop3A_303 = arith.addf %parallel_loop3A_271, %parallel_loop3A_302 : vector<16xf32>
        %parallel_loop3A_304 = arith.index_cast %parallel_loop3A_196 : i32 to index
        %parallel_loop3A_305 = arith.constant 208 : index
        %parallel_loop3A_306 = tpu.vector_load %arg8[%parallel_loop3A_304, %parallel_loop3A_305] {strides = array<i32>} : memref<32x1000xf32, #tpu.memory_space<vmem>>, vector<16xf32>,
        %parallel_loop3A_307 = arith.addf %parallel_loop3A_306, %parallel_loop3A_199 : vector<16xf32>
        %parallel_loop3A_308 = arith.constant 0.000000e+00 : f32
        %parallel_loop3A_309 = vector.broadcast %parallel_loop3A_308 : f32 to vector<16xf32>
        %parallel_loop3A_310 = arith.maximumf %parallel_loop3A_307, %parallel_loop3A_309 : vector<16xf32>
        %parallel_loop3A_311 = arith.addf %parallel_loop3A_279, %parallel_loop3A_310 : vector<16xf32>
        %parallel_loop3A_312 = arith.index_cast %parallel_loop3A_196 : i32 to index
        %parallel_loop3A_313 = arith.constant 224 : index
        %parallel_loop3A_314 = tpu.vector_load %arg8[%parallel_loop3A_312, %parallel_loop3A_313] {strides = array<i32>} : memref<32x1000xf32, #tpu.memory_space<vmem>>, vector<16xf32>,
        %parallel_loop3A_315 = arith.addf %parallel_loop3A_314, %parallel_loop3A_199 : vector<16xf32>
        %parallel_loop3A_316 = arith.constant 0.000000e+00 : f32
        %parallel_loop3A_317 = vector.broadcast %parallel_loop3A_316 : f32 to vector<16xf32>
        %parallel_loop3A_318 = arith.maximumf %parallel_loop3A_315, %parallel_loop3A_317 : vector<16xf32>
        %parallel_loop3A_319 = arith.addf %parallel_loop3A_287, %parallel_loop3A_318 : vector<16xf32>
        %parallel_loop3A_320 = arith.index_cast %parallel_loop3A_196 : i32 to index
        %parallel_loop3A_321 = arith.constant 240 : index
        %parallel_loop3A_322 = tpu.vector_load %arg8[%parallel_loop3A_320, %parallel_loop3A_321] {strides = array<i32>} : memref<32x1000xf32, #tpu.memory_space<vmem>>, vector<16xf32>,
        %parallel_loop3A_323 = arith.addf %parallel_loop3A_322, %parallel_loop3A_199 : vector<16xf32>
        %parallel_loop3A_324 = arith.constant 0.000000e+00 : f32
        %parallel_loop3A_325 = vector.broadcast %parallel_loop3A_324 : f32 to vector<16xf32>
        %parallel_loop3A_326 = arith.maximumf %parallel_loop3A_323, %parallel_loop3A_325 : vector<16xf32>
        %parallel_loop3A_327 = arith.addf %parallel_loop3A_295, %parallel_loop3A_326 : vector<16xf32>
        %parallel_loop3A_328 = arith.index_cast %parallel_loop3A_196 : i32 to index
        %parallel_loop3A_329 = arith.constant 256 : index
        %parallel_loop3A_330 = tpu.vector_load %arg8[%parallel_loop3A_328, %parallel_loop3A_329] {strides = array<i32>} : memref<32x1000xf32, #tpu.memory_space<vmem>>, vector<16xf32>,
        %parallel_loop3A_331 = arith.addf %parallel_loop3A_330, %parallel_loop3A_199 : vector<16xf32>
        %parallel_loop3A_332 = arith.constant 0.000000e+00 : f32
        %parallel_loop3A_333 = vector.broadcast %parallel_loop3A_332 : f32 to vector<16xf32>
        %parallel_loop3A_334 = arith.maximumf %parallel_loop3A_331, %parallel_loop3A_333 : vector<16xf32>
        %parallel_loop3A_335 = arith.addf %parallel_loop3A_303, %parallel_loop3A_334 : vector<16xf32>
        %parallel_loop3A_336 = arith.index_cast %parallel_loop3A_196 : i32 to index
        %parallel_loop3A_337 = arith.constant 272 : index
        %parallel_loop3A_338 = tpu.vector_load %arg8[%parallel_loop3A_336, %parallel_loop3A_337] {strides = array<i32>} : memref<32x1000xf32, #tpu.memory_space<vmem>>, vector<16xf32>,
        %parallel_loop3A_339 = arith.addf %parallel_loop3A_338, %parallel_loop3A_199 : vector<16xf32>
        %parallel_loop3A_340 = arith.constant 0.000000e+00 : f32
        %parallel_loop3A_341 = vector.broadcast %parallel_loop3A_340 : f32 to vector<16xf32>
        %parallel_loop3A_342 = arith.maximumf %parallel_loop3A_339, %parallel_loop3A_341 : vector<16xf32>
        %parallel_loop3A_343 = arith.addf %parallel_loop3A_311, %parallel_loop3A_342 : vector<16xf32>
        %parallel_loop3A_344 = arith.index_cast %parallel_loop3A_196 : i32 to index
        %parallel_loop3A_345 = arith.constant 288 : index
        %parallel_loop3A_346 = tpu.vector_load %arg8[%parallel_loop3A_344, %parallel_loop3A_345] {strides = array<i32>} : memref<32x1000xf32, #tpu.memory_space<vmem>>, vector<16xf32>,
        %parallel_loop3A_347 = arith.addf %parallel_loop3A_346, %parallel_loop3A_199 : vector<16xf32>
        %parallel_loop3A_348 = arith.constant 0.000000e+00 : f32
        %parallel_loop3A_349 = vector.broadcast %parallel_loop3A_348 : f32 to vector<16xf32>
        %parallel_loop3A_350 = arith.maximumf %parallel_loop3A_347, %parallel_loop3A_349 : vector<16xf32>
        %parallel_loop3A_351 = arith.addf %parallel_loop3A_319, %parallel_loop3A_350 : vector<16xf32>
        %parallel_loop3A_352 = arith.index_cast %parallel_loop3A_196 : i32 to index
        %parallel_loop3A_353 = arith.constant 304 : index
        %parallel_loop3A_354 = tpu.vector_load %arg8[%parallel_loop3A_352, %parallel_loop3A_353] {strides = array<i32>} : memref<32x1000xf32, #tpu.memory_space<vmem>>, vector<16xf32>,
        %parallel_loop3A_355 = arith.addf %parallel_loop3A_354, %parallel_loop3A_199 : vector<16xf32>
        %parallel_loop3A_356 = arith.constant 0.000000e+00 : f32
        %parallel_loop3A_357 = vector.broadcast %parallel_loop3A_356 : f32 to vector<16xf32>
        %parallel_loop3A_358 = arith.maximumf %parallel_loop3A_355, %parallel_loop3A_357 : vector<16xf32>
        %parallel_loop3A_359 = arith.addf %parallel_loop3A_327, %parallel_loop3A_358 : vector<16xf32>
        %parallel_loop3A_360 = arith.index_cast %parallel_loop3A_196 : i32 to index
        %parallel_loop3A_361 = arith.constant 320 : index
        %parallel_loop3A_362 = tpu.vector_load %arg8[%parallel_loop3A_360, %parallel_loop3A_361] {strides = array<i32>} : memref<32x1000xf32, #tpu.memory_space<vmem>>, vector<16xf32>,
        %parallel_loop3A_363 = arith.addf %parallel_loop3A_362, %parallel_loop3A_199 : vector<16xf32>
        %parallel_loop3A_364 = arith.constant 0.000000e+00 : f32
        %parallel_loop3A_365 = vector.broadcast %parallel_loop3A_364 : f32 to vector<16xf32>
        %parallel_loop3A_366 = arith.maximumf %parallel_loop3A_363, %parallel_loop3A_365 : vector<16xf32>
        %parallel_loop3A_367 = arith.addf %parallel_loop3A_335, %parallel_loop3A_366 : vector<16xf32>
        %parallel_loop3A_368 = arith.index_cast %parallel_loop3A_196 : i32 to index
        %parallel_loop3A_369 = arith.constant 336 : index
        %parallel_loop3A_370 = tpu.vector_load %arg8[%parallel_loop3A_368, %parallel_loop3A_369] {strides = array<i32>} : memref<32x1000xf32, #tpu.memory_space<vmem>>, vector<16xf32>,
        %parallel_loop3A_371 = arith.addf %parallel_loop3A_370, %parallel_loop3A_199 : vector<16xf32>
        %parallel_loop3A_372 = arith.constant 0.000000e+00 : f32
        %parallel_loop3A_373 = vector.broadcast %parallel_loop3A_372 : f32 to vector<16xf32>
        %parallel_loop3A_374 = arith.maximumf %parallel_loop3A_371, %parallel_loop3A_373 : vector<16xf32>
        %parallel_loop3A_375 = arith.addf %parallel_loop3A_343, %parallel_loop3A_374 : vector<16xf32>
        %parallel_loop3A_376 = arith.index_cast %parallel_loop3A_196 : i32 to index
        %parallel_loop3A_377 = arith.constant 352 : index
        %parallel_loop3A_378 = tpu.vector_load %arg8[%parallel_loop3A_376, %parallel_loop3A_377] {strides = array<i32>} : memref<32x1000xf32, #tpu.memory_space<vmem>>, vector<16xf32>,
        %parallel_loop3A_379 = arith.addf %parallel_loop3A_378, %parallel_loop3A_199 : vector<16xf32>
        %parallel_loop3A_380 = arith.constant 0.000000e+00 : f32
        %parallel_loop3A_381 = vector.broadcast %parallel_loop3A_380 : f32 to vector<16xf32>
        %parallel_loop3A_382 = arith.maximumf %parallel_loop3A_379, %parallel_loop3A_381 : vector<16xf32>
        %parallel_loop3A_383 = arith.addf %parallel_loop3A_351, %parallel_loop3A_382 : vector<16xf32>
        %parallel_loop3A_384 = arith.index_cast %parallel_loop3A_196 : i32 to index
        %parallel_loop3A_385 = arith.constant 368 : index
        %parallel_loop3A_386 = tpu.vector_load %arg8[%parallel_loop3A_384, %parallel_loop3A_385] {strides = array<i32>} : memref<32x1000xf32, #tpu.memory_space<vmem>>, vector<16xf32>,
        %parallel_loop3A_387 = arith.addf %parallel_loop3A_386, %parallel_loop3A_199 : vector<16xf32>
        %parallel_loop3A_388 = arith.constant 0.000000e+00 : f32
        %parallel_loop3A_389 = vector.broadcast %parallel_loop3A_388 : f32 to vector<16xf32>
        %parallel_loop3A_390 = arith.maximumf %parallel_loop3A_387, %parallel_loop3A_389 : vector<16xf32>
        %parallel_loop3A_391 = arith.addf %parallel_loop3A_359, %parallel_loop3A_390 : vector<16xf32>
        %parallel_loop3A_392 = arith.index_cast %parallel_loop3A_196 : i32 to index
        %parallel_loop3A_393 = arith.constant 384 : index
        %parallel_loop3A_394 = tpu.vector_load %arg8[%parallel_loop3A_392, %parallel_loop3A_393] {strides = array<i32>} : memref<32x1000xf32, #tpu.memory_space<vmem>>, vector<16xf32>,
        %parallel_loop3A_395 = arith.addf %parallel_loop3A_394, %parallel_loop3A_199 : vector<16xf32>
        %parallel_loop3A_396 = arith.constant 0.000000e+00 : f32
        %parallel_loop3A_397 = vector.broadcast %parallel_loop3A_396 : f32 to vector<16xf32>
        %parallel_loop3A_398 = arith.maximumf %parallel_loop3A_395, %parallel_loop3A_397 : vector<16xf32>
        %parallel_loop3A_399 = arith.addf %parallel_loop3A_367, %parallel_loop3A_398 : vector<16xf32>
        %parallel_loop3A_400 = arith.index_cast %parallel_loop3A_196 : i32 to index
        %parallel_loop3A_401 = arith.constant 400 : index
        %parallel_loop3A_402 = tpu.vector_load %arg8[%parallel_loop3A_400, %parallel_loop3A_401] {strides = array<i32>} : memref<32x1000xf32, #tpu.memory_space<vmem>>, vector<16xf32>,
        %parallel_loop3A_403 = arith.addf %parallel_loop3A_402, %parallel_loop3A_199 : vector<16xf32>
        %parallel_loop3A_404 = arith.constant 0.000000e+00 : f32
        %parallel_loop3A_405 = vector.broadcast %parallel_loop3A_404 : f32 to vector<16xf32>
        %parallel_loop3A_406 = arith.maximumf %parallel_loop3A_403, %parallel_loop3A_405 : vector<16xf32>
        %parallel_loop3A_407 = arith.addf %parallel_loop3A_375, %parallel_loop3A_406 : vector<16xf32>
        %parallel_loop3A_408 = arith.index_cast %parallel_loop3A_196 : i32 to index
        %parallel_loop3A_409 = arith.constant 416 : index
        %parallel_loop3A_410 = tpu.vector_load %arg8[%parallel_loop3A_408, %parallel_loop3A_409] {strides = array<i32>} : memref<32x1000xf32, #tpu.memory_space<vmem>>, vector<16xf32>,
        %parallel_loop3A_411 = arith.addf %parallel_loop3A_410, %parallel_loop3A_199 : vector<16xf32>
        %parallel_loop3A_412 = arith.constant 0.000000e+00 : f32
        %parallel_loop3A_413 = vector.broadcast %parallel_loop3A_412 : f32 to vector<16xf32>
        %parallel_loop3A_414 = arith.maximumf %parallel_loop3A_411, %parallel_loop3A_413 : vector<16xf32>
        %parallel_loop3A_415 = arith.addf %parallel_loop3A_383, %parallel_loop3A_414 : vector<16xf32>
        %parallel_loop3A_416 = arith.index_cast %parallel_loop3A_196 : i32 to index
        %parallel_loop3A_417 = arith.constant 432 : index
        %parallel_loop3A_418 = tpu.vector_load %arg8[%parallel_loop3A_416, %parallel_loop3A_417] {strides = array<i32>} : memref<32x1000xf32, #tpu.memory_space<vmem>>, vector<16xf32>,
        %parallel_loop3A_419 = arith.addf %parallel_loop3A_418, %parallel_loop3A_199 : vector<16xf32>
        %parallel_loop3A_420 = arith.constant 0.000000e+00 : f32
        %parallel_loop3A_421 = vector.broadcast %parallel_loop3A_420 : f32 to vector<16xf32>
        %parallel_loop3A_422 = arith.maximumf %parallel_loop3A_419, %parallel_loop3A_421 : vector<16xf32>
        %parallel_loop3A_423 = arith.addf %parallel_loop3A_391, %parallel_loop3A_422 : vector<16xf32>
        %parallel_loop3A_424 = arith.index_cast %parallel_loop3A_196 : i32 to index
        %parallel_loop3A_425 = arith.constant 448 : index
        %parallel_loop3A_426 = tpu.vector_load %arg8[%parallel_loop3A_424, %parallel_loop3A_425] {strides = array<i32>} : memref<32x1000xf32, #tpu.memory_space<vmem>>, vector<16xf32>,
        %parallel_loop3A_427 = arith.addf %parallel_loop3A_426, %parallel_loop3A_199 : vector<16xf32>
        %parallel_loop3A_428 = arith.constant 0.000000e+00 : f32
        %parallel_loop3A_429 = vector.broadcast %parallel_loop3A_428 : f32 to vector<16xf32>
        %parallel_loop3A_430 = arith.maximumf %parallel_loop3A_427, %parallel_loop3A_429 : vector<16xf32>
        %parallel_loop3A_431 = arith.addf %parallel_loop3A_399, %parallel_loop3A_430 : vector<16xf32>
        %parallel_loop3A_432 = arith.index_cast %parallel_loop3A_196 : i32 to index
        %parallel_loop3A_433 = arith.constant 464 : index
        %parallel_loop3A_434 = tpu.vector_load %arg8[%parallel_loop3A_432, %parallel_loop3A_433] {strides = array<i32>} : memref<32x1000xf32, #tpu.memory_space<vmem>>, vector<16xf32>,
        %parallel_loop3A_435 = arith.addf %parallel_loop3A_434, %parallel_loop3A_199 : vector<16xf32>
        %parallel_loop3A_436 = arith.constant 0.000000e+00 : f32
        %parallel_loop3A_437 = vector.broadcast %parallel_loop3A_436 : f32 to vector<16xf32>
        %parallel_loop3A_438 = arith.maximumf %parallel_loop3A_435, %parallel_loop3A_437 : vector<16xf32>
        %parallel_loop3A_439 = arith.addf %parallel_loop3A_407, %parallel_loop3A_438 : vector<16xf32>
        %parallel_loop3A_440 = arith.index_cast %parallel_loop3A_196 : i32 to index
        %parallel_loop3A_441 = arith.constant 480 : index
        %parallel_loop3A_442 = tpu.vector_load %arg8[%parallel_loop3A_440, %parallel_loop3A_441] {strides = array<i32>} : memref<32x1000xf32, #tpu.memory_space<vmem>>, vector<16xf32>,
        %parallel_loop3A_443 = arith.addf %parallel_loop3A_442, %parallel_loop3A_199 : vector<16xf32>
        %parallel_loop3A_444 = arith.constant 0.000000e+00 : f32
        %parallel_loop3A_445 = vector.broadcast %parallel_loop3A_444 : f32 to vector<16xf32>
        %parallel_loop3A_446 = arith.maximumf %parallel_loop3A_443, %parallel_loop3A_445 : vector<16xf32>
        %parallel_loop3A_447 = arith.addf %parallel_loop3A_415, %parallel_loop3A_446 : vector<16xf32>
        %parallel_loop3A_448 = arith.index_cast %parallel_loop3A_196 : i32 to index
        %parallel_loop3A_449 = arith.constant 496 : index
        %parallel_loop3A_450 = tpu.vector_load %arg8[%parallel_loop3A_448, %parallel_loop3A_449] {strides = array<i32>} : memref<32x1000xf32, #tpu.memory_space<vmem>>, vector<16xf32>,
        %parallel_loop3A_451 = arith.addf %parallel_loop3A_450, %parallel_loop3A_199 : vector<16xf32>
        %parallel_loop3A_452 = arith.constant 0.000000e+00 : f32
        %parallel_loop3A_453 = vector.broadcast %parallel_loop3A_452 : f32 to vector<16xf32>
        %parallel_loop3A_454 = arith.maximumf %parallel_loop3A_451, %parallel_loop3A_453 : vector<16xf32>
        %parallel_loop3A_455 = arith.addf %parallel_loop3A_423, %parallel_loop3A_454 : vector<16xf32>
        %parallel_loop3A_456 = arith.index_cast %parallel_loop3A_196 : i32 to index
        %parallel_loop3A_457 = arith.constant 512 : index
        %parallel_loop3A_458 = tpu.vector_load %arg8[%parallel_loop3A_456, %parallel_loop3A_457] {strides = array<i32>} : memref<32x1000xf32, #tpu.memory_space<vmem>>, vector<16xf32>,
        %parallel_loop3A_459 = arith.addf %parallel_loop3A_458, %parallel_loop3A_199 : vector<16xf32>
        %parallel_loop3A_460 = arith.constant 0.000000e+00 : f32
        %parallel_loop3A_461 = vector.broadcast %parallel_loop3A_460 : f32 to vector<16xf32>
        %parallel_loop3A_462 = arith.maximumf %parallel_loop3A_459, %parallel_loop3A_461 : vector<16xf32>
        %parallel_loop3A_463 = arith.addf %parallel_loop3A_431, %parallel_loop3A_462 : vector<16xf32>
        %parallel_loop3A_464 = arith.index_cast %parallel_loop3A_196 : i32 to index
        %parallel_loop3A_465 = arith.constant 528 : index
        %parallel_loop3A_466 = tpu.vector_load %arg8[%parallel_loop3A_464, %parallel_loop3A_465] {strides = array<i32>} : memref<32x1000xf32, #tpu.memory_space<vmem>>, vector<16xf32>,
        %parallel_loop3A_467 = arith.addf %parallel_loop3A_466, %parallel_loop3A_199 : vector<16xf32>
        %parallel_loop3A_468 = arith.constant 0.000000e+00 : f32
        %parallel_loop3A_469 = vector.broadcast %parallel_loop3A_468 : f32 to vector<16xf32>
        %parallel_loop3A_470 = arith.maximumf %parallel_loop3A_467, %parallel_loop3A_469 : vector<16xf32>
        %parallel_loop3A_471 = arith.addf %parallel_loop3A_439, %parallel_loop3A_470 : vector<16xf32>
        %parallel_loop3A_472 = arith.index_cast %parallel_loop3A_196 : i32 to index
        %parallel_loop3A_473 = arith.constant 544 : index
        %parallel_loop3A_474 = tpu.vector_load %arg8[%parallel_loop3A_472, %parallel_loop3A_473] {strides = array<i32>} : memref<32x1000xf32, #tpu.memory_space<vmem>>, vector<16xf32>,
        %parallel_loop3A_475 = arith.addf %parallel_loop3A_474, %parallel_loop3A_199 : vector<16xf32>
        %parallel_loop3A_476 = arith.constant 0.000000e+00 : f32
        %parallel_loop3A_477 = vector.broadcast %parallel_loop3A_476 : f32 to vector<16xf32>
        %parallel_loop3A_478 = arith.maximumf %parallel_loop3A_475, %parallel_loop3A_477 : vector<16xf32>
        %parallel_loop3A_479 = arith.addf %parallel_loop3A_447, %parallel_loop3A_478 : vector<16xf32>
        %parallel_loop3A_480 = arith.index_cast %parallel_loop3A_196 : i32 to index
        %parallel_loop3A_481 = arith.constant 560 : index
        %parallel_loop3A_482 = tpu.vector_load %arg8[%parallel_loop3A_480, %parallel_loop3A_481] {strides = array<i32>} : memref<32x1000xf32, #tpu.memory_space<vmem>>, vector<16xf32>,
        %parallel_loop3A_483 = arith.addf %parallel_loop3A_482, %parallel_loop3A_199 : vector<16xf32>
        %parallel_loop3A_484 = arith.constant 0.000000e+00 : f32
        %parallel_loop3A_485 = vector.broadcast %parallel_loop3A_484 : f32 to vector<16xf32>
        %parallel_loop3A_486 = arith.maximumf %parallel_loop3A_483, %parallel_loop3A_485 : vector<16xf32>
        %parallel_loop3A_487 = arith.addf %parallel_loop3A_455, %parallel_loop3A_486 : vector<16xf32>
        %parallel_loop3A_488 = arith.index_cast %parallel_loop3A_196 : i32 to index
        %parallel_loop3A_489 = arith.constant 576 : index
        %parallel_loop3A_490 = tpu.vector_load %arg8[%parallel_loop3A_488, %parallel_loop3A_489] {strides = array<i32>} : memref<32x1000xf32, #tpu.memory_space<vmem>>, vector<16xf32>,
        %parallel_loop3A_491 = arith.addf %parallel_loop3A_490, %parallel_loop3A_199 : vector<16xf32>
        %parallel_loop3A_492 = arith.constant 0.000000e+00 : f32
        %parallel_loop3A_493 = vector.broadcast %parallel_loop3A_492 : f32 to vector<16xf32>
        %parallel_loop3A_494 = arith.maximumf %parallel_loop3A_491, %parallel_loop3A_493 : vector<16xf32>
        %parallel_loop3A_495 = arith.addf %parallel_loop3A_463, %parallel_loop3A_494 : vector<16xf32>
        %parallel_loop3A_496 = arith.index_cast %parallel_loop3A_196 : i32 to index
        %parallel_loop3A_497 = arith.constant 592 : index
        %parallel_loop3A_498 = tpu.vector_load %arg8[%parallel_loop3A_496, %parallel_loop3A_497] {strides = array<i32>} : memref<32x1000xf32, #tpu.memory_space<vmem>>, vector<16xf32>,
        %parallel_loop3A_499 = arith.addf %parallel_loop3A_498, %parallel_loop3A_199 : vector<16xf32>
        %parallel_loop3A_500 = arith.constant 0.000000e+00 : f32
        %parallel_loop3A_501 = vector.broadcast %parallel_loop3A_500 : f32 to vector<16xf32>
        %parallel_loop3A_502 = arith.maximumf %parallel_loop3A_499, %parallel_loop3A_501 : vector<16xf32>
        %parallel_loop3A_503 = arith.addf %parallel_loop3A_471, %parallel_loop3A_502 : vector<16xf32>
        %parallel_loop3A_504 = arith.index_cast %parallel_loop3A_196 : i32 to index
        %parallel_loop3A_505 = arith.constant 608 : index
        %parallel_loop3A_506 = tpu.vector_load %arg8[%parallel_loop3A_504, %parallel_loop3A_505] {strides = array<i32>} : memref<32x1000xf32, #tpu.memory_space<vmem>>, vector<16xf32>,
        %parallel_loop3A_507 = arith.addf %parallel_loop3A_506, %parallel_loop3A_199 : vector<16xf32>
        %parallel_loop3A_508 = arith.constant 0.000000e+00 : f32
        %parallel_loop3A_509 = vector.broadcast %parallel_loop3A_508 : f32 to vector<16xf32>
        %parallel_loop3A_510 = arith.maximumf %parallel_loop3A_507, %parallel_loop3A_509 : vector<16xf32>
        %parallel_loop3A_511 = arith.addf %parallel_loop3A_479, %parallel_loop3A_510 : vector<16xf32>
        %parallel_loop3A_512 = arith.index_cast %parallel_loop3A_196 : i32 to index
        %parallel_loop3A_513 = arith.constant 624 : index
        %parallel_loop3A_514 = tpu.vector_load %arg8[%parallel_loop3A_512, %parallel_loop3A_513] {strides = array<i32>} : memref<32x1000xf32, #tpu.memory_space<vmem>>, vector<16xf32>,
        %parallel_loop3A_515 = arith.addf %parallel_loop3A_514, %parallel_loop3A_199 : vector<16xf32>
        %parallel_loop3A_516 = arith.constant 0.000000e+00 : f32
        %parallel_loop3A_517 = vector.broadcast %parallel_loop3A_516 : f32 to vector<16xf32>
        %parallel_loop3A_518 = arith.maximumf %parallel_loop3A_515, %parallel_loop3A_517 : vector<16xf32>
        %parallel_loop3A_519 = arith.addf %parallel_loop3A_487, %parallel_loop3A_518 : vector<16xf32>
        %parallel_loop3A_520 = arith.index_cast %parallel_loop3A_196 : i32 to index
        %parallel_loop3A_521 = arith.constant 640 : index
        %parallel_loop3A_522 = tpu.vector_load %arg8[%parallel_loop3A_520, %parallel_loop3A_521] {strides = array<i32>} : memref<32x1000xf32, #tpu.memory_space<vmem>>, vector<16xf32>,
        %parallel_loop3A_523 = arith.addf %parallel_loop3A_522, %parallel_loop3A_199 : vector<16xf32>
        %parallel_loop3A_524 = arith.constant 0.000000e+00 : f32
        %parallel_loop3A_525 = vector.broadcast %parallel_loop3A_524 : f32 to vector<16xf32>
        %parallel_loop3A_526 = arith.maximumf %parallel_loop3A_523, %parallel_loop3A_525 : vector<16xf32>
        %parallel_loop3A_527 = arith.addf %parallel_loop3A_495, %parallel_loop3A_526 : vector<16xf32>
        %parallel_loop3A_528 = arith.index_cast %parallel_loop3A_196 : i32 to index
        %parallel_loop3A_529 = arith.constant 656 : index
        %parallel_loop3A_530 = tpu.vector_load %arg8[%parallel_loop3A_528, %parallel_loop3A_529] {strides = array<i32>} : memref<32x1000xf32, #tpu.memory_space<vmem>>, vector<16xf32>,
        %parallel_loop3A_531 = arith.addf %parallel_loop3A_530, %parallel_loop3A_199 : vector<16xf32>
        %parallel_loop3A_532 = arith.constant 0.000000e+00 : f32
        %parallel_loop3A_533 = vector.broadcast %parallel_loop3A_532 : f32 to vector<16xf32>
        %parallel_loop3A_534 = arith.maximumf %parallel_loop3A_531, %parallel_loop3A_533 : vector<16xf32>
        %parallel_loop3A_535 = arith.addf %parallel_loop3A_503, %parallel_loop3A_534 : vector<16xf32>
        %parallel_loop3A_536 = arith.index_cast %parallel_loop3A_196 : i32 to index
        %parallel_loop3A_537 = arith.constant 672 : index
        %parallel_loop3A_538 = tpu.vector_load %arg8[%parallel_loop3A_536, %parallel_loop3A_537] {strides = array<i32>} : memref<32x1000xf32, #tpu.memory_space<vmem>>, vector<16xf32>,
        %parallel_loop3A_539 = arith.addf %parallel_loop3A_538, %parallel_loop3A_199 : vector<16xf32>
        %parallel_loop3A_540 = arith.constant 0.000000e+00 : f32
        %parallel_loop3A_541 = vector.broadcast %parallel_loop3A_540 : f32 to vector<16xf32>
        %parallel_loop3A_542 = arith.maximumf %parallel_loop3A_539, %parallel_loop3A_541 : vector<16xf32>
        %parallel_loop3A_543 = arith.addf %parallel_loop3A_511, %parallel_loop3A_542 : vector<16xf32>
        %parallel_loop3A_544 = arith.index_cast %parallel_loop3A_196 : i32 to index
        %parallel_loop3A_545 = arith.constant 688 : index
        %parallel_loop3A_546 = tpu.vector_load %arg8[%parallel_loop3A_544, %parallel_loop3A_545] {strides = array<i32>} : memref<32x1000xf32, #tpu.memory_space<vmem>>, vector<16xf32>,
        %parallel_loop3A_547 = arith.addf %parallel_loop3A_546, %parallel_loop3A_199 : vector<16xf32>
        %parallel_loop3A_548 = arith.constant 0.000000e+00 : f32
        %parallel_loop3A_549 = vector.broadcast %parallel_loop3A_548 : f32 to vector<16xf32>
        %parallel_loop3A_550 = arith.maximumf %parallel_loop3A_547, %parallel_loop3A_549 : vector<16xf32>
        %parallel_loop3A_551 = arith.addf %parallel_loop3A_519, %parallel_loop3A_550 : vector<16xf32>
        %parallel_loop3A_552 = arith.index_cast %parallel_loop3A_196 : i32 to index
        %parallel_loop3A_553 = arith.constant 704 : index
        %parallel_loop3A_554 = tpu.vector_load %arg8[%parallel_loop3A_552, %parallel_loop3A_553] {strides = array<i32>} : memref<32x1000xf32, #tpu.memory_space<vmem>>, vector<16xf32>,
        %parallel_loop3A_555 = arith.addf %parallel_loop3A_554, %parallel_loop3A_199 : vector<16xf32>
        %parallel_loop3A_556 = arith.constant 0.000000e+00 : f32
        %parallel_loop3A_557 = vector.broadcast %parallel_loop3A_556 : f32 to vector<16xf32>
        %parallel_loop3A_558 = arith.maximumf %parallel_loop3A_555, %parallel_loop3A_557 : vector<16xf32>
        %parallel_loop3A_559 = arith.addf %parallel_loop3A_527, %parallel_loop3A_558 : vector<16xf32>
        %parallel_loop3A_560 = arith.index_cast %parallel_loop3A_196 : i32 to index
        %parallel_loop3A_561 = arith.constant 720 : index
        %parallel_loop3A_562 = tpu.vector_load %arg8[%parallel_loop3A_560, %parallel_loop3A_561] {strides = array<i32>} : memref<32x1000xf32, #tpu.memory_space<vmem>>, vector<16xf32>,
        %parallel_loop3A_563 = arith.addf %parallel_loop3A_562, %parallel_loop3A_199 : vector<16xf32>
        %parallel_loop3A_564 = arith.constant 0.000000e+00 : f32
        %parallel_loop3A_565 = vector.broadcast %parallel_loop3A_564 : f32 to vector<16xf32>
        %parallel_loop3A_566 = arith.maximumf %parallel_loop3A_563, %parallel_loop3A_565 : vector<16xf32>
        %parallel_loop3A_567 = arith.addf %parallel_loop3A_535, %parallel_loop3A_566 : vector<16xf32>
        %parallel_loop3A_568 = arith.index_cast %parallel_loop3A_196 : i32 to index
        %parallel_loop3A_569 = arith.constant 736 : index
        %parallel_loop3A_570 = tpu.vector_load %arg8[%parallel_loop3A_568, %parallel_loop3A_569] {strides = array<i32>} : memref<32x1000xf32, #tpu.memory_space<vmem>>, vector<16xf32>,
        %parallel_loop3A_571 = arith.addf %parallel_loop3A_570, %parallel_loop3A_199 : vector<16xf32>
        %parallel_loop3A_572 = arith.constant 0.000000e+00 : f32
        %parallel_loop3A_573 = vector.broadcast %parallel_loop3A_572 : f32 to vector<16xf32>
        %parallel_loop3A_574 = arith.maximumf %parallel_loop3A_571, %parallel_loop3A_573 : vector<16xf32>
        %parallel_loop3A_575 = arith.addf %parallel_loop3A_543, %parallel_loop3A_574 : vector<16xf32>
        %parallel_loop3A_576 = arith.index_cast %parallel_loop3A_196 : i32 to index
        %parallel_loop3A_577 = arith.constant 752 : index
        %parallel_loop3A_578 = tpu.vector_load %arg8[%parallel_loop3A_576, %parallel_loop3A_577] {strides = array<i32>} : memref<32x1000xf32, #tpu.memory_space<vmem>>, vector<16xf32>,
        %parallel_loop3A_579 = arith.addf %parallel_loop3A_578, %parallel_loop3A_199 : vector<16xf32>
        %parallel_loop3A_580 = arith.constant 0.000000e+00 : f32
        %parallel_loop3A_581 = vector.broadcast %parallel_loop3A_580 : f32 to vector<16xf32>
        %parallel_loop3A_582 = arith.maximumf %parallel_loop3A_579, %parallel_loop3A_581 : vector<16xf32>
        %parallel_loop3A_583 = arith.addf %parallel_loop3A_551, %parallel_loop3A_582 : vector<16xf32>
        %parallel_loop3A_584 = arith.index_cast %parallel_loop3A_196 : i32 to index
        %parallel_loop3A_585 = arith.constant 768 : index
        %parallel_loop3A_586 = tpu.vector_load %arg8[%parallel_loop3A_584, %parallel_loop3A_585] {strides = array<i32>} : memref<32x1000xf32, #tpu.memory_space<vmem>>, vector<16xf32>,
        %parallel_loop3A_587 = arith.addf %parallel_loop3A_586, %parallel_loop3A_199 : vector<16xf32>
        %parallel_loop3A_588 = arith.constant 0.000000e+00 : f32
        %parallel_loop3A_589 = vector.broadcast %parallel_loop3A_588 : f32 to vector<16xf32>
        %parallel_loop3A_590 = arith.maximumf %parallel_loop3A_587, %parallel_loop3A_589 : vector<16xf32>
        %parallel_loop3A_591 = arith.addf %parallel_loop3A_559, %parallel_loop3A_590 : vector<16xf32>
        %parallel_loop3A_592 = arith.index_cast %parallel_loop3A_196 : i32 to index
        %parallel_loop3A_593 = arith.constant 784 : index
        %parallel_loop3A_594 = tpu.vector_load %arg8[%parallel_loop3A_592, %parallel_loop3A_593] {strides = array<i32>} : memref<32x1000xf32, #tpu.memory_space<vmem>>, vector<16xf32>,
        %parallel_loop3A_595 = arith.addf %parallel_loop3A_594, %parallel_loop3A_199 : vector<16xf32>
        %parallel_loop3A_596 = arith.constant 0.000000e+00 : f32
        %parallel_loop3A_597 = vector.broadcast %parallel_loop3A_596 : f32 to vector<16xf32>
        %parallel_loop3A_598 = arith.maximumf %parallel_loop3A_595, %parallel_loop3A_597 : vector<16xf32>
        %parallel_loop3A_599 = arith.addf %parallel_loop3A_567, %parallel_loop3A_598 : vector<16xf32>
        %parallel_loop3A_600 = arith.index_cast %parallel_loop3A_196 : i32 to index
        %parallel_loop3A_601 = arith.constant 800 : index
        %parallel_loop3A_602 = tpu.vector_load %arg8[%parallel_loop3A_600, %parallel_loop3A_601] {strides = array<i32>} : memref<32x1000xf32, #tpu.memory_space<vmem>>, vector<16xf32>,
        %parallel_loop3A_603 = arith.addf %parallel_loop3A_602, %parallel_loop3A_199 : vector<16xf32>
        %parallel_loop3A_604 = arith.constant 0.000000e+00 : f32
        %parallel_loop3A_605 = vector.broadcast %parallel_loop3A_604 : f32 to vector<16xf32>
        %parallel_loop3A_606 = arith.maximumf %parallel_loop3A_603, %parallel_loop3A_605 : vector<16xf32>
        %parallel_loop3A_607 = arith.addf %parallel_loop3A_575, %parallel_loop3A_606 : vector<16xf32>
        %parallel_loop3A_608 = arith.index_cast %parallel_loop3A_196 : i32 to index
        %parallel_loop3A_609 = arith.constant 816 : index
        %parallel_loop3A_610 = tpu.vector_load %arg8[%parallel_loop3A_608, %parallel_loop3A_609] {strides = array<i32>} : memref<32x1000xf32, #tpu.memory_space<vmem>>, vector<16xf32>,
        %parallel_loop3A_611 = arith.addf %parallel_loop3A_610, %parallel_loop3A_199 : vector<16xf32>
        %parallel_loop3A_612 = arith.constant 0.000000e+00 : f32
        %parallel_loop3A_613 = vector.broadcast %parallel_loop3A_612 : f32 to vector<16xf32>
        %parallel_loop3A_614 = arith.maximumf %parallel_loop3A_611, %parallel_loop3A_613 : vector<16xf32>
        %parallel_loop3A_615 = arith.addf %parallel_loop3A_583, %parallel_loop3A_614 : vector<16xf32>
        %parallel_loop3A_616 = arith.index_cast %parallel_loop3A_196 : i32 to index
        %parallel_loop3A_617 = arith.constant 832 : index
        %parallel_loop3A_618 = tpu.vector_load %arg8[%parallel_loop3A_616, %parallel_loop3A_617] {strides = array<i32>} : memref<32x1000xf32, #tpu.memory_space<vmem>>, vector<16xf32>,
        %parallel_loop3A_619 = arith.addf %parallel_loop3A_618, %parallel_loop3A_199 : vector<16xf32>
        %parallel_loop3A_620 = arith.constant 0.000000e+00 : f32
        %parallel_loop3A_621 = vector.broadcast %parallel_loop3A_620 : f32 to vector<16xf32>
        %parallel_loop3A_622 = arith.maximumf %parallel_loop3A_619, %parallel_loop3A_621 : vector<16xf32>
        %parallel_loop3A_623 = arith.addf %parallel_loop3A_591, %parallel_loop3A_622 : vector<16xf32>
        %parallel_loop3A_624 = arith.index_cast %parallel_loop3A_196 : i32 to index
        %parallel_loop3A_625 = arith.constant 848 : index
        %parallel_loop3A_626 = tpu.vector_load %arg8[%parallel_loop3A_624, %parallel_loop3A_625] {strides = array<i32>} : memref<32x1000xf32, #tpu.memory_space<vmem>>, vector<16xf32>,
        %parallel_loop3A_627 = arith.addf %parallel_loop3A_626, %parallel_loop3A_199 : vector<16xf32>
        %parallel_loop3A_628 = arith.constant 0.000000e+00 : f32
        %parallel_loop3A_629 = vector.broadcast %parallel_loop3A_628 : f32 to vector<16xf32>
        %parallel_loop3A_630 = arith.maximumf %parallel_loop3A_627, %parallel_loop3A_629 : vector<16xf32>
        %parallel_loop3A_631 = arith.addf %parallel_loop3A_599, %parallel_loop3A_630 : vector<16xf32>
        %parallel_loop3A_632 = arith.index_cast %parallel_loop3A_196 : i32 to index
        %parallel_loop3A_633 = arith.constant 864 : index
        %parallel_loop3A_634 = tpu.vector_load %arg8[%parallel_loop3A_632, %parallel_loop3A_633] {strides = array<i32>} : memref<32x1000xf32, #tpu.memory_space<vmem>>, vector<16xf32>,
        %parallel_loop3A_635 = arith.addf %parallel_loop3A_634, %parallel_loop3A_199 : vector<16xf32>
        %parallel_loop3A_636 = arith.constant 0.000000e+00 : f32
        %parallel_loop3A_637 = vector.broadcast %parallel_loop3A_636 : f32 to vector<16xf32>
        %parallel_loop3A_638 = arith.maximumf %parallel_loop3A_635, %parallel_loop3A_637 : vector<16xf32>
        %parallel_loop3A_639 = arith.addf %parallel_loop3A_607, %parallel_loop3A_638 : vector<16xf32>
        %parallel_loop3A_640 = arith.index_cast %parallel_loop3A_196 : i32 to index
        %parallel_loop3A_641 = arith.constant 880 : index
        %parallel_loop3A_642 = tpu.vector_load %arg8[%parallel_loop3A_640, %parallel_loop3A_641] {strides = array<i32>} : memref<32x1000xf32, #tpu.memory_space<vmem>>, vector<16xf32>,
        %parallel_loop3A_643 = arith.addf %parallel_loop3A_642, %parallel_loop3A_199 : vector<16xf32>
        %parallel_loop3A_644 = arith.constant 0.000000e+00 : f32
        %parallel_loop3A_645 = vector.broadcast %parallel_loop3A_644 : f32 to vector<16xf32>
        %parallel_loop3A_646 = arith.maximumf %parallel_loop3A_643, %parallel_loop3A_645 : vector<16xf32>
        %parallel_loop3A_647 = arith.addf %parallel_loop3A_615, %parallel_loop3A_646 : vector<16xf32>
        %parallel_loop3A_648 = arith.index_cast %parallel_loop3A_196 : i32 to index
        %parallel_loop3A_649 = arith.constant 896 : index
        %parallel_loop3A_650 = tpu.vector_load %arg8[%parallel_loop3A_648, %parallel_loop3A_649] {strides = array<i32>} : memref<32x1000xf32, #tpu.memory_space<vmem>>, vector<16xf32>,
        %parallel_loop3A_651 = arith.addf %parallel_loop3A_650, %parallel_loop3A_199 : vector<16xf32>
        %parallel_loop3A_652 = arith.constant 0.000000e+00 : f32
        %parallel_loop3A_653 = vector.broadcast %parallel_loop3A_652 : f32 to vector<16xf32>
        %parallel_loop3A_654 = arith.maximumf %parallel_loop3A_651, %parallel_loop3A_653 : vector<16xf32>
        %parallel_loop3A_655 = arith.addf %parallel_loop3A_623, %parallel_loop3A_654 : vector<16xf32>
        %parallel_loop3A_656 = arith.index_cast %parallel_loop3A_196 : i32 to index
        %parallel_loop3A_657 = arith.constant 912 : index
        %parallel_loop3A_658 = tpu.vector_load %arg8[%parallel_loop3A_656, %parallel_loop3A_657] {strides = array<i32>} : memref<32x1000xf32, #tpu.memory_space<vmem>>, vector<16xf32>,
        %parallel_loop3A_659 = arith.addf %parallel_loop3A_658, %parallel_loop3A_199 : vector<16xf32>
        %parallel_loop3A_660 = arith.constant 0.000000e+00 : f32
        %parallel_loop3A_661 = vector.broadcast %parallel_loop3A_660 : f32 to vector<16xf32>
        %parallel_loop3A_662 = arith.maximumf %parallel_loop3A_659, %parallel_loop3A_661 : vector<16xf32>
        %parallel_loop3A_663 = arith.addf %parallel_loop3A_631, %parallel_loop3A_662 : vector<16xf32>
        %parallel_loop3A_664 = arith.index_cast %parallel_loop3A_196 : i32 to index
        %parallel_loop3A_665 = arith.constant 928 : index
        %parallel_loop3A_666 = tpu.vector_load %arg8[%parallel_loop3A_664, %parallel_loop3A_665] {strides = array<i32>} : memref<32x1000xf32, #tpu.memory_space<vmem>>, vector<16xf32>,
        %parallel_loop3A_667 = arith.addf %parallel_loop3A_666, %parallel_loop3A_199 : vector<16xf32>
        %parallel_loop3A_668 = arith.constant 0.000000e+00 : f32
        %parallel_loop3A_669 = vector.broadcast %parallel_loop3A_668 : f32 to vector<16xf32>
        %parallel_loop3A_670 = arith.maximumf %parallel_loop3A_667, %parallel_loop3A_669 : vector<16xf32>
        %parallel_loop3A_671 = arith.addf %parallel_loop3A_639, %parallel_loop3A_670 : vector<16xf32>
        %parallel_loop3A_672 = arith.index_cast %parallel_loop3A_196 : i32 to index
        %parallel_loop3A_673 = arith.constant 944 : index
        %parallel_loop3A_674 = tpu.vector_load %arg8[%parallel_loop3A_672, %parallel_loop3A_673] {strides = array<i32>} : memref<32x1000xf32, #tpu.memory_space<vmem>>, vector<16xf32>,
        %parallel_loop3A_675 = arith.addf %parallel_loop3A_674, %parallel_loop3A_199 : vector<16xf32>
        %parallel_loop3A_676 = arith.constant 0.000000e+00 : f32
        %parallel_loop3A_677 = vector.broadcast %parallel_loop3A_676 : f32 to vector<16xf32>
        %parallel_loop3A_678 = arith.maximumf %parallel_loop3A_675, %parallel_loop3A_677 : vector<16xf32>
        %parallel_loop3A_679 = arith.addf %parallel_loop3A_647, %parallel_loop3A_678 : vector<16xf32>
        %parallel_loop3A_680 = arith.index_cast %parallel_loop3A_196 : i32 to index
        %parallel_loop3A_681 = arith.constant 960 : index
        %parallel_loop3A_682 = tpu.vector_load %arg8[%parallel_loop3A_680, %parallel_loop3A_681] {strides = array<i32>} : memref<32x1000xf32, #tpu.memory_space<vmem>>, vector<16xf32>,
        %parallel_loop3A_683 = arith.addf %parallel_loop3A_682, %parallel_loop3A_199 : vector<16xf32>
        %parallel_loop3A_684 = arith.constant 0.000000e+00 : f32
        %parallel_loop3A_685 = vector.broadcast %parallel_loop3A_684 : f32 to vector<16xf32>
        %parallel_loop3A_686 = arith.maximumf %parallel_loop3A_683, %parallel_loop3A_685 : vector<16xf32>
        %parallel_loop3A_687 = arith.addf %parallel_loop3A_655, %parallel_loop3A_686 : vector<16xf32>
        %parallel_loop3A_688 = arith.index_cast %parallel_loop3A_196 : i32 to index
        %parallel_loop3A_689 = arith.constant 976 : index
        %parallel_loop3A_690 = tpu.vector_load %arg8[%parallel_loop3A_688, %parallel_loop3A_689] {strides = array<i32>} : memref<32x1000xf32, #tpu.memory_space<vmem>>, vector<16xf32>,
        %parallel_loop3A_691 = arith.addf %parallel_loop3A_690, %parallel_loop3A_199 : vector<16xf32>
        %parallel_loop3A_692 = arith.constant 0.000000e+00 : f32
        %parallel_loop3A_693 = vector.broadcast %parallel_loop3A_692 : f32 to vector<16xf32>
        %parallel_loop3A_694 = arith.maximumf %parallel_loop3A_691, %parallel_loop3A_693 : vector<16xf32>
        %parallel_loop3A_695 = arith.addf %parallel_loop3A_663, %parallel_loop3A_694 : vector<16xf32>
        %parallel_loop3A_696 = arith.addf %parallel_loop3A_687, %parallel_loop3A_695 : vector<16xf32>
        %parallel_loop3A_697 = arith.addf %parallel_loop3A_671, %parallel_loop3A_679 : vector<16xf32>
        %parallel_loop3A_698 = arith.addf %parallel_loop3A_696, %parallel_loop3A_697 : vector<16xf32>
        %parallel_loop3A_699 = arith.index_cast %parallel_loop3A_196 : i32 to index
        %parallel_loop3A_700 = arith.constant 984 : index
        %parallel_loop3A_701 = tpu.vector_load %arg8[%parallel_loop3A_699, %parallel_loop3A_700] {strides = array<i32>} : memref<32x1000xf32, #tpu.memory_space<vmem>>, vector<16xf32>,
        %parallel_loop3A_702 = arith.addf %parallel_loop3A_701, %parallel_loop3A_199 : vector<16xf32>
        %parallel_loop3A_703 = arith.constant 0.000000e+00 : f32
        %parallel_loop3A_704 = vector.broadcast %parallel_loop3A_703 : f32 to vector<16xf32>
        %parallel_loop3A_705 = arith.maximumf %parallel_loop3A_702, %parallel_loop3A_704 : vector<16xf32>
        %parallel_loop3A_706 = arith.constant 0.000000e+00 : f32
        %parallel_loop3A_707 = vector.broadcast %parallel_loop3A_706 : f32 to vector<16xf32>
        %parallel_loop3A_708 = arith.select %ge3A_7, %parallel_loop3A_705, %parallel_loop3A_707 : vector<16xi1>, vector<16xf32>
        %parallel_loop3A_709 = arith.addf %parallel_loop3A_698, %parallel_loop3A_708 : vector<16xf32>
        %parallel_loop3A_710 = arith.constant true
        %parallel_loop3A_711 = vector.broadcast %parallel_loop3A_710 : i1 to vector<16xi1>
        %parallel_loop3A_712 = tpu.scan <sum>, %parallel_loop3A_709 masked %parallel_loop3A_711 : vector<16xf32>, vector<16xi1> -> vector<16xf32>
        %parallel_loop3A_713 = arith.constant 1.000000e+00 : f32
        %parallel_loop3A_714 = vector.broadcast %parallel_loop3A_713 : f32 to vector<16xf32>
        %parallel_loop3A_715 = arith.subf %parallel_loop3A_712, %parallel_loop3A_714 : vector<16xf32>
        %parallel_loop3A_716 = arith.constant 1.000000e-03 : f32
        %parallel_loop3A_717 = vector.broadcast %parallel_loop3A_716 : f32 to vector<16xf32>
        %parallel_loop3A_718 = arith.mulf %parallel_loop3A_715, %parallel_loop3A_717 : vector<16xf32>
        %parallel_loop3A_719 = arith.constant 32 : i32
        %parallel_loop3A_720 = arith.muli %add3A_95, %parallel_loop3A_719 : i32
        %parallel_loop3A_721 = vector.broadcast %parallel_loop3A_720 : i32 to vector<16xi32>
        %parallel_loop3A_722 = arith.addi %parallel_loop3A_198, %parallel_loop3A_721 : vector<16xi32>
        tpu.vector_store_idx %arg6[%parallel_loop3A_722], %parallel_loop3A_718 masked %eq3A_5 : memref<512xf32, #tpu.memory_space<vmem>>[vector<16xi32>], vector<16xf32>, vector<16xi1>
        scf.yield %parallel_loop3A_197 : i32
      } {sc.loop_unroll_factor = 4 : i64, sc.parallel_access}
      %add3A_131 = arith.constant 0 : i32
      %add3A_132 = arith.addi %add3A_87, %add3A_131 : i32
      %add3A_133 = arith.constant 2 : i32
      %add3A_134 = arith.addi %add3A_132, %add3A_133 : i32
      %mul3A_135 = arith.constant 32 : i32
      %mul3A_136 = arith.muli %add3A_134, %mul3A_135 : i32
      %add3A_137 = arith.addi %mul3A_2, %mul3A_136 : i32
      %dma_start3A_138 = arith.constant 0 : i32
      %dma_start3A_139 = tpu.memref_slice %arg2[%add3A_137, %dma_start3A_138] : memref<16384x1000xf32, #tpu.memory_space<hbm>> -> memref<32x1000xf32, #tpu.memory_space<hbm>>
      %dma_start3A_140 = arith.constant 0 : i32
      %dma_start3A_141 = tpu.memref_slice %arg2[%add3A_137, %dma_start3A_140] : memref<16384x1000xf32, #tpu.memory_space<hbm>> -> memref<32x1000xf32, #tpu.memory_space<hbm>>
      tpu.enqueue_dma source(%dma_start3A_141 : memref<32x1000xf32, #tpu.memory_space<hbm>>) target(%arg8 : memref<32x1000xf32, #tpu.memory_space<vmem>>) target_semaphore(%arg10 : memref<!tpu.dma_semaphore, #tpu.memory_space<semaphore_mem>>)
      %dma_wait3A_142 = arith.constant 0 : i32
      %dma_wait3A_143 = arith.constant 0 : i32
      %dma_wait3A_144 = tpu.memref_slice %arg2[%dma_wait3A_142, %dma_wait3A_143] : memref<16384x1000xf32, #tpu.memory_space<hbm>> -> memref<32x1000xf32, #tpu.memory_space<hbm>>
      %dma_wait3A_145 = arith.constant 0 : i32
      %dma_wait3A_146 = arith.constant 0 : i32
      %dma_wait3A_147 = tpu.memref_slice %arg2[%dma_wait3A_145, %dma_wait3A_146] : memref<16384x1000xf32, #tpu.memory_space<hbm>> -> memref<32x1000xf32, #tpu.memory_space<hbm>>
      tpu.wait_dma2 semaphore(%arg11 : memref<!tpu.dma_semaphore, #tpu.memory_space<semaphore_mem>>) src(%dma_wait3A_147 : memref<32x1000xf32, #tpu.memory_space<hbm>>) dst(%arg9 : memref<32x1000xf32, #tpu.memory_space<vmem>>)
      %add3A_148 = arith.constant 1 : i32
      %add3A_149 = arith.addi %add3A_87, %add3A_148 : i32
      %mul3A_150 = arith.constant 32 : i32
      %mul3A_151 = arith.muli %add3A_149, %mul3A_150 : i32
      %add3A_152 = arith.constant 0 : i32
      %add3A_153 = arith.addi %mul3A_151, %add3A_152 : i32
      %get3A_154 = arith.index_cast %add3A_153 : i32 to index
      %get3A_155 = tpu.vector_load %arg5[%get3A_154] {strides = array<i32>} : memref<512xi32, #tpu.memory_space<vmem>>, vector<16xi32>,
      %add3A_156 = arith.constant 0 : i32
      %add3A_157 = vector.broadcast %add3A_156 : i32 to vector<16xi32>
      %add3A_158 = arith.addi %iota3A, %add3A_157 : vector<16xi32>
      %gather3A_159 = tpu.vector_load_idx %arg9[%add3A_158, %get3A_155] : memref<32x1000xf32, #tpu.memory_space<vmem>>[vector<16xi32>, vector<16xi32>], vector<16xf32>,
      %sub3A_160 = arith.constant 1.000000e+00 : f32
      %sub3A_161 = vector.broadcast %sub3A_160 : f32 to vector<16xf32>
      %sub3A_162 = arith.subf %sub3A_161, %gather3A_159 : vector<16xf32>
      %swap3A_163 = arith.constant 0 : index
      %swap3A_164 = tpu.vector_load %arg7[%swap3A_163] {strides = array<i32>} : memref<32xf32, #tpu.memory_space<vmem>>, vector<16xf32>,
      tpu.vector_store %arg7[%swap3A_163], %sub3A_162 {strides = array<i32>} : memref<32xf32, #tpu.memory_space<vmem>>, vector<16xf32>,
      %mul3A_165 = arith.constant 32 : i32
      %mul3A_166 = arith.muli %add3A_149, %mul3A_165 : i32
      %add3A_167 = arith.constant 16 : i32
      %add3A_168 = arith.addi %mul3A_166, %add3A_167 : i32
      %get3A_169 = arith.index_cast %add3A_168 : i32 to index
      %get3A_170 = tpu.vector_load %arg5[%get3A_169] {strides = array<i32>} : memref<512xi32, #tpu.memory_space<vmem>>, vector<16xi32>,
      %add3A_171 = arith.constant 16 : i32
      %add3A_172 = vector.broadcast %add3A_171 : i32 to vector<16xi32>
      %add3A_173 = arith.addi %iota3A, %add3A_172 : vector<16xi32>
      %gather3A_174 = tpu.vector_load_idx %arg9[%add3A_173, %get3A_170] : memref<32x1000xf32, #tpu.memory_space<vmem>>[vector<16xi32>, vector<16xi32>], vector<16xf32>,
      %sub3A_175 = arith.constant 1.000000e+00 : f32
      %sub3A_176 = vector.broadcast %sub3A_175 : f32 to vector<16xf32>
      %sub3A_177 = arith.subf %sub3A_176, %gather3A_174 : vector<16xf32>
      %swap3A_178 = arith.constant 16 : index
      %swap3A_179 = tpu.vector_load %arg7[%swap3A_178] {strides = array<i32>} : memref<32xf32, #tpu.memory_space<vmem>>, vector<16xf32>,
      tpu.vector_store %arg7[%swap3A_178], %sub3A_177 {strides = array<i32>} : memref<32xf32, #tpu.memory_space<vmem>>, vector<16xf32>,
      %parallel_loop3A_180 = arith.constant 0 : i32
      %parallel_loop3A_181 = arith.constant 32 : i32
      %parallel_loop3A_182 = arith.constant 1 : i32
      %parallel_loop3A_183 = arith.constant 0 : i32
      %parallel_loop3A_184 = scf.for %parallel_loop3A_196 = %parallel_loop3A_180 to %parallel_loop3A_181 step %parallel_loop3A_182 iter_args(%parallel_loop3A_197 = %parallel_loop3A_183) -> (i32)  : i32 {
        %parallel_loop3A_198 = vector.broadcast %parallel_loop3A_196 : i32 to vector<16xi32>
        %parallel_loop3A_199 = tpu.vector_load_idx %arg7[%parallel_loop3A_198] : memref<32xf32, #tpu.memory_space<vmem>>[vector<16xi32>], vector<16xf32>,
        %parallel_loop3A_200 = arith.index_cast %parallel_loop3A_196 : i32 to index
        %parallel_loop3A_201 = arith.constant 0 : index
        %parallel_loop3A_202 = tpu.vector_load %arg9[%parallel_loop3A_200, %parallel_loop3A_201] {strides = array<i32>} : memref<32x1000xf32, #tpu.memory_space<vmem>>, vector<16xf32>,
        %parallel_loop3A_203 = arith.addf %parallel_loop3A_202, %parallel_loop3A_199 : vector<16xf32>
        %parallel_loop3A_204 = arith.constant 0.000000e+00 : f32
        %parallel_loop3A_205 = vector.broadcast %parallel_loop3A_204 : f32 to vector<16xf32>
        %parallel_loop3A_206 = arith.maximumf %parallel_loop3A_203, %parallel_loop3A_205 : vector<16xf32>
        %parallel_loop3A_207 = arith.addf %broadcast_in_dim3A_3, %parallel_loop3A_206 : vector<16xf32>
        %parallel_loop3A_208 = arith.index_cast %parallel_loop3A_196 : i32 to index
        %parallel_loop3A_209 = arith.constant 16 : index
        %parallel_loop3A_210 = tpu.vector_load %arg9[%parallel_loop3A_208, %parallel_loop3A_209] {strides = array<i32>} : memref<32x1000xf32, #tpu.memory_space<vmem>>, vector<16xf32>,
        %parallel_loop3A_211 = arith.addf %parallel_loop3A_210, %parallel_loop3A_199 : vector<16xf32>
        %parallel_loop3A_212 = arith.constant 0.000000e+00 : f32
        %parallel_loop3A_213 = vector.broadcast %parallel_loop3A_212 : f32 to vector<16xf32>
        %parallel_loop3A_214 = arith.maximumf %parallel_loop3A_211, %parallel_loop3A_213 : vector<16xf32>
        %parallel_loop3A_215 = arith.addf %broadcast_in_dim3A_3, %parallel_loop3A_214 : vector<16xf32>
        %parallel_loop3A_216 = arith.index_cast %parallel_loop3A_196 : i32 to index
        %parallel_loop3A_217 = arith.constant 32 : index
        %parallel_loop3A_218 = tpu.vector_load %arg9[%parallel_loop3A_216, %parallel_loop3A_217] {strides = array<i32>} : memref<32x1000xf32, #tpu.memory_space<vmem>>, vector<16xf32>,
        %parallel_loop3A_219 = arith.addf %parallel_loop3A_218, %parallel_loop3A_199 : vector<16xf32>
        %parallel_loop3A_220 = arith.constant 0.000000e+00 : f32
        %parallel_loop3A_221 = vector.broadcast %parallel_loop3A_220 : f32 to vector<16xf32>
        %parallel_loop3A_222 = arith.maximumf %parallel_loop3A_219, %parallel_loop3A_221 : vector<16xf32>
        %parallel_loop3A_223 = arith.addf %broadcast_in_dim3A_3, %parallel_loop3A_222 : vector<16xf32>
        %parallel_loop3A_224 = arith.index_cast %parallel_loop3A_196 : i32 to index
        %parallel_loop3A_225 = arith.constant 48 : index
        %parallel_loop3A_226 = tpu.vector_load %arg9[%parallel_loop3A_224, %parallel_loop3A_225] {strides = array<i32>} : memref<32x1000xf32, #tpu.memory_space<vmem>>, vector<16xf32>,
        %parallel_loop3A_227 = arith.addf %parallel_loop3A_226, %parallel_loop3A_199 : vector<16xf32>
        %parallel_loop3A_228 = arith.constant 0.000000e+00 : f32
        %parallel_loop3A_229 = vector.broadcast %parallel_loop3A_228 : f32 to vector<16xf32>
        %parallel_loop3A_230 = arith.maximumf %parallel_loop3A_227, %parallel_loop3A_229 : vector<16xf32>
        %parallel_loop3A_231 = arith.addf %broadcast_in_dim3A_3, %parallel_loop3A_230 : vector<16xf32>
        %parallel_loop3A_232 = arith.index_cast %parallel_loop3A_196 : i32 to index
        %parallel_loop3A_233 = arith.constant 64 : index
        %parallel_loop3A_234 = tpu.vector_load %arg9[%parallel_loop3A_232, %parallel_loop3A_233] {strides = array<i32>} : memref<32x1000xf32, #tpu.memory_space<vmem>>, vector<16xf32>,
        %parallel_loop3A_235 = arith.addf %parallel_loop3A_234, %parallel_loop3A_199 : vector<16xf32>
        %parallel_loop3A_236 = arith.constant 0.000000e+00 : f32
        %parallel_loop3A_237 = vector.broadcast %parallel_loop3A_236 : f32 to vector<16xf32>
        %parallel_loop3A_238 = arith.maximumf %parallel_loop3A_235, %parallel_loop3A_237 : vector<16xf32>
        %parallel_loop3A_239 = arith.addf %parallel_loop3A_207, %parallel_loop3A_238 : vector<16xf32>
        %parallel_loop3A_240 = arith.index_cast %parallel_loop3A_196 : i32 to index
        %parallel_loop3A_241 = arith.constant 80 : index
        %parallel_loop3A_242 = tpu.vector_load %arg9[%parallel_loop3A_240, %parallel_loop3A_241] {strides = array<i32>} : memref<32x1000xf32, #tpu.memory_space<vmem>>, vector<16xf32>,
        %parallel_loop3A_243 = arith.addf %parallel_loop3A_242, %parallel_loop3A_199 : vector<16xf32>
        %parallel_loop3A_244 = arith.constant 0.000000e+00 : f32
        %parallel_loop3A_245 = vector.broadcast %parallel_loop3A_244 : f32 to vector<16xf32>
        %parallel_loop3A_246 = arith.maximumf %parallel_loop3A_243, %parallel_loop3A_245 : vector<16xf32>
        %parallel_loop3A_247 = arith.addf %parallel_loop3A_215, %parallel_loop3A_246 : vector<16xf32>
        %parallel_loop3A_248 = arith.index_cast %parallel_loop3A_196 : i32 to index
        %parallel_loop3A_249 = arith.constant 96 : index
        %parallel_loop3A_250 = tpu.vector_load %arg9[%parallel_loop3A_248, %parallel_loop3A_249] {strides = array<i32>} : memref<32x1000xf32, #tpu.memory_space<vmem>>, vector<16xf32>,
        %parallel_loop3A_251 = arith.addf %parallel_loop3A_250, %parallel_loop3A_199 : vector<16xf32>
        %parallel_loop3A_252 = arith.constant 0.000000e+00 : f32
        %parallel_loop3A_253 = vector.broadcast %parallel_loop3A_252 : f32 to vector<16xf32>
        %parallel_loop3A_254 = arith.maximumf %parallel_loop3A_251, %parallel_loop3A_253 : vector<16xf32>
        %parallel_loop3A_255 = arith.addf %parallel_loop3A_223, %parallel_loop3A_254 : vector<16xf32>
        %parallel_loop3A_256 = arith.index_cast %parallel_loop3A_196 : i32 to index
        %parallel_loop3A_257 = arith.constant 112 : index
        %parallel_loop3A_258 = tpu.vector_load %arg9[%parallel_loop3A_256, %parallel_loop3A_257] {strides = array<i32>} : memref<32x1000xf32, #tpu.memory_space<vmem>>, vector<16xf32>,
        %parallel_loop3A_259 = arith.addf %parallel_loop3A_258, %parallel_loop3A_199 : vector<16xf32>
        %parallel_loop3A_260 = arith.constant 0.000000e+00 : f32
        %parallel_loop3A_261 = vector.broadcast %parallel_loop3A_260 : f32 to vector<16xf32>
        %parallel_loop3A_262 = arith.maximumf %parallel_loop3A_259, %parallel_loop3A_261 : vector<16xf32>
        %parallel_loop3A_263 = arith.addf %parallel_loop3A_231, %parallel_loop3A_262 : vector<16xf32>
        %parallel_loop3A_264 = arith.index_cast %parallel_loop3A_196 : i32 to index
        %parallel_loop3A_265 = arith.constant 128 : index
        %parallel_loop3A_266 = tpu.vector_load %arg9[%parallel_loop3A_264, %parallel_loop3A_265] {strides = array<i32>} : memref<32x1000xf32, #tpu.memory_space<vmem>>, vector<16xf32>,
        %parallel_loop3A_267 = arith.addf %parallel_loop3A_266, %parallel_loop3A_199 : vector<16xf32>
        %parallel_loop3A_268 = arith.constant 0.000000e+00 : f32
        %parallel_loop3A_269 = vector.broadcast %parallel_loop3A_268 : f32 to vector<16xf32>
        %parallel_loop3A_270 = arith.maximumf %parallel_loop3A_267, %parallel_loop3A_269 : vector<16xf32>
        %parallel_loop3A_271 = arith.addf %parallel_loop3A_239, %parallel_loop3A_270 : vector<16xf32>
        %parallel_loop3A_272 = arith.index_cast %parallel_loop3A_196 : i32 to index
        %parallel_loop3A_273 = arith.constant 144 : index
        %parallel_loop3A_274 = tpu.vector_load %arg9[%parallel_loop3A_272, %parallel_loop3A_273] {strides = array<i32>} : memref<32x1000xf32, #tpu.memory_space<vmem>>, vector<16xf32>,
        %parallel_loop3A_275 = arith.addf %parallel_loop3A_274, %parallel_loop3A_199 : vector<16xf32>
        %parallel_loop3A_276 = arith.constant 0.000000e+00 : f32
        %parallel_loop3A_277 = vector.broadcast %parallel_loop3A_276 : f32 to vector<16xf32>
        %parallel_loop3A_278 = arith.maximumf %parallel_loop3A_275, %parallel_loop3A_277 : vector<16xf32>
        %parallel_loop3A_279 = arith.addf %parallel_loop3A_247, %parallel_loop3A_278 : vector<16xf32>
        %parallel_loop3A_280 = arith.index_cast %parallel_loop3A_196 : i32 to index
        %parallel_loop3A_281 = arith.constant 160 : index
        %parallel_loop3A_282 = tpu.vector_load %arg9[%parallel_loop3A_280, %parallel_loop3A_281] {strides = array<i32>} : memref<32x1000xf32, #tpu.memory_space<vmem>>, vector<16xf32>,
        %parallel_loop3A_283 = arith.addf %parallel_loop3A_282, %parallel_loop3A_199 : vector<16xf32>
        %parallel_loop3A_284 = arith.constant 0.000000e+00 : f32
        %parallel_loop3A_285 = vector.broadcast %parallel_loop3A_284 : f32 to vector<16xf32>
        %parallel_loop3A_286 = arith.maximumf %parallel_loop3A_283, %parallel_loop3A_285 : vector<16xf32>
        %parallel_loop3A_287 = arith.addf %parallel_loop3A_255, %parallel_loop3A_286 : vector<16xf32>
        %parallel_loop3A_288 = arith.index_cast %parallel_loop3A_196 : i32 to index
        %parallel_loop3A_289 = arith.constant 176 : index
        %parallel_loop3A_290 = tpu.vector_load %arg9[%parallel_loop3A_288, %parallel_loop3A_289] {strides = array<i32>} : memref<32x1000xf32, #tpu.memory_space<vmem>>, vector<16xf32>,
        %parallel_loop3A_291 = arith.addf %parallel_loop3A_290, %parallel_loop3A_199 : vector<16xf32>
        %parallel_loop3A_292 = arith.constant 0.000000e+00 : f32
        %parallel_loop3A_293 = vector.broadcast %parallel_loop3A_292 : f32 to vector<16xf32>
        %parallel_loop3A_294 = arith.maximumf %parallel_loop3A_291, %parallel_loop3A_293 : vector<16xf32>
        %parallel_loop3A_295 = arith.addf %parallel_loop3A_263, %parallel_loop3A_294 : vector<16xf32>
        %parallel_loop3A_296 = arith.index_cast %parallel_loop3A_196 : i32 to index
        %parallel_loop3A_297 = arith.constant 192 : index
        %parallel_loop3A_298 = tpu.vector_load %arg9[%parallel_loop3A_296, %parallel_loop3A_297] {strides = array<i32>} : memref<32x1000xf32, #tpu.memory_space<vmem>>, vector<16xf32>,
        %parallel_loop3A_299 = arith.addf %parallel_loop3A_298, %parallel_loop3A_199 : vector<16xf32>
        %parallel_loop3A_300 = arith.constant 0.000000e+00 : f32
        %parallel_loop3A_301 = vector.broadcast %parallel_loop3A_300 : f32 to vector<16xf32>
        %parallel_loop3A_302 = arith.maximumf %parallel_loop3A_299, %parallel_loop3A_301 : vector<16xf32>
        %parallel_loop3A_303 = arith.addf %parallel_loop3A_271, %parallel_loop3A_302 : vector<16xf32>
        %parallel_loop3A_304 = arith.index_cast %parallel_loop3A_196 : i32 to index
        %parallel_loop3A_305 = arith.constant 208 : index
        %parallel_loop3A_306 = tpu.vector_load %arg9[%parallel_loop3A_304, %parallel_loop3A_305] {strides = array<i32>} : memref<32x1000xf32, #tpu.memory_space<vmem>>, vector<16xf32>,
        %parallel_loop3A_307 = arith.addf %parallel_loop3A_306, %parallel_loop3A_199 : vector<16xf32>
        %parallel_loop3A_308 = arith.constant 0.000000e+00 : f32
        %parallel_loop3A_309 = vector.broadcast %parallel_loop3A_308 : f32 to vector<16xf32>
        %parallel_loop3A_310 = arith.maximumf %parallel_loop3A_307, %parallel_loop3A_309 : vector<16xf32>
        %parallel_loop3A_311 = arith.addf %parallel_loop3A_279, %parallel_loop3A_310 : vector<16xf32>
        %parallel_loop3A_312 = arith.index_cast %parallel_loop3A_196 : i32 to index
        %parallel_loop3A_313 = arith.constant 224 : index
        %parallel_loop3A_314 = tpu.vector_load %arg9[%parallel_loop3A_312, %parallel_loop3A_313] {strides = array<i32>} : memref<32x1000xf32, #tpu.memory_space<vmem>>, vector<16xf32>,
        %parallel_loop3A_315 = arith.addf %parallel_loop3A_314, %parallel_loop3A_199 : vector<16xf32>
        %parallel_loop3A_316 = arith.constant 0.000000e+00 : f32
        %parallel_loop3A_317 = vector.broadcast %parallel_loop3A_316 : f32 to vector<16xf32>
        %parallel_loop3A_318 = arith.maximumf %parallel_loop3A_315, %parallel_loop3A_317 : vector<16xf32>
        %parallel_loop3A_319 = arith.addf %parallel_loop3A_287, %parallel_loop3A_318 : vector<16xf32>
        %parallel_loop3A_320 = arith.index_cast %parallel_loop3A_196 : i32 to index
        %parallel_loop3A_321 = arith.constant 240 : index
        %parallel_loop3A_322 = tpu.vector_load %arg9[%parallel_loop3A_320, %parallel_loop3A_321] {strides = array<i32>} : memref<32x1000xf32, #tpu.memory_space<vmem>>, vector<16xf32>,
        %parallel_loop3A_323 = arith.addf %parallel_loop3A_322, %parallel_loop3A_199 : vector<16xf32>
        %parallel_loop3A_324 = arith.constant 0.000000e+00 : f32
        %parallel_loop3A_325 = vector.broadcast %parallel_loop3A_324 : f32 to vector<16xf32>
        %parallel_loop3A_326 = arith.maximumf %parallel_loop3A_323, %parallel_loop3A_325 : vector<16xf32>
        %parallel_loop3A_327 = arith.addf %parallel_loop3A_295, %parallel_loop3A_326 : vector<16xf32>
        %parallel_loop3A_328 = arith.index_cast %parallel_loop3A_196 : i32 to index
        %parallel_loop3A_329 = arith.constant 256 : index
        %parallel_loop3A_330 = tpu.vector_load %arg9[%parallel_loop3A_328, %parallel_loop3A_329] {strides = array<i32>} : memref<32x1000xf32, #tpu.memory_space<vmem>>, vector<16xf32>,
        %parallel_loop3A_331 = arith.addf %parallel_loop3A_330, %parallel_loop3A_199 : vector<16xf32>
        %parallel_loop3A_332 = arith.constant 0.000000e+00 : f32
        %parallel_loop3A_333 = vector.broadcast %parallel_loop3A_332 : f32 to vector<16xf32>
        %parallel_loop3A_334 = arith.maximumf %parallel_loop3A_331, %parallel_loop3A_333 : vector<16xf32>
        %parallel_loop3A_335 = arith.addf %parallel_loop3A_303, %parallel_loop3A_334 : vector<16xf32>
        %parallel_loop3A_336 = arith.index_cast %parallel_loop3A_196 : i32 to index
        %parallel_loop3A_337 = arith.constant 272 : index
        %parallel_loop3A_338 = tpu.vector_load %arg9[%parallel_loop3A_336, %parallel_loop3A_337] {strides = array<i32>} : memref<32x1000xf32, #tpu.memory_space<vmem>>, vector<16xf32>,
        %parallel_loop3A_339 = arith.addf %parallel_loop3A_338, %parallel_loop3A_199 : vector<16xf32>
        %parallel_loop3A_340 = arith.constant 0.000000e+00 : f32
        %parallel_loop3A_341 = vector.broadcast %parallel_loop3A_340 : f32 to vector<16xf32>
        %parallel_loop3A_342 = arith.maximumf %parallel_loop3A_339, %parallel_loop3A_341 : vector<16xf32>
        %parallel_loop3A_343 = arith.addf %parallel_loop3A_311, %parallel_loop3A_342 : vector<16xf32>
        %parallel_loop3A_344 = arith.index_cast %parallel_loop3A_196 : i32 to index
        %parallel_loop3A_345 = arith.constant 288 : index
        %parallel_loop3A_346 = tpu.vector_load %arg9[%parallel_loop3A_344, %parallel_loop3A_345] {strides = array<i32>} : memref<32x1000xf32, #tpu.memory_space<vmem>>, vector<16xf32>,
        %parallel_loop3A_347 = arith.addf %parallel_loop3A_346, %parallel_loop3A_199 : vector<16xf32>
        %parallel_loop3A_348 = arith.constant 0.000000e+00 : f32
        %parallel_loop3A_349 = vector.broadcast %parallel_loop3A_348 : f32 to vector<16xf32>
        %parallel_loop3A_350 = arith.maximumf %parallel_loop3A_347, %parallel_loop3A_349 : vector<16xf32>
        %parallel_loop3A_351 = arith.addf %parallel_loop3A_319, %parallel_loop3A_350 : vector<16xf32>
        %parallel_loop3A_352 = arith.index_cast %parallel_loop3A_196 : i32 to index
        %parallel_loop3A_353 = arith.constant 304 : index
        %parallel_loop3A_354 = tpu.vector_load %arg9[%parallel_loop3A_352, %parallel_loop3A_353] {strides = array<i32>} : memref<32x1000xf32, #tpu.memory_space<vmem>>, vector<16xf32>,
        %parallel_loop3A_355 = arith.addf %parallel_loop3A_354, %parallel_loop3A_199 : vector<16xf32>
        %parallel_loop3A_356 = arith.constant 0.000000e+00 : f32
        %parallel_loop3A_357 = vector.broadcast %parallel_loop3A_356 : f32 to vector<16xf32>
        %parallel_loop3A_358 = arith.maximumf %parallel_loop3A_355, %parallel_loop3A_357 : vector<16xf32>
        %parallel_loop3A_359 = arith.addf %parallel_loop3A_327, %parallel_loop3A_358 : vector<16xf32>
        %parallel_loop3A_360 = arith.index_cast %parallel_loop3A_196 : i32 to index
        %parallel_loop3A_361 = arith.constant 320 : index
        %parallel_loop3A_362 = tpu.vector_load %arg9[%parallel_loop3A_360, %parallel_loop3A_361] {strides = array<i32>} : memref<32x1000xf32, #tpu.memory_space<vmem>>, vector<16xf32>,
        %parallel_loop3A_363 = arith.addf %parallel_loop3A_362, %parallel_loop3A_199 : vector<16xf32>
        %parallel_loop3A_364 = arith.constant 0.000000e+00 : f32
        %parallel_loop3A_365 = vector.broadcast %parallel_loop3A_364 : f32 to vector<16xf32>
        %parallel_loop3A_366 = arith.maximumf %parallel_loop3A_363, %parallel_loop3A_365 : vector<16xf32>
        %parallel_loop3A_367 = arith.addf %parallel_loop3A_335, %parallel_loop3A_366 : vector<16xf32>
        %parallel_loop3A_368 = arith.index_cast %parallel_loop3A_196 : i32 to index
        %parallel_loop3A_369 = arith.constant 336 : index
        %parallel_loop3A_370 = tpu.vector_load %arg9[%parallel_loop3A_368, %parallel_loop3A_369] {strides = array<i32>} : memref<32x1000xf32, #tpu.memory_space<vmem>>, vector<16xf32>,
        %parallel_loop3A_371 = arith.addf %parallel_loop3A_370, %parallel_loop3A_199 : vector<16xf32>
        %parallel_loop3A_372 = arith.constant 0.000000e+00 : f32
        %parallel_loop3A_373 = vector.broadcast %parallel_loop3A_372 : f32 to vector<16xf32>
        %parallel_loop3A_374 = arith.maximumf %parallel_loop3A_371, %parallel_loop3A_373 : vector<16xf32>
        %parallel_loop3A_375 = arith.addf %parallel_loop3A_343, %parallel_loop3A_374 : vector<16xf32>
        %parallel_loop3A_376 = arith.index_cast %parallel_loop3A_196 : i32 to index
        %parallel_loop3A_377 = arith.constant 352 : index
        %parallel_loop3A_378 = tpu.vector_load %arg9[%parallel_loop3A_376, %parallel_loop3A_377] {strides = array<i32>} : memref<32x1000xf32, #tpu.memory_space<vmem>>, vector<16xf32>,
        %parallel_loop3A_379 = arith.addf %parallel_loop3A_378, %parallel_loop3A_199 : vector<16xf32>
        %parallel_loop3A_380 = arith.constant 0.000000e+00 : f32
        %parallel_loop3A_381 = vector.broadcast %parallel_loop3A_380 : f32 to vector<16xf32>
        %parallel_loop3A_382 = arith.maximumf %parallel_loop3A_379, %parallel_loop3A_381 : vector<16xf32>
        %parallel_loop3A_383 = arith.addf %parallel_loop3A_351, %parallel_loop3A_382 : vector<16xf32>
        %parallel_loop3A_384 = arith.index_cast %parallel_loop3A_196 : i32 to index
        %parallel_loop3A_385 = arith.constant 368 : index
        %parallel_loop3A_386 = tpu.vector_load %arg9[%parallel_loop3A_384, %parallel_loop3A_385] {strides = array<i32>} : memref<32x1000xf32, #tpu.memory_space<vmem>>, vector<16xf32>,
        %parallel_loop3A_387 = arith.addf %parallel_loop3A_386, %parallel_loop3A_199 : vector<16xf32>
        %parallel_loop3A_388 = arith.constant 0.000000e+00 : f32
        %parallel_loop3A_389 = vector.broadcast %parallel_loop3A_388 : f32 to vector<16xf32>
        %parallel_loop3A_390 = arith.maximumf %parallel_loop3A_387, %parallel_loop3A_389 : vector<16xf32>
        %parallel_loop3A_391 = arith.addf %parallel_loop3A_359, %parallel_loop3A_390 : vector<16xf32>
        %parallel_loop3A_392 = arith.index_cast %parallel_loop3A_196 : i32 to index
        %parallel_loop3A_393 = arith.constant 384 : index
        %parallel_loop3A_394 = tpu.vector_load %arg9[%parallel_loop3A_392, %parallel_loop3A_393] {strides = array<i32>} : memref<32x1000xf32, #tpu.memory_space<vmem>>, vector<16xf32>,
        %parallel_loop3A_395 = arith.addf %parallel_loop3A_394, %parallel_loop3A_199 : vector<16xf32>
        %parallel_loop3A_396 = arith.constant 0.000000e+00 : f32
        %parallel_loop3A_397 = vector.broadcast %parallel_loop3A_396 : f32 to vector<16xf32>
        %parallel_loop3A_398 = arith.maximumf %parallel_loop3A_395, %parallel_loop3A_397 : vector<16xf32>
        %parallel_loop3A_399 = arith.addf %parallel_loop3A_367, %parallel_loop3A_398 : vector<16xf32>
        %parallel_loop3A_400 = arith.index_cast %parallel_loop3A_196 : i32 to index
        %parallel_loop3A_401 = arith.constant 400 : index
        %parallel_loop3A_402 = tpu.vector_load %arg9[%parallel_loop3A_400, %parallel_loop3A_401] {strides = array<i32>} : memref<32x1000xf32, #tpu.memory_space<vmem>>, vector<16xf32>,
        %parallel_loop3A_403 = arith.addf %parallel_loop3A_402, %parallel_loop3A_199 : vector<16xf32>
        %parallel_loop3A_404 = arith.constant 0.000000e+00 : f32
        %parallel_loop3A_405 = vector.broadcast %parallel_loop3A_404 : f32 to vector<16xf32>
        %parallel_loop3A_406 = arith.maximumf %parallel_loop3A_403, %parallel_loop3A_405 : vector<16xf32>
        %parallel_loop3A_407 = arith.addf %parallel_loop3A_375, %parallel_loop3A_406 : vector<16xf32>
        %parallel_loop3A_408 = arith.index_cast %parallel_loop3A_196 : i32 to index
        %parallel_loop3A_409 = arith.constant 416 : index
        %parallel_loop3A_410 = tpu.vector_load %arg9[%parallel_loop3A_408, %parallel_loop3A_409] {strides = array<i32>} : memref<32x1000xf32, #tpu.memory_space<vmem>>, vector<16xf32>,
        %parallel_loop3A_411 = arith.addf %parallel_loop3A_410, %parallel_loop3A_199 : vector<16xf32>
        %parallel_loop3A_412 = arith.constant 0.000000e+00 : f32
        %parallel_loop3A_413 = vector.broadcast %parallel_loop3A_412 : f32 to vector<16xf32>
        %parallel_loop3A_414 = arith.maximumf %parallel_loop3A_411, %parallel_loop3A_413 : vector<16xf32>
        %parallel_loop3A_415 = arith.addf %parallel_loop3A_383, %parallel_loop3A_414 : vector<16xf32>
        %parallel_loop3A_416 = arith.index_cast %parallel_loop3A_196 : i32 to index
        %parallel_loop3A_417 = arith.constant 432 : index
        %parallel_loop3A_418 = tpu.vector_load %arg9[%parallel_loop3A_416, %parallel_loop3A_417] {strides = array<i32>} : memref<32x1000xf32, #tpu.memory_space<vmem>>, vector<16xf32>,
        %parallel_loop3A_419 = arith.addf %parallel_loop3A_418, %parallel_loop3A_199 : vector<16xf32>
        %parallel_loop3A_420 = arith.constant 0.000000e+00 : f32
        %parallel_loop3A_421 = vector.broadcast %parallel_loop3A_420 : f32 to vector<16xf32>
        %parallel_loop3A_422 = arith.maximumf %parallel_loop3A_419, %parallel_loop3A_421 : vector<16xf32>
        %parallel_loop3A_423 = arith.addf %parallel_loop3A_391, %parallel_loop3A_422 : vector<16xf32>
        %parallel_loop3A_424 = arith.index_cast %parallel_loop3A_196 : i32 to index
        %parallel_loop3A_425 = arith.constant 448 : index
        %parallel_loop3A_426 = tpu.vector_load %arg9[%parallel_loop3A_424, %parallel_loop3A_425] {strides = array<i32>} : memref<32x1000xf32, #tpu.memory_space<vmem>>, vector<16xf32>,
        %parallel_loop3A_427 = arith.addf %parallel_loop3A_426, %parallel_loop3A_199 : vector<16xf32>
        %parallel_loop3A_428 = arith.constant 0.000000e+00 : f32
        %parallel_loop3A_429 = vector.broadcast %parallel_loop3A_428 : f32 to vector<16xf32>
        %parallel_loop3A_430 = arith.maximumf %parallel_loop3A_427, %parallel_loop3A_429 : vector<16xf32>
        %parallel_loop3A_431 = arith.addf %parallel_loop3A_399, %parallel_loop3A_430 : vector<16xf32>
        %parallel_loop3A_432 = arith.index_cast %parallel_loop3A_196 : i32 to index
        %parallel_loop3A_433 = arith.constant 464 : index
        %parallel_loop3A_434 = tpu.vector_load %arg9[%parallel_loop3A_432, %parallel_loop3A_433] {strides = array<i32>} : memref<32x1000xf32, #tpu.memory_space<vmem>>, vector<16xf32>,
        %parallel_loop3A_435 = arith.addf %parallel_loop3A_434, %parallel_loop3A_199 : vector<16xf32>
        %parallel_loop3A_436 = arith.constant 0.000000e+00 : f32
        %parallel_loop3A_437 = vector.broadcast %parallel_loop3A_436 : f32 to vector<16xf32>
        %parallel_loop3A_438 = arith.maximumf %parallel_loop3A_435, %parallel_loop3A_437 : vector<16xf32>
        %parallel_loop3A_439 = arith.addf %parallel_loop3A_407, %parallel_loop3A_438 : vector<16xf32>
        %parallel_loop3A_440 = arith.index_cast %parallel_loop3A_196 : i32 to index
        %parallel_loop3A_441 = arith.constant 480 : index
        %parallel_loop3A_442 = tpu.vector_load %arg9[%parallel_loop3A_440, %parallel_loop3A_441] {strides = array<i32>} : memref<32x1000xf32, #tpu.memory_space<vmem>>, vector<16xf32>,
        %parallel_loop3A_443 = arith.addf %parallel_loop3A_442, %parallel_loop3A_199 : vector<16xf32>
        %parallel_loop3A_444 = arith.constant 0.000000e+00 : f32
        %parallel_loop3A_445 = vector.broadcast %parallel_loop3A_444 : f32 to vector<16xf32>
        %parallel_loop3A_446 = arith.maximumf %parallel_loop3A_443, %parallel_loop3A_445 : vector<16xf32>
        %parallel_loop3A_447 = arith.addf %parallel_loop3A_415, %parallel_loop3A_446 : vector<16xf32>
        %parallel_loop3A_448 = arith.index_cast %parallel_loop3A_196 : i32 to index
        %parallel_loop3A_449 = arith.constant 496 : index
        %parallel_loop3A_450 = tpu.vector_load %arg9[%parallel_loop3A_448, %parallel_loop3A_449] {strides = array<i32>} : memref<32x1000xf32, #tpu.memory_space<vmem>>, vector<16xf32>,
        %parallel_loop3A_451 = arith.addf %parallel_loop3A_450, %parallel_loop3A_199 : vector<16xf32>
        %parallel_loop3A_452 = arith.constant 0.000000e+00 : f32
        %parallel_loop3A_453 = vector.broadcast %parallel_loop3A_452 : f32 to vector<16xf32>
        %parallel_loop3A_454 = arith.maximumf %parallel_loop3A_451, %parallel_loop3A_453 : vector<16xf32>
        %parallel_loop3A_455 = arith.addf %parallel_loop3A_423, %parallel_loop3A_454 : vector<16xf32>
        %parallel_loop3A_456 = arith.index_cast %parallel_loop3A_196 : i32 to index
        %parallel_loop3A_457 = arith.constant 512 : index
        %parallel_loop3A_458 = tpu.vector_load %arg9[%parallel_loop3A_456, %parallel_loop3A_457] {strides = array<i32>} : memref<32x1000xf32, #tpu.memory_space<vmem>>, vector<16xf32>,
        %parallel_loop3A_459 = arith.addf %parallel_loop3A_458, %parallel_loop3A_199 : vector<16xf32>
        %parallel_loop3A_460 = arith.constant 0.000000e+00 : f32
        %parallel_loop3A_461 = vector.broadcast %parallel_loop3A_460 : f32 to vector<16xf32>
        %parallel_loop3A_462 = arith.maximumf %parallel_loop3A_459, %parallel_loop3A_461 : vector<16xf32>
        %parallel_loop3A_463 = arith.addf %parallel_loop3A_431, %parallel_loop3A_462 : vector<16xf32>
        %parallel_loop3A_464 = arith.index_cast %parallel_loop3A_196 : i32 to index
        %parallel_loop3A_465 = arith.constant 528 : index
        %parallel_loop3A_466 = tpu.vector_load %arg9[%parallel_loop3A_464, %parallel_loop3A_465] {strides = array<i32>} : memref<32x1000xf32, #tpu.memory_space<vmem>>, vector<16xf32>,
        %parallel_loop3A_467 = arith.addf %parallel_loop3A_466, %parallel_loop3A_199 : vector<16xf32>
        %parallel_loop3A_468 = arith.constant 0.000000e+00 : f32
        %parallel_loop3A_469 = vector.broadcast %parallel_loop3A_468 : f32 to vector<16xf32>
        %parallel_loop3A_470 = arith.maximumf %parallel_loop3A_467, %parallel_loop3A_469 : vector<16xf32>
        %parallel_loop3A_471 = arith.addf %parallel_loop3A_439, %parallel_loop3A_470 : vector<16xf32>
        %parallel_loop3A_472 = arith.index_cast %parallel_loop3A_196 : i32 to index
        %parallel_loop3A_473 = arith.constant 544 : index
        %parallel_loop3A_474 = tpu.vector_load %arg9[%parallel_loop3A_472, %parallel_loop3A_473] {strides = array<i32>} : memref<32x1000xf32, #tpu.memory_space<vmem>>, vector<16xf32>,
        %parallel_loop3A_475 = arith.addf %parallel_loop3A_474, %parallel_loop3A_199 : vector<16xf32>
        %parallel_loop3A_476 = arith.constant 0.000000e+00 : f32
        %parallel_loop3A_477 = vector.broadcast %parallel_loop3A_476 : f32 to vector<16xf32>
        %parallel_loop3A_478 = arith.maximumf %parallel_loop3A_475, %parallel_loop3A_477 : vector<16xf32>
        %parallel_loop3A_479 = arith.addf %parallel_loop3A_447, %parallel_loop3A_478 : vector<16xf32>
        %parallel_loop3A_480 = arith.index_cast %parallel_loop3A_196 : i32 to index
        %parallel_loop3A_481 = arith.constant 560 : index
        %parallel_loop3A_482 = tpu.vector_load %arg9[%parallel_loop3A_480, %parallel_loop3A_481] {strides = array<i32>} : memref<32x1000xf32, #tpu.memory_space<vmem>>, vector<16xf32>,
        %parallel_loop3A_483 = arith.addf %parallel_loop3A_482, %parallel_loop3A_199 : vector<16xf32>
        %parallel_loop3A_484 = arith.constant 0.000000e+00 : f32
        %parallel_loop3A_485 = vector.broadcast %parallel_loop3A_484 : f32 to vector<16xf32>
        %parallel_loop3A_486 = arith.maximumf %parallel_loop3A_483, %parallel_loop3A_485 : vector<16xf32>
        %parallel_loop3A_487 = arith.addf %parallel_loop3A_455, %parallel_loop3A_486 : vector<16xf32>
        %parallel_loop3A_488 = arith.index_cast %parallel_loop3A_196 : i32 to index
        %parallel_loop3A_489 = arith.constant 576 : index
        %parallel_loop3A_490 = tpu.vector_load %arg9[%parallel_loop3A_488, %parallel_loop3A_489] {strides = array<i32>} : memref<32x1000xf32, #tpu.memory_space<vmem>>, vector<16xf32>,
        %parallel_loop3A_491 = arith.addf %parallel_loop3A_490, %parallel_loop3A_199 : vector<16xf32>
        %parallel_loop3A_492 = arith.constant 0.000000e+00 : f32
        %parallel_loop3A_493 = vector.broadcast %parallel_loop3A_492 : f32 to vector<16xf32>
        %parallel_loop3A_494 = arith.maximumf %parallel_loop3A_491, %parallel_loop3A_493 : vector<16xf32>
        %parallel_loop3A_495 = arith.addf %parallel_loop3A_463, %parallel_loop3A_494 : vector<16xf32>
        %parallel_loop3A_496 = arith.index_cast %parallel_loop3A_196 : i32 to index
        %parallel_loop3A_497 = arith.constant 592 : index
        %parallel_loop3A_498 = tpu.vector_load %arg9[%parallel_loop3A_496, %parallel_loop3A_497] {strides = array<i32>} : memref<32x1000xf32, #tpu.memory_space<vmem>>, vector<16xf32>,
        %parallel_loop3A_499 = arith.addf %parallel_loop3A_498, %parallel_loop3A_199 : vector<16xf32>
        %parallel_loop3A_500 = arith.constant 0.000000e+00 : f32
        %parallel_loop3A_501 = vector.broadcast %parallel_loop3A_500 : f32 to vector<16xf32>
        %parallel_loop3A_502 = arith.maximumf %parallel_loop3A_499, %parallel_loop3A_501 : vector<16xf32>
        %parallel_loop3A_503 = arith.addf %parallel_loop3A_471, %parallel_loop3A_502 : vector<16xf32>
        %parallel_loop3A_504 = arith.index_cast %parallel_loop3A_196 : i32 to index
        %parallel_loop3A_505 = arith.constant 608 : index
        %parallel_loop3A_506 = tpu.vector_load %arg9[%parallel_loop3A_504, %parallel_loop3A_505] {strides = array<i32>} : memref<32x1000xf32, #tpu.memory_space<vmem>>, vector<16xf32>,
        %parallel_loop3A_507 = arith.addf %parallel_loop3A_506, %parallel_loop3A_199 : vector<16xf32>
        %parallel_loop3A_508 = arith.constant 0.000000e+00 : f32
        %parallel_loop3A_509 = vector.broadcast %parallel_loop3A_508 : f32 to vector<16xf32>
        %parallel_loop3A_510 = arith.maximumf %parallel_loop3A_507, %parallel_loop3A_509 : vector<16xf32>
        %parallel_loop3A_511 = arith.addf %parallel_loop3A_479, %parallel_loop3A_510 : vector<16xf32>
        %parallel_loop3A_512 = arith.index_cast %parallel_loop3A_196 : i32 to index
        %parallel_loop3A_513 = arith.constant 624 : index
        %parallel_loop3A_514 = tpu.vector_load %arg9[%parallel_loop3A_512, %parallel_loop3A_513] {strides = array<i32>} : memref<32x1000xf32, #tpu.memory_space<vmem>>, vector<16xf32>,
        %parallel_loop3A_515 = arith.addf %parallel_loop3A_514, %parallel_loop3A_199 : vector<16xf32>
        %parallel_loop3A_516 = arith.constant 0.000000e+00 : f32
        %parallel_loop3A_517 = vector.broadcast %parallel_loop3A_516 : f32 to vector<16xf32>
        %parallel_loop3A_518 = arith.maximumf %parallel_loop3A_515, %parallel_loop3A_517 : vector<16xf32>
        %parallel_loop3A_519 = arith.addf %parallel_loop3A_487, %parallel_loop3A_518 : vector<16xf32>
        %parallel_loop3A_520 = arith.index_cast %parallel_loop3A_196 : i32 to index
        %parallel_loop3A_521 = arith.constant 640 : index
        %parallel_loop3A_522 = tpu.vector_load %arg9[%parallel_loop3A_520, %parallel_loop3A_521] {strides = array<i32>} : memref<32x1000xf32, #tpu.memory_space<vmem>>, vector<16xf32>,
        %parallel_loop3A_523 = arith.addf %parallel_loop3A_522, %parallel_loop3A_199 : vector<16xf32>
        %parallel_loop3A_524 = arith.constant 0.000000e+00 : f32
        %parallel_loop3A_525 = vector.broadcast %parallel_loop3A_524 : f32 to vector<16xf32>
        %parallel_loop3A_526 = arith.maximumf %parallel_loop3A_523, %parallel_loop3A_525 : vector<16xf32>
        %parallel_loop3A_527 = arith.addf %parallel_loop3A_495, %parallel_loop3A_526 : vector<16xf32>
        %parallel_loop3A_528 = arith.index_cast %parallel_loop3A_196 : i32 to index
        %parallel_loop3A_529 = arith.constant 656 : index
        %parallel_loop3A_530 = tpu.vector_load %arg9[%parallel_loop3A_528, %parallel_loop3A_529] {strides = array<i32>} : memref<32x1000xf32, #tpu.memory_space<vmem>>, vector<16xf32>,
        %parallel_loop3A_531 = arith.addf %parallel_loop3A_530, %parallel_loop3A_199 : vector<16xf32>
        %parallel_loop3A_532 = arith.constant 0.000000e+00 : f32
        %parallel_loop3A_533 = vector.broadcast %parallel_loop3A_532 : f32 to vector<16xf32>
        %parallel_loop3A_534 = arith.maximumf %parallel_loop3A_531, %parallel_loop3A_533 : vector<16xf32>
        %parallel_loop3A_535 = arith.addf %parallel_loop3A_503, %parallel_loop3A_534 : vector<16xf32>
        %parallel_loop3A_536 = arith.index_cast %parallel_loop3A_196 : i32 to index
        %parallel_loop3A_537 = arith.constant 672 : index
        %parallel_loop3A_538 = tpu.vector_load %arg9[%parallel_loop3A_536, %parallel_loop3A_537] {strides = array<i32>} : memref<32x1000xf32, #tpu.memory_space<vmem>>, vector<16xf32>,
        %parallel_loop3A_539 = arith.addf %parallel_loop3A_538, %parallel_loop3A_199 : vector<16xf32>
        %parallel_loop3A_540 = arith.constant 0.000000e+00 : f32
        %parallel_loop3A_541 = vector.broadcast %parallel_loop3A_540 : f32 to vector<16xf32>
        %parallel_loop3A_542 = arith.maximumf %parallel_loop3A_539, %parallel_loop3A_541 : vector<16xf32>
        %parallel_loop3A_543 = arith.addf %parallel_loop3A_511, %parallel_loop3A_542 : vector<16xf32>
        %parallel_loop3A_544 = arith.index_cast %parallel_loop3A_196 : i32 to index
        %parallel_loop3A_545 = arith.constant 688 : index
        %parallel_loop3A_546 = tpu.vector_load %arg9[%parallel_loop3A_544, %parallel_loop3A_545] {strides = array<i32>} : memref<32x1000xf32, #tpu.memory_space<vmem>>, vector<16xf32>,
        %parallel_loop3A_547 = arith.addf %parallel_loop3A_546, %parallel_loop3A_199 : vector<16xf32>
        %parallel_loop3A_548 = arith.constant 0.000000e+00 : f32
        %parallel_loop3A_549 = vector.broadcast %parallel_loop3A_548 : f32 to vector<16xf32>
        %parallel_loop3A_550 = arith.maximumf %parallel_loop3A_547, %parallel_loop3A_549 : vector<16xf32>
        %parallel_loop3A_551 = arith.addf %parallel_loop3A_519, %parallel_loop3A_550 : vector<16xf32>
        %parallel_loop3A_552 = arith.index_cast %parallel_loop3A_196 : i32 to index
        %parallel_loop3A_553 = arith.constant 704 : index
        %parallel_loop3A_554 = tpu.vector_load %arg9[%parallel_loop3A_552, %parallel_loop3A_553] {strides = array<i32>} : memref<32x1000xf32, #tpu.memory_space<vmem>>, vector<16xf32>,
        %parallel_loop3A_555 = arith.addf %parallel_loop3A_554, %parallel_loop3A_199 : vector<16xf32>
        %parallel_loop3A_556 = arith.constant 0.000000e+00 : f32
        %parallel_loop3A_557 = vector.broadcast %parallel_loop3A_556 : f32 to vector<16xf32>
        %parallel_loop3A_558 = arith.maximumf %parallel_loop3A_555, %parallel_loop3A_557 : vector<16xf32>
        %parallel_loop3A_559 = arith.addf %parallel_loop3A_527, %parallel_loop3A_558 : vector<16xf32>
        %parallel_loop3A_560 = arith.index_cast %parallel_loop3A_196 : i32 to index
        %parallel_loop3A_561 = arith.constant 720 : index
        %parallel_loop3A_562 = tpu.vector_load %arg9[%parallel_loop3A_560, %parallel_loop3A_561] {strides = array<i32>} : memref<32x1000xf32, #tpu.memory_space<vmem>>, vector<16xf32>,
        %parallel_loop3A_563 = arith.addf %parallel_loop3A_562, %parallel_loop3A_199 : vector<16xf32>
        %parallel_loop3A_564 = arith.constant 0.000000e+00 : f32
        %parallel_loop3A_565 = vector.broadcast %parallel_loop3A_564 : f32 to vector<16xf32>
        %parallel_loop3A_566 = arith.maximumf %parallel_loop3A_563, %parallel_loop3A_565 : vector<16xf32>
        %parallel_loop3A_567 = arith.addf %parallel_loop3A_535, %parallel_loop3A_566 : vector<16xf32>
        %parallel_loop3A_568 = arith.index_cast %parallel_loop3A_196 : i32 to index
        %parallel_loop3A_569 = arith.constant 736 : index
        %parallel_loop3A_570 = tpu.vector_load %arg9[%parallel_loop3A_568, %parallel_loop3A_569] {strides = array<i32>} : memref<32x1000xf32, #tpu.memory_space<vmem>>, vector<16xf32>,
        %parallel_loop3A_571 = arith.addf %parallel_loop3A_570, %parallel_loop3A_199 : vector<16xf32>
        %parallel_loop3A_572 = arith.constant 0.000000e+00 : f32
        %parallel_loop3A_573 = vector.broadcast %parallel_loop3A_572 : f32 to vector<16xf32>
        %parallel_loop3A_574 = arith.maximumf %parallel_loop3A_571, %parallel_loop3A_573 : vector<16xf32>
        %parallel_loop3A_575 = arith.addf %parallel_loop3A_543, %parallel_loop3A_574 : vector<16xf32>
        %parallel_loop3A_576 = arith.index_cast %parallel_loop3A_196 : i32 to index
        %parallel_loop3A_577 = arith.constant 752 : index
        %parallel_loop3A_578 = tpu.vector_load %arg9[%parallel_loop3A_576, %parallel_loop3A_577] {strides = array<i32>} : memref<32x1000xf32, #tpu.memory_space<vmem>>, vector<16xf32>,
        %parallel_loop3A_579 = arith.addf %parallel_loop3A_578, %parallel_loop3A_199 : vector<16xf32>
        %parallel_loop3A_580 = arith.constant 0.000000e+00 : f32
        %parallel_loop3A_581 = vector.broadcast %parallel_loop3A_580 : f32 to vector<16xf32>
        %parallel_loop3A_582 = arith.maximumf %parallel_loop3A_579, %parallel_loop3A_581 : vector<16xf32>
        %parallel_loop3A_583 = arith.addf %parallel_loop3A_551, %parallel_loop3A_582 : vector<16xf32>
        %parallel_loop3A_584 = arith.index_cast %parallel_loop3A_196 : i32 to index
        %parallel_loop3A_585 = arith.constant 768 : index
        %parallel_loop3A_586 = tpu.vector_load %arg9[%parallel_loop3A_584, %parallel_loop3A_585] {strides = array<i32>} : memref<32x1000xf32, #tpu.memory_space<vmem>>, vector<16xf32>,
        %parallel_loop3A_587 = arith.addf %parallel_loop3A_586, %parallel_loop3A_199 : vector<16xf32>
        %parallel_loop3A_588 = arith.constant 0.000000e+00 : f32
        %parallel_loop3A_589 = vector.broadcast %parallel_loop3A_588 : f32 to vector<16xf32>
        %parallel_loop3A_590 = arith.maximumf %parallel_loop3A_587, %parallel_loop3A_589 : vector<16xf32>
        %parallel_loop3A_591 = arith.addf %parallel_loop3A_559, %parallel_loop3A_590 : vector<16xf32>
        %parallel_loop3A_592 = arith.index_cast %parallel_loop3A_196 : i32 to index
        %parallel_loop3A_593 = arith.constant 784 : index
        %parallel_loop3A_594 = tpu.vector_load %arg9[%parallel_loop3A_592, %parallel_loop3A_593] {strides = array<i32>} : memref<32x1000xf32, #tpu.memory_space<vmem>>, vector<16xf32>,
        %parallel_loop3A_595 = arith.addf %parallel_loop3A_594, %parallel_loop3A_199 : vector<16xf32>
        %parallel_loop3A_596 = arith.constant 0.000000e+00 : f32
        %parallel_loop3A_597 = vector.broadcast %parallel_loop3A_596 : f32 to vector<16xf32>
        %parallel_loop3A_598 = arith.maximumf %parallel_loop3A_595, %parallel_loop3A_597 : vector<16xf32>
        %parallel_loop3A_599 = arith.addf %parallel_loop3A_567, %parallel_loop3A_598 : vector<16xf32>
        %parallel_loop3A_600 = arith.index_cast %parallel_loop3A_196 : i32 to index
        %parallel_loop3A_601 = arith.constant 800 : index
        %parallel_loop3A_602 = tpu.vector_load %arg9[%parallel_loop3A_600, %parallel_loop3A_601] {strides = array<i32>} : memref<32x1000xf32, #tpu.memory_space<vmem>>, vector<16xf32>,
        %parallel_loop3A_603 = arith.addf %parallel_loop3A_602, %parallel_loop3A_199 : vector<16xf32>
        %parallel_loop3A_604 = arith.constant 0.000000e+00 : f32
        %parallel_loop3A_605 = vector.broadcast %parallel_loop3A_604 : f32 to vector<16xf32>
        %parallel_loop3A_606 = arith.maximumf %parallel_loop3A_603, %parallel_loop3A_605 : vector<16xf32>
        %parallel_loop3A_607 = arith.addf %parallel_loop3A_575, %parallel_loop3A_606 : vector<16xf32>
        %parallel_loop3A_608 = arith.index_cast %parallel_loop3A_196 : i32 to index
        %parallel_loop3A_609 = arith.constant 816 : index
        %parallel_loop3A_610 = tpu.vector_load %arg9[%parallel_loop3A_608, %parallel_loop3A_609] {strides = array<i32>} : memref<32x1000xf32, #tpu.memory_space<vmem>>, vector<16xf32>,
        %parallel_loop3A_611 = arith.addf %parallel_loop3A_610, %parallel_loop3A_199 : vector<16xf32>
        %parallel_loop3A_612 = arith.constant 0.000000e+00 : f32
        %parallel_loop3A_613 = vector.broadcast %parallel_loop3A_612 : f32 to vector<16xf32>
        %parallel_loop3A_614 = arith.maximumf %parallel_loop3A_611, %parallel_loop3A_613 : vector<16xf32>
        %parallel_loop3A_615 = arith.addf %parallel_loop3A_583, %parallel_loop3A_614 : vector<16xf32>
        %parallel_loop3A_616 = arith.index_cast %parallel_loop3A_196 : i32 to index
        %parallel_loop3A_617 = arith.constant 832 : index
        %parallel_loop3A_618 = tpu.vector_load %arg9[%parallel_loop3A_616, %parallel_loop3A_617] {strides = array<i32>} : memref<32x1000xf32, #tpu.memory_space<vmem>>, vector<16xf32>,
        %parallel_loop3A_619 = arith.addf %parallel_loop3A_618, %parallel_loop3A_199 : vector<16xf32>
        %parallel_loop3A_620 = arith.constant 0.000000e+00 : f32
        %parallel_loop3A_621 = vector.broadcast %parallel_loop3A_620 : f32 to vector<16xf32>
        %parallel_loop3A_622 = arith.maximumf %parallel_loop3A_619, %parallel_loop3A_621 : vector<16xf32>
        %parallel_loop3A_623 = arith.addf %parallel_loop3A_591, %parallel_loop3A_622 : vector<16xf32>
        %parallel_loop3A_624 = arith.index_cast %parallel_loop3A_196 : i32 to index
        %parallel_loop3A_625 = arith.constant 848 : index
        %parallel_loop3A_626 = tpu.vector_load %arg9[%parallel_loop3A_624, %parallel_loop3A_625] {strides = array<i32>} : memref<32x1000xf32, #tpu.memory_space<vmem>>, vector<16xf32>,
        %parallel_loop3A_627 = arith.addf %parallel_loop3A_626, %parallel_loop3A_199 : vector<16xf32>
        %parallel_loop3A_628 = arith.constant 0.000000e+00 : f32
        %parallel_loop3A_629 = vector.broadcast %parallel_loop3A_628 : f32 to vector<16xf32>
        %parallel_loop3A_630 = arith.maximumf %parallel_loop3A_627, %parallel_loop3A_629 : vector<16xf32>
        %parallel_loop3A_631 = arith.addf %parallel_loop3A_599, %parallel_loop3A_630 : vector<16xf32>
        %parallel_loop3A_632 = arith.index_cast %parallel_loop3A_196 : i32 to index
        %parallel_loop3A_633 = arith.constant 864 : index
        %parallel_loop3A_634 = tpu.vector_load %arg9[%parallel_loop3A_632, %parallel_loop3A_633] {strides = array<i32>} : memref<32x1000xf32, #tpu.memory_space<vmem>>, vector<16xf32>,
        %parallel_loop3A_635 = arith.addf %parallel_loop3A_634, %parallel_loop3A_199 : vector<16xf32>
        %parallel_loop3A_636 = arith.constant 0.000000e+00 : f32
        %parallel_loop3A_637 = vector.broadcast %parallel_loop3A_636 : f32 to vector<16xf32>
        %parallel_loop3A_638 = arith.maximumf %parallel_loop3A_635, %parallel_loop3A_637 : vector<16xf32>
        %parallel_loop3A_639 = arith.addf %parallel_loop3A_607, %parallel_loop3A_638 : vector<16xf32>
        %parallel_loop3A_640 = arith.index_cast %parallel_loop3A_196 : i32 to index
        %parallel_loop3A_641 = arith.constant 880 : index
        %parallel_loop3A_642 = tpu.vector_load %arg9[%parallel_loop3A_640, %parallel_loop3A_641] {strides = array<i32>} : memref<32x1000xf32, #tpu.memory_space<vmem>>, vector<16xf32>,
        %parallel_loop3A_643 = arith.addf %parallel_loop3A_642, %parallel_loop3A_199 : vector<16xf32>
        %parallel_loop3A_644 = arith.constant 0.000000e+00 : f32
        %parallel_loop3A_645 = vector.broadcast %parallel_loop3A_644 : f32 to vector<16xf32>
        %parallel_loop3A_646 = arith.maximumf %parallel_loop3A_643, %parallel_loop3A_645 : vector<16xf32>
        %parallel_loop3A_647 = arith.addf %parallel_loop3A_615, %parallel_loop3A_646 : vector<16xf32>
        %parallel_loop3A_648 = arith.index_cast %parallel_loop3A_196 : i32 to index
        %parallel_loop3A_649 = arith.constant 896 : index
        %parallel_loop3A_650 = tpu.vector_load %arg9[%parallel_loop3A_648, %parallel_loop3A_649] {strides = array<i32>} : memref<32x1000xf32, #tpu.memory_space<vmem>>, vector<16xf32>,
        %parallel_loop3A_651 = arith.addf %parallel_loop3A_650, %parallel_loop3A_199 : vector<16xf32>
        %parallel_loop3A_652 = arith.constant 0.000000e+00 : f32
        %parallel_loop3A_653 = vector.broadcast %parallel_loop3A_652 : f32 to vector<16xf32>
        %parallel_loop3A_654 = arith.maximumf %parallel_loop3A_651, %parallel_loop3A_653 : vector<16xf32>
        %parallel_loop3A_655 = arith.addf %parallel_loop3A_623, %parallel_loop3A_654 : vector<16xf32>
        %parallel_loop3A_656 = arith.index_cast %parallel_loop3A_196 : i32 to index
        %parallel_loop3A_657 = arith.constant 912 : index
        %parallel_loop3A_658 = tpu.vector_load %arg9[%parallel_loop3A_656, %parallel_loop3A_657] {strides = array<i32>} : memref<32x1000xf32, #tpu.memory_space<vmem>>, vector<16xf32>,
        %parallel_loop3A_659 = arith.addf %parallel_loop3A_658, %parallel_loop3A_199 : vector<16xf32>
        %parallel_loop3A_660 = arith.constant 0.000000e+00 : f32
        %parallel_loop3A_661 = vector.broadcast %parallel_loop3A_660 : f32 to vector<16xf32>
        %parallel_loop3A_662 = arith.maximumf %parallel_loop3A_659, %parallel_loop3A_661 : vector<16xf32>
        %parallel_loop3A_663 = arith.addf %parallel_loop3A_631, %parallel_loop3A_662 : vector<16xf32>
        %parallel_loop3A_664 = arith.index_cast %parallel_loop3A_196 : i32 to index
        %parallel_loop3A_665 = arith.constant 928 : index
        %parallel_loop3A_666 = tpu.vector_load %arg9[%parallel_loop3A_664, %parallel_loop3A_665] {strides = array<i32>} : memref<32x1000xf32, #tpu.memory_space<vmem>>, vector<16xf32>,
        %parallel_loop3A_667 = arith.addf %parallel_loop3A_666, %parallel_loop3A_199 : vector<16xf32>
        %parallel_loop3A_668 = arith.constant 0.000000e+00 : f32
        %parallel_loop3A_669 = vector.broadcast %parallel_loop3A_668 : f32 to vector<16xf32>
        %parallel_loop3A_670 = arith.maximumf %parallel_loop3A_667, %parallel_loop3A_669 : vector<16xf32>
        %parallel_loop3A_671 = arith.addf %parallel_loop3A_639, %parallel_loop3A_670 : vector<16xf32>
        %parallel_loop3A_672 = arith.index_cast %parallel_loop3A_196 : i32 to index
        %parallel_loop3A_673 = arith.constant 944 : index
        %parallel_loop3A_674 = tpu.vector_load %arg9[%parallel_loop3A_672, %parallel_loop3A_673] {strides = array<i32>} : memref<32x1000xf32, #tpu.memory_space<vmem>>, vector<16xf32>,
        %parallel_loop3A_675 = arith.addf %parallel_loop3A_674, %parallel_loop3A_199 : vector<16xf32>
        %parallel_loop3A_676 = arith.constant 0.000000e+00 : f32
        %parallel_loop3A_677 = vector.broadcast %parallel_loop3A_676 : f32 to vector<16xf32>
        %parallel_loop3A_678 = arith.maximumf %parallel_loop3A_675, %parallel_loop3A_677 : vector<16xf32>
        %parallel_loop3A_679 = arith.addf %parallel_loop3A_647, %parallel_loop3A_678 : vector<16xf32>
        %parallel_loop3A_680 = arith.index_cast %parallel_loop3A_196 : i32 to index
        %parallel_loop3A_681 = arith.constant 960 : index
        %parallel_loop3A_682 = tpu.vector_load %arg9[%parallel_loop3A_680, %parallel_loop3A_681] {strides = array<i32>} : memref<32x1000xf32, #tpu.memory_space<vmem>>, vector<16xf32>,
        %parallel_loop3A_683 = arith.addf %parallel_loop3A_682, %parallel_loop3A_199 : vector<16xf32>
        %parallel_loop3A_684 = arith.constant 0.000000e+00 : f32
        %parallel_loop3A_685 = vector.broadcast %parallel_loop3A_684 : f32 to vector<16xf32>
        %parallel_loop3A_686 = arith.maximumf %parallel_loop3A_683, %parallel_loop3A_685 : vector<16xf32>
        %parallel_loop3A_687 = arith.addf %parallel_loop3A_655, %parallel_loop3A_686 : vector<16xf32>
        %parallel_loop3A_688 = arith.index_cast %parallel_loop3A_196 : i32 to index
        %parallel_loop3A_689 = arith.constant 976 : index
        %parallel_loop3A_690 = tpu.vector_load %arg9[%parallel_loop3A_688, %parallel_loop3A_689] {strides = array<i32>} : memref<32x1000xf32, #tpu.memory_space<vmem>>, vector<16xf32>,
        %parallel_loop3A_691 = arith.addf %parallel_loop3A_690, %parallel_loop3A_199 : vector<16xf32>
        %parallel_loop3A_692 = arith.constant 0.000000e+00 : f32
        %parallel_loop3A_693 = vector.broadcast %parallel_loop3A_692 : f32 to vector<16xf32>
        %parallel_loop3A_694 = arith.maximumf %parallel_loop3A_691, %parallel_loop3A_693 : vector<16xf32>
        %parallel_loop3A_695 = arith.addf %parallel_loop3A_663, %parallel_loop3A_694 : vector<16xf32>
        %parallel_loop3A_696 = arith.addf %parallel_loop3A_687, %parallel_loop3A_695 : vector<16xf32>
        %parallel_loop3A_697 = arith.addf %parallel_loop3A_671, %parallel_loop3A_679 : vector<16xf32>
        %parallel_loop3A_698 = arith.addf %parallel_loop3A_696, %parallel_loop3A_697 : vector<16xf32>
        %parallel_loop3A_699 = arith.index_cast %parallel_loop3A_196 : i32 to index
        %parallel_loop3A_700 = arith.constant 984 : index
        %parallel_loop3A_701 = tpu.vector_load %arg9[%parallel_loop3A_699, %parallel_loop3A_700] {strides = array<i32>} : memref<32x1000xf32, #tpu.memory_space<vmem>>, vector<16xf32>,
        %parallel_loop3A_702 = arith.addf %parallel_loop3A_701, %parallel_loop3A_199 : vector<16xf32>
        %parallel_loop3A_703 = arith.constant 0.000000e+00 : f32
        %parallel_loop3A_704 = vector.broadcast %parallel_loop3A_703 : f32 to vector<16xf32>
        %parallel_loop3A_705 = arith.maximumf %parallel_loop3A_702, %parallel_loop3A_704 : vector<16xf32>
        %parallel_loop3A_706 = arith.constant 0.000000e+00 : f32
        %parallel_loop3A_707 = vector.broadcast %parallel_loop3A_706 : f32 to vector<16xf32>
        %parallel_loop3A_708 = arith.select %ge3A_7, %parallel_loop3A_705, %parallel_loop3A_707 : vector<16xi1>, vector<16xf32>
        %parallel_loop3A_709 = arith.addf %parallel_loop3A_698, %parallel_loop3A_708 : vector<16xf32>
        %parallel_loop3A_710 = arith.constant true
        %parallel_loop3A_711 = vector.broadcast %parallel_loop3A_710 : i1 to vector<16xi1>
        %parallel_loop3A_712 = tpu.scan <sum>, %parallel_loop3A_709 masked %parallel_loop3A_711 : vector<16xf32>, vector<16xi1> -> vector<16xf32>
        %parallel_loop3A_713 = arith.constant 1.000000e+00 : f32
        %parallel_loop3A_714 = vector.broadcast %parallel_loop3A_713 : f32 to vector<16xf32>
        %parallel_loop3A_715 = arith.subf %parallel_loop3A_712, %parallel_loop3A_714 : vector<16xf32>
        %parallel_loop3A_716 = arith.constant 1.000000e-03 : f32
        %parallel_loop3A_717 = vector.broadcast %parallel_loop3A_716 : f32 to vector<16xf32>
        %parallel_loop3A_718 = arith.mulf %parallel_loop3A_715, %parallel_loop3A_717 : vector<16xf32>
        %parallel_loop3A_719 = arith.constant 32 : i32
        %parallel_loop3A_720 = arith.muli %add3A_149, %parallel_loop3A_719 : i32
        %parallel_loop3A_721 = vector.broadcast %parallel_loop3A_720 : i32 to vector<16xi32>
        %parallel_loop3A_722 = arith.addi %parallel_loop3A_198, %parallel_loop3A_721 : vector<16xi32>
        tpu.vector_store_idx %arg6[%parallel_loop3A_722], %parallel_loop3A_718 masked %eq3A_5 : memref<512xf32, #tpu.memory_space<vmem>>[vector<16xi32>], vector<16xf32>, vector<16xi1>
        scf.yield %parallel_loop3A_197 : i32
      } {sc.loop_unroll_factor = 4 : i64, sc.parallel_access}
      %add3A_185 = arith.constant 1 : i32
      %add3A_186 = arith.addi %add3A_87, %add3A_185 : i32
      %add3A_187 = arith.constant 2 : i32
      %add3A_188 = arith.addi %add3A_186, %add3A_187 : i32
      %mul3A_189 = arith.constant 32 : i32
      %mul3A_190 = arith.muli %add3A_188, %mul3A_189 : i32
      %add3A_191 = arith.addi %mul3A_2, %mul3A_190 : i32
      %dma_start3A_192 = arith.constant 0 : i32
      %dma_start3A_193 = tpu.memref_slice %arg2[%add3A_191, %dma_start3A_192] : memref<16384x1000xf32, #tpu.memory_space<hbm>> -> memref<32x1000xf32, #tpu.memory_space<hbm>>
      %dma_start3A_194 = arith.constant 0 : i32
      %dma_start3A_195 = tpu.memref_slice %arg2[%add3A_191, %dma_start3A_194] : memref<16384x1000xf32, #tpu.memory_space<hbm>> -> memref<32x1000xf32, #tpu.memory_space<hbm>>
      tpu.enqueue_dma source(%dma_start3A_195 : memref<32x1000xf32, #tpu.memory_space<hbm>>) target(%arg9 : memref<32x1000xf32, #tpu.memory_space<vmem>>) target_semaphore(%arg11 : memref<!tpu.dma_semaphore, #tpu.memory_space<semaphore_mem>>)
    }
    %scan3A_22 = arith.constant 7 : i32
    %dma_wait3A = arith.constant 0 : i32
    %dma_wait3A_23 = arith.constant 0 : i32
    %dma_wait3A_24 = tpu.memref_slice %arg2[%dma_wait3A, %dma_wait3A_23] : memref<16384x1000xf32, #tpu.memory_space<hbm>> -> memref<32x1000xf32, #tpu.memory_space<hbm>>
    %dma_wait3A_25 = arith.constant 0 : i32
    %dma_wait3A_26 = arith.constant 0 : i32
    %dma_wait3A_27 = tpu.memref_slice %arg2[%dma_wait3A_25, %dma_wait3A_26] : memref<16384x1000xf32, #tpu.memory_space<hbm>> -> memref<32x1000xf32, #tpu.memory_space<hbm>>
    tpu.wait_dma2 semaphore(%arg10 : memref<!tpu.dma_semaphore, #tpu.memory_space<semaphore_mem>>) src(%dma_wait3A_27 : memref<32x1000xf32, #tpu.memory_space<hbm>>) dst(%arg8 : memref<32x1000xf32, #tpu.memory_space<vmem>>)
    %get3A = arith.constant 448 : index
    %get3A_28 = tpu.vector_load %arg5[%get3A] {strides = array<i32>} : memref<512xi32, #tpu.memory_space<vmem>>, vector<16xi32>,
    %add3A_29 = arith.constant 0 : i32
    %add3A_30 = vector.broadcast %add3A_29 : i32 to vector<16xi32>
    %add3A_31 = arith.addi %iota3A, %add3A_30 : vector<16xi32>
    %gather3A = tpu.vector_load_idx %arg8[%add3A_31, %get3A_28] : memref<32x1000xf32, #tpu.memory_space<vmem>>[vector<16xi32>, vector<16xi32>], vector<16xf32>,
    %sub3A = arith.constant 1.000000e+00 : f32
    %sub3A_32 = vector.broadcast %sub3A : f32 to vector<16xf32>
    %sub3A_33 = arith.subf %sub3A_32, %gather3A : vector<16xf32>
    %swap3A = arith.constant 0 : index
    %swap3A_34 = tpu.vector_load %arg7[%swap3A] {strides = array<i32>} : memref<32xf32, #tpu.memory_space<vmem>>, vector<16xf32>,
    tpu.vector_store %arg7[%swap3A], %sub3A_33 {strides = array<i32>} : memref<32xf32, #tpu.memory_space<vmem>>, vector<16xf32>,
    %get3A_35 = arith.constant 464 : index
    %get3A_36 = tpu.vector_load %arg5[%get3A_35] {strides = array<i32>} : memref<512xi32, #tpu.memory_space<vmem>>, vector<16xi32>,
    %add3A_37 = arith.constant 16 : i32
    %add3A_38 = vector.broadcast %add3A_37 : i32 to vector<16xi32>
    %add3A_39 = arith.addi %iota3A, %add3A_38 : vector<16xi32>
    %gather3A_40 = tpu.vector_load_idx %arg8[%add3A_39, %get3A_36] : memref<32x1000xf32, #tpu.memory_space<vmem>>[vector<16xi32>, vector<16xi32>], vector<16xf32>,
    %sub3A_41 = arith.constant 1.000000e+00 : f32
    %sub3A_42 = vector.broadcast %sub3A_41 : f32 to vector<16xf32>
    %sub3A_43 = arith.subf %sub3A_42, %gather3A_40 : vector<16xf32>
    %swap3A_44 = arith.constant 16 : index
    %swap3A_45 = tpu.vector_load %arg7[%swap3A_44] {strides = array<i32>} : memref<32xf32, #tpu.memory_space<vmem>>, vector<16xf32>,
    tpu.vector_store %arg7[%swap3A_44], %sub3A_43 {strides = array<i32>} : memref<32xf32, #tpu.memory_space<vmem>>, vector<16xf32>,
    %parallel_loop3A = arith.constant 0 : i32
    %parallel_loop3A_46 = arith.constant 32 : i32
    %parallel_loop3A_47 = arith.constant 1 : i32
    %parallel_loop3A_48 = arith.constant 0 : i32
    %parallel_loop3A_49 = scf.for %parallel_loop3A_83 = %parallel_loop3A to %parallel_loop3A_46 step %parallel_loop3A_47 iter_args(%parallel_loop3A_84 = %parallel_loop3A_48) -> (i32)  : i32 {
      %parallel_loop3A_85 = vector.broadcast %parallel_loop3A_83 : i32 to vector<16xi32>
      %parallel_loop3A_86 = tpu.vector_load_idx %arg7[%parallel_loop3A_85] : memref<32xf32, #tpu.memory_space<vmem>>[vector<16xi32>], vector<16xf32>,
      %parallel_loop3A_87 = arith.index_cast %parallel_loop3A_83 : i32 to index
      %parallel_loop3A_88 = arith.constant 0 : index
      %parallel_loop3A_89 = tpu.vector_load %arg8[%parallel_loop3A_87, %parallel_loop3A_88] {strides = array<i32>} : memref<32x1000xf32, #tpu.memory_space<vmem>>, vector<16xf32>,
      %parallel_loop3A_90 = arith.addf %parallel_loop3A_89, %parallel_loop3A_86 : vector<16xf32>
      %parallel_loop3A_91 = arith.constant 0.000000e+00 : f32
      %parallel_loop3A_92 = vector.broadcast %parallel_loop3A_91 : f32 to vector<16xf32>
      %parallel_loop3A_93 = arith.maximumf %parallel_loop3A_90, %parallel_loop3A_92 : vector<16xf32>
      %parallel_loop3A_94 = arith.addf %broadcast_in_dim3A_3, %parallel_loop3A_93 : vector<16xf32>
      %parallel_loop3A_95 = arith.index_cast %parallel_loop3A_83 : i32 to index
      %parallel_loop3A_96 = arith.constant 16 : index
      %parallel_loop3A_97 = tpu.vector_load %arg8[%parallel_loop3A_95, %parallel_loop3A_96] {strides = array<i32>} : memref<32x1000xf32, #tpu.memory_space<vmem>>, vector<16xf32>,
      %parallel_loop3A_98 = arith.addf %parallel_loop3A_97, %parallel_loop3A_86 : vector<16xf32>
      %parallel_loop3A_99 = arith.constant 0.000000e+00 : f32
      %parallel_loop3A_100 = vector.broadcast %parallel_loop3A_99 : f32 to vector<16xf32>
      %parallel_loop3A_101 = arith.maximumf %parallel_loop3A_98, %parallel_loop3A_100 : vector<16xf32>
      %parallel_loop3A_102 = arith.addf %broadcast_in_dim3A_3, %parallel_loop3A_101 : vector<16xf32>
      %parallel_loop3A_103 = arith.index_cast %parallel_loop3A_83 : i32 to index
      %parallel_loop3A_104 = arith.constant 32 : index
      %parallel_loop3A_105 = tpu.vector_load %arg8[%parallel_loop3A_103, %parallel_loop3A_104] {strides = array<i32>} : memref<32x1000xf32, #tpu.memory_space<vmem>>, vector<16xf32>,
      %parallel_loop3A_106 = arith.addf %parallel_loop3A_105, %parallel_loop3A_86 : vector<16xf32>
      %parallel_loop3A_107 = arith.constant 0.000000e+00 : f32
      %parallel_loop3A_108 = vector.broadcast %parallel_loop3A_107 : f32 to vector<16xf32>
      %parallel_loop3A_109 = arith.maximumf %parallel_loop3A_106, %parallel_loop3A_108 : vector<16xf32>
      %parallel_loop3A_110 = arith.addf %broadcast_in_dim3A_3, %parallel_loop3A_109 : vector<16xf32>
      %parallel_loop3A_111 = arith.index_cast %parallel_loop3A_83 : i32 to index
      %parallel_loop3A_112 = arith.constant 48 : index
      %parallel_loop3A_113 = tpu.vector_load %arg8[%parallel_loop3A_111, %parallel_loop3A_112] {strides = array<i32>} : memref<32x1000xf32, #tpu.memory_space<vmem>>, vector<16xf32>,
      %parallel_loop3A_114 = arith.addf %parallel_loop3A_113, %parallel_loop3A_86 : vector<16xf32>
      %parallel_loop3A_115 = arith.constant 0.000000e+00 : f32
      %parallel_loop3A_116 = vector.broadcast %parallel_loop3A_115 : f32 to vector<16xf32>
      %parallel_loop3A_117 = arith.maximumf %parallel_loop3A_114, %parallel_loop3A_116 : vector<16xf32>
      %parallel_loop3A_118 = arith.addf %broadcast_in_dim3A_3, %parallel_loop3A_117 : vector<16xf32>
      %parallel_loop3A_119 = arith.index_cast %parallel_loop3A_83 : i32 to index
      %parallel_loop3A_120 = arith.constant 64 : index
      %parallel_loop3A_121 = tpu.vector_load %arg8[%parallel_loop3A_119, %parallel_loop3A_120] {strides = array<i32>} : memref<32x1000xf32, #tpu.memory_space<vmem>>, vector<16xf32>,
      %parallel_loop3A_122 = arith.addf %parallel_loop3A_121, %parallel_loop3A_86 : vector<16xf32>
      %parallel_loop3A_123 = arith.constant 0.000000e+00 : f32
      %parallel_loop3A_124 = vector.broadcast %parallel_loop3A_123 : f32 to vector<16xf32>
      %parallel_loop3A_125 = arith.maximumf %parallel_loop3A_122, %parallel_loop3A_124 : vector<16xf32>
      %parallel_loop3A_126 = arith.addf %parallel_loop3A_94, %parallel_loop3A_125 : vector<16xf32>
      %parallel_loop3A_127 = arith.index_cast %parallel_loop3A_83 : i32 to index
      %parallel_loop3A_128 = arith.constant 80 : index
      %parallel_loop3A_129 = tpu.vector_load %arg8[%parallel_loop3A_127, %parallel_loop3A_128] {strides = array<i32>} : memref<32x1000xf32, #tpu.memory_space<vmem>>, vector<16xf32>,
      %parallel_loop3A_130 = arith.addf %parallel_loop3A_129, %parallel_loop3A_86 : vector<16xf32>
      %parallel_loop3A_131 = arith.constant 0.000000e+00 : f32
      %parallel_loop3A_132 = vector.broadcast %parallel_loop3A_131 : f32 to vector<16xf32>
      %parallel_loop3A_133 = arith.maximumf %parallel_loop3A_130, %parallel_loop3A_132 : vector<16xf32>
      %parallel_loop3A_134 = arith.addf %parallel_loop3A_102, %parallel_loop3A_133 : vector<16xf32>
      %parallel_loop3A_135 = arith.index_cast %parallel_loop3A_83 : i32 to index
      %parallel_loop3A_136 = arith.constant 96 : index
      %parallel_loop3A_137 = tpu.vector_load %arg8[%parallel_loop3A_135, %parallel_loop3A_136] {strides = array<i32>} : memref<32x1000xf32, #tpu.memory_space<vmem>>, vector<16xf32>,
      %parallel_loop3A_138 = arith.addf %parallel_loop3A_137, %parallel_loop3A_86 : vector<16xf32>
      %parallel_loop3A_139 = arith.constant 0.000000e+00 : f32
      %parallel_loop3A_140 = vector.broadcast %parallel_loop3A_139 : f32 to vector<16xf32>
      %parallel_loop3A_141 = arith.maximumf %parallel_loop3A_138, %parallel_loop3A_140 : vector<16xf32>
      %parallel_loop3A_142 = arith.addf %parallel_loop3A_110, %parallel_loop3A_141 : vector<16xf32>
      %parallel_loop3A_143 = arith.index_cast %parallel_loop3A_83 : i32 to index
      %parallel_loop3A_144 = arith.constant 112 : index
      %parallel_loop3A_145 = tpu.vector_load %arg8[%parallel_loop3A_143, %parallel_loop3A_144] {strides = array<i32>} : memref<32x1000xf32, #tpu.memory_space<vmem>>, vector<16xf32>,
      %parallel_loop3A_146 = arith.addf %parallel_loop3A_145, %parallel_loop3A_86 : vector<16xf32>
      %parallel_loop3A_147 = arith.constant 0.000000e+00 : f32
      %parallel_loop3A_148 = vector.broadcast %parallel_loop3A_147 : f32 to vector<16xf32>
      %parallel_loop3A_149 = arith.maximumf %parallel_loop3A_146, %parallel_loop3A_148 : vector<16xf32>
      %parallel_loop3A_150 = arith.addf %parallel_loop3A_118, %parallel_loop3A_149 : vector<16xf32>
      %parallel_loop3A_151 = arith.index_cast %parallel_loop3A_83 : i32 to index
      %parallel_loop3A_152 = arith.constant 128 : index
      %parallel_loop3A_153 = tpu.vector_load %arg8[%parallel_loop3A_151, %parallel_loop3A_152] {strides = array<i32>} : memref<32x1000xf32, #tpu.memory_space<vmem>>, vector<16xf32>,
      %parallel_loop3A_154 = arith.addf %parallel_loop3A_153, %parallel_loop3A_86 : vector<16xf32>
      %parallel_loop3A_155 = arith.constant 0.000000e+00 : f32
      %parallel_loop3A_156 = vector.broadcast %parallel_loop3A_155 : f32 to vector<16xf32>
      %parallel_loop3A_157 = arith.maximumf %parallel_loop3A_154, %parallel_loop3A_156 : vector<16xf32>
      %parallel_loop3A_158 = arith.addf %parallel_loop3A_126, %parallel_loop3A_157 : vector<16xf32>
      %parallel_loop3A_159 = arith.index_cast %parallel_loop3A_83 : i32 to index
      %parallel_loop3A_160 = arith.constant 144 : index
      %parallel_loop3A_161 = tpu.vector_load %arg8[%parallel_loop3A_159, %parallel_loop3A_160] {strides = array<i32>} : memref<32x1000xf32, #tpu.memory_space<vmem>>, vector<16xf32>,
      %parallel_loop3A_162 = arith.addf %parallel_loop3A_161, %parallel_loop3A_86 : vector<16xf32>
      %parallel_loop3A_163 = arith.constant 0.000000e+00 : f32
      %parallel_loop3A_164 = vector.broadcast %parallel_loop3A_163 : f32 to vector<16xf32>
      %parallel_loop3A_165 = arith.maximumf %parallel_loop3A_162, %parallel_loop3A_164 : vector<16xf32>
      %parallel_loop3A_166 = arith.addf %parallel_loop3A_134, %parallel_loop3A_165 : vector<16xf32>
      %parallel_loop3A_167 = arith.index_cast %parallel_loop3A_83 : i32 to index
      %parallel_loop3A_168 = arith.constant 160 : index
      %parallel_loop3A_169 = tpu.vector_load %arg8[%parallel_loop3A_167, %parallel_loop3A_168] {strides = array<i32>} : memref<32x1000xf32, #tpu.memory_space<vmem>>, vector<16xf32>,
      %parallel_loop3A_170 = arith.addf %parallel_loop3A_169, %parallel_loop3A_86 : vector<16xf32>
      %parallel_loop3A_171 = arith.constant 0.000000e+00 : f32
      %parallel_loop3A_172 = vector.broadcast %parallel_loop3A_171 : f32 to vector<16xf32>
      %parallel_loop3A_173 = arith.maximumf %parallel_loop3A_170, %parallel_loop3A_172 : vector<16xf32>
      %parallel_loop3A_174 = arith.addf %parallel_loop3A_142, %parallel_loop3A_173 : vector<16xf32>
      %parallel_loop3A_175 = arith.index_cast %parallel_loop3A_83 : i32 to index
      %parallel_loop3A_176 = arith.constant 176 : index
      %parallel_loop3A_177 = tpu.vector_load %arg8[%parallel_loop3A_175, %parallel_loop3A_176] {strides = array<i32>} : memref<32x1000xf32, #tpu.memory_space<vmem>>, vector<16xf32>,
      %parallel_loop3A_178 = arith.addf %parallel_loop3A_177, %parallel_loop3A_86 : vector<16xf32>
      %parallel_loop3A_179 = arith.constant 0.000000e+00 : f32
      %parallel_loop3A_180 = vector.broadcast %parallel_loop3A_179 : f32 to vector<16xf32>
      %parallel_loop3A_181 = arith.maximumf %parallel_loop3A_178, %parallel_loop3A_180 : vector<16xf32>
      %parallel_loop3A_182 = arith.addf %parallel_loop3A_150, %parallel_loop3A_181 : vector<16xf32>
      %parallel_loop3A_183 = arith.index_cast %parallel_loop3A_83 : i32 to index
      %parallel_loop3A_184 = arith.constant 192 : index
      %parallel_loop3A_185 = tpu.vector_load %arg8[%parallel_loop3A_183, %parallel_loop3A_184] {strides = array<i32>} : memref<32x1000xf32, #tpu.memory_space<vmem>>, vector<16xf32>,
      %parallel_loop3A_186 = arith.addf %parallel_loop3A_185, %parallel_loop3A_86 : vector<16xf32>
      %parallel_loop3A_187 = arith.constant 0.000000e+00 : f32
      %parallel_loop3A_188 = vector.broadcast %parallel_loop3A_187 : f32 to vector<16xf32>
      %parallel_loop3A_189 = arith.maximumf %parallel_loop3A_186, %parallel_loop3A_188 : vector<16xf32>
      %parallel_loop3A_190 = arith.addf %parallel_loop3A_158, %parallel_loop3A_189 : vector<16xf32>
      %parallel_loop3A_191 = arith.index_cast %parallel_loop3A_83 : i32 to index
      %parallel_loop3A_192 = arith.constant 208 : index
      %parallel_loop3A_193 = tpu.vector_load %arg8[%parallel_loop3A_191, %parallel_loop3A_192] {strides = array<i32>} : memref<32x1000xf32, #tpu.memory_space<vmem>>, vector<16xf32>,
      %parallel_loop3A_194 = arith.addf %parallel_loop3A_193, %parallel_loop3A_86 : vector<16xf32>
      %parallel_loop3A_195 = arith.constant 0.000000e+00 : f32
      %parallel_loop3A_196 = vector.broadcast %parallel_loop3A_195 : f32 to vector<16xf32>
      %parallel_loop3A_197 = arith.maximumf %parallel_loop3A_194, %parallel_loop3A_196 : vector<16xf32>
      %parallel_loop3A_198 = arith.addf %parallel_loop3A_166, %parallel_loop3A_197 : vector<16xf32>
      %parallel_loop3A_199 = arith.index_cast %parallel_loop3A_83 : i32 to index
      %parallel_loop3A_200 = arith.constant 224 : index
      %parallel_loop3A_201 = tpu.vector_load %arg8[%parallel_loop3A_199, %parallel_loop3A_200] {strides = array<i32>} : memref<32x1000xf32, #tpu.memory_space<vmem>>, vector<16xf32>,
      %parallel_loop3A_202 = arith.addf %parallel_loop3A_201, %parallel_loop3A_86 : vector<16xf32>
      %parallel_loop3A_203 = arith.constant 0.000000e+00 : f32
      %parallel_loop3A_204 = vector.broadcast %parallel_loop3A_203 : f32 to vector<16xf32>
      %parallel_loop3A_205 = arith.maximumf %parallel_loop3A_202, %parallel_loop3A_204 : vector<16xf32>
      %parallel_loop3A_206 = arith.addf %parallel_loop3A_174, %parallel_loop3A_205 : vector<16xf32>
      %parallel_loop3A_207 = arith.index_cast %parallel_loop3A_83 : i32 to index
      %parallel_loop3A_208 = arith.constant 240 : index
      %parallel_loop3A_209 = tpu.vector_load %arg8[%parallel_loop3A_207, %parallel_loop3A_208] {strides = array<i32>} : memref<32x1000xf32, #tpu.memory_space<vmem>>, vector<16xf32>,
      %parallel_loop3A_210 = arith.addf %parallel_loop3A_209, %parallel_loop3A_86 : vector<16xf32>
      %parallel_loop3A_211 = arith.constant 0.000000e+00 : f32
      %parallel_loop3A_212 = vector.broadcast %parallel_loop3A_211 : f32 to vector<16xf32>
      %parallel_loop3A_213 = arith.maximumf %parallel_loop3A_210, %parallel_loop3A_212 : vector<16xf32>
      %parallel_loop3A_214 = arith.addf %parallel_loop3A_182, %parallel_loop3A_213 : vector<16xf32>
      %parallel_loop3A_215 = arith.index_cast %parallel_loop3A_83 : i32 to index
      %parallel_loop3A_216 = arith.constant 256 : index
      %parallel_loop3A_217 = tpu.vector_load %arg8[%parallel_loop3A_215, %parallel_loop3A_216] {strides = array<i32>} : memref<32x1000xf32, #tpu.memory_space<vmem>>, vector<16xf32>,
      %parallel_loop3A_218 = arith.addf %parallel_loop3A_217, %parallel_loop3A_86 : vector<16xf32>
      %parallel_loop3A_219 = arith.constant 0.000000e+00 : f32
      %parallel_loop3A_220 = vector.broadcast %parallel_loop3A_219 : f32 to vector<16xf32>
      %parallel_loop3A_221 = arith.maximumf %parallel_loop3A_218, %parallel_loop3A_220 : vector<16xf32>
      %parallel_loop3A_222 = arith.addf %parallel_loop3A_190, %parallel_loop3A_221 : vector<16xf32>
      %parallel_loop3A_223 = arith.index_cast %parallel_loop3A_83 : i32 to index
      %parallel_loop3A_224 = arith.constant 272 : index
      %parallel_loop3A_225 = tpu.vector_load %arg8[%parallel_loop3A_223, %parallel_loop3A_224] {strides = array<i32>} : memref<32x1000xf32, #tpu.memory_space<vmem>>, vector<16xf32>,
      %parallel_loop3A_226 = arith.addf %parallel_loop3A_225, %parallel_loop3A_86 : vector<16xf32>
      %parallel_loop3A_227 = arith.constant 0.000000e+00 : f32
      %parallel_loop3A_228 = vector.broadcast %parallel_loop3A_227 : f32 to vector<16xf32>
      %parallel_loop3A_229 = arith.maximumf %parallel_loop3A_226, %parallel_loop3A_228 : vector<16xf32>
      %parallel_loop3A_230 = arith.addf %parallel_loop3A_198, %parallel_loop3A_229 : vector<16xf32>
      %parallel_loop3A_231 = arith.index_cast %parallel_loop3A_83 : i32 to index
      %parallel_loop3A_232 = arith.constant 288 : index
      %parallel_loop3A_233 = tpu.vector_load %arg8[%parallel_loop3A_231, %parallel_loop3A_232] {strides = array<i32>} : memref<32x1000xf32, #tpu.memory_space<vmem>>, vector<16xf32>,
      %parallel_loop3A_234 = arith.addf %parallel_loop3A_233, %parallel_loop3A_86 : vector<16xf32>
      %parallel_loop3A_235 = arith.constant 0.000000e+00 : f32
      %parallel_loop3A_236 = vector.broadcast %parallel_loop3A_235 : f32 to vector<16xf32>
      %parallel_loop3A_237 = arith.maximumf %parallel_loop3A_234, %parallel_loop3A_236 : vector<16xf32>
      %parallel_loop3A_238 = arith.addf %parallel_loop3A_206, %parallel_loop3A_237 : vector<16xf32>
      %parallel_loop3A_239 = arith.index_cast %parallel_loop3A_83 : i32 to index
      %parallel_loop3A_240 = arith.constant 304 : index
      %parallel_loop3A_241 = tpu.vector_load %arg8[%parallel_loop3A_239, %parallel_loop3A_240] {strides = array<i32>} : memref<32x1000xf32, #tpu.memory_space<vmem>>, vector<16xf32>,
      %parallel_loop3A_242 = arith.addf %parallel_loop3A_241, %parallel_loop3A_86 : vector<16xf32>
      %parallel_loop3A_243 = arith.constant 0.000000e+00 : f32
      %parallel_loop3A_244 = vector.broadcast %parallel_loop3A_243 : f32 to vector<16xf32>
      %parallel_loop3A_245 = arith.maximumf %parallel_loop3A_242, %parallel_loop3A_244 : vector<16xf32>
      %parallel_loop3A_246 = arith.addf %parallel_loop3A_214, %parallel_loop3A_245 : vector<16xf32>
      %parallel_loop3A_247 = arith.index_cast %parallel_loop3A_83 : i32 to index
      %parallel_loop3A_248 = arith.constant 320 : index
      %parallel_loop3A_249 = tpu.vector_load %arg8[%parallel_loop3A_247, %parallel_loop3A_248] {strides = array<i32>} : memref<32x1000xf32, #tpu.memory_space<vmem>>, vector<16xf32>,
      %parallel_loop3A_250 = arith.addf %parallel_loop3A_249, %parallel_loop3A_86 : vector<16xf32>
      %parallel_loop3A_251 = arith.constant 0.000000e+00 : f32
      %parallel_loop3A_252 = vector.broadcast %parallel_loop3A_251 : f32 to vector<16xf32>
      %parallel_loop3A_253 = arith.maximumf %parallel_loop3A_250, %parallel_loop3A_252 : vector<16xf32>
      %parallel_loop3A_254 = arith.addf %parallel_loop3A_222, %parallel_loop3A_253 : vector<16xf32>
      %parallel_loop3A_255 = arith.index_cast %parallel_loop3A_83 : i32 to index
      %parallel_loop3A_256 = arith.constant 336 : index
      %parallel_loop3A_257 = tpu.vector_load %arg8[%parallel_loop3A_255, %parallel_loop3A_256] {strides = array<i32>} : memref<32x1000xf32, #tpu.memory_space<vmem>>, vector<16xf32>,
      %parallel_loop3A_258 = arith.addf %parallel_loop3A_257, %parallel_loop3A_86 : vector<16xf32>
      %parallel_loop3A_259 = arith.constant 0.000000e+00 : f32
      %parallel_loop3A_260 = vector.broadcast %parallel_loop3A_259 : f32 to vector<16xf32>
      %parallel_loop3A_261 = arith.maximumf %parallel_loop3A_258, %parallel_loop3A_260 : vector<16xf32>
      %parallel_loop3A_262 = arith.addf %parallel_loop3A_230, %parallel_loop3A_261 : vector<16xf32>
      %parallel_loop3A_263 = arith.index_cast %parallel_loop3A_83 : i32 to index
      %parallel_loop3A_264 = arith.constant 352 : index
      %parallel_loop3A_265 = tpu.vector_load %arg8[%parallel_loop3A_263, %parallel_loop3A_264] {strides = array<i32>} : memref<32x1000xf32, #tpu.memory_space<vmem>>, vector<16xf32>,
      %parallel_loop3A_266 = arith.addf %parallel_loop3A_265, %parallel_loop3A_86 : vector<16xf32>
      %parallel_loop3A_267 = arith.constant 0.000000e+00 : f32
      %parallel_loop3A_268 = vector.broadcast %parallel_loop3A_267 : f32 to vector<16xf32>
      %parallel_loop3A_269 = arith.maximumf %parallel_loop3A_266, %parallel_loop3A_268 : vector<16xf32>
      %parallel_loop3A_270 = arith.addf %parallel_loop3A_238, %parallel_loop3A_269 : vector<16xf32>
      %parallel_loop3A_271 = arith.index_cast %parallel_loop3A_83 : i32 to index
      %parallel_loop3A_272 = arith.constant 368 : index
      %parallel_loop3A_273 = tpu.vector_load %arg8[%parallel_loop3A_271, %parallel_loop3A_272] {strides = array<i32>} : memref<32x1000xf32, #tpu.memory_space<vmem>>, vector<16xf32>,
      %parallel_loop3A_274 = arith.addf %parallel_loop3A_273, %parallel_loop3A_86 : vector<16xf32>
      %parallel_loop3A_275 = arith.constant 0.000000e+00 : f32
      %parallel_loop3A_276 = vector.broadcast %parallel_loop3A_275 : f32 to vector<16xf32>
      %parallel_loop3A_277 = arith.maximumf %parallel_loop3A_274, %parallel_loop3A_276 : vector<16xf32>
      %parallel_loop3A_278 = arith.addf %parallel_loop3A_246, %parallel_loop3A_277 : vector<16xf32>
      %parallel_loop3A_279 = arith.index_cast %parallel_loop3A_83 : i32 to index
      %parallel_loop3A_280 = arith.constant 384 : index
      %parallel_loop3A_281 = tpu.vector_load %arg8[%parallel_loop3A_279, %parallel_loop3A_280] {strides = array<i32>} : memref<32x1000xf32, #tpu.memory_space<vmem>>, vector<16xf32>,
      %parallel_loop3A_282 = arith.addf %parallel_loop3A_281, %parallel_loop3A_86 : vector<16xf32>
      %parallel_loop3A_283 = arith.constant 0.000000e+00 : f32
      %parallel_loop3A_284 = vector.broadcast %parallel_loop3A_283 : f32 to vector<16xf32>
      %parallel_loop3A_285 = arith.maximumf %parallel_loop3A_282, %parallel_loop3A_284 : vector<16xf32>
      %parallel_loop3A_286 = arith.addf %parallel_loop3A_254, %parallel_loop3A_285 : vector<16xf32>
      %parallel_loop3A_287 = arith.index_cast %parallel_loop3A_83 : i32 to index
      %parallel_loop3A_288 = arith.constant 400 : index
      %parallel_loop3A_289 = tpu.vector_load %arg8[%parallel_loop3A_287, %parallel_loop3A_288] {strides = array<i32>} : memref<32x1000xf32, #tpu.memory_space<vmem>>, vector<16xf32>,
      %parallel_loop3A_290 = arith.addf %parallel_loop3A_289, %parallel_loop3A_86 : vector<16xf32>
      %parallel_loop3A_291 = arith.constant 0.000000e+00 : f32
      %parallel_loop3A_292 = vector.broadcast %parallel_loop3A_291 : f32 to vector<16xf32>
      %parallel_loop3A_293 = arith.maximumf %parallel_loop3A_290, %parallel_loop3A_292 : vector<16xf32>
      %parallel_loop3A_294 = arith.addf %parallel_loop3A_262, %parallel_loop3A_293 : vector<16xf32>
      %parallel_loop3A_295 = arith.index_cast %parallel_loop3A_83 : i32 to index
      %parallel_loop3A_296 = arith.constant 416 : index
      %parallel_loop3A_297 = tpu.vector_load %arg8[%parallel_loop3A_295, %parallel_loop3A_296] {strides = array<i32>} : memref<32x1000xf32, #tpu.memory_space<vmem>>, vector<16xf32>,
      %parallel_loop3A_298 = arith.addf %parallel_loop3A_297, %parallel_loop3A_86 : vector<16xf32>
      %parallel_loop3A_299 = arith.constant 0.000000e+00 : f32
      %parallel_loop3A_300 = vector.broadcast %parallel_loop3A_299 : f32 to vector<16xf32>
      %parallel_loop3A_301 = arith.maximumf %parallel_loop3A_298, %parallel_loop3A_300 : vector<16xf32>
      %parallel_loop3A_302 = arith.addf %parallel_loop3A_270, %parallel_loop3A_301 : vector<16xf32>
      %parallel_loop3A_303 = arith.index_cast %parallel_loop3A_83 : i32 to index
      %parallel_loop3A_304 = arith.constant 432 : index
      %parallel_loop3A_305 = tpu.vector_load %arg8[%parallel_loop3A_303, %parallel_loop3A_304] {strides = array<i32>} : memref<32x1000xf32, #tpu.memory_space<vmem>>, vector<16xf32>,
      %parallel_loop3A_306 = arith.addf %parallel_loop3A_305, %parallel_loop3A_86 : vector<16xf32>
      %parallel_loop3A_307 = arith.constant 0.000000e+00 : f32
      %parallel_loop3A_308 = vector.broadcast %parallel_loop3A_307 : f32 to vector<16xf32>
      %parallel_loop3A_309 = arith.maximumf %parallel_loop3A_306, %parallel_loop3A_308 : vector<16xf32>
      %parallel_loop3A_310 = arith.addf %parallel_loop3A_278, %parallel_loop3A_309 : vector<16xf32>
      %parallel_loop3A_311 = arith.index_cast %parallel_loop3A_83 : i32 to index
      %parallel_loop3A_312 = arith.constant 448 : index
      %parallel_loop3A_313 = tpu.vector_load %arg8[%parallel_loop3A_311, %parallel_loop3A_312] {strides = array<i32>} : memref<32x1000xf32, #tpu.memory_space<vmem>>, vector<16xf32>,
      %parallel_loop3A_314 = arith.addf %parallel_loop3A_313, %parallel_loop3A_86 : vector<16xf32>
      %parallel_loop3A_315 = arith.constant 0.000000e+00 : f32
      %parallel_loop3A_316 = vector.broadcast %parallel_loop3A_315 : f32 to vector<16xf32>
      %parallel_loop3A_317 = arith.maximumf %parallel_loop3A_314, %parallel_loop3A_316 : vector<16xf32>
      %parallel_loop3A_318 = arith.addf %parallel_loop3A_286, %parallel_loop3A_317 : vector<16xf32>
      %parallel_loop3A_319 = arith.index_cast %parallel_loop3A_83 : i32 to index
      %parallel_loop3A_320 = arith.constant 464 : index
      %parallel_loop3A_321 = tpu.vector_load %arg8[%parallel_loop3A_319, %parallel_loop3A_320] {strides = array<i32>} : memref<32x1000xf32, #tpu.memory_space<vmem>>, vector<16xf32>,
      %parallel_loop3A_322 = arith.addf %parallel_loop3A_321, %parallel_loop3A_86 : vector<16xf32>
      %parallel_loop3A_323 = arith.constant 0.000000e+00 : f32
      %parallel_loop3A_324 = vector.broadcast %parallel_loop3A_323 : f32 to vector<16xf32>
      %parallel_loop3A_325 = arith.maximumf %parallel_loop3A_322, %parallel_loop3A_324 : vector<16xf32>
      %parallel_loop3A_326 = arith.addf %parallel_loop3A_294, %parallel_loop3A_325 : vector<16xf32>
      %parallel_loop3A_327 = arith.index_cast %parallel_loop3A_83 : i32 to index
      %parallel_loop3A_328 = arith.constant 480 : index
      %parallel_loop3A_329 = tpu.vector_load %arg8[%parallel_loop3A_327, %parallel_loop3A_328] {strides = array<i32>} : memref<32x1000xf32, #tpu.memory_space<vmem>>, vector<16xf32>,
      %parallel_loop3A_330 = arith.addf %parallel_loop3A_329, %parallel_loop3A_86 : vector<16xf32>
      %parallel_loop3A_331 = arith.constant 0.000000e+00 : f32
      %parallel_loop3A_332 = vector.broadcast %parallel_loop3A_331 : f32 to vector<16xf32>
      %parallel_loop3A_333 = arith.maximumf %parallel_loop3A_330, %parallel_loop3A_332 : vector<16xf32>
      %parallel_loop3A_334 = arith.addf %parallel_loop3A_302, %parallel_loop3A_333 : vector<16xf32>
      %parallel_loop3A_335 = arith.index_cast %parallel_loop3A_83 : i32 to index
      %parallel_loop3A_336 = arith.constant 496 : index
      %parallel_loop3A_337 = tpu.vector_load %arg8[%parallel_loop3A_335, %parallel_loop3A_336] {strides = array<i32>} : memref<32x1000xf32, #tpu.memory_space<vmem>>, vector<16xf32>,
      %parallel_loop3A_338 = arith.addf %parallel_loop3A_337, %parallel_loop3A_86 : vector<16xf32>
      %parallel_loop3A_339 = arith.constant 0.000000e+00 : f32
      %parallel_loop3A_340 = vector.broadcast %parallel_loop3A_339 : f32 to vector<16xf32>
      %parallel_loop3A_341 = arith.maximumf %parallel_loop3A_338, %parallel_loop3A_340 : vector<16xf32>
      %parallel_loop3A_342 = arith.addf %parallel_loop3A_310, %parallel_loop3A_341 : vector<16xf32>
      %parallel_loop3A_343 = arith.index_cast %parallel_loop3A_83 : i32 to index
      %parallel_loop3A_344 = arith.constant 512 : index
      %parallel_loop3A_345 = tpu.vector_load %arg8[%parallel_loop3A_343, %parallel_loop3A_344] {strides = array<i32>} : memref<32x1000xf32, #tpu.memory_space<vmem>>, vector<16xf32>,
      %parallel_loop3A_346 = arith.addf %parallel_loop3A_345, %parallel_loop3A_86 : vector<16xf32>
      %parallel_loop3A_347 = arith.constant 0.000000e+00 : f32
      %parallel_loop3A_348 = vector.broadcast %parallel_loop3A_347 : f32 to vector<16xf32>
      %parallel_loop3A_349 = arith.maximumf %parallel_loop3A_346, %parallel_loop3A_348 : vector<16xf32>
      %parallel_loop3A_350 = arith.addf %parallel_loop3A_318, %parallel_loop3A_349 : vector<16xf32>
      %parallel_loop3A_351 = arith.index_cast %parallel_loop3A_83 : i32 to index
      %parallel_loop3A_352 = arith.constant 528 : index
      %parallel_loop3A_353 = tpu.vector_load %arg8[%parallel_loop3A_351, %parallel_loop3A_352] {strides = array<i32>} : memref<32x1000xf32, #tpu.memory_space<vmem>>, vector<16xf32>,
      %parallel_loop3A_354 = arith.addf %parallel_loop3A_353, %parallel_loop3A_86 : vector<16xf32>
      %parallel_loop3A_355 = arith.constant 0.000000e+00 : f32
      %parallel_loop3A_356 = vector.broadcast %parallel_loop3A_355 : f32 to vector<16xf32>
      %parallel_loop3A_357 = arith.maximumf %parallel_loop3A_354, %parallel_loop3A_356 : vector<16xf32>
      %parallel_loop3A_358 = arith.addf %parallel_loop3A_326, %parallel_loop3A_357 : vector<16xf32>
      %parallel_loop3A_359 = arith.index_cast %parallel_loop3A_83 : i32 to index
      %parallel_loop3A_360 = arith.constant 544 : index
      %parallel_loop3A_361 = tpu.vector_load %arg8[%parallel_loop3A_359, %parallel_loop3A_360] {strides = array<i32>} : memref<32x1000xf32, #tpu.memory_space<vmem>>, vector<16xf32>,
      %parallel_loop3A_362 = arith.addf %parallel_loop3A_361, %parallel_loop3A_86 : vector<16xf32>
      %parallel_loop3A_363 = arith.constant 0.000000e+00 : f32
      %parallel_loop3A_364 = vector.broadcast %parallel_loop3A_363 : f32 to vector<16xf32>
      %parallel_loop3A_365 = arith.maximumf %parallel_loop3A_362, %parallel_loop3A_364 : vector<16xf32>
      %parallel_loop3A_366 = arith.addf %parallel_loop3A_334, %parallel_loop3A_365 : vector<16xf32>
      %parallel_loop3A_367 = arith.index_cast %parallel_loop3A_83 : i32 to index
      %parallel_loop3A_368 = arith.constant 560 : index
      %parallel_loop3A_369 = tpu.vector_load %arg8[%parallel_loop3A_367, %parallel_loop3A_368] {strides = array<i32>} : memref<32x1000xf32, #tpu.memory_space<vmem>>, vector<16xf32>,
      %parallel_loop3A_370 = arith.addf %parallel_loop3A_369, %parallel_loop3A_86 : vector<16xf32>
      %parallel_loop3A_371 = arith.constant 0.000000e+00 : f32
      %parallel_loop3A_372 = vector.broadcast %parallel_loop3A_371 : f32 to vector<16xf32>
      %parallel_loop3A_373 = arith.maximumf %parallel_loop3A_370, %parallel_loop3A_372 : vector<16xf32>
      %parallel_loop3A_374 = arith.addf %parallel_loop3A_342, %parallel_loop3A_373 : vector<16xf32>
      %parallel_loop3A_375 = arith.index_cast %parallel_loop3A_83 : i32 to index
      %parallel_loop3A_376 = arith.constant 576 : index
      %parallel_loop3A_377 = tpu.vector_load %arg8[%parallel_loop3A_375, %parallel_loop3A_376] {strides = array<i32>} : memref<32x1000xf32, #tpu.memory_space<vmem>>, vector<16xf32>,
      %parallel_loop3A_378 = arith.addf %parallel_loop3A_377, %parallel_loop3A_86 : vector<16xf32>
      %parallel_loop3A_379 = arith.constant 0.000000e+00 : f32
      %parallel_loop3A_380 = vector.broadcast %parallel_loop3A_379 : f32 to vector<16xf32>
      %parallel_loop3A_381 = arith.maximumf %parallel_loop3A_378, %parallel_loop3A_380 : vector<16xf32>
      %parallel_loop3A_382 = arith.addf %parallel_loop3A_350, %parallel_loop3A_381 : vector<16xf32>
      %parallel_loop3A_383 = arith.index_cast %parallel_loop3A_83 : i32 to index
      %parallel_loop3A_384 = arith.constant 592 : index
      %parallel_loop3A_385 = tpu.vector_load %arg8[%parallel_loop3A_383, %parallel_loop3A_384] {strides = array<i32>} : memref<32x1000xf32, #tpu.memory_space<vmem>>, vector<16xf32>,
      %parallel_loop3A_386 = arith.addf %parallel_loop3A_385, %parallel_loop3A_86 : vector<16xf32>
      %parallel_loop3A_387 = arith.constant 0.000000e+00 : f32
      %parallel_loop3A_388 = vector.broadcast %parallel_loop3A_387 : f32 to vector<16xf32>
      %parallel_loop3A_389 = arith.maximumf %parallel_loop3A_386, %parallel_loop3A_388 : vector<16xf32>
      %parallel_loop3A_390 = arith.addf %parallel_loop3A_358, %parallel_loop3A_389 : vector<16xf32>
      %parallel_loop3A_391 = arith.index_cast %parallel_loop3A_83 : i32 to index
      %parallel_loop3A_392 = arith.constant 608 : index
      %parallel_loop3A_393 = tpu.vector_load %arg8[%parallel_loop3A_391, %parallel_loop3A_392] {strides = array<i32>} : memref<32x1000xf32, #tpu.memory_space<vmem>>, vector<16xf32>,
      %parallel_loop3A_394 = arith.addf %parallel_loop3A_393, %parallel_loop3A_86 : vector<16xf32>
      %parallel_loop3A_395 = arith.constant 0.000000e+00 : f32
      %parallel_loop3A_396 = vector.broadcast %parallel_loop3A_395 : f32 to vector<16xf32>
      %parallel_loop3A_397 = arith.maximumf %parallel_loop3A_394, %parallel_loop3A_396 : vector<16xf32>
      %parallel_loop3A_398 = arith.addf %parallel_loop3A_366, %parallel_loop3A_397 : vector<16xf32>
      %parallel_loop3A_399 = arith.index_cast %parallel_loop3A_83 : i32 to index
      %parallel_loop3A_400 = arith.constant 624 : index
      %parallel_loop3A_401 = tpu.vector_load %arg8[%parallel_loop3A_399, %parallel_loop3A_400] {strides = array<i32>} : memref<32x1000xf32, #tpu.memory_space<vmem>>, vector<16xf32>,
      %parallel_loop3A_402 = arith.addf %parallel_loop3A_401, %parallel_loop3A_86 : vector<16xf32>
      %parallel_loop3A_403 = arith.constant 0.000000e+00 : f32
      %parallel_loop3A_404 = vector.broadcast %parallel_loop3A_403 : f32 to vector<16xf32>
      %parallel_loop3A_405 = arith.maximumf %parallel_loop3A_402, %parallel_loop3A_404 : vector<16xf32>
      %parallel_loop3A_406 = arith.addf %parallel_loop3A_374, %parallel_loop3A_405 : vector<16xf32>
      %parallel_loop3A_407 = arith.index_cast %parallel_loop3A_83 : i32 to index
      %parallel_loop3A_408 = arith.constant 640 : index
      %parallel_loop3A_409 = tpu.vector_load %arg8[%parallel_loop3A_407, %parallel_loop3A_408] {strides = array<i32>} : memref<32x1000xf32, #tpu.memory_space<vmem>>, vector<16xf32>,
      %parallel_loop3A_410 = arith.addf %parallel_loop3A_409, %parallel_loop3A_86 : vector<16xf32>
      %parallel_loop3A_411 = arith.constant 0.000000e+00 : f32
      %parallel_loop3A_412 = vector.broadcast %parallel_loop3A_411 : f32 to vector<16xf32>
      %parallel_loop3A_413 = arith.maximumf %parallel_loop3A_410, %parallel_loop3A_412 : vector<16xf32>
      %parallel_loop3A_414 = arith.addf %parallel_loop3A_382, %parallel_loop3A_413 : vector<16xf32>
      %parallel_loop3A_415 = arith.index_cast %parallel_loop3A_83 : i32 to index
      %parallel_loop3A_416 = arith.constant 656 : index
      %parallel_loop3A_417 = tpu.vector_load %arg8[%parallel_loop3A_415, %parallel_loop3A_416] {strides = array<i32>} : memref<32x1000xf32, #tpu.memory_space<vmem>>, vector<16xf32>,
      %parallel_loop3A_418 = arith.addf %parallel_loop3A_417, %parallel_loop3A_86 : vector<16xf32>
      %parallel_loop3A_419 = arith.constant 0.000000e+00 : f32
      %parallel_loop3A_420 = vector.broadcast %parallel_loop3A_419 : f32 to vector<16xf32>
      %parallel_loop3A_421 = arith.maximumf %parallel_loop3A_418, %parallel_loop3A_420 : vector<16xf32>
      %parallel_loop3A_422 = arith.addf %parallel_loop3A_390, %parallel_loop3A_421 : vector<16xf32>
      %parallel_loop3A_423 = arith.index_cast %parallel_loop3A_83 : i32 to index
      %parallel_loop3A_424 = arith.constant 672 : index
      %parallel_loop3A_425 = tpu.vector_load %arg8[%parallel_loop3A_423, %parallel_loop3A_424] {strides = array<i32>} : memref<32x1000xf32, #tpu.memory_space<vmem>>, vector<16xf32>,
      %parallel_loop3A_426 = arith.addf %parallel_loop3A_425, %parallel_loop3A_86 : vector<16xf32>
      %parallel_loop3A_427 = arith.constant 0.000000e+00 : f32
      %parallel_loop3A_428 = vector.broadcast %parallel_loop3A_427 : f32 to vector<16xf32>
      %parallel_loop3A_429 = arith.maximumf %parallel_loop3A_426, %parallel_loop3A_428 : vector<16xf32>
      %parallel_loop3A_430 = arith.addf %parallel_loop3A_398, %parallel_loop3A_429 : vector<16xf32>
      %parallel_loop3A_431 = arith.index_cast %parallel_loop3A_83 : i32 to index
      %parallel_loop3A_432 = arith.constant 688 : index
      %parallel_loop3A_433 = tpu.vector_load %arg8[%parallel_loop3A_431, %parallel_loop3A_432] {strides = array<i32>} : memref<32x1000xf32, #tpu.memory_space<vmem>>, vector<16xf32>,
      %parallel_loop3A_434 = arith.addf %parallel_loop3A_433, %parallel_loop3A_86 : vector<16xf32>
      %parallel_loop3A_435 = arith.constant 0.000000e+00 : f32
      %parallel_loop3A_436 = vector.broadcast %parallel_loop3A_435 : f32 to vector<16xf32>
      %parallel_loop3A_437 = arith.maximumf %parallel_loop3A_434, %parallel_loop3A_436 : vector<16xf32>
      %parallel_loop3A_438 = arith.addf %parallel_loop3A_406, %parallel_loop3A_437 : vector<16xf32>
      %parallel_loop3A_439 = arith.index_cast %parallel_loop3A_83 : i32 to index
      %parallel_loop3A_440 = arith.constant 704 : index
      %parallel_loop3A_441 = tpu.vector_load %arg8[%parallel_loop3A_439, %parallel_loop3A_440] {strides = array<i32>} : memref<32x1000xf32, #tpu.memory_space<vmem>>, vector<16xf32>,
      %parallel_loop3A_442 = arith.addf %parallel_loop3A_441, %parallel_loop3A_86 : vector<16xf32>
      %parallel_loop3A_443 = arith.constant 0.000000e+00 : f32
      %parallel_loop3A_444 = vector.broadcast %parallel_loop3A_443 : f32 to vector<16xf32>
      %parallel_loop3A_445 = arith.maximumf %parallel_loop3A_442, %parallel_loop3A_444 : vector<16xf32>
      %parallel_loop3A_446 = arith.addf %parallel_loop3A_414, %parallel_loop3A_445 : vector<16xf32>
      %parallel_loop3A_447 = arith.index_cast %parallel_loop3A_83 : i32 to index
      %parallel_loop3A_448 = arith.constant 720 : index
      %parallel_loop3A_449 = tpu.vector_load %arg8[%parallel_loop3A_447, %parallel_loop3A_448] {strides = array<i32>} : memref<32x1000xf32, #tpu.memory_space<vmem>>, vector<16xf32>,
      %parallel_loop3A_450 = arith.addf %parallel_loop3A_449, %parallel_loop3A_86 : vector<16xf32>
      %parallel_loop3A_451 = arith.constant 0.000000e+00 : f32
      %parallel_loop3A_452 = vector.broadcast %parallel_loop3A_451 : f32 to vector<16xf32>
      %parallel_loop3A_453 = arith.maximumf %parallel_loop3A_450, %parallel_loop3A_452 : vector<16xf32>
      %parallel_loop3A_454 = arith.addf %parallel_loop3A_422, %parallel_loop3A_453 : vector<16xf32>
      %parallel_loop3A_455 = arith.index_cast %parallel_loop3A_83 : i32 to index
      %parallel_loop3A_456 = arith.constant 736 : index
      %parallel_loop3A_457 = tpu.vector_load %arg8[%parallel_loop3A_455, %parallel_loop3A_456] {strides = array<i32>} : memref<32x1000xf32, #tpu.memory_space<vmem>>, vector<16xf32>,
      %parallel_loop3A_458 = arith.addf %parallel_loop3A_457, %parallel_loop3A_86 : vector<16xf32>
      %parallel_loop3A_459 = arith.constant 0.000000e+00 : f32
      %parallel_loop3A_460 = vector.broadcast %parallel_loop3A_459 : f32 to vector<16xf32>
      %parallel_loop3A_461 = arith.maximumf %parallel_loop3A_458, %parallel_loop3A_460 : vector<16xf32>
      %parallel_loop3A_462 = arith.addf %parallel_loop3A_430, %parallel_loop3A_461 : vector<16xf32>
      %parallel_loop3A_463 = arith.index_cast %parallel_loop3A_83 : i32 to index
      %parallel_loop3A_464 = arith.constant 752 : index
      %parallel_loop3A_465 = tpu.vector_load %arg8[%parallel_loop3A_463, %parallel_loop3A_464] {strides = array<i32>} : memref<32x1000xf32, #tpu.memory_space<vmem>>, vector<16xf32>,
      %parallel_loop3A_466 = arith.addf %parallel_loop3A_465, %parallel_loop3A_86 : vector<16xf32>
      %parallel_loop3A_467 = arith.constant 0.000000e+00 : f32
      %parallel_loop3A_468 = vector.broadcast %parallel_loop3A_467 : f32 to vector<16xf32>
      %parallel_loop3A_469 = arith.maximumf %parallel_loop3A_466, %parallel_loop3A_468 : vector<16xf32>
      %parallel_loop3A_470 = arith.addf %parallel_loop3A_438, %parallel_loop3A_469 : vector<16xf32>
      %parallel_loop3A_471 = arith.index_cast %parallel_loop3A_83 : i32 to index
      %parallel_loop3A_472 = arith.constant 768 : index
      %parallel_loop3A_473 = tpu.vector_load %arg8[%parallel_loop3A_471, %parallel_loop3A_472] {strides = array<i32>} : memref<32x1000xf32, #tpu.memory_space<vmem>>, vector<16xf32>,
      %parallel_loop3A_474 = arith.addf %parallel_loop3A_473, %parallel_loop3A_86 : vector<16xf32>
      %parallel_loop3A_475 = arith.constant 0.000000e+00 : f32
      %parallel_loop3A_476 = vector.broadcast %parallel_loop3A_475 : f32 to vector<16xf32>
      %parallel_loop3A_477 = arith.maximumf %parallel_loop3A_474, %parallel_loop3A_476 : vector<16xf32>
      %parallel_loop3A_478 = arith.addf %parallel_loop3A_446, %parallel_loop3A_477 : vector<16xf32>
      %parallel_loop3A_479 = arith.index_cast %parallel_loop3A_83 : i32 to index
      %parallel_loop3A_480 = arith.constant 784 : index
      %parallel_loop3A_481 = tpu.vector_load %arg8[%parallel_loop3A_479, %parallel_loop3A_480] {strides = array<i32>} : memref<32x1000xf32, #tpu.memory_space<vmem>>, vector<16xf32>,
      %parallel_loop3A_482 = arith.addf %parallel_loop3A_481, %parallel_loop3A_86 : vector<16xf32>
      %parallel_loop3A_483 = arith.constant 0.000000e+00 : f32
      %parallel_loop3A_484 = vector.broadcast %parallel_loop3A_483 : f32 to vector<16xf32>
      %parallel_loop3A_485 = arith.maximumf %parallel_loop3A_482, %parallel_loop3A_484 : vector<16xf32>
      %parallel_loop3A_486 = arith.addf %parallel_loop3A_454, %parallel_loop3A_485 : vector<16xf32>
      %parallel_loop3A_487 = arith.index_cast %parallel_loop3A_83 : i32 to index
      %parallel_loop3A_488 = arith.constant 800 : index
      %parallel_loop3A_489 = tpu.vector_load %arg8[%parallel_loop3A_487, %parallel_loop3A_488] {strides = array<i32>} : memref<32x1000xf32, #tpu.memory_space<vmem>>, vector<16xf32>,
      %parallel_loop3A_490 = arith.addf %parallel_loop3A_489, %parallel_loop3A_86 : vector<16xf32>
      %parallel_loop3A_491 = arith.constant 0.000000e+00 : f32
      %parallel_loop3A_492 = vector.broadcast %parallel_loop3A_491 : f32 to vector<16xf32>
      %parallel_loop3A_493 = arith.maximumf %parallel_loop3A_490, %parallel_loop3A_492 : vector<16xf32>
      %parallel_loop3A_494 = arith.addf %parallel_loop3A_462, %parallel_loop3A_493 : vector<16xf32>
      %parallel_loop3A_495 = arith.index_cast %parallel_loop3A_83 : i32 to index
      %parallel_loop3A_496 = arith.constant 816 : index
      %parallel_loop3A_497 = tpu.vector_load %arg8[%parallel_loop3A_495, %parallel_loop3A_496] {strides = array<i32>} : memref<32x1000xf32, #tpu.memory_space<vmem>>, vector<16xf32>,
      %parallel_loop3A_498 = arith.addf %parallel_loop3A_497, %parallel_loop3A_86 : vector<16xf32>
      %parallel_loop3A_499 = arith.constant 0.000000e+00 : f32
      %parallel_loop3A_500 = vector.broadcast %parallel_loop3A_499 : f32 to vector<16xf32>
      %parallel_loop3A_501 = arith.maximumf %parallel_loop3A_498, %parallel_loop3A_500 : vector<16xf32>
      %parallel_loop3A_502 = arith.addf %parallel_loop3A_470, %parallel_loop3A_501 : vector<16xf32>
      %parallel_loop3A_503 = arith.index_cast %parallel_loop3A_83 : i32 to index
      %parallel_loop3A_504 = arith.constant 832 : index
      %parallel_loop3A_505 = tpu.vector_load %arg8[%parallel_loop3A_503, %parallel_loop3A_504] {strides = array<i32>} : memref<32x1000xf32, #tpu.memory_space<vmem>>, vector<16xf32>,
      %parallel_loop3A_506 = arith.addf %parallel_loop3A_505, %parallel_loop3A_86 : vector<16xf32>
      %parallel_loop3A_507 = arith.constant 0.000000e+00 : f32
      %parallel_loop3A_508 = vector.broadcast %parallel_loop3A_507 : f32 to vector<16xf32>
      %parallel_loop3A_509 = arith.maximumf %parallel_loop3A_506, %parallel_loop3A_508 : vector<16xf32>
      %parallel_loop3A_510 = arith.addf %parallel_loop3A_478, %parallel_loop3A_509 : vector<16xf32>
      %parallel_loop3A_511 = arith.index_cast %parallel_loop3A_83 : i32 to index
      %parallel_loop3A_512 = arith.constant 848 : index
      %parallel_loop3A_513 = tpu.vector_load %arg8[%parallel_loop3A_511, %parallel_loop3A_512] {strides = array<i32>} : memref<32x1000xf32, #tpu.memory_space<vmem>>, vector<16xf32>,
      %parallel_loop3A_514 = arith.addf %parallel_loop3A_513, %parallel_loop3A_86 : vector<16xf32>
      %parallel_loop3A_515 = arith.constant 0.000000e+00 : f32
      %parallel_loop3A_516 = vector.broadcast %parallel_loop3A_515 : f32 to vector<16xf32>
      %parallel_loop3A_517 = arith.maximumf %parallel_loop3A_514, %parallel_loop3A_516 : vector<16xf32>
      %parallel_loop3A_518 = arith.addf %parallel_loop3A_486, %parallel_loop3A_517 : vector<16xf32>
      %parallel_loop3A_519 = arith.index_cast %parallel_loop3A_83 : i32 to index
      %parallel_loop3A_520 = arith.constant 864 : index
      %parallel_loop3A_521 = tpu.vector_load %arg8[%parallel_loop3A_519, %parallel_loop3A_520] {strides = array<i32>} : memref<32x1000xf32, #tpu.memory_space<vmem>>, vector<16xf32>,
      %parallel_loop3A_522 = arith.addf %parallel_loop3A_521, %parallel_loop3A_86 : vector<16xf32>
      %parallel_loop3A_523 = arith.constant 0.000000e+00 : f32
      %parallel_loop3A_524 = vector.broadcast %parallel_loop3A_523 : f32 to vector<16xf32>
      %parallel_loop3A_525 = arith.maximumf %parallel_loop3A_522, %parallel_loop3A_524 : vector<16xf32>
      %parallel_loop3A_526 = arith.addf %parallel_loop3A_494, %parallel_loop3A_525 : vector<16xf32>
      %parallel_loop3A_527 = arith.index_cast %parallel_loop3A_83 : i32 to index
      %parallel_loop3A_528 = arith.constant 880 : index
      %parallel_loop3A_529 = tpu.vector_load %arg8[%parallel_loop3A_527, %parallel_loop3A_528] {strides = array<i32>} : memref<32x1000xf32, #tpu.memory_space<vmem>>, vector<16xf32>,
      %parallel_loop3A_530 = arith.addf %parallel_loop3A_529, %parallel_loop3A_86 : vector<16xf32>
      %parallel_loop3A_531 = arith.constant 0.000000e+00 : f32
      %parallel_loop3A_532 = vector.broadcast %parallel_loop3A_531 : f32 to vector<16xf32>
      %parallel_loop3A_533 = arith.maximumf %parallel_loop3A_530, %parallel_loop3A_532 : vector<16xf32>
      %parallel_loop3A_534 = arith.addf %parallel_loop3A_502, %parallel_loop3A_533 : vector<16xf32>
      %parallel_loop3A_535 = arith.index_cast %parallel_loop3A_83 : i32 to index
      %parallel_loop3A_536 = arith.constant 896 : index
      %parallel_loop3A_537 = tpu.vector_load %arg8[%parallel_loop3A_535, %parallel_loop3A_536] {strides = array<i32>} : memref<32x1000xf32, #tpu.memory_space<vmem>>, vector<16xf32>,
      %parallel_loop3A_538 = arith.addf %parallel_loop3A_537, %parallel_loop3A_86 : vector<16xf32>
      %parallel_loop3A_539 = arith.constant 0.000000e+00 : f32
      %parallel_loop3A_540 = vector.broadcast %parallel_loop3A_539 : f32 to vector<16xf32>
      %parallel_loop3A_541 = arith.maximumf %parallel_loop3A_538, %parallel_loop3A_540 : vector<16xf32>
      %parallel_loop3A_542 = arith.addf %parallel_loop3A_510, %parallel_loop3A_541 : vector<16xf32>
      %parallel_loop3A_543 = arith.index_cast %parallel_loop3A_83 : i32 to index
      %parallel_loop3A_544 = arith.constant 912 : index
      %parallel_loop3A_545 = tpu.vector_load %arg8[%parallel_loop3A_543, %parallel_loop3A_544] {strides = array<i32>} : memref<32x1000xf32, #tpu.memory_space<vmem>>, vector<16xf32>,
      %parallel_loop3A_546 = arith.addf %parallel_loop3A_545, %parallel_loop3A_86 : vector<16xf32>
      %parallel_loop3A_547 = arith.constant 0.000000e+00 : f32
      %parallel_loop3A_548 = vector.broadcast %parallel_loop3A_547 : f32 to vector<16xf32>
      %parallel_loop3A_549 = arith.maximumf %parallel_loop3A_546, %parallel_loop3A_548 : vector<16xf32>
      %parallel_loop3A_550 = arith.addf %parallel_loop3A_518, %parallel_loop3A_549 : vector<16xf32>
      %parallel_loop3A_551 = arith.index_cast %parallel_loop3A_83 : i32 to index
      %parallel_loop3A_552 = arith.constant 928 : index
      %parallel_loop3A_553 = tpu.vector_load %arg8[%parallel_loop3A_551, %parallel_loop3A_552] {strides = array<i32>} : memref<32x1000xf32, #tpu.memory_space<vmem>>, vector<16xf32>,
      %parallel_loop3A_554 = arith.addf %parallel_loop3A_553, %parallel_loop3A_86 : vector<16xf32>
      %parallel_loop3A_555 = arith.constant 0.000000e+00 : f32
      %parallel_loop3A_556 = vector.broadcast %parallel_loop3A_555 : f32 to vector<16xf32>
      %parallel_loop3A_557 = arith.maximumf %parallel_loop3A_554, %parallel_loop3A_556 : vector<16xf32>
      %parallel_loop3A_558 = arith.addf %parallel_loop3A_526, %parallel_loop3A_557 : vector<16xf32>
      %parallel_loop3A_559 = arith.index_cast %parallel_loop3A_83 : i32 to index
      %parallel_loop3A_560 = arith.constant 944 : index
      %parallel_loop3A_561 = tpu.vector_load %arg8[%parallel_loop3A_559, %parallel_loop3A_560] {strides = array<i32>} : memref<32x1000xf32, #tpu.memory_space<vmem>>, vector<16xf32>,
      %parallel_loop3A_562 = arith.addf %parallel_loop3A_561, %parallel_loop3A_86 : vector<16xf32>
      %parallel_loop3A_563 = arith.constant 0.000000e+00 : f32
      %parallel_loop3A_564 = vector.broadcast %parallel_loop3A_563 : f32 to vector<16xf32>
      %parallel_loop3A_565 = arith.maximumf %parallel_loop3A_562, %parallel_loop3A_564 : vector<16xf32>
      %parallel_loop3A_566 = arith.addf %parallel_loop3A_534, %parallel_loop3A_565 : vector<16xf32>
      %parallel_loop3A_567 = arith.index_cast %parallel_loop3A_83 : i32 to index
      %parallel_loop3A_568 = arith.constant 960 : index
      %parallel_loop3A_569 = tpu.vector_load %arg8[%parallel_loop3A_567, %parallel_loop3A_568] {strides = array<i32>} : memref<32x1000xf32, #tpu.memory_space<vmem>>, vector<16xf32>,
      %parallel_loop3A_570 = arith.addf %parallel_loop3A_569, %parallel_loop3A_86 : vector<16xf32>
      %parallel_loop3A_571 = arith.constant 0.000000e+00 : f32
      %parallel_loop3A_572 = vector.broadcast %parallel_loop3A_571 : f32 to vector<16xf32>
      %parallel_loop3A_573 = arith.maximumf %parallel_loop3A_570, %parallel_loop3A_572 : vector<16xf32>
      %parallel_loop3A_574 = arith.addf %parallel_loop3A_542, %parallel_loop3A_573 : vector<16xf32>
      %parallel_loop3A_575 = arith.index_cast %parallel_loop3A_83 : i32 to index
      %parallel_loop3A_576 = arith.constant 976 : index
      %parallel_loop3A_577 = tpu.vector_load %arg8[%parallel_loop3A_575, %parallel_loop3A_576] {strides = array<i32>} : memref<32x1000xf32, #tpu.memory_space<vmem>>, vector<16xf32>,
      %parallel_loop3A_578 = arith.addf %parallel_loop3A_577, %parallel_loop3A_86 : vector<16xf32>
      %parallel_loop3A_579 = arith.constant 0.000000e+00 : f32
      %parallel_loop3A_580 = vector.broadcast %parallel_loop3A_579 : f32 to vector<16xf32>
      %parallel_loop3A_581 = arith.maximumf %parallel_loop3A_578, %parallel_loop3A_580 : vector<16xf32>
      %parallel_loop3A_582 = arith.addf %parallel_loop3A_550, %parallel_loop3A_581 : vector<16xf32>
      %parallel_loop3A_583 = arith.addf %parallel_loop3A_574, %parallel_loop3A_582 : vector<16xf32>
      %parallel_loop3A_584 = arith.addf %parallel_loop3A_558, %parallel_loop3A_566 : vector<16xf32>
      %parallel_loop3A_585 = arith.addf %parallel_loop3A_583, %parallel_loop3A_584 : vector<16xf32>
      %parallel_loop3A_586 = arith.index_cast %parallel_loop3A_83 : i32 to index
      %parallel_loop3A_587 = arith.constant 984 : index
      %parallel_loop3A_588 = tpu.vector_load %arg8[%parallel_loop3A_586, %parallel_loop3A_587] {strides = array<i32>} : memref<32x1000xf32, #tpu.memory_space<vmem>>, vector<16xf32>,
      %parallel_loop3A_589 = arith.addf %parallel_loop3A_588, %parallel_loop3A_86 : vector<16xf32>
      %parallel_loop3A_590 = arith.constant 0.000000e+00 : f32
      %parallel_loop3A_591 = vector.broadcast %parallel_loop3A_590 : f32 to vector<16xf32>
      %parallel_loop3A_592 = arith.maximumf %parallel_loop3A_589, %parallel_loop3A_591 : vector<16xf32>
      %parallel_loop3A_593 = arith.constant 0.000000e+00 : f32
      %parallel_loop3A_594 = vector.broadcast %parallel_loop3A_593 : f32 to vector<16xf32>
      %parallel_loop3A_595 = arith.select %ge3A_7, %parallel_loop3A_592, %parallel_loop3A_594 : vector<16xi1>, vector<16xf32>
      %parallel_loop3A_596 = arith.addf %parallel_loop3A_585, %parallel_loop3A_595 : vector<16xf32>
      %parallel_loop3A_597 = arith.constant true
      %parallel_loop3A_598 = vector.broadcast %parallel_loop3A_597 : i1 to vector<16xi1>
      %parallel_loop3A_599 = tpu.scan <sum>, %parallel_loop3A_596 masked %parallel_loop3A_598 : vector<16xf32>, vector<16xi1> -> vector<16xf32>
      %parallel_loop3A_600 = arith.constant 1.000000e+00 : f32
      %parallel_loop3A_601 = vector.broadcast %parallel_loop3A_600 : f32 to vector<16xf32>
      %parallel_loop3A_602 = arith.subf %parallel_loop3A_599, %parallel_loop3A_601 : vector<16xf32>
      %parallel_loop3A_603 = arith.constant 1.000000e-03 : f32
      %parallel_loop3A_604 = vector.broadcast %parallel_loop3A_603 : f32 to vector<16xf32>
      %parallel_loop3A_605 = arith.mulf %parallel_loop3A_602, %parallel_loop3A_604 : vector<16xf32>
      %parallel_loop3A_606 = arith.constant 448 : i32
      %parallel_loop3A_607 = vector.broadcast %parallel_loop3A_606 : i32 to vector<16xi32>
      %parallel_loop3A_608 = arith.addi %parallel_loop3A_85, %parallel_loop3A_607 : vector<16xi32>
      tpu.vector_store_idx %arg6[%parallel_loop3A_608], %parallel_loop3A_605 masked %eq3A_5 : memref<512xf32, #tpu.memory_space<vmem>>[vector<16xi32>], vector<16xf32>, vector<16xi1>
      scf.yield %parallel_loop3A_84 : i32
    } {sc.loop_unroll_factor = 4 : i64, sc.parallel_access}
    %dma_wait3A_50 = arith.constant 0 : i32
    %dma_wait3A_51 = arith.constant 0 : i32
    %dma_wait3A_52 = tpu.memref_slice %arg2[%dma_wait3A_50, %dma_wait3A_51] : memref<16384x1000xf32, #tpu.memory_space<hbm>> -> memref<32x1000xf32, #tpu.memory_space<hbm>>
    %dma_wait3A_53 = arith.constant 0 : i32
    %dma_wait3A_54 = arith.constant 0 : i32
    %dma_wait3A_55 = tpu.memref_slice %arg2[%dma_wait3A_53, %dma_wait3A_54] : memref<16384x1000xf32, #tpu.memory_space<hbm>> -> memref<32x1000xf32, #tpu.memory_space<hbm>>
    tpu.wait_dma2 semaphore(%arg11 : memref<!tpu.dma_semaphore, #tpu.memory_space<semaphore_mem>>) src(%dma_wait3A_55 : memref<32x1000xf32, #tpu.memory_space<hbm>>) dst(%arg9 : memref<32x1000xf32, #tpu.memory_space<vmem>>)
    %get3A_56 = arith.constant 480 : index
    %get3A_57 = tpu.vector_load %arg5[%get3A_56] {strides = array<i32>} : memref<512xi32, #tpu.memory_space<vmem>>, vector<16xi32>,
    %add3A_58 = arith.constant 0 : i32
    %add3A_59 = vector.broadcast %add3A_58 : i32 to vector<16xi32>
    %add3A_60 = arith.addi %iota3A, %add3A_59 : vector<16xi32>
    %gather3A_61 = tpu.vector_load_idx %arg9[%add3A_60, %get3A_57] : memref<32x1000xf32, #tpu.memory_space<vmem>>[vector<16xi32>, vector<16xi32>], vector<16xf32>,
    %sub3A_62 = arith.constant 1.000000e+00 : f32
    %sub3A_63 = vector.broadcast %sub3A_62 : f32 to vector<16xf32>
    %sub3A_64 = arith.subf %sub3A_63, %gather3A_61 : vector<16xf32>
    %swap3A_65 = arith.constant 0 : index
    %swap3A_66 = tpu.vector_load %arg7[%swap3A_65] {strides = array<i32>} : memref<32xf32, #tpu.memory_space<vmem>>, vector<16xf32>,
    tpu.vector_store %arg7[%swap3A_65], %sub3A_64 {strides = array<i32>} : memref<32xf32, #tpu.memory_space<vmem>>, vector<16xf32>,
    %get3A_67 = arith.constant 496 : index
    %get3A_68 = tpu.vector_load %arg5[%get3A_67] {strides = array<i32>} : memref<512xi32, #tpu.memory_space<vmem>>, vector<16xi32>,
    %add3A_69 = arith.constant 16 : i32
    %add3A_70 = vector.broadcast %add3A_69 : i32 to vector<16xi32>
    %add3A_71 = arith.addi %iota3A, %add3A_70 : vector<16xi32>
    %gather3A_72 = tpu.vector_load_idx %arg9[%add3A_71, %get3A_68] : memref<32x1000xf32, #tpu.memory_space<vmem>>[vector<16xi32>, vector<16xi32>], vector<16xf32>,
    %sub3A_73 = arith.constant 1.000000e+00 : f32
    %sub3A_74 = vector.broadcast %sub3A_73 : f32 to vector<16xf32>
    %sub3A_75 = arith.subf %sub3A_74, %gather3A_72 : vector<16xf32>
    %swap3A_76 = arith.constant 16 : index
    %swap3A_77 = tpu.vector_load %arg7[%swap3A_76] {strides = array<i32>} : memref<32xf32, #tpu.memory_space<vmem>>, vector<16xf32>,
    tpu.vector_store %arg7[%swap3A_76], %sub3A_75 {strides = array<i32>} : memref<32xf32, #tpu.memory_space<vmem>>, vector<16xf32>,
    %parallel_loop3A_78 = arith.constant 0 : i32
    %parallel_loop3A_79 = arith.constant 32 : i32
    %parallel_loop3A_80 = arith.constant 1 : i32
    %parallel_loop3A_81 = arith.constant 0 : i32
    %parallel_loop3A_82 = scf.for %parallel_loop3A_83 = %parallel_loop3A_78 to %parallel_loop3A_79 step %parallel_loop3A_80 iter_args(%parallel_loop3A_84 = %parallel_loop3A_81) -> (i32)  : i32 {
      %parallel_loop3A_85 = vector.broadcast %parallel_loop3A_83 : i32 to vector<16xi32>
      %parallel_loop3A_86 = tpu.vector_load_idx %arg7[%parallel_loop3A_85] : memref<32xf32, #tpu.memory_space<vmem>>[vector<16xi32>], vector<16xf32>,
      %parallel_loop3A_87 = arith.index_cast %parallel_loop3A_83 : i32 to index
      %parallel_loop3A_88 = arith.constant 0 : index
      %parallel_loop3A_89 = tpu.vector_load %arg9[%parallel_loop3A_87, %parallel_loop3A_88] {strides = array<i32>} : memref<32x1000xf32, #tpu.memory_space<vmem>>, vector<16xf32>,
      %parallel_loop3A_90 = arith.addf %parallel_loop3A_89, %parallel_loop3A_86 : vector<16xf32>
      %parallel_loop3A_91 = arith.constant 0.000000e+00 : f32
      %parallel_loop3A_92 = vector.broadcast %parallel_loop3A_91 : f32 to vector<16xf32>
      %parallel_loop3A_93 = arith.maximumf %parallel_loop3A_90, %parallel_loop3A_92 : vector<16xf32>
      %parallel_loop3A_94 = arith.addf %broadcast_in_dim3A_3, %parallel_loop3A_93 : vector<16xf32>
      %parallel_loop3A_95 = arith.index_cast %parallel_loop3A_83 : i32 to index
      %parallel_loop3A_96 = arith.constant 16 : index
      %parallel_loop3A_97 = tpu.vector_load %arg9[%parallel_loop3A_95, %parallel_loop3A_96] {strides = array<i32>} : memref<32x1000xf32, #tpu.memory_space<vmem>>, vector<16xf32>,
      %parallel_loop3A_98 = arith.addf %parallel_loop3A_97, %parallel_loop3A_86 : vector<16xf32>
      %parallel_loop3A_99 = arith.constant 0.000000e+00 : f32
      %parallel_loop3A_100 = vector.broadcast %parallel_loop3A_99 : f32 to vector<16xf32>
      %parallel_loop3A_101 = arith.maximumf %parallel_loop3A_98, %parallel_loop3A_100 : vector<16xf32>
      %parallel_loop3A_102 = arith.addf %broadcast_in_dim3A_3, %parallel_loop3A_101 : vector<16xf32>
      %parallel_loop3A_103 = arith.index_cast %parallel_loop3A_83 : i32 to index
      %parallel_loop3A_104 = arith.constant 32 : index
      %parallel_loop3A_105 = tpu.vector_load %arg9[%parallel_loop3A_103, %parallel_loop3A_104] {strides = array<i32>} : memref<32x1000xf32, #tpu.memory_space<vmem>>, vector<16xf32>,
      %parallel_loop3A_106 = arith.addf %parallel_loop3A_105, %parallel_loop3A_86 : vector<16xf32>
      %parallel_loop3A_107 = arith.constant 0.000000e+00 : f32
      %parallel_loop3A_108 = vector.broadcast %parallel_loop3A_107 : f32 to vector<16xf32>
      %parallel_loop3A_109 = arith.maximumf %parallel_loop3A_106, %parallel_loop3A_108 : vector<16xf32>
      %parallel_loop3A_110 = arith.addf %broadcast_in_dim3A_3, %parallel_loop3A_109 : vector<16xf32>
      %parallel_loop3A_111 = arith.index_cast %parallel_loop3A_83 : i32 to index
      %parallel_loop3A_112 = arith.constant 48 : index
      %parallel_loop3A_113 = tpu.vector_load %arg9[%parallel_loop3A_111, %parallel_loop3A_112] {strides = array<i32>} : memref<32x1000xf32, #tpu.memory_space<vmem>>, vector<16xf32>,
      %parallel_loop3A_114 = arith.addf %parallel_loop3A_113, %parallel_loop3A_86 : vector<16xf32>
      %parallel_loop3A_115 = arith.constant 0.000000e+00 : f32
      %parallel_loop3A_116 = vector.broadcast %parallel_loop3A_115 : f32 to vector<16xf32>
      %parallel_loop3A_117 = arith.maximumf %parallel_loop3A_114, %parallel_loop3A_116 : vector<16xf32>
      %parallel_loop3A_118 = arith.addf %broadcast_in_dim3A_3, %parallel_loop3A_117 : vector<16xf32>
      %parallel_loop3A_119 = arith.index_cast %parallel_loop3A_83 : i32 to index
      %parallel_loop3A_120 = arith.constant 64 : index
      %parallel_loop3A_121 = tpu.vector_load %arg9[%parallel_loop3A_119, %parallel_loop3A_120] {strides = array<i32>} : memref<32x1000xf32, #tpu.memory_space<vmem>>, vector<16xf32>,
      %parallel_loop3A_122 = arith.addf %parallel_loop3A_121, %parallel_loop3A_86 : vector<16xf32>
      %parallel_loop3A_123 = arith.constant 0.000000e+00 : f32
      %parallel_loop3A_124 = vector.broadcast %parallel_loop3A_123 : f32 to vector<16xf32>
      %parallel_loop3A_125 = arith.maximumf %parallel_loop3A_122, %parallel_loop3A_124 : vector<16xf32>
      %parallel_loop3A_126 = arith.addf %parallel_loop3A_94, %parallel_loop3A_125 : vector<16xf32>
      %parallel_loop3A_127 = arith.index_cast %parallel_loop3A_83 : i32 to index
      %parallel_loop3A_128 = arith.constant 80 : index
      %parallel_loop3A_129 = tpu.vector_load %arg9[%parallel_loop3A_127, %parallel_loop3A_128] {strides = array<i32>} : memref<32x1000xf32, #tpu.memory_space<vmem>>, vector<16xf32>,
      %parallel_loop3A_130 = arith.addf %parallel_loop3A_129, %parallel_loop3A_86 : vector<16xf32>
      %parallel_loop3A_131 = arith.constant 0.000000e+00 : f32
      %parallel_loop3A_132 = vector.broadcast %parallel_loop3A_131 : f32 to vector<16xf32>
      %parallel_loop3A_133 = arith.maximumf %parallel_loop3A_130, %parallel_loop3A_132 : vector<16xf32>
      %parallel_loop3A_134 = arith.addf %parallel_loop3A_102, %parallel_loop3A_133 : vector<16xf32>
      %parallel_loop3A_135 = arith.index_cast %parallel_loop3A_83 : i32 to index
      %parallel_loop3A_136 = arith.constant 96 : index
      %parallel_loop3A_137 = tpu.vector_load %arg9[%parallel_loop3A_135, %parallel_loop3A_136] {strides = array<i32>} : memref<32x1000xf32, #tpu.memory_space<vmem>>, vector<16xf32>,
      %parallel_loop3A_138 = arith.addf %parallel_loop3A_137, %parallel_loop3A_86 : vector<16xf32>
      %parallel_loop3A_139 = arith.constant 0.000000e+00 : f32
      %parallel_loop3A_140 = vector.broadcast %parallel_loop3A_139 : f32 to vector<16xf32>
      %parallel_loop3A_141 = arith.maximumf %parallel_loop3A_138, %parallel_loop3A_140 : vector<16xf32>
      %parallel_loop3A_142 = arith.addf %parallel_loop3A_110, %parallel_loop3A_141 : vector<16xf32>
      %parallel_loop3A_143 = arith.index_cast %parallel_loop3A_83 : i32 to index
      %parallel_loop3A_144 = arith.constant 112 : index
      %parallel_loop3A_145 = tpu.vector_load %arg9[%parallel_loop3A_143, %parallel_loop3A_144] {strides = array<i32>} : memref<32x1000xf32, #tpu.memory_space<vmem>>, vector<16xf32>,
      %parallel_loop3A_146 = arith.addf %parallel_loop3A_145, %parallel_loop3A_86 : vector<16xf32>
      %parallel_loop3A_147 = arith.constant 0.000000e+00 : f32
      %parallel_loop3A_148 = vector.broadcast %parallel_loop3A_147 : f32 to vector<16xf32>
      %parallel_loop3A_149 = arith.maximumf %parallel_loop3A_146, %parallel_loop3A_148 : vector<16xf32>
      %parallel_loop3A_150 = arith.addf %parallel_loop3A_118, %parallel_loop3A_149 : vector<16xf32>
      %parallel_loop3A_151 = arith.index_cast %parallel_loop3A_83 : i32 to index
      %parallel_loop3A_152 = arith.constant 128 : index
      %parallel_loop3A_153 = tpu.vector_load %arg9[%parallel_loop3A_151, %parallel_loop3A_152] {strides = array<i32>} : memref<32x1000xf32, #tpu.memory_space<vmem>>, vector<16xf32>,
      %parallel_loop3A_154 = arith.addf %parallel_loop3A_153, %parallel_loop3A_86 : vector<16xf32>
      %parallel_loop3A_155 = arith.constant 0.000000e+00 : f32
      %parallel_loop3A_156 = vector.broadcast %parallel_loop3A_155 : f32 to vector<16xf32>
      %parallel_loop3A_157 = arith.maximumf %parallel_loop3A_154, %parallel_loop3A_156 : vector<16xf32>
      %parallel_loop3A_158 = arith.addf %parallel_loop3A_126, %parallel_loop3A_157 : vector<16xf32>
      %parallel_loop3A_159 = arith.index_cast %parallel_loop3A_83 : i32 to index
      %parallel_loop3A_160 = arith.constant 144 : index
      %parallel_loop3A_161 = tpu.vector_load %arg9[%parallel_loop3A_159, %parallel_loop3A_160] {strides = array<i32>} : memref<32x1000xf32, #tpu.memory_space<vmem>>, vector<16xf32>,
      %parallel_loop3A_162 = arith.addf %parallel_loop3A_161, %parallel_loop3A_86 : vector<16xf32>
      %parallel_loop3A_163 = arith.constant 0.000000e+00 : f32
      %parallel_loop3A_164 = vector.broadcast %parallel_loop3A_163 : f32 to vector<16xf32>
      %parallel_loop3A_165 = arith.maximumf %parallel_loop3A_162, %parallel_loop3A_164 : vector<16xf32>
      %parallel_loop3A_166 = arith.addf %parallel_loop3A_134, %parallel_loop3A_165 : vector<16xf32>
      %parallel_loop3A_167 = arith.index_cast %parallel_loop3A_83 : i32 to index
      %parallel_loop3A_168 = arith.constant 160 : index
      %parallel_loop3A_169 = tpu.vector_load %arg9[%parallel_loop3A_167, %parallel_loop3A_168] {strides = array<i32>} : memref<32x1000xf32, #tpu.memory_space<vmem>>, vector<16xf32>,
      %parallel_loop3A_170 = arith.addf %parallel_loop3A_169, %parallel_loop3A_86 : vector<16xf32>
      %parallel_loop3A_171 = arith.constant 0.000000e+00 : f32
      %parallel_loop3A_172 = vector.broadcast %parallel_loop3A_171 : f32 to vector<16xf32>
      %parallel_loop3A_173 = arith.maximumf %parallel_loop3A_170, %parallel_loop3A_172 : vector<16xf32>
      %parallel_loop3A_174 = arith.addf %parallel_loop3A_142, %parallel_loop3A_173 : vector<16xf32>
      %parallel_loop3A_175 = arith.index_cast %parallel_loop3A_83 : i32 to index
      %parallel_loop3A_176 = arith.constant 176 : index
      %parallel_loop3A_177 = tpu.vector_load %arg9[%parallel_loop3A_175, %parallel_loop3A_176] {strides = array<i32>} : memref<32x1000xf32, #tpu.memory_space<vmem>>, vector<16xf32>,
      %parallel_loop3A_178 = arith.addf %parallel_loop3A_177, %parallel_loop3A_86 : vector<16xf32>
      %parallel_loop3A_179 = arith.constant 0.000000e+00 : f32
      %parallel_loop3A_180 = vector.broadcast %parallel_loop3A_179 : f32 to vector<16xf32>
      %parallel_loop3A_181 = arith.maximumf %parallel_loop3A_178, %parallel_loop3A_180 : vector<16xf32>
      %parallel_loop3A_182 = arith.addf %parallel_loop3A_150, %parallel_loop3A_181 : vector<16xf32>
      %parallel_loop3A_183 = arith.index_cast %parallel_loop3A_83 : i32 to index
      %parallel_loop3A_184 = arith.constant 192 : index
      %parallel_loop3A_185 = tpu.vector_load %arg9[%parallel_loop3A_183, %parallel_loop3A_184] {strides = array<i32>} : memref<32x1000xf32, #tpu.memory_space<vmem>>, vector<16xf32>,
      %parallel_loop3A_186 = arith.addf %parallel_loop3A_185, %parallel_loop3A_86 : vector<16xf32>
      %parallel_loop3A_187 = arith.constant 0.000000e+00 : f32
      %parallel_loop3A_188 = vector.broadcast %parallel_loop3A_187 : f32 to vector<16xf32>
      %parallel_loop3A_189 = arith.maximumf %parallel_loop3A_186, %parallel_loop3A_188 : vector<16xf32>
      %parallel_loop3A_190 = arith.addf %parallel_loop3A_158, %parallel_loop3A_189 : vector<16xf32>
      %parallel_loop3A_191 = arith.index_cast %parallel_loop3A_83 : i32 to index
      %parallel_loop3A_192 = arith.constant 208 : index
      %parallel_loop3A_193 = tpu.vector_load %arg9[%parallel_loop3A_191, %parallel_loop3A_192] {strides = array<i32>} : memref<32x1000xf32, #tpu.memory_space<vmem>>, vector<16xf32>,
      %parallel_loop3A_194 = arith.addf %parallel_loop3A_193, %parallel_loop3A_86 : vector<16xf32>
      %parallel_loop3A_195 = arith.constant 0.000000e+00 : f32
      %parallel_loop3A_196 = vector.broadcast %parallel_loop3A_195 : f32 to vector<16xf32>
      %parallel_loop3A_197 = arith.maximumf %parallel_loop3A_194, %parallel_loop3A_196 : vector<16xf32>
      %parallel_loop3A_198 = arith.addf %parallel_loop3A_166, %parallel_loop3A_197 : vector<16xf32>
      %parallel_loop3A_199 = arith.index_cast %parallel_loop3A_83 : i32 to index
      %parallel_loop3A_200 = arith.constant 224 : index
      %parallel_loop3A_201 = tpu.vector_load %arg9[%parallel_loop3A_199, %parallel_loop3A_200] {strides = array<i32>} : memref<32x1000xf32, #tpu.memory_space<vmem>>, vector<16xf32>,
      %parallel_loop3A_202 = arith.addf %parallel_loop3A_201, %parallel_loop3A_86 : vector<16xf32>
      %parallel_loop3A_203 = arith.constant 0.000000e+00 : f32
      %parallel_loop3A_204 = vector.broadcast %parallel_loop3A_203 : f32 to vector<16xf32>
      %parallel_loop3A_205 = arith.maximumf %parallel_loop3A_202, %parallel_loop3A_204 : vector<16xf32>
      %parallel_loop3A_206 = arith.addf %parallel_loop3A_174, %parallel_loop3A_205 : vector<16xf32>
      %parallel_loop3A_207 = arith.index_cast %parallel_loop3A_83 : i32 to index
      %parallel_loop3A_208 = arith.constant 240 : index
      %parallel_loop3A_209 = tpu.vector_load %arg9[%parallel_loop3A_207, %parallel_loop3A_208] {strides = array<i32>} : memref<32x1000xf32, #tpu.memory_space<vmem>>, vector<16xf32>,
      %parallel_loop3A_210 = arith.addf %parallel_loop3A_209, %parallel_loop3A_86 : vector<16xf32>
      %parallel_loop3A_211 = arith.constant 0.000000e+00 : f32
      %parallel_loop3A_212 = vector.broadcast %parallel_loop3A_211 : f32 to vector<16xf32>
      %parallel_loop3A_213 = arith.maximumf %parallel_loop3A_210, %parallel_loop3A_212 : vector<16xf32>
      %parallel_loop3A_214 = arith.addf %parallel_loop3A_182, %parallel_loop3A_213 : vector<16xf32>
      %parallel_loop3A_215 = arith.index_cast %parallel_loop3A_83 : i32 to index
      %parallel_loop3A_216 = arith.constant 256 : index
      %parallel_loop3A_217 = tpu.vector_load %arg9[%parallel_loop3A_215, %parallel_loop3A_216] {strides = array<i32>} : memref<32x1000xf32, #tpu.memory_space<vmem>>, vector<16xf32>,
      %parallel_loop3A_218 = arith.addf %parallel_loop3A_217, %parallel_loop3A_86 : vector<16xf32>
      %parallel_loop3A_219 = arith.constant 0.000000e+00 : f32
      %parallel_loop3A_220 = vector.broadcast %parallel_loop3A_219 : f32 to vector<16xf32>
      %parallel_loop3A_221 = arith.maximumf %parallel_loop3A_218, %parallel_loop3A_220 : vector<16xf32>
      %parallel_loop3A_222 = arith.addf %parallel_loop3A_190, %parallel_loop3A_221 : vector<16xf32>
      %parallel_loop3A_223 = arith.index_cast %parallel_loop3A_83 : i32 to index
      %parallel_loop3A_224 = arith.constant 272 : index
      %parallel_loop3A_225 = tpu.vector_load %arg9[%parallel_loop3A_223, %parallel_loop3A_224] {strides = array<i32>} : memref<32x1000xf32, #tpu.memory_space<vmem>>, vector<16xf32>,
      %parallel_loop3A_226 = arith.addf %parallel_loop3A_225, %parallel_loop3A_86 : vector<16xf32>
      %parallel_loop3A_227 = arith.constant 0.000000e+00 : f32
      %parallel_loop3A_228 = vector.broadcast %parallel_loop3A_227 : f32 to vector<16xf32>
      %parallel_loop3A_229 = arith.maximumf %parallel_loop3A_226, %parallel_loop3A_228 : vector<16xf32>
      %parallel_loop3A_230 = arith.addf %parallel_loop3A_198, %parallel_loop3A_229 : vector<16xf32>
      %parallel_loop3A_231 = arith.index_cast %parallel_loop3A_83 : i32 to index
      %parallel_loop3A_232 = arith.constant 288 : index
      %parallel_loop3A_233 = tpu.vector_load %arg9[%parallel_loop3A_231, %parallel_loop3A_232] {strides = array<i32>} : memref<32x1000xf32, #tpu.memory_space<vmem>>, vector<16xf32>,
      %parallel_loop3A_234 = arith.addf %parallel_loop3A_233, %parallel_loop3A_86 : vector<16xf32>
      %parallel_loop3A_235 = arith.constant 0.000000e+00 : f32
      %parallel_loop3A_236 = vector.broadcast %parallel_loop3A_235 : f32 to vector<16xf32>
      %parallel_loop3A_237 = arith.maximumf %parallel_loop3A_234, %parallel_loop3A_236 : vector<16xf32>
      %parallel_loop3A_238 = arith.addf %parallel_loop3A_206, %parallel_loop3A_237 : vector<16xf32>
      %parallel_loop3A_239 = arith.index_cast %parallel_loop3A_83 : i32 to index
      %parallel_loop3A_240 = arith.constant 304 : index
      %parallel_loop3A_241 = tpu.vector_load %arg9[%parallel_loop3A_239, %parallel_loop3A_240] {strides = array<i32>} : memref<32x1000xf32, #tpu.memory_space<vmem>>, vector<16xf32>,
      %parallel_loop3A_242 = arith.addf %parallel_loop3A_241, %parallel_loop3A_86 : vector<16xf32>
      %parallel_loop3A_243 = arith.constant 0.000000e+00 : f32
      %parallel_loop3A_244 = vector.broadcast %parallel_loop3A_243 : f32 to vector<16xf32>
      %parallel_loop3A_245 = arith.maximumf %parallel_loop3A_242, %parallel_loop3A_244 : vector<16xf32>
      %parallel_loop3A_246 = arith.addf %parallel_loop3A_214, %parallel_loop3A_245 : vector<16xf32>
      %parallel_loop3A_247 = arith.index_cast %parallel_loop3A_83 : i32 to index
      %parallel_loop3A_248 = arith.constant 320 : index
      %parallel_loop3A_249 = tpu.vector_load %arg9[%parallel_loop3A_247, %parallel_loop3A_248] {strides = array<i32>} : memref<32x1000xf32, #tpu.memory_space<vmem>>, vector<16xf32>,
      %parallel_loop3A_250 = arith.addf %parallel_loop3A_249, %parallel_loop3A_86 : vector<16xf32>
      %parallel_loop3A_251 = arith.constant 0.000000e+00 : f32
      %parallel_loop3A_252 = vector.broadcast %parallel_loop3A_251 : f32 to vector<16xf32>
      %parallel_loop3A_253 = arith.maximumf %parallel_loop3A_250, %parallel_loop3A_252 : vector<16xf32>
      %parallel_loop3A_254 = arith.addf %parallel_loop3A_222, %parallel_loop3A_253 : vector<16xf32>
      %parallel_loop3A_255 = arith.index_cast %parallel_loop3A_83 : i32 to index
      %parallel_loop3A_256 = arith.constant 336 : index
      %parallel_loop3A_257 = tpu.vector_load %arg9[%parallel_loop3A_255, %parallel_loop3A_256] {strides = array<i32>} : memref<32x1000xf32, #tpu.memory_space<vmem>>, vector<16xf32>,
      %parallel_loop3A_258 = arith.addf %parallel_loop3A_257, %parallel_loop3A_86 : vector<16xf32>
      %parallel_loop3A_259 = arith.constant 0.000000e+00 : f32
      %parallel_loop3A_260 = vector.broadcast %parallel_loop3A_259 : f32 to vector<16xf32>
      %parallel_loop3A_261 = arith.maximumf %parallel_loop3A_258, %parallel_loop3A_260 : vector<16xf32>
      %parallel_loop3A_262 = arith.addf %parallel_loop3A_230, %parallel_loop3A_261 : vector<16xf32>
      %parallel_loop3A_263 = arith.index_cast %parallel_loop3A_83 : i32 to index
      %parallel_loop3A_264 = arith.constant 352 : index
      %parallel_loop3A_265 = tpu.vector_load %arg9[%parallel_loop3A_263, %parallel_loop3A_264] {strides = array<i32>} : memref<32x1000xf32, #tpu.memory_space<vmem>>, vector<16xf32>,
      %parallel_loop3A_266 = arith.addf %parallel_loop3A_265, %parallel_loop3A_86 : vector<16xf32>
      %parallel_loop3A_267 = arith.constant 0.000000e+00 : f32
      %parallel_loop3A_268 = vector.broadcast %parallel_loop3A_267 : f32 to vector<16xf32>
      %parallel_loop3A_269 = arith.maximumf %parallel_loop3A_266, %parallel_loop3A_268 : vector<16xf32>
      %parallel_loop3A_270 = arith.addf %parallel_loop3A_238, %parallel_loop3A_269 : vector<16xf32>
      %parallel_loop3A_271 = arith.index_cast %parallel_loop3A_83 : i32 to index
      %parallel_loop3A_272 = arith.constant 368 : index
      %parallel_loop3A_273 = tpu.vector_load %arg9[%parallel_loop3A_271, %parallel_loop3A_272] {strides = array<i32>} : memref<32x1000xf32, #tpu.memory_space<vmem>>, vector<16xf32>,
      %parallel_loop3A_274 = arith.addf %parallel_loop3A_273, %parallel_loop3A_86 : vector<16xf32>
      %parallel_loop3A_275 = arith.constant 0.000000e+00 : f32
      %parallel_loop3A_276 = vector.broadcast %parallel_loop3A_275 : f32 to vector<16xf32>
      %parallel_loop3A_277 = arith.maximumf %parallel_loop3A_274, %parallel_loop3A_276 : vector<16xf32>
      %parallel_loop3A_278 = arith.addf %parallel_loop3A_246, %parallel_loop3A_277 : vector<16xf32>
      %parallel_loop3A_279 = arith.index_cast %parallel_loop3A_83 : i32 to index
      %parallel_loop3A_280 = arith.constant 384 : index
      %parallel_loop3A_281 = tpu.vector_load %arg9[%parallel_loop3A_279, %parallel_loop3A_280] {strides = array<i32>} : memref<32x1000xf32, #tpu.memory_space<vmem>>, vector<16xf32>,
      %parallel_loop3A_282 = arith.addf %parallel_loop3A_281, %parallel_loop3A_86 : vector<16xf32>
      %parallel_loop3A_283 = arith.constant 0.000000e+00 : f32
      %parallel_loop3A_284 = vector.broadcast %parallel_loop3A_283 : f32 to vector<16xf32>
      %parallel_loop3A_285 = arith.maximumf %parallel_loop3A_282, %parallel_loop3A_284 : vector<16xf32>
      %parallel_loop3A_286 = arith.addf %parallel_loop3A_254, %parallel_loop3A_285 : vector<16xf32>
      %parallel_loop3A_287 = arith.index_cast %parallel_loop3A_83 : i32 to index
      %parallel_loop3A_288 = arith.constant 400 : index
      %parallel_loop3A_289 = tpu.vector_load %arg9[%parallel_loop3A_287, %parallel_loop3A_288] {strides = array<i32>} : memref<32x1000xf32, #tpu.memory_space<vmem>>, vector<16xf32>,
      %parallel_loop3A_290 = arith.addf %parallel_loop3A_289, %parallel_loop3A_86 : vector<16xf32>
      %parallel_loop3A_291 = arith.constant 0.000000e+00 : f32
      %parallel_loop3A_292 = vector.broadcast %parallel_loop3A_291 : f32 to vector<16xf32>
      %parallel_loop3A_293 = arith.maximumf %parallel_loop3A_290, %parallel_loop3A_292 : vector<16xf32>
      %parallel_loop3A_294 = arith.addf %parallel_loop3A_262, %parallel_loop3A_293 : vector<16xf32>
      %parallel_loop3A_295 = arith.index_cast %parallel_loop3A_83 : i32 to index
      %parallel_loop3A_296 = arith.constant 416 : index
      %parallel_loop3A_297 = tpu.vector_load %arg9[%parallel_loop3A_295, %parallel_loop3A_296] {strides = array<i32>} : memref<32x1000xf32, #tpu.memory_space<vmem>>, vector<16xf32>,
      %parallel_loop3A_298 = arith.addf %parallel_loop3A_297, %parallel_loop3A_86 : vector<16xf32>
      %parallel_loop3A_299 = arith.constant 0.000000e+00 : f32
      %parallel_loop3A_300 = vector.broadcast %parallel_loop3A_299 : f32 to vector<16xf32>
      %parallel_loop3A_301 = arith.maximumf %parallel_loop3A_298, %parallel_loop3A_300 : vector<16xf32>
      %parallel_loop3A_302 = arith.addf %parallel_loop3A_270, %parallel_loop3A_301 : vector<16xf32>
      %parallel_loop3A_303 = arith.index_cast %parallel_loop3A_83 : i32 to index
      %parallel_loop3A_304 = arith.constant 432 : index
      %parallel_loop3A_305 = tpu.vector_load %arg9[%parallel_loop3A_303, %parallel_loop3A_304] {strides = array<i32>} : memref<32x1000xf32, #tpu.memory_space<vmem>>, vector<16xf32>,
      %parallel_loop3A_306 = arith.addf %parallel_loop3A_305, %parallel_loop3A_86 : vector<16xf32>
      %parallel_loop3A_307 = arith.constant 0.000000e+00 : f32
      %parallel_loop3A_308 = vector.broadcast %parallel_loop3A_307 : f32 to vector<16xf32>
      %parallel_loop3A_309 = arith.maximumf %parallel_loop3A_306, %parallel_loop3A_308 : vector<16xf32>
      %parallel_loop3A_310 = arith.addf %parallel_loop3A_278, %parallel_loop3A_309 : vector<16xf32>
      %parallel_loop3A_311 = arith.index_cast %parallel_loop3A_83 : i32 to index
      %parallel_loop3A_312 = arith.constant 448 : index
      %parallel_loop3A_313 = tpu.vector_load %arg9[%parallel_loop3A_311, %parallel_loop3A_312] {strides = array<i32>} : memref<32x1000xf32, #tpu.memory_space<vmem>>, vector<16xf32>,
      %parallel_loop3A_314 = arith.addf %parallel_loop3A_313, %parallel_loop3A_86 : vector<16xf32>
      %parallel_loop3A_315 = arith.constant 0.000000e+00 : f32
      %parallel_loop3A_316 = vector.broadcast %parallel_loop3A_315 : f32 to vector<16xf32>
      %parallel_loop3A_317 = arith.maximumf %parallel_loop3A_314, %parallel_loop3A_316 : vector<16xf32>
      %parallel_loop3A_318 = arith.addf %parallel_loop3A_286, %parallel_loop3A_317 : vector<16xf32>
      %parallel_loop3A_319 = arith.index_cast %parallel_loop3A_83 : i32 to index
      %parallel_loop3A_320 = arith.constant 464 : index
      %parallel_loop3A_321 = tpu.vector_load %arg9[%parallel_loop3A_319, %parallel_loop3A_320] {strides = array<i32>} : memref<32x1000xf32, #tpu.memory_space<vmem>>, vector<16xf32>,
      %parallel_loop3A_322 = arith.addf %parallel_loop3A_321, %parallel_loop3A_86 : vector<16xf32>
      %parallel_loop3A_323 = arith.constant 0.000000e+00 : f32
      %parallel_loop3A_324 = vector.broadcast %parallel_loop3A_323 : f32 to vector<16xf32>
      %parallel_loop3A_325 = arith.maximumf %parallel_loop3A_322, %parallel_loop3A_324 : vector<16xf32>
      %parallel_loop3A_326 = arith.addf %parallel_loop3A_294, %parallel_loop3A_325 : vector<16xf32>
      %parallel_loop3A_327 = arith.index_cast %parallel_loop3A_83 : i32 to index
      %parallel_loop3A_328 = arith.constant 480 : index
      %parallel_loop3A_329 = tpu.vector_load %arg9[%parallel_loop3A_327, %parallel_loop3A_328] {strides = array<i32>} : memref<32x1000xf32, #tpu.memory_space<vmem>>, vector<16xf32>,
      %parallel_loop3A_330 = arith.addf %parallel_loop3A_329, %parallel_loop3A_86 : vector<16xf32>
      %parallel_loop3A_331 = arith.constant 0.000000e+00 : f32
      %parallel_loop3A_332 = vector.broadcast %parallel_loop3A_331 : f32 to vector<16xf32>
      %parallel_loop3A_333 = arith.maximumf %parallel_loop3A_330, %parallel_loop3A_332 : vector<16xf32>
      %parallel_loop3A_334 = arith.addf %parallel_loop3A_302, %parallel_loop3A_333 : vector<16xf32>
      %parallel_loop3A_335 = arith.index_cast %parallel_loop3A_83 : i32 to index
      %parallel_loop3A_336 = arith.constant 496 : index
      %parallel_loop3A_337 = tpu.vector_load %arg9[%parallel_loop3A_335, %parallel_loop3A_336] {strides = array<i32>} : memref<32x1000xf32, #tpu.memory_space<vmem>>, vector<16xf32>,
      %parallel_loop3A_338 = arith.addf %parallel_loop3A_337, %parallel_loop3A_86 : vector<16xf32>
      %parallel_loop3A_339 = arith.constant 0.000000e+00 : f32
      %parallel_loop3A_340 = vector.broadcast %parallel_loop3A_339 : f32 to vector<16xf32>
      %parallel_loop3A_341 = arith.maximumf %parallel_loop3A_338, %parallel_loop3A_340 : vector<16xf32>
      %parallel_loop3A_342 = arith.addf %parallel_loop3A_310, %parallel_loop3A_341 : vector<16xf32>
      %parallel_loop3A_343 = arith.index_cast %parallel_loop3A_83 : i32 to index
      %parallel_loop3A_344 = arith.constant 512 : index
      %parallel_loop3A_345 = tpu.vector_load %arg9[%parallel_loop3A_343, %parallel_loop3A_344] {strides = array<i32>} : memref<32x1000xf32, #tpu.memory_space<vmem>>, vector<16xf32>,
      %parallel_loop3A_346 = arith.addf %parallel_loop3A_345, %parallel_loop3A_86 : vector<16xf32>
      %parallel_loop3A_347 = arith.constant 0.000000e+00 : f32
      %parallel_loop3A_348 = vector.broadcast %parallel_loop3A_347 : f32 to vector<16xf32>
      %parallel_loop3A_349 = arith.maximumf %parallel_loop3A_346, %parallel_loop3A_348 : vector<16xf32>
      %parallel_loop3A_350 = arith.addf %parallel_loop3A_318, %parallel_loop3A_349 : vector<16xf32>
      %parallel_loop3A_351 = arith.index_cast %parallel_loop3A_83 : i32 to index
      %parallel_loop3A_352 = arith.constant 528 : index
      %parallel_loop3A_353 = tpu.vector_load %arg9[%parallel_loop3A_351, %parallel_loop3A_352] {strides = array<i32>} : memref<32x1000xf32, #tpu.memory_space<vmem>>, vector<16xf32>,
      %parallel_loop3A_354 = arith.addf %parallel_loop3A_353, %parallel_loop3A_86 : vector<16xf32>
      %parallel_loop3A_355 = arith.constant 0.000000e+00 : f32
      %parallel_loop3A_356 = vector.broadcast %parallel_loop3A_355 : f32 to vector<16xf32>
      %parallel_loop3A_357 = arith.maximumf %parallel_loop3A_354, %parallel_loop3A_356 : vector<16xf32>
      %parallel_loop3A_358 = arith.addf %parallel_loop3A_326, %parallel_loop3A_357 : vector<16xf32>
      %parallel_loop3A_359 = arith.index_cast %parallel_loop3A_83 : i32 to index
      %parallel_loop3A_360 = arith.constant 544 : index
      %parallel_loop3A_361 = tpu.vector_load %arg9[%parallel_loop3A_359, %parallel_loop3A_360] {strides = array<i32>} : memref<32x1000xf32, #tpu.memory_space<vmem>>, vector<16xf32>,
      %parallel_loop3A_362 = arith.addf %parallel_loop3A_361, %parallel_loop3A_86 : vector<16xf32>
      %parallel_loop3A_363 = arith.constant 0.000000e+00 : f32
      %parallel_loop3A_364 = vector.broadcast %parallel_loop3A_363 : f32 to vector<16xf32>
      %parallel_loop3A_365 = arith.maximumf %parallel_loop3A_362, %parallel_loop3A_364 : vector<16xf32>
      %parallel_loop3A_366 = arith.addf %parallel_loop3A_334, %parallel_loop3A_365 : vector<16xf32>
      %parallel_loop3A_367 = arith.index_cast %parallel_loop3A_83 : i32 to index
      %parallel_loop3A_368 = arith.constant 560 : index
      %parallel_loop3A_369 = tpu.vector_load %arg9[%parallel_loop3A_367, %parallel_loop3A_368] {strides = array<i32>} : memref<32x1000xf32, #tpu.memory_space<vmem>>, vector<16xf32>,
      %parallel_loop3A_370 = arith.addf %parallel_loop3A_369, %parallel_loop3A_86 : vector<16xf32>
      %parallel_loop3A_371 = arith.constant 0.000000e+00 : f32
      %parallel_loop3A_372 = vector.broadcast %parallel_loop3A_371 : f32 to vector<16xf32>
      %parallel_loop3A_373 = arith.maximumf %parallel_loop3A_370, %parallel_loop3A_372 : vector<16xf32>
      %parallel_loop3A_374 = arith.addf %parallel_loop3A_342, %parallel_loop3A_373 : vector<16xf32>
      %parallel_loop3A_375 = arith.index_cast %parallel_loop3A_83 : i32 to index
      %parallel_loop3A_376 = arith.constant 576 : index
      %parallel_loop3A_377 = tpu.vector_load %arg9[%parallel_loop3A_375, %parallel_loop3A_376] {strides = array<i32>} : memref<32x1000xf32, #tpu.memory_space<vmem>>, vector<16xf32>,
      %parallel_loop3A_378 = arith.addf %parallel_loop3A_377, %parallel_loop3A_86 : vector<16xf32>
      %parallel_loop3A_379 = arith.constant 0.000000e+00 : f32
      %parallel_loop3A_380 = vector.broadcast %parallel_loop3A_379 : f32 to vector<16xf32>
      %parallel_loop3A_381 = arith.maximumf %parallel_loop3A_378, %parallel_loop3A_380 : vector<16xf32>
      %parallel_loop3A_382 = arith.addf %parallel_loop3A_350, %parallel_loop3A_381 : vector<16xf32>
      %parallel_loop3A_383 = arith.index_cast %parallel_loop3A_83 : i32 to index
      %parallel_loop3A_384 = arith.constant 592 : index
      %parallel_loop3A_385 = tpu.vector_load %arg9[%parallel_loop3A_383, %parallel_loop3A_384] {strides = array<i32>} : memref<32x1000xf32, #tpu.memory_space<vmem>>, vector<16xf32>,
      %parallel_loop3A_386 = arith.addf %parallel_loop3A_385, %parallel_loop3A_86 : vector<16xf32>
      %parallel_loop3A_387 = arith.constant 0.000000e+00 : f32
      %parallel_loop3A_388 = vector.broadcast %parallel_loop3A_387 : f32 to vector<16xf32>
      %parallel_loop3A_389 = arith.maximumf %parallel_loop3A_386, %parallel_loop3A_388 : vector<16xf32>
      %parallel_loop3A_390 = arith.addf %parallel_loop3A_358, %parallel_loop3A_389 : vector<16xf32>
      %parallel_loop3A_391 = arith.index_cast %parallel_loop3A_83 : i32 to index
      %parallel_loop3A_392 = arith.constant 608 : index
      %parallel_loop3A_393 = tpu.vector_load %arg9[%parallel_loop3A_391, %parallel_loop3A_392] {strides = array<i32>} : memref<32x1000xf32, #tpu.memory_space<vmem>>, vector<16xf32>,
      %parallel_loop3A_394 = arith.addf %parallel_loop3A_393, %parallel_loop3A_86 : vector<16xf32>
      %parallel_loop3A_395 = arith.constant 0.000000e+00 : f32
      %parallel_loop3A_396 = vector.broadcast %parallel_loop3A_395 : f32 to vector<16xf32>
      %parallel_loop3A_397 = arith.maximumf %parallel_loop3A_394, %parallel_loop3A_396 : vector<16xf32>
      %parallel_loop3A_398 = arith.addf %parallel_loop3A_366, %parallel_loop3A_397 : vector<16xf32>
      %parallel_loop3A_399 = arith.index_cast %parallel_loop3A_83 : i32 to index
      %parallel_loop3A_400 = arith.constant 624 : index
      %parallel_loop3A_401 = tpu.vector_load %arg9[%parallel_loop3A_399, %parallel_loop3A_400] {strides = array<i32>} : memref<32x1000xf32, #tpu.memory_space<vmem>>, vector<16xf32>,
      %parallel_loop3A_402 = arith.addf %parallel_loop3A_401, %parallel_loop3A_86 : vector<16xf32>
      %parallel_loop3A_403 = arith.constant 0.000000e+00 : f32
      %parallel_loop3A_404 = vector.broadcast %parallel_loop3A_403 : f32 to vector<16xf32>
      %parallel_loop3A_405 = arith.maximumf %parallel_loop3A_402, %parallel_loop3A_404 : vector<16xf32>
      %parallel_loop3A_406 = arith.addf %parallel_loop3A_374, %parallel_loop3A_405 : vector<16xf32>
      %parallel_loop3A_407 = arith.index_cast %parallel_loop3A_83 : i32 to index
      %parallel_loop3A_408 = arith.constant 640 : index
      %parallel_loop3A_409 = tpu.vector_load %arg9[%parallel_loop3A_407, %parallel_loop3A_408] {strides = array<i32>} : memref<32x1000xf32, #tpu.memory_space<vmem>>, vector<16xf32>,
      %parallel_loop3A_410 = arith.addf %parallel_loop3A_409, %parallel_loop3A_86 : vector<16xf32>
      %parallel_loop3A_411 = arith.constant 0.000000e+00 : f32
      %parallel_loop3A_412 = vector.broadcast %parallel_loop3A_411 : f32 to vector<16xf32>
      %parallel_loop3A_413 = arith.maximumf %parallel_loop3A_410, %parallel_loop3A_412 : vector<16xf32>
      %parallel_loop3A_414 = arith.addf %parallel_loop3A_382, %parallel_loop3A_413 : vector<16xf32>
      %parallel_loop3A_415 = arith.index_cast %parallel_loop3A_83 : i32 to index
      %parallel_loop3A_416 = arith.constant 656 : index
      %parallel_loop3A_417 = tpu.vector_load %arg9[%parallel_loop3A_415, %parallel_loop3A_416] {strides = array<i32>} : memref<32x1000xf32, #tpu.memory_space<vmem>>, vector<16xf32>,
      %parallel_loop3A_418 = arith.addf %parallel_loop3A_417, %parallel_loop3A_86 : vector<16xf32>
      %parallel_loop3A_419 = arith.constant 0.000000e+00 : f32
      %parallel_loop3A_420 = vector.broadcast %parallel_loop3A_419 : f32 to vector<16xf32>
      %parallel_loop3A_421 = arith.maximumf %parallel_loop3A_418, %parallel_loop3A_420 : vector<16xf32>
      %parallel_loop3A_422 = arith.addf %parallel_loop3A_390, %parallel_loop3A_421 : vector<16xf32>
      %parallel_loop3A_423 = arith.index_cast %parallel_loop3A_83 : i32 to index
      %parallel_loop3A_424 = arith.constant 672 : index
      %parallel_loop3A_425 = tpu.vector_load %arg9[%parallel_loop3A_423, %parallel_loop3A_424] {strides = array<i32>} : memref<32x1000xf32, #tpu.memory_space<vmem>>, vector<16xf32>,
      %parallel_loop3A_426 = arith.addf %parallel_loop3A_425, %parallel_loop3A_86 : vector<16xf32>
      %parallel_loop3A_427 = arith.constant 0.000000e+00 : f32
      %parallel_loop3A_428 = vector.broadcast %parallel_loop3A_427 : f32 to vector<16xf32>
      %parallel_loop3A_429 = arith.maximumf %parallel_loop3A_426, %parallel_loop3A_428 : vector<16xf32>
      %parallel_loop3A_430 = arith.addf %parallel_loop3A_398, %parallel_loop3A_429 : vector<16xf32>
      %parallel_loop3A_431 = arith.index_cast %parallel_loop3A_83 : i32 to index
      %parallel_loop3A_432 = arith.constant 688 : index
      %parallel_loop3A_433 = tpu.vector_load %arg9[%parallel_loop3A_431, %parallel_loop3A_432] {strides = array<i32>} : memref<32x1000xf32, #tpu.memory_space<vmem>>, vector<16xf32>,
      %parallel_loop3A_434 = arith.addf %parallel_loop3A_433, %parallel_loop3A_86 : vector<16xf32>
      %parallel_loop3A_435 = arith.constant 0.000000e+00 : f32
      %parallel_loop3A_436 = vector.broadcast %parallel_loop3A_435 : f32 to vector<16xf32>
      %parallel_loop3A_437 = arith.maximumf %parallel_loop3A_434, %parallel_loop3A_436 : vector<16xf32>
      %parallel_loop3A_438 = arith.addf %parallel_loop3A_406, %parallel_loop3A_437 : vector<16xf32>
      %parallel_loop3A_439 = arith.index_cast %parallel_loop3A_83 : i32 to index
      %parallel_loop3A_440 = arith.constant 704 : index
      %parallel_loop3A_441 = tpu.vector_load %arg9[%parallel_loop3A_439, %parallel_loop3A_440] {strides = array<i32>} : memref<32x1000xf32, #tpu.memory_space<vmem>>, vector<16xf32>,
      %parallel_loop3A_442 = arith.addf %parallel_loop3A_441, %parallel_loop3A_86 : vector<16xf32>
      %parallel_loop3A_443 = arith.constant 0.000000e+00 : f32
      %parallel_loop3A_444 = vector.broadcast %parallel_loop3A_443 : f32 to vector<16xf32>
      %parallel_loop3A_445 = arith.maximumf %parallel_loop3A_442, %parallel_loop3A_444 : vector<16xf32>
      %parallel_loop3A_446 = arith.addf %parallel_loop3A_414, %parallel_loop3A_445 : vector<16xf32>
      %parallel_loop3A_447 = arith.index_cast %parallel_loop3A_83 : i32 to index
      %parallel_loop3A_448 = arith.constant 720 : index
      %parallel_loop3A_449 = tpu.vector_load %arg9[%parallel_loop3A_447, %parallel_loop3A_448] {strides = array<i32>} : memref<32x1000xf32, #tpu.memory_space<vmem>>, vector<16xf32>,
      %parallel_loop3A_450 = arith.addf %parallel_loop3A_449, %parallel_loop3A_86 : vector<16xf32>
      %parallel_loop3A_451 = arith.constant 0.000000e+00 : f32
      %parallel_loop3A_452 = vector.broadcast %parallel_loop3A_451 : f32 to vector<16xf32>
      %parallel_loop3A_453 = arith.maximumf %parallel_loop3A_450, %parallel_loop3A_452 : vector<16xf32>
      %parallel_loop3A_454 = arith.addf %parallel_loop3A_422, %parallel_loop3A_453 : vector<16xf32>
      %parallel_loop3A_455 = arith.index_cast %parallel_loop3A_83 : i32 to index
      %parallel_loop3A_456 = arith.constant 736 : index
      %parallel_loop3A_457 = tpu.vector_load %arg9[%parallel_loop3A_455, %parallel_loop3A_456] {strides = array<i32>} : memref<32x1000xf32, #tpu.memory_space<vmem>>, vector<16xf32>,
      %parallel_loop3A_458 = arith.addf %parallel_loop3A_457, %parallel_loop3A_86 : vector<16xf32>
      %parallel_loop3A_459 = arith.constant 0.000000e+00 : f32
      %parallel_loop3A_460 = vector.broadcast %parallel_loop3A_459 : f32 to vector<16xf32>
      %parallel_loop3A_461 = arith.maximumf %parallel_loop3A_458, %parallel_loop3A_460 : vector<16xf32>
      %parallel_loop3A_462 = arith.addf %parallel_loop3A_430, %parallel_loop3A_461 : vector<16xf32>
      %parallel_loop3A_463 = arith.index_cast %parallel_loop3A_83 : i32 to index
      %parallel_loop3A_464 = arith.constant 752 : index
      %parallel_loop3A_465 = tpu.vector_load %arg9[%parallel_loop3A_463, %parallel_loop3A_464] {strides = array<i32>} : memref<32x1000xf32, #tpu.memory_space<vmem>>, vector<16xf32>,
      %parallel_loop3A_466 = arith.addf %parallel_loop3A_465, %parallel_loop3A_86 : vector<16xf32>
      %parallel_loop3A_467 = arith.constant 0.000000e+00 : f32
      %parallel_loop3A_468 = vector.broadcast %parallel_loop3A_467 : f32 to vector<16xf32>
      %parallel_loop3A_469 = arith.maximumf %parallel_loop3A_466, %parallel_loop3A_468 : vector<16xf32>
      %parallel_loop3A_470 = arith.addf %parallel_loop3A_438, %parallel_loop3A_469 : vector<16xf32>
      %parallel_loop3A_471 = arith.index_cast %parallel_loop3A_83 : i32 to index
      %parallel_loop3A_472 = arith.constant 768 : index
      %parallel_loop3A_473 = tpu.vector_load %arg9[%parallel_loop3A_471, %parallel_loop3A_472] {strides = array<i32>} : memref<32x1000xf32, #tpu.memory_space<vmem>>, vector<16xf32>,
      %parallel_loop3A_474 = arith.addf %parallel_loop3A_473, %parallel_loop3A_86 : vector<16xf32>
      %parallel_loop3A_475 = arith.constant 0.000000e+00 : f32
      %parallel_loop3A_476 = vector.broadcast %parallel_loop3A_475 : f32 to vector<16xf32>
      %parallel_loop3A_477 = arith.maximumf %parallel_loop3A_474, %parallel_loop3A_476 : vector<16xf32>
      %parallel_loop3A_478 = arith.addf %parallel_loop3A_446, %parallel_loop3A_477 : vector<16xf32>
      %parallel_loop3A_479 = arith.index_cast %parallel_loop3A_83 : i32 to index
      %parallel_loop3A_480 = arith.constant 784 : index
      %parallel_loop3A_481 = tpu.vector_load %arg9[%parallel_loop3A_479, %parallel_loop3A_480] {strides = array<i32>} : memref<32x1000xf32, #tpu.memory_space<vmem>>, vector<16xf32>,
      %parallel_loop3A_482 = arith.addf %parallel_loop3A_481, %parallel_loop3A_86 : vector<16xf32>
      %parallel_loop3A_483 = arith.constant 0.000000e+00 : f32
      %parallel_loop3A_484 = vector.broadcast %parallel_loop3A_483 : f32 to vector<16xf32>
      %parallel_loop3A_485 = arith.maximumf %parallel_loop3A_482, %parallel_loop3A_484 : vector<16xf32>
      %parallel_loop3A_486 = arith.addf %parallel_loop3A_454, %parallel_loop3A_485 : vector<16xf32>
      %parallel_loop3A_487 = arith.index_cast %parallel_loop3A_83 : i32 to index
      %parallel_loop3A_488 = arith.constant 800 : index
      %parallel_loop3A_489 = tpu.vector_load %arg9[%parallel_loop3A_487, %parallel_loop3A_488] {strides = array<i32>} : memref<32x1000xf32, #tpu.memory_space<vmem>>, vector<16xf32>,
      %parallel_loop3A_490 = arith.addf %parallel_loop3A_489, %parallel_loop3A_86 : vector<16xf32>
      %parallel_loop3A_491 = arith.constant 0.000000e+00 : f32
      %parallel_loop3A_492 = vector.broadcast %parallel_loop3A_491 : f32 to vector<16xf32>
      %parallel_loop3A_493 = arith.maximumf %parallel_loop3A_490, %parallel_loop3A_492 : vector<16xf32>
      %parallel_loop3A_494 = arith.addf %parallel_loop3A_462, %parallel_loop3A_493 : vector<16xf32>
      %parallel_loop3A_495 = arith.index_cast %parallel_loop3A_83 : i32 to index
      %parallel_loop3A_496 = arith.constant 816 : index
      %parallel_loop3A_497 = tpu.vector_load %arg9[%parallel_loop3A_495, %parallel_loop3A_496] {strides = array<i32>} : memref<32x1000xf32, #tpu.memory_space<vmem>>, vector<16xf32>,
      %parallel_loop3A_498 = arith.addf %parallel_loop3A_497, %parallel_loop3A_86 : vector<16xf32>
      %parallel_loop3A_499 = arith.constant 0.000000e+00 : f32
      %parallel_loop3A_500 = vector.broadcast %parallel_loop3A_499 : f32 to vector<16xf32>
      %parallel_loop3A_501 = arith.maximumf %parallel_loop3A_498, %parallel_loop3A_500 : vector<16xf32>
      %parallel_loop3A_502 = arith.addf %parallel_loop3A_470, %parallel_loop3A_501 : vector<16xf32>
      %parallel_loop3A_503 = arith.index_cast %parallel_loop3A_83 : i32 to index
      %parallel_loop3A_504 = arith.constant 832 : index
      %parallel_loop3A_505 = tpu.vector_load %arg9[%parallel_loop3A_503, %parallel_loop3A_504] {strides = array<i32>} : memref<32x1000xf32, #tpu.memory_space<vmem>>, vector<16xf32>,
      %parallel_loop3A_506 = arith.addf %parallel_loop3A_505, %parallel_loop3A_86 : vector<16xf32>
      %parallel_loop3A_507 = arith.constant 0.000000e+00 : f32
      %parallel_loop3A_508 = vector.broadcast %parallel_loop3A_507 : f32 to vector<16xf32>
      %parallel_loop3A_509 = arith.maximumf %parallel_loop3A_506, %parallel_loop3A_508 : vector<16xf32>
      %parallel_loop3A_510 = arith.addf %parallel_loop3A_478, %parallel_loop3A_509 : vector<16xf32>
      %parallel_loop3A_511 = arith.index_cast %parallel_loop3A_83 : i32 to index
      %parallel_loop3A_512 = arith.constant 848 : index
      %parallel_loop3A_513 = tpu.vector_load %arg9[%parallel_loop3A_511, %parallel_loop3A_512] {strides = array<i32>} : memref<32x1000xf32, #tpu.memory_space<vmem>>, vector<16xf32>,
      %parallel_loop3A_514 = arith.addf %parallel_loop3A_513, %parallel_loop3A_86 : vector<16xf32>
      %parallel_loop3A_515 = arith.constant 0.000000e+00 : f32
      %parallel_loop3A_516 = vector.broadcast %parallel_loop3A_515 : f32 to vector<16xf32>
      %parallel_loop3A_517 = arith.maximumf %parallel_loop3A_514, %parallel_loop3A_516 : vector<16xf32>
      %parallel_loop3A_518 = arith.addf %parallel_loop3A_486, %parallel_loop3A_517 : vector<16xf32>
      %parallel_loop3A_519 = arith.index_cast %parallel_loop3A_83 : i32 to index
      %parallel_loop3A_520 = arith.constant 864 : index
      %parallel_loop3A_521 = tpu.vector_load %arg9[%parallel_loop3A_519, %parallel_loop3A_520] {strides = array<i32>} : memref<32x1000xf32, #tpu.memory_space<vmem>>, vector<16xf32>,
      %parallel_loop3A_522 = arith.addf %parallel_loop3A_521, %parallel_loop3A_86 : vector<16xf32>
      %parallel_loop3A_523 = arith.constant 0.000000e+00 : f32
      %parallel_loop3A_524 = vector.broadcast %parallel_loop3A_523 : f32 to vector<16xf32>
      %parallel_loop3A_525 = arith.maximumf %parallel_loop3A_522, %parallel_loop3A_524 : vector<16xf32>
      %parallel_loop3A_526 = arith.addf %parallel_loop3A_494, %parallel_loop3A_525 : vector<16xf32>
      %parallel_loop3A_527 = arith.index_cast %parallel_loop3A_83 : i32 to index
      %parallel_loop3A_528 = arith.constant 880 : index
      %parallel_loop3A_529 = tpu.vector_load %arg9[%parallel_loop3A_527, %parallel_loop3A_528] {strides = array<i32>} : memref<32x1000xf32, #tpu.memory_space<vmem>>, vector<16xf32>,
      %parallel_loop3A_530 = arith.addf %parallel_loop3A_529, %parallel_loop3A_86 : vector<16xf32>
      %parallel_loop3A_531 = arith.constant 0.000000e+00 : f32
      %parallel_loop3A_532 = vector.broadcast %parallel_loop3A_531 : f32 to vector<16xf32>
      %parallel_loop3A_533 = arith.maximumf %parallel_loop3A_530, %parallel_loop3A_532 : vector<16xf32>
      %parallel_loop3A_534 = arith.addf %parallel_loop3A_502, %parallel_loop3A_533 : vector<16xf32>
      %parallel_loop3A_535 = arith.index_cast %parallel_loop3A_83 : i32 to index
      %parallel_loop3A_536 = arith.constant 896 : index
      %parallel_loop3A_537 = tpu.vector_load %arg9[%parallel_loop3A_535, %parallel_loop3A_536] {strides = array<i32>} : memref<32x1000xf32, #tpu.memory_space<vmem>>, vector<16xf32>,
      %parallel_loop3A_538 = arith.addf %parallel_loop3A_537, %parallel_loop3A_86 : vector<16xf32>
      %parallel_loop3A_539 = arith.constant 0.000000e+00 : f32
      %parallel_loop3A_540 = vector.broadcast %parallel_loop3A_539 : f32 to vector<16xf32>
      %parallel_loop3A_541 = arith.maximumf %parallel_loop3A_538, %parallel_loop3A_540 : vector<16xf32>
      %parallel_loop3A_542 = arith.addf %parallel_loop3A_510, %parallel_loop3A_541 : vector<16xf32>
      %parallel_loop3A_543 = arith.index_cast %parallel_loop3A_83 : i32 to index
      %parallel_loop3A_544 = arith.constant 912 : index
      %parallel_loop3A_545 = tpu.vector_load %arg9[%parallel_loop3A_543, %parallel_loop3A_544] {strides = array<i32>} : memref<32x1000xf32, #tpu.memory_space<vmem>>, vector<16xf32>,
      %parallel_loop3A_546 = arith.addf %parallel_loop3A_545, %parallel_loop3A_86 : vector<16xf32>
      %parallel_loop3A_547 = arith.constant 0.000000e+00 : f32
      %parallel_loop3A_548 = vector.broadcast %parallel_loop3A_547 : f32 to vector<16xf32>
      %parallel_loop3A_549 = arith.maximumf %parallel_loop3A_546, %parallel_loop3A_548 : vector<16xf32>
      %parallel_loop3A_550 = arith.addf %parallel_loop3A_518, %parallel_loop3A_549 : vector<16xf32>
      %parallel_loop3A_551 = arith.index_cast %parallel_loop3A_83 : i32 to index
      %parallel_loop3A_552 = arith.constant 928 : index
      %parallel_loop3A_553 = tpu.vector_load %arg9[%parallel_loop3A_551, %parallel_loop3A_552] {strides = array<i32>} : memref<32x1000xf32, #tpu.memory_space<vmem>>, vector<16xf32>,
      %parallel_loop3A_554 = arith.addf %parallel_loop3A_553, %parallel_loop3A_86 : vector<16xf32>
      %parallel_loop3A_555 = arith.constant 0.000000e+00 : f32
      %parallel_loop3A_556 = vector.broadcast %parallel_loop3A_555 : f32 to vector<16xf32>
      %parallel_loop3A_557 = arith.maximumf %parallel_loop3A_554, %parallel_loop3A_556 : vector<16xf32>
      %parallel_loop3A_558 = arith.addf %parallel_loop3A_526, %parallel_loop3A_557 : vector<16xf32>
      %parallel_loop3A_559 = arith.index_cast %parallel_loop3A_83 : i32 to index
      %parallel_loop3A_560 = arith.constant 944 : index
      %parallel_loop3A_561 = tpu.vector_load %arg9[%parallel_loop3A_559, %parallel_loop3A_560] {strides = array<i32>} : memref<32x1000xf32, #tpu.memory_space<vmem>>, vector<16xf32>,
      %parallel_loop3A_562 = arith.addf %parallel_loop3A_561, %parallel_loop3A_86 : vector<16xf32>
      %parallel_loop3A_563 = arith.constant 0.000000e+00 : f32
      %parallel_loop3A_564 = vector.broadcast %parallel_loop3A_563 : f32 to vector<16xf32>
      %parallel_loop3A_565 = arith.maximumf %parallel_loop3A_562, %parallel_loop3A_564 : vector<16xf32>
      %parallel_loop3A_566 = arith.addf %parallel_loop3A_534, %parallel_loop3A_565 : vector<16xf32>
      %parallel_loop3A_567 = arith.index_cast %parallel_loop3A_83 : i32 to index
      %parallel_loop3A_568 = arith.constant 960 : index
      %parallel_loop3A_569 = tpu.vector_load %arg9[%parallel_loop3A_567, %parallel_loop3A_568] {strides = array<i32>} : memref<32x1000xf32, #tpu.memory_space<vmem>>, vector<16xf32>,
      %parallel_loop3A_570 = arith.addf %parallel_loop3A_569, %parallel_loop3A_86 : vector<16xf32>
      %parallel_loop3A_571 = arith.constant 0.000000e+00 : f32
      %parallel_loop3A_572 = vector.broadcast %parallel_loop3A_571 : f32 to vector<16xf32>
      %parallel_loop3A_573 = arith.maximumf %parallel_loop3A_570, %parallel_loop3A_572 : vector<16xf32>
      %parallel_loop3A_574 = arith.addf %parallel_loop3A_542, %parallel_loop3A_573 : vector<16xf32>
      %parallel_loop3A_575 = arith.index_cast %parallel_loop3A_83 : i32 to index
      %parallel_loop3A_576 = arith.constant 976 : index
      %parallel_loop3A_577 = tpu.vector_load %arg9[%parallel_loop3A_575, %parallel_loop3A_576] {strides = array<i32>} : memref<32x1000xf32, #tpu.memory_space<vmem>>, vector<16xf32>,
      %parallel_loop3A_578 = arith.addf %parallel_loop3A_577, %parallel_loop3A_86 : vector<16xf32>
      %parallel_loop3A_579 = arith.constant 0.000000e+00 : f32
      %parallel_loop3A_580 = vector.broadcast %parallel_loop3A_579 : f32 to vector<16xf32>
      %parallel_loop3A_581 = arith.maximumf %parallel_loop3A_578, %parallel_loop3A_580 : vector<16xf32>
      %parallel_loop3A_582 = arith.addf %parallel_loop3A_550, %parallel_loop3A_581 : vector<16xf32>
      %parallel_loop3A_583 = arith.addf %parallel_loop3A_574, %parallel_loop3A_582 : vector<16xf32>
      %parallel_loop3A_584 = arith.addf %parallel_loop3A_558, %parallel_loop3A_566 : vector<16xf32>
      %parallel_loop3A_585 = arith.addf %parallel_loop3A_583, %parallel_loop3A_584 : vector<16xf32>
      %parallel_loop3A_586 = arith.index_cast %parallel_loop3A_83 : i32 to index
      %parallel_loop3A_587 = arith.constant 984 : index
      %parallel_loop3A_588 = tpu.vector_load %arg9[%parallel_loop3A_586, %parallel_loop3A_587] {strides = array<i32>} : memref<32x1000xf32, #tpu.memory_space<vmem>>, vector<16xf32>,
      %parallel_loop3A_589 = arith.addf %parallel_loop3A_588, %parallel_loop3A_86 : vector<16xf32>
      %parallel_loop3A_590 = arith.constant 0.000000e+00 : f32
      %parallel_loop3A_591 = vector.broadcast %parallel_loop3A_590 : f32 to vector<16xf32>
      %parallel_loop3A_592 = arith.maximumf %parallel_loop3A_589, %parallel_loop3A_591 : vector<16xf32>
      %parallel_loop3A_593 = arith.constant 0.000000e+00 : f32
      %parallel_loop3A_594 = vector.broadcast %parallel_loop3A_593 : f32 to vector<16xf32>
      %parallel_loop3A_595 = arith.select %ge3A_7, %parallel_loop3A_592, %parallel_loop3A_594 : vector<16xi1>, vector<16xf32>
      %parallel_loop3A_596 = arith.addf %parallel_loop3A_585, %parallel_loop3A_595 : vector<16xf32>
      %parallel_loop3A_597 = arith.constant true
      %parallel_loop3A_598 = vector.broadcast %parallel_loop3A_597 : i1 to vector<16xi1>
      %parallel_loop3A_599 = tpu.scan <sum>, %parallel_loop3A_596 masked %parallel_loop3A_598 : vector<16xf32>, vector<16xi1> -> vector<16xf32>
      %parallel_loop3A_600 = arith.constant 1.000000e+00 : f32
      %parallel_loop3A_601 = vector.broadcast %parallel_loop3A_600 : f32 to vector<16xf32>
      %parallel_loop3A_602 = arith.subf %parallel_loop3A_599, %parallel_loop3A_601 : vector<16xf32>
      %parallel_loop3A_603 = arith.constant 1.000000e-03 : f32
      %parallel_loop3A_604 = vector.broadcast %parallel_loop3A_603 : f32 to vector<16xf32>
      %parallel_loop3A_605 = arith.mulf %parallel_loop3A_602, %parallel_loop3A_604 : vector<16xf32>
      %parallel_loop3A_606 = arith.constant 480 : i32
      %parallel_loop3A_607 = vector.broadcast %parallel_loop3A_606 : i32 to vector<16xi32>
      %parallel_loop3A_608 = arith.addi %parallel_loop3A_85, %parallel_loop3A_607 : vector<16xi32>
      tpu.vector_store_idx %arg6[%parallel_loop3A_608], %parallel_loop3A_605 masked %eq3A_5 : memref<512xf32, #tpu.memory_space<vmem>>[vector<16xi32>], vector<16xf32>, vector<16xi1>
      scf.yield %parallel_loop3A_84 : i32
    } {sc.loop_unroll_factor = 4 : i64, sc.parallel_access}
    "tpu.region"() ({
      %run_scoped3A = tpu.sem_alloc : memref<!tpu.dma_semaphore, #tpu.memory_space<semaphore_mem>>
      %dma_start3A_83 = tpu.memref_slice %arg4[%mul3A_2] : memref<16384xf32, #tpu.memory_space<hbm>> -> memref<512xf32, #tpu.memory_space<hbm>>
      %dma_start3A_84 = tpu.memref_slice %arg4[%mul3A_2] : memref<16384xf32, #tpu.memory_space<hbm>> -> memref<512xf32, #tpu.memory_space<hbm>>
      tpu.enqueue_dma source(%arg6 : memref<512xf32, #tpu.memory_space<vmem>>) target(%dma_start3A_84 : memref<512xf32, #tpu.memory_space<hbm>>) target_semaphore(%run_scoped3A : memref<!tpu.dma_semaphore, #tpu.memory_space<semaphore_mem>>)
      %dma_wait3A_85 = tpu.memref_slice %arg4[%mul3A_2] : memref<16384xf32, #tpu.memory_space<hbm>> -> memref<512xf32, #tpu.memory_space<hbm>>
      %dma_wait3A_86 = tpu.memref_slice %arg4[%mul3A_2] : memref<16384xf32, #tpu.memory_space<hbm>> -> memref<512xf32, #tpu.memory_space<hbm>>
      tpu.wait_dma2 semaphore(%run_scoped3A : memref<!tpu.dma_semaphore, #tpu.memory_space<semaphore_mem>>) src(%arg6 : memref<512xf32, #tpu.memory_space<vmem>>) dst(%dma_wait3A_86 : memref<512xf32, #tpu.memory_space<hbm>>)
      tpu.yield
    }) : () -> ()
    return
  }
}

</mosaic_0001>

<sc_bundles>
// kernel: kernel.3.cloned.1.call-start
scs
__scs_entry_jumppad:
0x0: {  	(pc) =	sbr.rel $0x88, $3  }
0x1: {  	(tag) =	ssettag $0x0;
	lr =	simm.s32 $0x1  }
0x2: {  	[smem:$0x3F9F] =	sst lr;
	_ =	strace $0xD0000000  }
0x3: {  	_ = 	snop  }
0x4: {  	_ = 	snop  }
0x5: {  	_ = 	snop  }
0x6: {  	_ = 	snop  }
0x7: {  	_ = 	snop  }
__scs_overlays_trampoline_lowered:
0x8: {  	[smem:$0x3FAE] =	sst s0  }
0x9: {  	[smem:$0x3FAF] =	sst s1  }
0xa: {  	[smem:$0x3FB0] =	sst s2  }
0xb: {  	[smem:$0x3FB1] =	sst s3  }
0xc: {  	[smem:$0x3FB2] =	sst s4  }
0xd: {  	[smem:$0x3FB3] =	sst s5  }
0xe: {  	[smem:$0x3FB4] =	sst s6  }
0xf: {  	[smem:$0x3FB5] =	sst s7  }
0x10: {  	[smem:$0x3FB6] =	sst s8  }
0x11: {  	[smem:$0x3FB7] =	sst s9;
	s0 =	simm.s32 @!p0 $0x0  }
0x12: {  	s1 =	sld [smem:$0x3F9D];
	s0 =	simm.s32 @p0 $0x1  }
0x13: {  	[smem:$0x3FB8] =	sst s0;
	s0 =	simm.s32 @!p1 $0x0  }
0x14: {  	s2 =	sld [smem:$0x3F9C];
	s0 =	simm.s32 @p1 $0x1  }
0x15: {  	[smem:$0x3FB9] =	sst s0;
	s0 =	simm.s32 @!p2 $0x0  }
0x16: {  	s3 =	sld [smem:$0x3FDB];
	s0 =	simm.s32 @p2 $0x1  }
0x17: {  	s4 =	simm.s32 $0x1BF5;
	[smem:$0x3FBB] =	sst s0  }
0x18: {  	s0 =	sld [smem:$0x3F9E];
	_ =	swait.ge [sflag:s4], $0x0  }
0x19: {  	s7 =	sld [smem:$0x3F9F]  }
0x1a: {  	s8 =	sadd.s32 $0xFFFFE003, lr  }
0x1b: {  	s9 =	sadd.s32 $0xFFFFFEF7, lr;
	s5 =	simm.s32 $0xFFFFFFFF;
	p2 =	slt.u32 s8, $0xFFFFF086  }
0x1c: {  	p1 =	slt.u32 s9, $0xF7A;
	s5 =	simm.s32 @!p2 $0x0  }
0x1d: {  	s5 =	simm.s32 @p1 $0x1;
	p0 =	seq.s32 s7, s2  }
0x1e: {  	s7 =	smul.u32 @!p0 $0xF7A, s2;
	p2 =	seq.s32 @!p0 s5, $0x0  }
0x1f: {  	s9 =	smul.u32 $0xF7A, s1;
	s8 =	simm.s32 @!p0 $0x1BF5;
	p2 =	por !p2, p0  }
0x20: {  	[sflag:s8] =	ssyncset.s32 @!p0 $0xFFFFF086;
	s6 =	sadd.s32 @!p0 s3, s7;
	s7 =	simm.s32 @!p0 $0x108  }
0x21: {  	s3 =	sadd.s32 s3, s9;
	s6 =	sadd.s32 @!p0 $0x88, s6;
	s7 =	simm.s32 @p2 $0x1082  }
0x22: {  	[simem:s7], [sflag:s8] =	dma.local @!p0 [hbm:s6], $0xF7A  }
0x23: {  	s9 =	sor.u32 $0xD0000000, s2;
	s6 =	simm.s32 $0x108;
	_ =	swait.ge @!p0 [sflag:s8], $0x0  }
0x24: {  	s3 =	sadd.s32 $0x88, s3;
	s6 =	simm.s32 @!p1 $0x1082;
	[sflag:s4] =	ssyncset.s32 $0xFFFFF086  }
0x25: {  	[simem:s6], [sflag:s4] =	dma.local [hbm:s3], $0xF7A  }
0x26: {  	[smem:$0x3F9F] =	sst s1;
	(tag) =	ssettag s2;
	_ =	strace s9  }
0x27: {  	s1 =	sld [smem:$0x3FAF]  }
0x28: {  	s2 =	sld [smem:$0x3FB0]  }
0x29: {  	s4 =	sld [smem:$0x3FB2]  }
0x2a: {  	p0 =	seq.s32 s5, $0x0;
	s5 =	sld [smem:$0x3FB3]  }
0x2b: {  	s6 =	sld [smem:$0x3FB4]  }
0x2c: {  	s7 =	sld [smem:$0x3FB5]  }
0x2d: {  	s3 =	simm.s32 $0x108;
	s8 =	sld [smem:$0x3FB6]  }
0x2e: {  	s3 =	simm.s32 @!p0 $0x1082;
	s9 =	sld [smem:$0x3FB7]  }
0x2f: {  	lr =	sadd.s32 s0, s3;
	s0 =	sld [smem:$0x3FAE]  }
0x30: {  	s3 =	sld [smem:$0x3FB1]  }
0x31: {  	[smem:$0x3FBA] =	sst s10  }
0x32: {  	s10 =	sld [smem:$0x3FB8];
	_ =	sdelay $0x3  }
0x33: {  	p0 =	seq.s32 s10, $0x1;
	s10 =	sld [smem:$0x3FBA];
	_ =	sdelay $0x3  }
0x34: {  	[smem:$0x3FBA] =	sst s10  }
0x35: {  	s10 =	sld [smem:$0x3FB9];
	_ =	sdelay $0x3  }
0x36: {  	p1 =	seq.s32 s10, $0x1;
	s10 =	sld [smem:$0x3FBA];
	_ =	sdelay $0x3  }
0x37: {  	[smem:$0x3FBA] =	sst s10  }
0x38: {  	s10 =	sld [smem:$0x3FBB]  }
0x39: {  	_ = 	snop;
	(pc) =	sbr.ind lr, $3  }
0x3a: {  	_ = 	snop  }
0x3b: {  	_ = 	snop  }
0x3c: {  	p2 =	seq.s32 s10, $0x1;
	s10 =	sld [smem:$0x3FBA]  }
0x3d: {  	_ =	shalt  }
0x3e: {  	_ =	shalt  }
0x3f: {  	_ =	shalt  }
0x40: {  	_ =	shalt  }
0x41: {  	_ =	shalt  }
0x42: {  	_ =	shalt  }
0x43: {  	_ =	shalt  }
0x44: {  	_ =	shalt  }
0x45: {  	_ =	shalt  }
0x46: {  	_ =	shalt  }
0x47: {  	_ =	shalt  }
0x48: {  	_ =	shalt  }
0x49: {  	_ =	shalt  }
0x4a: {  	_ =	shalt  }
0x4b: {  	_ =	shalt  }
0x4c: {  	_ =	shalt  }
0x4d: {  	_ =	shalt  }
0x4e: {  	_ =	shalt  }
0x4f: {  	_ =	shalt  }
0x50: {  	_ =	shalt  }
0x51: {  	_ =	shalt  }
0x52: {  	_ =	shalt  }
0x53: {  	_ =	shalt  }
0x54: {  	_ =	shalt  }
0x55: {  	_ =	shalt  }
0x56: {  	_ =	shalt  }
0x57: {  	_ =	shalt  }
0x58: {  	_ =	shalt  }
0x59: {  	_ =	shalt  }
0x5a: {  	_ =	shalt  }
0x5b: {  	_ =	shalt  }
0x5c: {  	_ =	shalt  }
0x5d: {  	_ =	shalt  }
0x5e: {  	_ =	shalt  }
0x5f: {  	_ =	shalt  }
0x60: {  	_ =	shalt  }
0x61: {  	_ =	shalt  }
0x62: {  	_ =	shalt  }
0x63: {  	_ =	shalt  }
0x64: {  	_ =	shalt  }
0x65: {  	_ =	shalt  }
0x66: {  	_ =	shalt  }
0x67: {  	_ =	shalt  }
0x68: {  	_ =	shalt  }
0x69: {  	_ =	shalt  }
0x6a: {  	_ =	shalt  }
0x6b: {  	_ =	shalt  }
0x6c: {  	_ =	shalt  }
0x6d: {  	_ =	shalt  }
0x6e: {  	_ =	shalt  }
0x6f: {  	_ =	shalt  }
0x70: {  	_ =	shalt  }
0x71: {  	_ =	shalt  }
0x72: {  	_ =	shalt  }
0x73: {  	_ =	shalt  }
0x74: {  	_ =	shalt  }
0x75: {  	_ =	shalt  }
0x76: {  	_ =	shalt  }
0x77: {  	_ =	shalt  }
0x78: {  	_ =	shalt  }
0x79: {  	_ =	shalt  }
0x7a: {  	_ =	shalt  }
0x7b: {  	_ =	shalt  }
0x7c: {  	_ =	shalt  }
0x7d: {  	_ =	shalt  }
0x7e: {  	_ =	shalt  }
0x7f: {  	_ =	shalt  }
0x80: {  	_ =	shalt  }
0x81: {  	_ =	shalt  }
0x82: {  	_ =	shalt  }
0x83: {  	_ =	shalt  }
0x84: {  	_ =	shalt  }
0x85: {  	_ =	shalt  }
0x86: {  	_ =	shalt  }
0x87: {  	_ =	shalt  }
.Lfunc_end0:
.L_simem_size_0:
called_computation_lowered:
.L_overlay_start_0:
0x88: {  	s2 =	sld [smem:$0x3FD9]  }
0x89: {  	s3 =	sld [smem:$0x3FFE];
	_ =	sdelay $0x1  }
0x8a: {  	s1 =	srdreg.scid  }
0x8b: {  	s0 =	sand.u32 $0x1, s1  }
0x8c: {  	s17 =	sshll.u32 s0, $0xA;
	s2 =	sadd.s32 s3, s2  }
0x8d: {  	s2 =	sadd.s32 s2, s17  }
0x8e: {  	[smem:$0x3FC6] =	sst s2  }
0x8f: {  	_ = 	snop  }
0x90: {  	s2 =	sld [smem:$0x3FC8]  }
0x91: {  	s18 =	sld [smem:$0x3FD0];
	(tm) =	ssettm $0x1  }
0x92: {  	s4 =	sld [smem:$0x3FFB];
	_ =	sdelay $0x3  }
0x93: {  	_ =	strace s4  }
0x94: {  	s4 =	sld [smem:$0x3FFC];
	_ =	sdelay $0x3  }
0x95: {  	_ =	strace s4  }
0x96: {  	s4 =	sld [smem:$0x3FFD];
	_ =	sdelay $0x3  }
0x97: {  	_ =	strace s4  }
0x98: {  	_ =	strace $0x8FFFFFFF  }
0x99: {  	s19 =	sld [smem:$0x3FDB];
	_ =	sdelay $0x1  }
0x9a: {  	s5 =	simm.s32 $_scs_section_size  }
0x9b: {  	s6 =	simm.s32 $_size__tile_overlayer_lowered;
	s7 =	simm.s32 $_tile_overlayer_lowered  }
0x9c: {  	s22 =	simm.s32 $0x1BFF;
	s21 =	sshll.u32 s7, $0x1;
	s4 =	sadd.s32 s5, s19  }
0x9d: {  	s8 =	simm.s32 $0x0;
	s20 =	sshll.u32 s6, $0x1;
	s6 =	sadd.s32 s21, s4  }
0x9e: {  	[timem:s8], [sflag:s22] =	dma.local [hbm:s6], s20  }
0x9f: {  	_ =	swait.ge [sflag:s22], s20  }
0xa0: {  	s5 =	ssub.s32 $0x0, s20;
	[sflag:s22] =	ssyncset.done $0x0  }
0xa1: {  	[sflag:s22] =	ssyncadd.s32 s5;
	_ =	sdelay $0x1  }
0xa2: {  	s23 =	simm.s32 $0x1B8B  }
0xa3: {  	_ =	swait.ge [sflag:s23], $0x1  }
0xa4: {  	[sflag:s23] =	ssyncset.done $0x0  }
0xa5: {  	s25 =	simm.s32 $0x1B8E;
	s24 =	sld [smem:$0x3FFE];
	[sflag:s23] =	ssyncadd.s32 $0xFFFFFFFF  }
0xa6: {  	s26 =	simm.s32 $execute0_lowered;
	[smem:$0x3FD2] =	sst s25  }
0xa7: {  	s6 =	sshll.u32 s26, $0x1;
	_ =	strace $0x80000046;
	[dreg:$0x1] =	wrdreg $0xFFFFFFFF  }
0xa8: {  	s28 =	simm.s32 $_size_execute0_lowered;
	s4 =	sadd.s32 s4, s6;
	[dreg:$0x0] =	wrdreg $0x0  }
0xa9: {  	s6 =	sshll.u32 s28, $0x1;
	[dreg:$0x2] =	wrdreg s4  }
0xaa: {  	[dreg:$0x3] =	wrdreg s6  }
0xab: {  	[dreg:$0x4] =	wrdreg $0xC0  }
0xac: {  	_ =	task [dreg:s8], $0x5FFFF  }
0xad: {  	[dreg:$0x1] =	wrdreg $0xFFFFFFFF  }
0xae: {  	[dreg:$0x0] =	wrdreg $0x60  }
0xaf: {  	[dreg:$0x2] =	wrdreg s24  }
0xb0: {  	[dreg:$0x3] =	wrdreg s2  }
0xb1: {  	[dreg:$0x4] =	wrdreg s18  }
0xb2: {  	[dreg:$0x5] =	wrdreg $0x9  }
0xb3: {  	_ =	task.clear_ibuf [dreg:s8], $0x6FFFF;
	_ =	strace $0x90000046  }
0xb4: {  	s29 =	simm.s32 $0x9;
	_ =	strace $0x80000048  }
0xb5: {  	_ =	swait.ge [sflag:s29], $0x1  }
0xb6: {  	[sflag:s29] =	ssyncadd.s32 $0xFFFFFFFF  }
0xb7: {  	_ =	strace $0x90000048  }
0xb8: {  	_ =	sfence  }
0xb9: {  	s30 =	sld [smem:$0x0];
	_ =	sdelay $0x2  }
0xba: {  	s31 =	sshll.u32 s1, $0xD;
	s1 =	sshrl.u32 s1, $0x2  }
0xbb: {  	s3 =	sand.u32 $0x4000, s31;
	s1 =	sadd.s32 s1, s30  }
0xbc: {  	s0 =	sor.u32 s3, s0;
	s1 =	sshll.u32 s1, $0x11  }
0xbd: {  	s0 =	sor.u32 s1, s0  }
0xbe: {  	s0 =	sadd.s32 $0x8F2B, s0  }
0xbf: {  	[sflag:s0] =	ssyncadd.remote.s32 $0x1  }
0xc0: {  	_ =	sfence.sel $0xFFFF  }
0xc1: {  	[dreg:$0x0] =	wrdreg $0xFFFFFFFF;
	(pc) =	sbr.abs _section_cstart, $3  }
0xc2: {  	[dreg:$0x1] =	wrdreg $0xFFFFFFFF  }
0xc3: {  	_ =	task.clear_ibuf [dreg:s8], $0x2FFFF;
	_ =	strace $0x9FFFFFFF  }
0xc4: {  	(tm) =	ssettm $0x7FFFFFFF  }
0xc5: {  	_ =	shalt  }
tec
execute0_lowered:
.L_overlay_start_1:
0x0: {  	(tag) =	ssettag $0x1  }
0x1: {  	v0 =	vimm.s32 $0x2380  }
0x2: {  	vm0 =	vcmask $0x300;
	vm1 =	vcmask $0x704;
	v1 =	vimm.s32 $0x6380  }
0x3: {  	vm2 =	vcmask $0xB08;
	v0 =	vsel vm0, $0x0, v0;
	v1 =	vsel vm0, $0x4000, v1  }
0x4: {  	vm0 =	vcmask $0xF0C;
	v0 =	vsel vm1, $0x80, v0;
	v1 =	vsel vm1, $0x4080, v1  }
0x5: {  	s0 =	rddreg [dreg:$0x0];
	vm1 =	vcmask $0x1310;
	v0 =	vsel vm2, $0x100, v0;
	v1 =	vsel vm2, $0x4100, v1  }
0x6: {  	s1 =	rddreg [dreg:$0x1];
	vm2 =	vcmask $0x1714;
	v0 =	vsel vm0, $0x180, v0;
	v1 =	vsel vm0, $0x4180, v1  }
0x7: {  	s9 =	rddreg [dreg:$0x2];
	vm0 =	vcmask $0x1B18;
	v0 =	vsel vm1, $0x200, v0;
	v1 =	vsel vm1, $0x4200, v1  }
0x8: {  	s3 =	srdreg.scid;
	s2 =	simm.s32 $0x0;
	s5 =	stileid.u32;
	vm1 =	vcmask $0x1F1C;
	v0 =	vsel vm2, $0x280, v0;
	v1 =	vsel vm2, $0x4280, v1  }
0x9: {  	s11 =	simm.s32 $0x3;
	s12 =	simm.s32 $0x480;
	s13 =	simm.s32 $0x8480;
	vm2 =	vcmask $0x2320;
	v0 =	vsel vm0, $0x300, v0;
	v1 =	vsel vm0, $0x4300, v1  }
0xa: {  	s14 =	simm.s32 $0x1;
	s15 =	simm.s32 $0x400;
	s16 =	simm.s32 $0x200;
	vm0 =	vcmask $0x2724;
	v0 =	vsel vm1, $0x380, v0;
	v1 =	vsel vm1, $0x4380, v1  }
0xb: {  	s17 =	simm.s32 $0x2;
	s18 =	simm.s32 $0x0;
	s4 =	sand.u32 $0x1, s3;
	vm1 =	vcmask $0x2B28;
	v0 =	vsel vm2, $0x2000, v0;
	v1 =	vsel vm2, $0x6000, v1  }
0xc: {  	[smem:$0x7FF] =	sst s2;
	s26 =	sshll.u32 s5, $0xA;
	s28 =	sshll.u32 s4, $0x9;
	vm2 =	vcmask $0x2F2C;
	v0 =	vsel vm0, $0x2080, v0;
	v1 =	vsel vm0, $0x6080, v1  }
0xd: {  	s3 =	sadd.s32 $0x400, s0;
	s29 =	ssub.s32 $0x2, s4;
	s8 =	sor.u32 s28, s26;
	vm0 =	vcmask $0x3330;
	v0 =	vsel vm1, $0x2100, v0;
	v1 =	vsel vm1, $0x6100, v1  }
0xe: {  	_ =	strace $0x80000047;
	s31 =	sshrl.u32 s29, $0x1;
	s30 =	sshll.u32 s8, $0x7;
	vm1 =	vcmask $0x3734;
	v0 =	vsel vm2, $0x2180, v0;
	v1 =	vsel vm2, $0x6180, v1  }
0xf: {  	s10 =	sshrl.u32 s8, $0x3;
	s0 =	ssub.s32 s29, s31;
	s7 =	sor.u32 $0x40, s8;
	vm2 =	vcmask $0x3B38;
	v0 =	vsel vm0, $0x2200, v0;
	v1 =	vsel vm0, $0x6200, v1  }
0x10: {  	s8 =	sor.u32 $0x60, s8;
	s4 =	sadd.s32 s3, s30;
	s5 =	sadd.s32 s1, s10;
	vm0 =	vmmov $0xff;
	v0 =	vsel vm1, $0x2280, v0;
	v1 =	vsel vm1, $0x6280, v1  }
0x11: {  	s9 =	sadd.s32 s9, s10;
	s10 =	smax.u32 s0, $0x1;
	s6 =	sadd.s32 $0x1000, s4;
	vm1 =	vcmask $0x3F3C;
	v0 =	vsel vm2, $0x2300, v0;
	v1 =	vsel vm2, $0x6300, v1  }
.LBB2_1:
0x12: {  	[tilespmem:s2], [sflag:$0x3] =	stream.linear.gather [hbm4b:s5+s2], $0x200, $0x38;
	[tilespmem:$0x10480] =	vst v63  }
0x13: {  	_ =	swait.ge [sflag:s11], $0x200  }
0x14: {  	[sflag:s11] =	ssyncset.done $0x0  }
0x15: {  	[sflag:s11] =	ssyncadd.s32 $0xFFFFFE00  }
0x16: {  	[tilespmem:s12], [sflag:$0x1] =	stream.linear.gather [hbm4b:s4+s2], $0x8000, $0x38;
	[tilespmem:$0x10480] =	vst v63  }
0x17: {  	s19 =	simm.s32 $0x0  }
0x18: {  	[tilespmem:s13], [sflag:$0x2] =	stream.linear.gather [hbm4b:s6+s2], $0x8000, $0x38;
	[tilespmem:$0x10480] =	vst v63  }
.LBB2_2:
0x19: {  	_ =	swait.ge [sflag:s14], $0x8000  }
0x1a: {  	[sflag:s14] =	ssyncset.done $0x0  }
0x1b: {  	s20 =	sshll.u32 s19, $0x6;
	[sflag:s14] =	ssyncadd.s32 $0xFFFF8000  }
0x1c: {  	v2 =	vld [tilespmem:s20+$0x0];
	_ =	sdelay $0x4  }
0x1d: {  	v3 =	vshll.u32 v2, $0x3  }
0x1e: {  	v2 =	vand.u32 $0x7F, v2;
	v3 =	vand.u32 $0xFFFFFC00, v3  }
0x1f: {  	v2 =	vor.u32 v2, v3  }
0x20: {  	v2 =	vadd.s32 v0, v2;
	_ =	sdelay $0x4  }
0x21: {  	v2 =	vld.idx.msk [tilespmem:v2+s12+$0x0], $0xffff;
	_ =	sdelay $0x4  }
0x22: {  	v2 =	vsub.f32 $1.000000000e+00, v2;
	_ =	sdelay $0x1  }
0x23: {  	[tilespmem:$0x400] =	vst v2  }
0x24: {  	v2 =	vld [tilespmem:s20+$0x10];
	_ =	sdelay $0x4  }
0x25: {  	v3 =	vshll.u32 v2, $0x3  }
0x26: {  	v2 =	vand.u32 $0x7F, v2;
	v3 =	vand.u32 $0xFFFFFC00, v3  }
0x27: {  	v2 =	vor.u32 v2, v3  }
0x28: {  	v2 =	vadd.s32 v1, v2;
	_ =	sdelay $0x4  }
0x29: {  	v2 =	vld.idx.msk [tilespmem:v2+s12+$0x0], $0xffff;
	_ =	sdelay $0x4  }
0x2a: {  	v2 =	vsub.f32 $1.000000000e+00, v2  }
0x2b: {  	s21 =	simm.s32 $0x180;
	s22 =	simm.s32 $0x0;
	p0 =	por $0x0, $0x0  }
0x2c: {  	s23 =	simm.s32 $0x0;
	s24 =	simm.s32 $0x0;
	s25 =	simm.s32 $0x0;
	[tilespmem:$0x410] =	vst v2;
	v2 =	vmov s20  }
.LBB2_3:
0x2d: {  	s0 =	sand.u32 $0x6000, s23;
	s1 =	sadd.s32 $0xFFFFFE80, s21  }
0x2e: {  	s1 =	sand.u32 $0x200, s1;
	s28 =	sor.u32 $0x480, s0  }
0x2f: {  	s0 =	sor.u32 s1, s28  }
0x30: {  	v4 =	vld [tilespmem:s0+$0x0]  }
0x31: {  	v5 =	vld [tilespmem:s0+$0x10]  }
0x32: {  	v6 =	vld [tilespmem:s0+$0x20]  }
0x33: {  	v7 =	vld [tilespmem:s0+$0x30]  }
0x34: {  	v8 =	vld [tilespmem:s0+$0x40]  }
0x35: {  	v9 =	vld [tilespmem:s0+$0x50]  }
0x36: {  	v10 =	vld [tilespmem:s0+$0x60]  }
0x37: {  	v11 =	vld [tilespmem:s0+$0x70]  }
0x38: {  	v12 =	vld [tilespmem:s0+$0x400]  }
0x39: {  	v13 =	vld [tilespmem:s0+$0x410]  }
0x3a: {  	v14 =	vld [tilespmem:s0+$0x420]  }
0x3b: {  	v22 =	vld [tilespmem:s0+$0x430]  }
0x3c: {  	v15 =	vld [tilespmem:s0+$0x440]  }
0x3d: {  	v23 =	vld [tilespmem:s0+$0x450]  }
0x3e: {  	v3 =	vmov s25;
	v27 =	vld [tilespmem:s0+$0x460]  }
0x3f: {  	v28 =	vld [tilespmem:s0+$0x470]  }
0x40: {  	v31 =	vld [tilespmem:s0+$0x800]  }
0x41: {  	v32 =	vld [tilespmem:s0+$0x810]  }
0x42: {  	v35 =	vld [tilespmem:s0+$0x820]  }
0x43: {  	v3 =	vld.idx.msk [tilespmem:v3+s15+$0x0], $0xffff  }
0x44: {  	v36 =	vld [tilespmem:s0+$0x830]  }
0x45: {  	v38 =	vld [tilespmem:s0+$0x840]  }
0x46: {  	v40 =	vld [tilespmem:s0+$0x850]  }
0x47: {  	v41 =	vld [tilespmem:s0+$0x860]  }
0x48: {  	v44 =	vld [tilespmem:s0+$0x870];
	v4 =	vadd.f32 v4, v3  }
0x49: {  	v45 =	vld [tilespmem:s0+$0xC00];
	v5 =	vadd.f32 v5, v3;
	v6 =	vadd.f32 v6, v3  }
0x4a: {  	v49 =	vld [tilespmem:s0+$0xC10];
	v7 =	vadd.f32 v7, v3;
	v8 =	vadd.f32 v8, v3  }
0x4b: {  	v50 =	vld [tilespmem:s0+$0xC20];
	v9 =	vadd.f32 v9, v3;
	v10 =	vadd.f32 v10, v3  }
0x4c: {  	v51 =	vld [tilespmem:s0+$0xC30];
	v21 =	vadd.f32 v11, v3;
	v12 =	vadd.f32 v12, v3  }
0x4d: {  	s1 =	simm.s32 $0x1;
	v53 =	vld [tilespmem:s0+$0xC40];
	v25 =	vadd.f32 v13, v3;
	v26 =	vadd.f32 v14, v3  }
0x4e: {  	s1 =	simm.s32 @!p0 $0x0;
	v57 =	vld [tilespmem:s0+$0xC60];
	v11 =	vadd.f32 v22, v3;
	v33 =	vadd.f32 v15, v3  }
0x4f: {  	v54 =	vld [tilespmem:s0+$0xC50];
	s1 =	sshll.u32 s1, $0x9;
	v34 =	vadd.f32 v27, v3;
	v39 =	vadd.f32 v31, v3  }
0x50: {  	v58 =	vld [tilespmem:s0+$0xC70];
	s0 =	sadd.s32 s1, s23;
	v43 =	vadd.f32 v35, v3;
	v47 =	vadd.f32 v36, v3  }
0x51: {  	s31 =	sor.u32 $0x1010, s0;
	v48 =	vadd.f32 v40, v3;
	v52 =	vadd.f32 v44, v3  }
0x52: {  	v63 =	vld [tilespmem:s31+$0x480];
	v56 =	vadd.f32 v49, v3;
	v60 =	vadd.f32 v50, v3  }
0x53: {  	v61 =	vadd.f32 v53, v3;
	v19 =	vadd.f32 v57, v3;
	v4 =	vmax.f32 v4, $0.0e+00  }
0x54: {  	v5 =	vmax.f32 v5, $0.0e+00;
	v6 =	vmax.f32 v6, $0.0e+00;
	v7 =	vmax.f32 v7, $0.0e+00  }
0x55: {  	v8 =	vmax.f32 v8, $0.0e+00;
	v9 =	vmax.f32 v9, $0.0e+00;
	v10 =	vmax.f32 v10, $0.0e+00  }
0x56: {  	s1 =	sor.u32 $0x1000, s0;
	v24 =	vmax.f32 v12, $0.0e+00;
	v29 =	vmax.f32 v25, $0.0e+00;
	v30 =	vmax.f32 v26, $0.0e+00  }
0x57: {  	s26 =	sor.u32 $0x1020, s0;
	v62 =	vld [tilespmem:s1+$0x480];
	v11 =	vmax.f32 v11, $0.0e+00;
	v27 =	vadd.f32 v63, v3;
	v4 =	vadd.f32 $0.0e+00, v4  }
0x58: {  	s29 =	sor.u32 $0x1030, s0;
	v18 =	vld [tilespmem:s26+$0x480];
	v12 =	vmax.f32 v33, $0.0e+00;
	v5 =	vadd.f32 $0.0e+00, v5;
	v6 =	vadd.f32 $0.0e+00, v6  }
0x59: {  	v20 =	vld [tilespmem:s29+$0x480];
	s26 =	sor.u32 $0x1060, s0;
	v37 =	vmax.f32 v34, $0.0e+00;
	v7 =	vadd.f32 $0.0e+00, v7;
	v4 =	vadd.f32 v8, v4  }
0x5a: {  	v42 =	vmax.f32 v39, $0.0e+00;
	v25 =	vld [tilespmem:s26+$0x480];
	s26 =	sor.u32 $0x1420, s0;
	v5 =	vadd.f32 v9, v5;
	v6 =	vadd.f32 v10, v6  }
0x5b: {  	s30 =	sor.u32 $0x1040, s0;
	v33 =	vld [tilespmem:s26+$0x480];
	v8 =	vmax.f32 v21, $0.0e+00;
	v9 =	vadd.f32 v23, v3;
	v10 =	vadd.f32 v32, v3  }
0x5c: {  	s31 =	sor.u32 $0x1050, s0;
	v46 =	vmax.f32 v43, $0.0e+00;
	v21 =	vld [tilespmem:s30+$0x480];
	v23 =	vadd.f32 v62, v3;
	v7 =	vadd.f32 v8, v7  }
0x5d: {  	s29 =	sor.u32 $0x1070, s0;
	v55 =	vmax.f32 v52, $0.0e+00;
	v8 =	vadd.f32 v28, v3;
	v4 =	vadd.f32 v24, v4;
	v24 =	vld [tilespmem:s31+$0x480]  }
0x5e: {  	v59 =	vmax.f32 v56, $0.0e+00;
	s30 =	sor.u32 $0x1400, s0;
	v28 =	vadd.f32 v20, v3;
	v5 =	vadd.f32 v29, v5;
	v29 =	vld [tilespmem:s29+$0x480]  }
0x5f: {  	v22 =	vmax.f32 v19, $0.0e+00;
	v6 =	vadd.f32 v30, v6;
	v30 =	vld [tilespmem:s30+$0x480];
	s31 =	sor.u32 $0x1410, s0;
	v7 =	vadd.f32 v11, v7  }
0x60: {  	v9 =	vmax.f32 v9, $0.0e+00;
	s29 =	sor.u32 $0x1430, s0;
	v11 =	vadd.f32 v38, v3;
	v31 =	vld [tilespmem:s31+$0x480];
	v4 =	vadd.f32 v12, v4  }
0x61: {  	s30 =	sor.u32 $0x1440, s0;
	v8 =	vmax.f32 v8, $0.0e+00;
	v34 =	vld [tilespmem:s29+$0x480];
	v5 =	vadd.f32 v9, v5;
	v6 =	vadd.f32 v37, v6  }
0x62: {  	v10 =	vmax.f32 v10, $0.0e+00;
	s31 =	sor.u32 $0x1450, s0;
	v9 =	vadd.f32 v45, v3;
	v37 =	vld [tilespmem:s30+$0x480];
	v7 =	vadd.f32 v8, v7  }
0x63: {  	v26 =	vmax.f32 v23, $0.0e+00;
	s29 =	sor.u32 $0x1470, s0;
	v38 =	vld [tilespmem:s31+$0x480];
	v8 =	vadd.f32 v41, v3;
	v41 =	vadd.f32 v33, v3  }
0x64: {  	v12 =	vmax.f32 v47, $0.0e+00;
	v43 =	vld [tilespmem:s29+$0x480];
	s30 =	sor.u32 $0x1800, s0;
	v4 =	vadd.f32 v42, v4;
	v5 =	vadd.f32 v10, v5  }
0x65: {  	s29 =	sor.u32 $0x1830, s0;
	v11 =	vmax.f32 v11, $0.0e+00;
	v44 =	vld [tilespmem:s30+$0x480];
	v6 =	vadd.f32 v46, v6;
	v7 =	vadd.f32 v12, v7  }
0x66: {  	s26 =	sor.u32 $0x1460, s0;
	v50 =	vld [tilespmem:s29+$0x480];
	v10 =	vmax.f32 v48, $0.0e+00;
	v32 =	vadd.f32 v24, v3;
	v36 =	vadd.f32 v29, v3  }
0x67: {  	s31 =	sor.u32 $0x1810, s0;
	v42 =	vld [tilespmem:s26+$0x480];
	v8 =	vmax.f32 v8, $0.0e+00;
	v40 =	vadd.f32 v30, v3;
	v4 =	vadd.f32 v11, v4  }
0x68: {  	s29 =	sor.u32 $0x1870, s0;
	v9 =	vmax.f32 v9, $0.0e+00;
	v46 =	vld [tilespmem:s31+$0x480];
	v5 =	vadd.f32 v10, v5;
	v6 =	vadd.f32 v8, v6  }
0x69: {  	s26 =	sor.u32 $0x1820, s0;
	v16 =	vld [tilespmem:s29+$0x480];
	v12 =	vmax.f32 v60, $0.0e+00;
	v11 =	vadd.f32 v51, v3;
	v8 =	vadd.f32 v54, v3  }
0x6a: {  	s29 =	sor.u32 $0x1C30, s0;
	v47 =	vld [tilespmem:s26+$0x480];
	v10 =	vmax.f32 v61, $0.0e+00;
	v7 =	vadd.f32 v55, v7;
	v45 =	vadd.f32 v37, v3  }
0x6b: {  	s30 =	sor.u32 $0x1840, s0;
	v63 =	vld [tilespmem:s29+$0x480];
	v35 =	vmax.f32 v32, $0.0e+00;
	v53 =	vadd.f32 v43, v3;
	v4 =	vadd.f32 v9, v4  }
0x6c: {  	s31 =	sor.u32 $0x1850, s0;
	v51 =	vld [tilespmem:s30+$0x480];
	v39 =	vmax.f32 v36, $0.0e+00;
	v5 =	vadd.f32 v59, v5;
	v6 =	vadd.f32 v12, v6  }
0x6d: {  	s26 =	sor.u32 $0x1860, s0;
	v54 =	vld [tilespmem:s31+$0x480];
	v11 =	vmax.f32 v11, $0.0e+00;
	v9 =	vadd.f32 v58, v3;
	v58 =	vadd.f32 v50, v3  }
0x6e: {  	v56 =	vld [tilespmem:s26+$0x480];
	s26 =	sor.u32 $0x1C20, s0;
	v8 =	vmax.f32 v8, $0.0e+00;
	v7 =	vadd.f32 v11, v7;
	v11 =	vadd.f32 v18, v3  }
0x6f: {  	v61 =	vld [tilespmem:s26+$0x480];
	s26 =	sadd.s32 $0x1, s25;
	v12 =	vmax.f32 v27, $0.0e+00;
	v49 =	vadd.f32 v42, v3;
	v55 =	vadd.f32 v46, v3  }
0x70: {  	v17 =	vmov s26;
	v23 =	vadd.f32 v16, v3;
	v4 =	vadd.f32 v10, v4  }
0x71: {  	v48 =	vmax.f32 v45, $0.0e+00;
	v5 =	vadd.f32 v8, v5;
	v6 =	vadd.f32 v22, v6  }
0x72: {  	s30 =	sor.u32 $0x1C00, s0;
	v9 =	vmax.f32 v9, $0.0e+00;
	v8 =	vadd.f32 v21, v3;
	v30 =	vadd.f32 v63, v3  }
0x73: {  	s31 =	sor.u32 $0x1C10, s0;
	v57 =	vld [tilespmem:s30+$0x480];
	v10 =	vmax.f32 v28, $0.0e+00;
	v7 =	vadd.f32 v9, v7;
	v9 =	vadd.f32 v25, v3  }
0x74: {  	v59 =	vld [tilespmem:s31+$0x480];
	v11 =	vmax.f32 v11, $0.0e+00;
	v60 =	vadd.f32 v51, v3;
	v62 =	vadd.f32 v54, v3  }
0x75: {  	v52 =	vmax.f32 v49, $0.0e+00;
	v20 =	vadd.f32 v56, v3;
	v4 =	vadd.f32 v26, v4  }
0x76: {  	s31 =	sor.u32 $0x1C50, s0;
	v27 =	vmax.f32 v23, $0.0e+00;
	v5 =	vadd.f32 v12, v5;
	v6 =	vadd.f32 v11, v6  }
0x77: {  	v24 =	vld [tilespmem:s31+$0x480];
	v8 =	vmax.f32 v8, $0.0e+00;
	v11 =	vadd.f32 v31, v3;
	v12 =	vmax.f32 v40, $0.0e+00  }
0x78: {  	v26 =	vadd.f32 v57, v3;
	v7 =	vadd.f32 v10, v7;
	v9 =	vmax.f32 v9, $0.0e+00  }
0x79: {  	s29 =	sadd.s32 $0xFFFFFF00, s21;
	v10 =	vmax.f32 v41, $0.0e+00;
	v28 =	vadd.f32 v59, v3;
	v4 =	vadd.f32 v8, v4  }
0x7a: {  	s1 =	sand.u32 $0x280, s29;
	v22 =	vmax.f32 v62, $0.0e+00;
	v5 =	vadd.f32 v35, v5;
	v6 =	vadd.f32 v9, v6  }
0x7b: {  	s29 =	sadd.s32 s1, s28;
	v25 =	vmax.f32 v20, $0.0e+00;
	v8 =	vadd.f32 v34, v3;
	v9 =	vadd.f32 v38, v3  }
0x7c: {  	v33 =	vld [tilespmem:s29+$0x10];
	v11 =	vmax.f32 v11, $0.0e+00;
	v32 =	vadd.f32 v24, v3;
	v7 =	vadd.f32 v39, v7  }
0x7d: {  	s30 =	sor.u32 $0x1C40, s0;
	v18 =	vld [tilespmem:s29+$0x430];
	v34 =	vmax.f32 v30, $0.0e+00;
	v4 =	vadd.f32 v12, v4;
	v5 =	vadd.f32 v11, v5  }
0x7e: {  	v21 =	vld [tilespmem:s30+$0x480];
	v8 =	vmax.f32 v8, $0.0e+00;
	v6 =	vadd.f32 v10, v6;
	v9 =	vmax.f32 v9, $0.0e+00  }
0x7f: {  	v63 =	vld [tilespmem:s29+$0x810];
	v11 =	vadd.f32 v44, v3;
	v12 =	vmax.f32 v53, $0.0e+00;
	v7 =	vadd.f32 v8, v7  }
0x80: {  	v49 =	vld [tilespmem:s29+$0x420];
	v10 =	vmax.f32 v55, $0.0e+00;
	v8 =	vadd.f32 v47, v3;
	v4 =	vadd.f32 v48, v4  }
0x81: {  	v31 =	vld [tilespmem:s29+$0x0];
	v5 =	vadd.f32 v9, v5;
	v6 =	vadd.f32 v52, v6;
	v11 =	vmax.f32 v11, $0.0e+00  }
0x82: {  	v41 =	vld [tilespmem:s29+$0x40];
	v7 =	vadd.f32 v12, v7;
	v8 =	vmax.f32 v8, $0.0e+00;
	v4 =	vadd.f32 v11, v4  }
0x83: {  	v35 =	vld [tilespmem:s29+$0x20];
	v5 =	vadd.f32 v10, v5;
	v6 =	vadd.f32 v8, v6;
	v10 =	vmax.f32 v58, $0.0e+00  }
0x84: {  	v39 =	vld [tilespmem:s29+$0x30];
	v9 =	vadd.f32 v61, v3;
	v8 =	vmax.f32 v60, $0.0e+00;
	v7 =	vadd.f32 v10, v7  }
0x85: {  	v29 =	vmax.f32 v28, $0.0e+00;
	v4 =	vadd.f32 v8, v4;
	v8 =	vadd.f32 v25, v6;
	v6 =	vld.idx.msk [tilespmem:v17+s15+$0x0], $0xffff  }
0x86: {  	v13 =	vadd.f32 v21, v3;
	v21 =	vld [tilespmem:s29+$0x820];
	v10 =	vmax.f32 v26, $0.0e+00;
	v5 =	vadd.f32 v22, v5  }
0x87: {  	v44 =	vld [tilespmem:s29+$0x60];
	v9 =	vmax.f32 v9, $0.0e+00;
	v7 =	vadd.f32 v27, v7;
	v4 =	vadd.f32 v10, v4  }
0x88: {  	v36 =	vmax.f32 v13, $0.0e+00;
	v47 =	vld [tilespmem:s29+$0x400];
	v5 =	vadd.f32 v29, v5;
	v8 =	vadd.f32 v9, v8  }
0x89: {  	v37 =	vmax.f32 v32, $0.0e+00;
	v48 =	vld [tilespmem:s29+$0x410];
	v7 =	vadd.f32 v34, v7;
	v4 =	vadd.f32 v36, v4  }
0x8a: {  	v53 =	vld [tilespmem:s29+$0x450];
	v5 =	vadd.f32 v37, v5;
	v40 =	vadd.f32 v31, v6  }
0x8b: {  	v58 =	vld [tilespmem:s29+$0x470];
	v43 =	vadd.f32 v33, v6;
	v10 =	vadd.f32 v35, v6  }
0x8c: {  	v25 =	vld [tilespmem:s29+$0x840];
	v9 =	vadd.f32 v39, v6;
	v12 =	vadd.f32 v41, v6  }
0x8d: {  	s0 =	sor.u32 $0x1C58, s0;
	v42 =	vld [tilespmem:s29+$0x50];
	v15 =	vadd.f32 v44, v6;
	v14 =	vadd.f32 v47, v6  }
0x8e: {  	v38 =	vld [tilespmem:s0+$0x480];
	v52 =	vadd.f32 v48, v6;
	v57 =	vadd.f32 v49, v6  }
0x8f: {  	v45 =	vld [tilespmem:s29+$0x70];
	v61 =	vadd.f32 v18, v6;
	v62 =	vadd.f32 v53, v6  }
0x90: {  	v23 =	vld [tilespmem:s29+$0x830];
	v24 =	vadd.f32 v58, v6;
	v28 =	vadd.f32 v63, v6  }
0x91: {  	v29 =	vld [tilespmem:s29+$0x860];
	v32 =	vadd.f32 v21, v6;
	v33 =	vadd.f32 v25, v6  }
0x92: {  	v51 =	vld [tilespmem:s29+$0x440];
	v4 =	vadd.f32 v5, v4;
	v5 =	vadd.f32 v7, v8  }
0x93: {  	s30 =	sand.u32 $0x7, s24;
	v54 =	vld [tilespmem:s29+$0x460];
	v7 =	vadd.f32 v38, v3;
	v8 =	vadd.f32 v42, v6  }
0x94: {  	s0 =	sshll.u32 s30, $0x7;
	v34 =	vld [tilespmem:s29+$0xC00];
	v11 =	vmax.f32 v40, $0.0e+00;
	v46 =	vmax.f32 v43, $0.0e+00;
	v10 =	vmax.f32 v10, $0.0e+00  }
0x95: {  	v59 =	vld [tilespmem:s29+$0x800];
	s30 =	sadd.s32 s23, s0;
	v9 =	vmax.f32 v9, $0.0e+00;
	v12 =	vmax.f32 v12, $0.0e+00;
	v50 =	vmax.f32 v15, $0.0e+00  }
0x96: {  	v30 =	vld [tilespmem:s29+$0x870];
	s0 =	sadd.s32 $0x80, s30;
	v55 =	vmax.f32 v14, $0.0e+00;
	v14 =	vadd.f32 v23, v6;
	v37 =	vadd.f32 v29, v6  }
0x97: {  	s31 =	sor.u32 $0x1000, s0;
	v35 =	vld [tilespmem:s29+$0xC10];
	v56 =	vmax.f32 v52, $0.0e+00;
	v3 =	vadd.f32 $0.0e+00, v11;
	v13 =	vadd.f32 $0.0e+00, v46  }
0x98: {  	v48 =	vld [tilespmem:s31+$0x480];
	v60 =	vmax.f32 v57, $0.0e+00;
	v10 =	vadd.f32 $0.0e+00, v10;
	v9 =	vadd.f32 $0.0e+00, v9  }
0x99: {  	v38 =	vld [tilespmem:s29+$0xC30];
	v15 =	vmax.f32 v61, $0.0e+00;
	v11 =	vadd.f32 v45, v6;
	v41 =	vadd.f32 v34, v6  }
0x9a: {  	v42 =	vld [tilespmem:s29+$0xC50];
	v8 =	vmax.f32 v8, $0.0e+00;
	v4 =	vadd.f32 v4, v5;
	v3 =	vadd.f32 v12, v3  }
0x9b: {  	v47 =	vld [tilespmem:s29+$0xC70];
	v22 =	vmax.f32 v62, $0.0e+00;
	v8 =	vadd.f32 v8, v13;
	v10 =	vadd.f32 v50, v10  }
0x9c: {  	v26 =	vld [tilespmem:s29+$0x850];
	v27 =	vmax.f32 v24, $0.0e+00;
	v13 =	vadd.f32 v51, v6;
	v12 =	vadd.f32 v59, v6  }
0x9d: {  	v36 =	vld [tilespmem:s29+$0xC20];
	v11 =	vmax.f32 v11, $0.0e+00;
	v45 =	vadd.f32 v35, v6;
	v58 =	vadd.f32 v48, v6  }
0x9e: {  	v39 =	vld [tilespmem:s29+$0xC40];
	v31 =	vmax.f32 v28, $0.0e+00;
	v9 =	vadd.f32 v11, v9;
	v11 =	vadd.f32 v54, v6  }
0x9f: {  	s31 =	sor.u32 $0x1020, s0;
	v43 =	vld [tilespmem:s29+$0xC60];
	v14 =	vmax.f32 v14, $0.0e+00;
	v46 =	vadd.f32 v38, v6;
	v50 =	vadd.f32 v42, v6  }
0xa0: {  	s29 =	sor.u32 $0x1010, s0;
	v40 =	vmax.f32 v37, $0.0e+00;
	v51 =	vld [tilespmem:s31+$0x480];
	v54 =	vadd.f32 v47, v6;
	v3 =	vadd.f32 v55, v3  }
0xa1: {  	v49 =	vld [tilespmem:s29+$0x480];
	s29 =	sor.u32 $0x1030, s0;
	v8 =	vadd.f32 v56, v8;
	v10 =	vadd.f32 v60, v10;
	v13 =	vmax.f32 v13, $0.0e+00  }
0xa2: {  	v52 =	vld [tilespmem:s29+$0x480];
	s31 =	sor.u32 $0x1040, s0;
	v9 =	vadd.f32 v15, v9;
	v11 =	vmax.f32 v11, $0.0e+00;
	v3 =	vadd.f32 v13, v3  }
0xa3: {  	s29 =	sor.u32 $0x1050, s0;
	v44 =	vmax.f32 v41, $0.0e+00;
	v55 =	vld [tilespmem:s31+$0x480];
	v8 =	vadd.f32 v22, v8;
	v10 =	vadd.f32 v11, v10  }
0xa4: {  	v12 =	vmax.f32 v12, $0.0e+00;
	v56 =	vld [tilespmem:s29+$0x480];
	s31 =	sor.u32 $0x1060, s0;
	v11 =	vadd.f32 v26, v6;
	v9 =	vadd.f32 v27, v9  }
0xa5: {  	s29 =	sor.u32 $0x1070, s0;
	v15 =	vmax.f32 v32, $0.0e+00;
	v60 =	vld [tilespmem:s31+$0x480];
	v59 =	vadd.f32 v51, v6;
	v3 =	vadd.f32 v12, v3  }
0xa6: {  	v53 =	vmax.f32 v50, $0.0e+00;
	v61 =	vld [tilespmem:s29+$0x480];
	s31 =	sor.u32 $0x1400, s0;
	v8 =	vadd.f32 v31, v8;
	v10 =	vadd.f32 v15, v10  }
0xa7: {  	s29 =	sor.u32 $0x1410, s0;
	v13 =	vmax.f32 v33, $0.0e+00;
	v62 =	vld [tilespmem:s31+$0x480];
	v12 =	vadd.f32 v30, v6;
	v9 =	vadd.f32 v14, v9  }
0xa8: {  	v20 =	vld [tilespmem:s29+$0x480];
	s31 =	sor.u32 $0x1420, s0;
	v11 =	vmax.f32 v11, $0.0e+00;
	v14 =	vadd.f32 v36, v6;
	v63 =	vadd.f32 v55, v6  }
0xa9: {  	v57 =	vmax.f32 v54, $0.0e+00;
	s29 =	sor.u32 $0x1430, s0;
	v21 =	vld [tilespmem:s31+$0x480];
	v3 =	vadd.f32 v13, v3;
	v8 =	vadd.f32 v11, v8  }
0xaa: {  	v24 =	vld [tilespmem:s29+$0x480];
	s31 =	sor.u32 $0x1440, s0;
	v15 =	vmax.f32 v45, $0.0e+00;
	v10 =	vadd.f32 v40, v10;
	v11 =	vadd.f32 v39, v6  }
0xab: {  	s29 =	sor.u32 $0x1450, s0;
	v25 =	vld [tilespmem:s31+$0x480];
	v12 =	vmax.f32 v12, $0.0e+00;
	v23 =	vadd.f32 v60, v6;
	v27 =	vadd.f32 v61, v6  }
0xac: {  	v29 =	vld [tilespmem:s29+$0x480];
	s31 =	sor.u32 $0x1460, s0;
	v13 =	vmax.f32 v46, $0.0e+00;
	v9 =	vadd.f32 v12, v9;
	v12 =	vadd.f32 v43, v6  }
0xad: {  	s29 =	sor.u32 $0x1470, s0;
	v30 =	vld [tilespmem:s31+$0x480];
	v14 =	vmax.f32 v14, $0.0e+00;
	v28 =	vadd.f32 v20, v6;
	v3 =	vadd.f32 v44, v3  }
0xae: {  	v31 =	vld [tilespmem:s29+$0x480];
	s31 =	sor.u32 $0x1800, s0;
	v22 =	vmax.f32 v63, $0.0e+00;
	v8 =	vadd.f32 v15, v8;
	v10 =	vadd.f32 v14, v10  }
0xaf: {  	s29 =	sor.u32 $0x1810, s0;
	v33 =	vld [tilespmem:s31+$0x480];
	v11 =	vmax.f32 v11, $0.0e+00;
	v14 =	vadd.f32 v49, v6;
	v15 =	vmax.f32 v58, $0.0e+00  }
0xb0: {  	v34 =	vld [tilespmem:s29+$0x480];
	s31 =	sor.u32 $0x1820, s0;
	v26 =	vmax.f32 v23, $0.0e+00;
	v32 =	vadd.f32 v24, v6;
	v9 =	vadd.f32 v13, v9  }
0xb1: {  	s29 =	sor.u32 $0x1830, s0;
	v37 =	vld [tilespmem:s31+$0x480];
	v12 =	vmax.f32 v12, $0.0e+00;
	v36 =	vadd.f32 v29, v6;
	v3 =	vadd.f32 v11, v3  }
0xb2: {  	v38 =	vld [tilespmem:s29+$0x480];
	s31 =	sor.u32 $0x1840, s0;
	v13 =	vmax.f32 v59, $0.0e+00;
	v8 =	vadd.f32 v53, v8;
	v10 =	vadd.f32 v12, v10  }
0xb3: {  	s29 =	sor.u32 $0x1850, s0;
	v42 =	vld [tilespmem:s31+$0x480];
	v14 =	vmax.f32 v14, $0.0e+00;
	v11 =	vadd.f32 v52, v6;
	v12 =	vadd.f32 v56, v6  }
0xb4: {  	v43 =	vld [tilespmem:s29+$0x480];
	s31 =	sor.u32 $0x1860, s0;
	v35 =	vmax.f32 v32, $0.0e+00;
	v40 =	vadd.f32 v30, v6;
	v9 =	vadd.f32 v57, v9  }
0xb5: {  	s29 =	sor.u32 $0x1870, s0;
	v44 =	vld [tilespmem:s31+$0x480];
	v39 =	vmax.f32 v36, $0.0e+00;
	v41 =	vadd.f32 v33, v6;
	v3 =	vadd.f32 v15, v3  }
0xb6: {  	v46 =	vld [tilespmem:s29+$0x480];
	s29 =	sor.u32 $0x1C10, s0;
	v8 =	vadd.f32 v14, v8;
	v11 =	vmax.f32 v11, $0.0e+00;
	v10 =	vadd.f32 v13, v10  }
0xb7: {  	s1 =	sor.u32 $0x1C50, s0;
	v50 =	vld [tilespmem:s29+$0x480];
	v12 =	vmax.f32 v12, $0.0e+00;
	v14 =	vadd.f32 v62, v6;
	v45 =	vadd.f32 v37, v6  }
0xb8: {  	s29 =	sor.u32 $0x1C40, s0;
	v56 =	vld [tilespmem:s1+$0x480];
	v15 =	vmax.f32 v27, $0.0e+00;
	v9 =	vadd.f32 v11, v9;
	v11 =	vadd.f32 v21, v6  }
0xb9: {  	s31 =	sor.u32 $0x1C00, s0;
	v54 =	vld [tilespmem:s29+$0x480];
	s29 =	sadd.s32 $0x2, s25;
	v13 =	vmax.f32 v28, $0.0e+00;
	v49 =	vadd.f32 v42, v6;
	v53 =	vadd.f32 v43, v6  }
0xba: {  	v47 =	vld [tilespmem:s31+$0x480];
	s31 =	sor.u32 $0x1C20, s0;
	v19 =	vmov s29;
	v3 =	vadd.f32 v22, v3;
	v8 =	vadd.f32 v12, v8  }
0xbb: {  	v51 =	vld [tilespmem:s31+$0x480];
	s31 =	sor.u32 $0x1C30, s0;
	v10 =	vadd.f32 v26, v10;
	v14 =	vmax.f32 v14, $0.0e+00;
	v12 =	vadd.f32 v25, v6  }
0xbc: {  	v20 =	vld [tilespmem:s31+$0x480];
	v48 =	vmax.f32 v45, $0.0e+00;
	v55 =	vadd.f32 v46, v6;
	v9 =	vadd.f32 v15, v9  }
0xbd: {  	v11 =	vmax.f32 v11, $0.0e+00;
	v57 =	vadd.f32 v50, v6;
	v16 =	vadd.f32 v56, v6  }
0xbe: {  	s31 =	sadd.s32 $0xFFFFFF80, s21;
	v15 =	vmax.f32 v40, $0.0e+00;
	v3 =	vadd.f32 v14, v3;
	v8 =	vadd.f32 v13, v8  }
0xbf: {  	s0 =	sor.u32 $0x1C58, s0;
	s1 =	sand.u32 $0x300, s31;
	v52 =	vmax.f32 v49, $0.0e+00;
	v10 =	vadd.f32 v11, v10;
	v14 =	vadd.f32 v31, v6  }
0xc0: {  	v58 =	vld [tilespmem:s0+$0x480];
	s0 =	sor.u32 s1, s28;
	v12 =	vmax.f32 v12, $0.0e+00;
	v11 =	vadd.f32 v34, v6;
	v59 =	vadd.f32 v54, v6  }
0xc1: {  	v61 =	vld [tilespmem:s0+$0x0];
	v13 =	vmax.f32 v41, $0.0e+00;
	v9 =	vadd.f32 v35, v9;
	v60 =	vadd.f32 v20, v6  }
0xc2: {  	v62 =	vld [tilespmem:s0+$0x10];
	v16 =	vmax.f32 v16, $0.0e+00;
	v20 =	vmax.f32 v7, $0.0e+00;
	v3 =	vadd.f32 v12, v3  }
0xc3: {  	v63 =	vld [tilespmem:s0+$0x20];
	v8 =	vadd.f32 v39, v8;
	v14 =	vmax.f32 v14, $0.0e+00;
	v10 =	vadd.f32 v15, v10  }
0xc4: {  	v22 =	vld [tilespmem:s0+$0x40];
	v11 =	vmax.f32 v11, $0.0e+00;
	v12 =	vadd.f32 v38, v6;
	v9 =	vadd.f32 v14, v9  }
0xc5: {  	v25 =	vld [tilespmem:s0+$0x50];
	v15 =	vmax.f32 v53, $0.0e+00;
	v14 =	vadd.f32 v44, v6;
	v3 =	vadd.f32 v13, v3  }
0xc6: {  	v28 =	vld [tilespmem:s0+$0x60];
	v8 =	vadd.f32 v11, v8;
	v12 =	vmax.f32 v12, $0.0e+00;
	v10 =	vadd.f32 v48, v10  }
0xc7: {  	v29 =	vld [tilespmem:s0+$0x70];
	v11 =	vadd.f32 v47, v6;
	v13 =	vmax.f32 v55, $0.0e+00;
	v9 =	vadd.f32 v12, v9  }
0xc8: {  	v30 =	vld [tilespmem:s0+$0x400];
	v14 =	vmax.f32 v14, $0.0e+00;
	v12 =	vadd.f32 v51, v6;
	v3 =	vadd.f32 v52, v3  }
0xc9: {  	v32 =	vld [tilespmem:s0+$0x420];
	v8 =	vadd.f32 v15, v8;
	v10 =	vadd.f32 v14, v10;
	v11 =	vmax.f32 v11, $0.0e+00  }
0xca: {  	v36 =	vld [tilespmem:s0+$0x450];
	v9 =	vadd.f32 v13, v9;
	v13 =	vmax.f32 v57, $0.0e+00;
	v12 =	vmax.f32 v12, $0.0e+00  }
0xcb: {  	v11 =	vadd.f32 v11, v3;
	v3 =	vld.idx.msk [tilespmem:v19+s15+$0x0], $0xffff;
	v8 =	vadd.f32 v13, v8;
	v13 =	vmax.f32 v60, $0.0e+00  }
0xcc: {  	v15 =	vmax.f32 v59, $0.0e+00;
	v10 =	vadd.f32 v12, v10;
	v19 =	vld [tilespmem:s0+$0x30];
	v9 =	vadd.f32 v13, v9  }
0xcd: {  	v42 =	vld [tilespmem:s0+$0x470];
	v5 =	vsel vm0, $0x0, v20;
	v11 =	vadd.f32 v15, v11;
	v8 =	vadd.f32 v16, v8  }
0xce: {  	v45 =	vld [tilespmem:s0+$0x810];
	v4 =	vadd.f32 v4, v5;
	v6 =	vadd.f32 v58, v6  }
0xcf: {  	v31 =	vld [tilespmem:s0+$0x410];
	v9 =	vadd.f32 v9, v10;
	v21 =	vadd.f32 v8, v11  }
0xd0: {  	v35 =	vld [tilespmem:s0+$0x440];
	v23 =	vadd.f32 v61, v3;
	v24 =	vadd.f32 v62, v3  }
0xd1: {  	v50 =	vld [tilespmem:s0+$0x830];
	v27 =	vadd.f32 v63, v3;
	v12 =	vadd.f32 v19, v3  }
0xd2: {  	v55 =	vld [tilespmem:s0+$0x860];
	v8 =	vadd.f32 v22, v3;
	v13 =	vadd.f32 v25, v3  }
0xd3: {  	v51 =	vld [tilespmem:s0+$0x840];
	v10 =	vadd.f32 v28, v3;
	v14 =	vadd.f32 v29, v3  }
0xd4: {  	v34 =	vadd.f32 v30, v3;
	v16 =	vadd.f32 v31, v3  }
0xd5: {  	v41 =	vadd.f32 v32, v3;
	v15 =	vadd.f32 v35, v3  }
0xd6: {  	v48 =	vadd.f32 v36, v3;
	v49 =	vadd.f32 v42, v3  }
0xd7: {  	v59 =	vld [tilespmem:s0+$0xC00];
	v54 =	vadd.f32 v45, v3;
	v58 =	vadd.f32 v50, v3  }
0xd8: {  	v33 =	vld [tilespmem:s0+$0x430];
	v62 =	vadd.f32 v51, v3;
	v63 =	vadd.f32 v55, v3  }
0xd9: {  	v43 =	vld [tilespmem:s0+$0x800];
	v5 =	vadd.f32 v21, v9;
	v26 =	vmax.f32 v23, $0.0e+00;
	v11 =	vmax.f32 v24, $0.0e+00  }
0xda: {  	v46 =	vld [tilespmem:s0+$0x820];
	v9 =	vmax.f32 v27, $0.0e+00;
	v12 =	vmax.f32 v12, $0.0e+00;
	v8 =	vmax.f32 v8, $0.0e+00  }
0xdb: {  	s31 =	sand.u32 $0x3, s22;
	v39 =	vld [tilespmem:s0+$0x460];
	v13 =	vmax.f32 v13, $0.0e+00;
	v10 =	vmax.f32 v10, $0.0e+00;
	v14 =	vmax.f32 v14, $0.0e+00  }
0xdc: {  	s1 =	sshll.u32 s31, $0x8;
	v53 =	vld [tilespmem:s0+$0x850];
	v38 =	vmax.f32 v34, $0.0e+00;
	v24 =	vadd.f32 v59, v3;
	v7 =	vadd.f32 $0.0e+00, v26  }
0xdd: {  	s1 =	sadd.s32 s23, s1;
	v22 =	vld [tilespmem:s0+$0xC30];
	v40 =	vmax.f32 v16, $0.0e+00;
	v11 =	vadd.f32 $0.0e+00, v11;
	v9 =	vadd.f32 $0.0e+00, v9  }
0xde: {  	s31 =	sadd.s32 $0x100, s1;
	v25 =	vld [tilespmem:s0+$0xC50];
	v44 =	vmax.f32 v41, $0.0e+00;
	v12 =	vadd.f32 $0.0e+00, v12;
	v7 =	vadd.f32 v8, v7  }
0xdf: {  	s1 =	sor.u32 $0x1000, s31;
	v21 =	vld [tilespmem:s0+$0xC20];
	v47 =	vmax.f32 v15, $0.0e+00;
	v11 =	vadd.f32 v13, v11;
	v9 =	vadd.f32 v10, v9  }
0xe0: {  	v30 =	vld [tilespmem:s1+$0x480];
	s1 =	sor.u32 $0x1010, s31;
	v15 =	vmax.f32 v48, $0.0e+00;
	v37 =	vadd.f32 v14, v12;
	v8 =	vadd.f32 v33, v3  }
0xe1: {  	v52 =	vmax.f32 v49, $0.0e+00;
	v34 =	vld [tilespmem:s1+$0x480];
	v13 =	vadd.f32 v39, v3;
	v12 =	vadd.f32 v43, v3  }
0xe2: {  	v29 =	vld [tilespmem:s0+$0xC70];
	v57 =	vmax.f32 v54, $0.0e+00;
	s1 =	sor.u32 $0x1020, s31;
	v10 =	vadd.f32 v46, v3;
	v14 =	vadd.f32 v53, v3  }
0xe3: {  	v61 =	vmax.f32 v58, $0.0e+00;
	v35 =	vld [tilespmem:s1+$0x480];
	v32 =	vadd.f32 v22, v3;
	v33 =	vadd.f32 v25, v3  }
0xe4: {  	v27 =	vmax.f32 v24, $0.0e+00;
	v28 =	vadd.f32 v21, v3;
	v7 =	vadd.f32 v38, v7  }
0xe5: {  	v56 =	vld [tilespmem:s0+$0x870];
	v11 =	vadd.f32 v40, v11;
	v8 =	vmax.f32 v8, $0.0e+00;
	v9 =	vadd.f32 v44, v9  }
0xe6: {  	v60 =	vld [tilespmem:s0+$0xC10];
	s1 =	sor.u32 $0x1030, s31;
	v13 =	vmax.f32 v13, $0.0e+00;
	v12 =	vmax.f32 v12, $0.0e+00;
	v41 =	vadd.f32 v34, v3  }
0xe7: {  	v36 =	vld [tilespmem:s1+$0x480];
	s1 =	sor.u32 $0x1040, s31;
	v10 =	vmax.f32 v10, $0.0e+00;
	v8 =	vadd.f32 v8, v37;
	v37 =	vadd.f32 v29, v3  }
0xe8: {  	v14 =	vmax.f32 v14, $0.0e+00;
	v38 =	vld [tilespmem:s1+$0x480];
	v45 =	vadd.f32 v35, v3;
	v7 =	vadd.f32 v47, v7  }
0xe9: {  	v23 =	vld [tilespmem:s0+$0xC40];
	v31 =	vmax.f32 v28, $0.0e+00;
	v11 =	vadd.f32 v15, v11;
	v9 =	vadd.f32 v13, v9  }
0xea: {  	v26 =	vld [tilespmem:s0+$0xC60];
	s1 =	sor.u32 $0x1050, s31;
	v15 =	vmax.f32 v62, $0.0e+00;
	v8 =	vadd.f32 v52, v8;
	v7 =	vadd.f32 v12, v7  }
0xeb: {  	v39 =	vld [tilespmem:s1+$0x480];
	s1 =	sor.u32 $0x1060, s31;
	v13 =	vmax.f32 v63, $0.0e+00;
	v11 =	vadd.f32 v57, v11;
	v9 =	vadd.f32 v10, v9  }
0xec: {  	v42 =	vld [tilespmem:s1+$0x480];
	s1 =	sor.u32 $0x1070, s31;
	v44 =	vmax.f32 v41, $0.0e+00;
	v12 =	vadd.f32 v56, v3;
	v10 =	vadd.f32 v60, v3  }
0xed: {  	v40 =	vmax.f32 v37, $0.0e+00;
	v43 =	vld [tilespmem:s1+$0x480];
	s1 =	sor.u32 $0x1400, s31;
	v8 =	vadd.f32 v61, v8;
	v46 =	vadd.f32 v38, v3  }
0xee: {  	v47 =	vld [tilespmem:s1+$0x480];
	s1 =	sor.u32 $0x1410, s31;
	v7 =	vadd.f32 v15, v7;
	v11 =	vadd.f32 v14, v11;
	v12 =	vmax.f32 v12, $0.0e+00  }
0xef: {  	v48 =	vld [tilespmem:s1+$0x480];
	s1 =	sor.u32 $0x1420, s31;
	v9 =	vadd.f32 v13, v9;
	v10 =	vmax.f32 v10, $0.0e+00;
	v14 =	vadd.f32 v23, v3  }
0xf0: {  	v15 =	vmax.f32 v32, $0.0e+00;
	v49 =	vld [tilespmem:s1+$0x480];
	s1 =	sor.u32 $0x1430, s31;
	v8 =	vadd.f32 v12, v8;
	v12 =	vadd.f32 v26, v3  }
0xf1: {  	s0 =	sadd.s32 $0x3, s25;
	v13 =	vmax.f32 v33, $0.0e+00;
	v50 =	vadd.f32 v42, v3;
	v51 =	vld [tilespmem:s1+$0x480];
	s1 =	sor.u32 $0x1440, s31;
	v7 =	vadd.f32 v27, v7  }
0xf2: {  	v33 =	vmov s0;
	v10 =	vadd.f32 v10, v11;
	v9 =	vadd.f32 v31, v9;
	v52 =	vld [tilespmem:s1+$0x480];
	s1 =	sor.u32 $0x1450, s31  }
0xf3: {  	v14 =	vmax.f32 v14, $0.0e+00;
	v11 =	vadd.f32 v30, v3;
	v8 =	vadd.f32 v15, v8;
	v55 =	vld [tilespmem:s1+$0x480];
	s1 =	sor.u32 $0x1460, s31  }
0xf4: {  	v12 =	vmax.f32 v12, $0.0e+00;
	v54 =	vadd.f32 v47, v3;
	v7 =	vadd.f32 v14, v7;
	v56 =	vld [tilespmem:s1+$0x480];
	s1 =	sor.u32 $0x1470, s31  }
0xf5: {  	v15 =	vmax.f32 v45, $0.0e+00;
	v10 =	vadd.f32 v13, v10;
	v9 =	vadd.f32 v12, v9;
	v60 =	vld [tilespmem:s1+$0x480];
	s1 =	sor.u32 $0x1800, s31  }
0xf6: {  	v53 =	vmax.f32 v50, $0.0e+00;
	v14 =	vadd.f32 v36, v3;
	v12 =	vadd.f32 v39, v3;
	v61 =	vld [tilespmem:s1+$0x480];
	s1 =	sor.u32 $0x1810, s31  }
0xf7: {  	v11 =	vmax.f32 v11, $0.0e+00;
	v58 =	vadd.f32 v48, v3;
	v8 =	vadd.f32 v40, v8;
	v62 =	vld [tilespmem:s1+$0x480];
	s1 =	sor.u32 $0x1820, s31  }
0xf8: {  	v13 =	vmax.f32 v46, $0.0e+00;
	v7 =	vadd.f32 v11, v7;
	v10 =	vadd.f32 v44, v10;
	v20 =	vld [tilespmem:s1+$0x480];
	s1 =	sor.u32 $0x1830, s31  }
0xf9: {  	v14 =	vmax.f32 v14, $0.0e+00;
	v9 =	vadd.f32 v15, v9;
	v11 =	vadd.f32 v43, v3;
	v21 =	vld [tilespmem:s1+$0x480];
	s1 =	sor.u32 $0x1840, s31  }
0xfa: {  	v57 =	vmax.f32 v54, $0.0e+00;
	v59 =	vadd.f32 v51, v3;
	v8 =	vadd.f32 v14, v8;
	v24 =	vld [tilespmem:s1+$0x480];
	s1 =	sor.u32 $0x1850, s31  }
0xfb: {  	v12 =	vmax.f32 v12, $0.0e+00;
	v14 =	vadd.f32 v49, v3;
	v7 =	vadd.f32 v13, v7;
	v27 =	vld [tilespmem:s1+$0x480];
	s1 =	sor.u32 $0x1860, s31  }
0xfc: {  	v10 =	vadd.f32 v12, v10;
	v11 =	vmax.f32 v11, $0.0e+00;
	v9 =	vadd.f32 v53, v9;
	v29 =	vld [tilespmem:s1+$0x480];
	s1 =	sor.u32 $0x1870, s31  }
0xfd: {  	v15 =	vmax.f32 v58, $0.0e+00;
	v12 =	vadd.f32 v52, v3;
	v8 =	vadd.f32 v11, v8;
	v30 =	vld [tilespmem:s1+$0x480];
	s1 =	sor.u32 $0x1C00, s31  }
0xfe: {  	v14 =	vmax.f32 v14, $0.0e+00;
	v11 =	vadd.f32 v56, v3;
	v7 =	vadd.f32 v57, v7;
	v31 =	vld [tilespmem:s1+$0x480];
	s1 =	sor.u32 $0x1C10, s31  }
0xff: {  	v9 =	vadd.f32 v14, v9;
	v12 =	vmax.f32 v12, $0.0e+00;
	v26 =	vadd.f32 v61, v3;
	v32 =	vld [tilespmem:s1+$0x480];
	s1 =	sor.u32 $0x1C20, s31  }
0x100: {  	v10 =	vadd.f32 v15, v10;
	v11 =	vmax.f32 v11, $0.0e+00;
	v7 =	vadd.f32 v12, v7;
	v34 =	vld [tilespmem:s1+$0x480];
	s1 =	sor.u32 $0x1C40, s31  }
0x101: {  	v9 =	vadd.f32 v11, v9;
	v15 =	vmax.f32 v26, $0.0e+00;
	v11 =	vadd.f32 v24, v3;
	v36 =	vld [tilespmem:s1+$0x480];
	s1 =	sor.u32 $0x1C50, s31  }
0x102: {  	v13 =	vmax.f32 v59, $0.0e+00;
	v63 =	vadd.f32 v55, v3;
	v7 =	vadd.f32 v15, v7;
	v38 =	vld [tilespmem:s1+$0x480];
	s1 =	sor.u32 $0x1C30, s31  }
0x103: {  	v23 =	vadd.f32 v60, v3;
	v8 =	vadd.f32 v13, v8;
	v11 =	vmax.f32 v11, $0.0e+00;
	v39 =	vld [tilespmem:s1+$0x480];
	s1 =	sand.u32 $0x380, s21  }
0x104: {  	v22 =	vmax.f32 v63, $0.0e+00;
	v14 =	vadd.f32 v62, v3;
	v11 =	vadd.f32 v11, v7;
	v7 =	vld.idx.msk [tilespmem:v33+s15+$0x0], $0xffff;
	s1 =	sadd.s32 s1, s28  }
0x105: {  	v10 =	vadd.f32 v22, v10;
	v25 =	vmax.f32 v23, $0.0e+00;
	v28 =	vadd.f32 v20, v3;
	v43 =	vld [tilespmem:s1+$0x0]  }
0x106: {  	v8 =	vadd.f32 v25, v8;
	v14 =	vmax.f32 v14, $0.0e+00;
	v12 =	vadd.f32 v21, v3;
	v44 =	vld [tilespmem:s1+$0x10]  }
0x107: {  	v10 =	vadd.f32 v14, v10;
	v13 =	vmax.f32 v28, $0.0e+00;
	v35 =	vadd.f32 v27, v3;
	v47 =	vld [tilespmem:s1+$0x20]  }
0x108: {  	v12 =	vmax.f32 v12, $0.0e+00;
	v9 =	vadd.f32 v13, v9;
	v16 =	vadd.f32 v29, v3;
	v49 =	vld [tilespmem:s1+$0x30]  }
0x109: {  	v8 =	vadd.f32 v12, v8;
	v37 =	vadd.f32 v30, v3;
	v13 =	vmax.f32 v35, $0.0e+00;
	v52 =	vld [tilespmem:s1+$0x40]  }
0x10a: {  	v16 =	vmax.f32 v16, $0.0e+00;
	v14 =	vadd.f32 v31, v3;
	v10 =	vadd.f32 v13, v10;
	v53 =	vld [tilespmem:s1+$0x50]  }
0x10b: {  	v9 =	vadd.f32 v16, v9;
	v40 =	vmax.f32 v37, $0.0e+00;
	v42 =	vadd.f32 v32, v3;
	v54 =	vld [tilespmem:s1+$0x60]  }
0x10c: {  	v8 =	vadd.f32 v40, v8;
	v41 =	vmax.f32 v14, $0.0e+00;
	v12 =	vadd.f32 v34, v3;
	v61 =	vld [tilespmem:s1+$0x410]  }
0x10d: {  	v62 =	vld [tilespmem:s1+$0x420];
	v11 =	vadd.f32 v41, v11;
	v14 =	vmax.f32 v42, $0.0e+00;
	v45 =	vadd.f32 v36, v3  }
0x10e: {  	v21 =	vld [tilespmem:s1+$0x430];
	v46 =	vadd.f32 v38, v3;
	v10 =	vadd.f32 v14, v10  }
0x10f: {  	v22 =	vld [tilespmem:s1+$0x440];
	v12 =	vmax.f32 v12, $0.0e+00;
	v48 =	vadd.f32 v39, v3;
	v50 =	vmax.f32 v45, $0.0e+00  }
0x110: {  	v63 =	vld [tilespmem:s1+$0x450];
	v9 =	vadd.f32 v12, v9;
	v51 =	vmax.f32 v46, $0.0e+00;
	v11 =	vadd.f32 v50, v11  }
0x111: {  	v26 =	vld [tilespmem:s1+$0x470];
	v10 =	vadd.f32 v51, v10;
	v15 =	vadd.f32 v43, v7  }
0x112: {  	v28 =	vld [tilespmem:s1+$0x800];
	v55 =	vadd.f32 v44, v7;
	v58 =	vadd.f32 v47, v7  }
0x113: {  	v30 =	vld [tilespmem:s1+$0x810];
	v60 =	vadd.f32 v49, v7;
	v17 =	vadd.f32 v52, v7  }
0x114: {  	v33 =	vld [tilespmem:s1+$0x820];
	v12 =	vadd.f32 v53, v7;
	v16 =	vadd.f32 v54, v7  }
0x115: {  	v36 =	vld [tilespmem:s1+$0x830];
	v25 =	vadd.f32 v61, v7;
	v27 =	vadd.f32 v62, v7  }
0x116: {  	v29 =	vadd.f32 v21, v7;
	v32 =	vadd.f32 v22, v7  }
0x117: {  	v56 =	vld [tilespmem:s1+$0x70];
	v35 =	vadd.f32 v63, v7;
	v40 =	vadd.f32 v26, v7  }
0x118: {  	v59 =	vld [tilespmem:s1+$0x400];
	v14 =	vmax.f32 v48, $0.0e+00;
	v43 =	vadd.f32 v28, v7;
	v46 =	vadd.f32 v30, v7  }
0x119: {  	v24 =	vld [tilespmem:s1+$0x460];
	v49 =	vadd.f32 v33, v7;
	v14 =	vadd.f32 v14, v8  }
0x11a: {  	v38 =	vld [tilespmem:s1+$0x840];
	v52 =	vadd.f32 v36, v7;
	v8 =	vadd.f32 v10, v11  }
0x11b: {  	v57 =	vmax.f32 v15, $0.0e+00;
	v10 =	vmax.f32 v55, $0.0e+00;
	v18 =	vmax.f32 v60, $0.0e+00  }
0x11c: {  	v41 =	vld [tilespmem:s1+$0x850];
	v17 =	vmax.f32 v17, $0.0e+00;
	v12 =	vmax.f32 v12, $0.0e+00;
	v11 =	vadd.f32 v56, v7  }
0x11d: {  	v50 =	vld [tilespmem:s1+$0xC00];
	v23 =	vmax.f32 v16, $0.0e+00;
	v15 =	vadd.f32 v59, v7;
	v31 =	vmax.f32 v27, $0.0e+00  }
0x11e: {  	v44 =	vld [tilespmem:s1+$0x860];
	v34 =	vmax.f32 v29, $0.0e+00;
	v37 =	vmax.f32 v32, $0.0e+00;
	v16 =	vadd.f32 v24, v7  }
0x11f: {  	v47 =	vld [tilespmem:s1+$0x870];
	v39 =	vmax.f32 v35, $0.0e+00;
	v55 =	vadd.f32 v38, v7;
	v9 =	vadd.f32 v14, v9  }
0x120: {  	v53 =	vld [tilespmem:s1+$0xC10];
	v45 =	vmax.f32 v40, $0.0e+00;
	v13 =	vadd.f32 $0.0e+00, v57;
	v10 =	vadd.f32 $0.0e+00, v10  }
0x121: {  	v14 =	vmax.f32 v58, $0.0e+00;
	v18 =	vadd.f32 $0.0e+00, v18;
	v58 =	vadd.f32 v41, v7  }
0x122: {  	v48 =	vmax.f32 v43, $0.0e+00;
	v56 =	vld [tilespmem:s1+$0xC20];
	v14 =	vadd.f32 $0.0e+00, v14;
	v27 =	vadd.f32 v50, v7  }
0x123: {  	v59 =	vld [tilespmem:s1+$0xC30];
	v11 =	vmax.f32 v11, $0.0e+00;
	v13 =	vadd.f32 v17, v13;
	v10 =	vadd.f32 v12, v10  }
0x124: {  	v51 =	vmax.f32 v46, $0.0e+00;
	v11 =	vadd.f32 v11, v18;
	v61 =	vadd.f32 v44, v7  }
0x125: {  	v62 =	vld [tilespmem:s1+$0xC40];
	v15 =	vmax.f32 v15, $0.0e+00;
	v24 =	vadd.f32 v47, v7;
	v30 =	vadd.f32 v53, v7  }
0x126: {  	v28 =	vld [tilespmem:s1+$0xC60];
	v12 =	vadd.f32 v23, v14;
	v14 =	vmax.f32 v25, $0.0e+00;
	v13 =	vadd.f32 v15, v13  }
0x127: {  	v54 =	vmax.f32 v49, $0.0e+00;
	v10 =	vadd.f32 v14, v10;
	v11 =	vadd.f32 v34, v11  }
0x128: {  	s28 =	sadd.s32 $0x180, s30;
	v57 =	vmax.f32 v52, $0.0e+00;
	v33 =	vadd.f32 v56, v7;
	v36 =	vadd.f32 v59, v7  }
0x129: {  	s30 =	sor.u32 $0x1000, s28;
	v42 =	vmax.f32 v16, $0.0e+00;
	v25 =	vld [tilespmem:s1+$0xC50];
	v12 =	vadd.f32 v31, v12;
	v13 =	vadd.f32 v37, v13  }
0x12a: {  	v60 =	vmax.f32 v55, $0.0e+00;
	v34 =	vld [tilespmem:s30+$0x480];
	v10 =	vadd.f32 v39, v10;
	v11 =	vadd.f32 v45, v11  }
0x12b: {  	v63 =	vmax.f32 v58, $0.0e+00;
	v39 =	vadd.f32 v62, v7;
	v45 =	vadd.f32 v28, v7  }
0x12c: {  	v32 =	vmax.f32 v27, $0.0e+00;
	s30 =	sor.u32 $0x1010, s28;
	v31 =	vld [tilespmem:s1+$0xC70];
	v12 =	vadd.f32 v42, v12;
	v13 =	vadd.f32 v48, v13  }
0x12d: {  	v26 =	vmax.f32 v61, $0.0e+00;
	v37 =	vld [tilespmem:s30+$0x480];
	v10 =	vadd.f32 v51, v10;
	v11 =	vadd.f32 v57, v11  }
0x12e: {  	v29 =	vmax.f32 v24, $0.0e+00;
	s30 =	sor.u32 $0x1020, s28;
	v42 =	vadd.f32 v25, v7;
	v12 =	vadd.f32 v54, v12  }
0x12f: {  	v35 =	vmax.f32 v30, $0.0e+00;
	v40 =	vld [tilespmem:s30+$0x480];
	s30 =	sor.u32 $0x1030, s28;
	v51 =	vadd.f32 v34, v7;
	v13 =	vadd.f32 v60, v13  }
0x130: {  	v38 =	vmax.f32 v33, $0.0e+00;
	v43 =	vld [tilespmem:s30+$0x480];
	v10 =	vadd.f32 v63, v10;
	v11 =	vadd.f32 v29, v11  }
0x131: {  	v41 =	vmax.f32 v36, $0.0e+00;
	s30 =	sor.u32 $0x1040, s28;
	v48 =	vadd.f32 v31, v7;
	v12 =	vadd.f32 v26, v12  }
0x132: {  	v44 =	vmax.f32 v39, $0.0e+00;
	v46 =	vld [tilespmem:s30+$0x480];
	s30 =	sor.u32 $0x1050, s28;
	v54 =	vadd.f32 v37, v7;
	v13 =	vadd.f32 v32, v13  }
0x133: {  	v50 =	vmax.f32 v45, $0.0e+00;
	v49 =	vld [tilespmem:s30+$0x480];
	s30 =	sor.u32 $0x1060, s28;
	v10 =	vadd.f32 v35, v10;
	v11 =	vadd.f32 v41, v11  }
0x134: {  	v47 =	vmax.f32 v42, $0.0e+00;
	v52 =	vld [tilespmem:s30+$0x480];
	s30 =	sor.u32 $0x1070, s28;
	v57 =	vadd.f32 v40, v7;
	v12 =	vadd.f32 v38, v12  }
0x135: {  	v53 =	vmax.f32 v48, $0.0e+00;
	v55 =	vld [tilespmem:s30+$0x480];
	s30 =	sor.u32 $0x1400, s28;
	v60 =	vadd.f32 v43, v7;
	v13 =	vadd.f32 v44, v13  }
0x136: {  	v56 =	vmax.f32 v51, $0.0e+00;
	v58 =	vld [tilespmem:s30+$0x480];
	s30 =	sor.u32 $0x1410, s28;
	v10 =	vadd.f32 v47, v10;
	v11 =	vadd.f32 v53, v11  }
0x137: {  	v59 =	vmax.f32 v54, $0.0e+00;
	v61 =	vld [tilespmem:s30+$0x480];
	s30 =	sor.u32 $0x1420, s28;
	v63 =	vadd.f32 v46, v7;
	v12 =	vadd.f32 v50, v12  }
0x138: {  	v24 =	vld [tilespmem:s30+$0x480];
	s30 =	sor.u32 $0x1430, s28;
	v25 =	vmax.f32 v60, $0.0e+00;
	v26 =	vadd.f32 v49, v7;
	v13 =	vadd.f32 v56, v13  }
0x139: {  	v62 =	vmax.f32 v57, $0.0e+00;
	v10 =	vadd.f32 v59, v10;
	v27 =	vld [tilespmem:s30+$0x480];
	s30 =	sor.u32 $0x1440, s28;
	v11 =	vadd.f32 v25, v11  }
0x13a: {  	v28 =	vmax.f32 v63, $0.0e+00;
	v29 =	vadd.f32 v52, v7;
	v12 =	vadd.f32 v62, v12;
	v30 =	vld [tilespmem:s30+$0x480];
	s30 =	sor.u32 $0x1450, s28  }
0x13b: {  	v31 =	vmax.f32 v26, $0.0e+00;
	v32 =	vadd.f32 v55, v7;
	v13 =	vadd.f32 v28, v13;
	v33 =	vld [tilespmem:s30+$0x480];
	s30 =	sor.u32 $0x1460, s28  }
0x13c: {  	v10 =	vadd.f32 v31, v10;
	v34 =	vmax.f32 v29, $0.0e+00;
	v35 =	vadd.f32 v58, v7;
	v36 =	vld [tilespmem:s30+$0x480];
	s30 =	sor.u32 $0x1470, s28  }
0x13d: {  	v12 =	vadd.f32 v34, v12;
	v37 =	vmax.f32 v32, $0.0e+00;
	v38 =	vadd.f32 v61, v7;
	v39 =	vld [tilespmem:s30+$0x480];
	s30 =	sor.u32 $0x1800, s28  }
0x13e: {  	v11 =	vadd.f32 v37, v11;
	v40 =	vmax.f32 v35, $0.0e+00;
	v41 =	vadd.f32 v24, v7;
	v42 =	vld [tilespmem:s30+$0x480];
	s30 =	sor.u32 $0x1810, s28  }
0x13f: {  	v13 =	vadd.f32 v40, v13;
	v43 =	vmax.f32 v38, $0.0e+00;
	v44 =	vadd.f32 v27, v7;
	v45 =	vld [tilespmem:s30+$0x480];
	s30 =	sor.u32 $0x1820, s28  }
0x140: {  	v10 =	vadd.f32 v43, v10;
	v46 =	vmax.f32 v41, $0.0e+00;
	v47 =	vadd.f32 v30, v7;
	v48 =	vld [tilespmem:s30+$0x480];
	s30 =	sor.u32 $0x1830, s28  }
0x141: {  	v12 =	vadd.f32 v46, v12;
	v49 =	vmax.f32 v44, $0.0e+00;
	v50 =	vadd.f32 v33, v7;
	v51 =	vld [tilespmem:s30+$0x480];
	s30 =	sor.u32 $0x1840, s28  }
0x142: {  	v11 =	vadd.f32 v49, v11;
	v52 =	vmax.f32 v47, $0.0e+00;
	v53 =	vadd.f32 v36, v7;
	v54 =	vld [tilespmem:s30+$0x480];
	s30 =	sor.u32 $0x1850, s28  }
0x143: {  	v13 =	vadd.f32 v52, v13;
	v55 =	vmax.f32 v50, $0.0e+00;
	v56 =	vadd.f32 v39, v7;
	v57 =	vld [tilespmem:s30+$0x480];
	s30 =	sor.u32 $0x1860, s28  }
0x144: {  	v10 =	vadd.f32 v55, v10;
	v58 =	vmax.f32 v53, $0.0e+00;
	v59 =	vadd.f32 v42, v7;
	v60 =	vld [tilespmem:s30+$0x480];
	s30 =	sor.u32 $0x1870, s28  }
0x145: {  	v12 =	vadd.f32 v58, v12;
	v61 =	vmax.f32 v56, $0.0e+00;
	v62 =	vadd.f32 v45, v7;
	v63 =	vld [tilespmem:s30+$0x480];
	s30 =	sor.u32 $0x1C00, s28  }
0x146: {  	v11 =	vadd.f32 v61, v11;
	v24 =	vmax.f32 v59, $0.0e+00;
	v25 =	vadd.f32 v48, v7;
	v26 =	vld [tilespmem:s30+$0x480];
	s30 =	sor.u32 $0x1C10, s28  }
0x147: {  	v13 =	vadd.f32 v24, v13;
	v27 =	vmax.f32 v62, $0.0e+00;
	v28 =	vadd.f32 v51, v7;
	v29 =	vld [tilespmem:s30+$0x480];
	s30 =	sor.u32 $0x1C20, s28  }
0x148: {  	v10 =	vadd.f32 v27, v10;
	v30 =	vmax.f32 v25, $0.0e+00;
	v31 =	vadd.f32 v54, v7;
	v32 =	vld [tilespmem:s30+$0x480];
	s30 =	sor.u32 $0x1C40, s28  }
0x149: {  	v12 =	vadd.f32 v30, v12;
	v33 =	vmax.f32 v28, $0.0e+00;
	v34 =	vadd.f32 v57, v7;
	v35 =	vld [tilespmem:s30+$0x480];
	s30 =	sor.u32 $0x1C50, s28  }
0x14a: {  	v11 =	vadd.f32 v33, v11;
	v36 =	vmax.f32 v31, $0.0e+00;
	v37 =	vadd.f32 v60, v7;
	v38 =	vld [tilespmem:s30+$0x480];
	s30 =	sor.u32 $0x1C30, s28  }
0x14b: {  	v13 =	vadd.f32 v36, v13;
	v39 =	vmax.f32 v34, $0.0e+00;
	v44 =	vadd.f32 v63, v7;
	v41 =	vld [tilespmem:s30+$0x480]  }
0x14c: {  	v40 =	vadd.f32 v26, v7;
	v10 =	vadd.f32 v39, v10;
	v42 =	vmax.f32 v37, $0.0e+00  }
0x14d: {  	s30 =	sor.u32 $0x1C58, s31;
	v43 =	vadd.f32 v29, v7;
	v12 =	vadd.f32 v42, v12;
	v14 =	vmax.f32 v44, $0.0e+00  }
0x14e: {  	s31 =	sor.u32 $0x1C58, s28;
	v47 =	vld [tilespmem:s30+$0x480];
	v15 =	vmax.f32 v40, $0.0e+00;
	v49 =	vadd.f32 v32, v7;
	v11 =	vadd.f32 v14, v11  }
0x14f: {  	v50 =	vld [tilespmem:s31+$0x480];
	v13 =	vadd.f32 v15, v13;
	v45 =	vmax.f32 v43, $0.0e+00;
	v46 =	vadd.f32 v35, v7  }
0x150: {  	v48 =	vadd.f32 v38, v7;
	v52 =	vmax.f32 v49, $0.0e+00;
	v18 =	vadd.f32 v41, v7  }
0x151: {  	v10 =	vadd.f32 v45, v10;
	v16 =	vmax.f32 v46, $0.0e+00;
	v12 =	vadd.f32 v52, v12  }
0x152: {  	v13 =	vadd.f32 v16, v13;
	v51 =	vmax.f32 v48, $0.0e+00;
	v53 =	vmax.f32 v18, $0.0e+00  }
0x153: {  	v10 =	vadd.f32 v51, v10;
	v11 =	vadd.f32 v53, v11  }
0x154: {  	v6 =	vmax.f32 v6, $0.0e+00;
	v3 =	vadd.f32 v47, v3;
	v7 =	vadd.f32 v50, v7  }
0x155: {  	v6 =	vsel vm0, $0x0, v6;
	v10 =	vadd.f32 v10, v13;
	v11 =	vadd.f32 v11, v12  }
0x156: {  	v5 =	vadd.f32 v5, v6;
	v54 =	vadd.f32 v8, v9;
	v3 =	vmax.f32 v3, $0.0e+00  }
0x157: {  	v7 =	vmax.f32 v7, $0.0e+00;
	v3 =	vsel vm0, $0x0, v3;
	v55 =	vadd.f32 v10, v11  }
0x158: {  	(xrf2) =	vadd.scan.msk.f32 $0xffff, v4;
	v56 =	vsel vm0, $0x0, v7;
	v3 =	vadd.f32 v54, v3  }
0x159: {  	(xrf2) =	vadd.scan.msk.f32 $0xffff, v5;
	v4 =	vadd.f32 v55, v56  }
0x15a: {  	(xrf2) =	vadd.scan.msk.f32 $0xffff, v3  }
0x15b: {  	(xrf2) =	vadd.scan.msk.f32 $0xffff, v4;
	_ =	sdelay $0x6  }
0x15c: {  	v57 =	vor.u32 s25, v2;
	v3, _, _ =	vpop (xrf2)  }
0x15d: {  	v58 =	vor.u32 s26, v2;
	v5, _, _ =	vpop (xrf2);
	v3 =	vadd.f32 $-1.000000000e+00, v3  }
0x15e: {  	v60 =	vor.u32 s29, v2;
	v5 =	vadd.f32 $-1.000000000e+00, v5;
	v59, _, _ =	vpop (xrf2)  }
0x15f: {  	p1 =	slt.u32 s25, $0x1C;
	v62 =	vor.u32 s0, v2;
	v3 =	vmul.f32 $1.000000050e-03, v3;
	v7 =	vadd.f32 $-1.000000000e+00, v59;
	v61, _, _ =	vpop (xrf2)  }
.Ltmp0:
0x160: {  	v5 =	vmul.f32 $1.000000050e-03, v5;
	v9 =	vadd.f32 $-1.000000000e+00, v61;
	(pc) =	sbr.rel @p1 .LBB2_3-.Ltmp0, $4  }
0x161: {  	[tilespmem:v57+s16+$0x0] =	vst.idx.msk vm1, v3;
	v3 =	vmul.f32 $1.000000050e-03, v7  }
0x162: {  	[tilespmem:v58+s16+$0x0] =	vst.idx.msk vm1, v5;
	v63 =	vmul.f32 $1.000000050e-03, v9  }
0x163: {  	p0 =	por !p0, !p0;
	s24 =	sadd.s32 $0x4, s24;
	s22 =	sadd.s32 $0x2, s22;
	[tilespmem:v60+s16+$0x0] =	vst.idx.msk vm1, v3  }
0x164: {  	s23 =	sadd.s32 $0x1000, s23;
	s21 =	sadd.s32 $0x200, s21;
	s25 =	sadd.s32 $0x4, s25;
	[tilespmem:v62+s16+$0x0] =	vst.idx.msk vm1, v63  }
0x165: {  	s0 =	sadd.s32 s20, s7  }
0x166: {  	s0 =	sshll.u32 s0, $0x7  }
0x167: {  	s21 =	simm.s32 $0x0;
	s0 =	sadd.s32 s3, s0  }
0x168: {  	[tilespmem:s12], [sflag:$0x1] =	stream.linear.gather [hbm4b:s0+s21], $0x8000, $0x38;
	[tilespmem:$0x10480] =	vst v63  }
0x169: {  	_ =	swait.ge [sflag:s17], $0x8000  }
0x16a: {  	[sflag:s17] =	ssyncset.done $0x0  }
0x16b: {  	s31 =	sor.u32 $0x20, s20;
	[sflag:s17] =	ssyncadd.s32 $0xFFFF8000  }
0x16c: {  	v2 =	vld [tilespmem:s31+$0x0];
	_ =	sdelay $0x4  }
0x16d: {  	v3 =	vshll.u32 v2, $0x3  }
0x16e: {  	v2 =	vand.u32 $0x7F, v2;
	v3 =	vand.u32 $0xFFFFFC00, v3  }
0x16f: {  	v2 =	vor.u32 v2, v3  }
0x170: {  	v2 =	vadd.s32 v0, v2;
	_ =	sdelay $0x4  }
0x171: {  	v2 =	vld.idx.msk [tilespmem:v2+s13+$0x0], $0xffff;
	_ =	sdelay $0x4  }
0x172: {  	v2 =	vsub.f32 $1.000000000e+00, v2;
	_ =	sdelay $0x1  }
0x173: {  	[tilespmem:$0x400] =	vst v2  }
0x174: {  	v2 =	vld [tilespmem:s20+$0x30];
	_ =	sdelay $0x4  }
0x175: {  	v3 =	vshll.u32 v2, $0x3  }
0x176: {  	v2 =	vand.u32 $0x7F, v2;
	v3 =	vand.u32 $0xFFFFFC00, v3  }
0x177: {  	v2 =	vor.u32 v2, v3  }
0x178: {  	v2 =	vadd.s32 v1, v2;
	_ =	sdelay $0x4  }
0x179: {  	v2 =	vld.idx.msk [tilespmem:v2+s13+$0x0], $0xffff;
	_ =	sdelay $0x4  }
0x17a: {  	v2 =	vsub.f32 $1.000000000e+00, v2  }
0x17b: {  	s22 =	simm.s32 $0x180;
	p0 =	por $0x0, $0x0  }
0x17c: {  	s23 =	simm.s32 $0x0;
	s24 =	simm.s32 $0x0;
	s25 =	simm.s32 $0x0;
	[tilespmem:$0x410] =	vst v2;
	v2 =	vmov s31  }
.LBB2_5:
0x17d: {  	s0 =	sand.u32 $0x6000, s23;
	s1 =	sadd.s32 $0xFFFFFE80, s22  }
0x17e: {  	s1 =	sand.u32 $0x200, s1;
	s28 =	sor.u32 $0x8480, s0  }
0x17f: {  	s0 =	sor.u32 s1, s28  }
0x180: {  	v4 =	vld [tilespmem:s0+$0x0]  }
0x181: {  	v5 =	vld [tilespmem:s0+$0x10]  }
0x182: {  	v6 =	vld [tilespmem:s0+$0x20]  }
0x183: {  	v7 =	vld [tilespmem:s0+$0x30]  }
0x184: {  	v8 =	vld [tilespmem:s0+$0x40]  }
0x185: {  	v9 =	vld [tilespmem:s0+$0x50]  }
0x186: {  	v10 =	vld [tilespmem:s0+$0x60]  }
0x187: {  	v11 =	vld [tilespmem:s0+$0x70]  }
0x188: {  	v12 =	vld [tilespmem:s0+$0x400]  }
0x189: {  	v13 =	vld [tilespmem:s0+$0x410]  }
0x18a: {  	v14 =	vld [tilespmem:s0+$0x420]  }
0x18b: {  	v22 =	vld [tilespmem:s0+$0x430]  }
0x18c: {  	v15 =	vld [tilespmem:s0+$0x440]  }
0x18d: {  	v23 =	vld [tilespmem:s0+$0x450]  }
0x18e: {  	v3 =	vmov s25;
	v27 =	vld [tilespmem:s0+$0x460]  }
0x18f: {  	v28 =	vld [tilespmem:s0+$0x470]  }
0x190: {  	v31 =	vld [tilespmem:s0+$0x800]  }
0x191: {  	v32 =	vld [tilespmem:s0+$0x810]  }
0x192: {  	v35 =	vld [tilespmem:s0+$0x820]  }
0x193: {  	v3 =	vld.idx.msk [tilespmem:v3+s15+$0x0], $0xffff  }
0x194: {  	v36 =	vld [tilespmem:s0+$0x830]  }
0x195: {  	v38 =	vld [tilespmem:s0+$0x840]  }
0x196: {  	v40 =	vld [tilespmem:s0+$0x850]  }
0x197: {  	v41 =	vld [tilespmem:s0+$0x860]  }
0x198: {  	v44 =	vld [tilespmem:s0+$0x870];
	v4 =	vadd.f32 v4, v3  }
0x199: {  	v45 =	vld [tilespmem:s0+$0xC00];
	v5 =	vadd.f32 v5, v3;
	v6 =	vadd.f32 v6, v3  }
0x19a: {  	v49 =	vld [tilespmem:s0+$0xC10];
	v7 =	vadd.f32 v7, v3;
	v8 =	vadd.f32 v8, v3  }
0x19b: {  	v50 =	vld [tilespmem:s0+$0xC20];
	v9 =	vadd.f32 v9, v3;
	v10 =	vadd.f32 v10, v3  }
0x19c: {  	v51 =	vld [tilespmem:s0+$0xC30];
	v21 =	vadd.f32 v11, v3;
	v12 =	vadd.f32 v12, v3  }
0x19d: {  	s1 =	simm.s32 $0x1;
	v53 =	vld [tilespmem:s0+$0xC40];
	v25 =	vadd.f32 v13, v3;
	v26 =	vadd.f32 v14, v3  }
0x19e: {  	s1 =	simm.s32 @!p0 $0x0;
	v57 =	vld [tilespmem:s0+$0xC60];
	v11 =	vadd.f32 v22, v3;
	v33 =	vadd.f32 v15, v3  }
0x19f: {  	v54 =	vld [tilespmem:s0+$0xC50];
	s1 =	sshll.u32 s1, $0x9;
	v34 =	vadd.f32 v27, v3;
	v39 =	vadd.f32 v31, v3  }
0x1a0: {  	v58 =	vld [tilespmem:s0+$0xC70];
	s0 =	sadd.s32 s1, s23;
	v43 =	vadd.f32 v35, v3;
	v47 =	vadd.f32 v36, v3  }
0x1a1: {  	s31 =	sor.u32 $0x1010, s0;
	v48 =	vadd.f32 v40, v3;
	v52 =	vadd.f32 v44, v3  }
0x1a2: {  	v63 =	vld [tilespmem:s31+$0x8480];
	v56 =	vadd.f32 v49, v3;
	v60 =	vadd.f32 v50, v3  }
0x1a3: {  	v61 =	vadd.f32 v53, v3;
	v19 =	vadd.f32 v57, v3;
	v4 =	vmax.f32 v4, $0.0e+00  }
0x1a4: {  	v5 =	vmax.f32 v5, $0.0e+00;
	v6 =	vmax.f32 v6, $0.0e+00;
	v7 =	vmax.f32 v7, $0.0e+00  }
0x1a5: {  	v8 =	vmax.f32 v8, $0.0e+00;
	v9 =	vmax.f32 v9, $0.0e+00;
	v10 =	vmax.f32 v10, $0.0e+00  }
0x1a6: {  	s1 =	sor.u32 $0x1000, s0;
	v24 =	vmax.f32 v12, $0.0e+00;
	v29 =	vmax.f32 v25, $0.0e+00;
	v30 =	vmax.f32 v26, $0.0e+00  }
0x1a7: {  	s26 =	sor.u32 $0x1020, s0;
	v62 =	vld [tilespmem:s1+$0x8480];
	v11 =	vmax.f32 v11, $0.0e+00;
	v27 =	vadd.f32 v63, v3;
	v4 =	vadd.f32 $0.0e+00, v4  }
0x1a8: {  	s29 =	sor.u32 $0x1030, s0;
	v18 =	vld [tilespmem:s26+$0x8480];
	v12 =	vmax.f32 v33, $0.0e+00;
	v5 =	vadd.f32 $0.0e+00, v5;
	v6 =	vadd.f32 $0.0e+00, v6  }
0x1a9: {  	v20 =	vld [tilespmem:s29+$0x8480];
	s26 =	sor.u32 $0x1060, s0;
	v37 =	vmax.f32 v34, $0.0e+00;
	v7 =	vadd.f32 $0.0e+00, v7;
	v4 =	vadd.f32 v8, v4  }
0x1aa: {  	v42 =	vmax.f32 v39, $0.0e+00;
	v25 =	vld [tilespmem:s26+$0x8480];
	s26 =	sor.u32 $0x1420, s0;
	v5 =	vadd.f32 v9, v5;
	v6 =	vadd.f32 v10, v6  }
0x1ab: {  	s30 =	sor.u32 $0x1040, s0;
	v33 =	vld [tilespmem:s26+$0x8480];
	v8 =	vmax.f32 v21, $0.0e+00;
	v9 =	vadd.f32 v23, v3;
	v10 =	vadd.f32 v32, v3  }
0x1ac: {  	s31 =	sor.u32 $0x1050, s0;
	v46 =	vmax.f32 v43, $0.0e+00;
	v21 =	vld [tilespmem:s30+$0x8480];
	v23 =	vadd.f32 v62, v3;
	v7 =	vadd.f32 v8, v7  }
0x1ad: {  	s29 =	sor.u32 $0x1070, s0;
	v55 =	vmax.f32 v52, $0.0e+00;
	v8 =	vadd.f32 v28, v3;
	v4 =	vadd.f32 v24, v4;
	v24 =	vld [tilespmem:s31+$0x8480]  }
0x1ae: {  	v59 =	vmax.f32 v56, $0.0e+00;
	s30 =	sor.u32 $0x1400, s0;
	v28 =	vadd.f32 v20, v3;
	v5 =	vadd.f32 v29, v5;
	v29 =	vld [tilespmem:s29+$0x8480]  }
0x1af: {  	v22 =	vmax.f32 v19, $0.0e+00;
	v6 =	vadd.f32 v30, v6;
	v30 =	vld [tilespmem:s30+$0x8480];
	s31 =	sor.u32 $0x1410, s0;
	v7 =	vadd.f32 v11, v7  }
0x1b0: {  	v9 =	vmax.f32 v9, $0.0e+00;
	s29 =	sor.u32 $0x1430, s0;
	v11 =	vadd.f32 v38, v3;
	v31 =	vld [tilespmem:s31+$0x8480];
	v4 =	vadd.f32 v12, v4  }
0x1b1: {  	s30 =	sor.u32 $0x1440, s0;
	v8 =	vmax.f32 v8, $0.0e+00;
	v34 =	vld [tilespmem:s29+$0x8480];
	v5 =	vadd.f32 v9, v5;
	v6 =	vadd.f32 v37, v6  }
0x1b2: {  	v10 =	vmax.f32 v10, $0.0e+00;
	s31 =	sor.u32 $0x1450, s0;
	v9 =	vadd.f32 v45, v3;
	v37 =	vld [tilespmem:s30+$0x8480];
	v7 =	vadd.f32 v8, v7  }
0x1b3: {  	v26 =	vmax.f32 v23, $0.0e+00;
	s29 =	sor.u32 $0x1470, s0;
	v38 =	vld [tilespmem:s31+$0x8480];
	v8 =	vadd.f32 v41, v3;
	v41 =	vadd.f32 v33, v3  }
0x1b4: {  	v12 =	vmax.f32 v47, $0.0e+00;
	v43 =	vld [tilespmem:s29+$0x8480];
	s30 =	sor.u32 $0x1800, s0;
	v4 =	vadd.f32 v42, v4;
	v5 =	vadd.f32 v10, v5  }
0x1b5: {  	s29 =	sor.u32 $0x1830, s0;
	v11 =	vmax.f32 v11, $0.0e+00;
	v44 =	vld [tilespmem:s30+$0x8480];
	v6 =	vadd.f32 v46, v6;
	v7 =	vadd.f32 v12, v7  }
0x1b6: {  	s26 =	sor.u32 $0x1460, s0;
	v50 =	vld [tilespmem:s29+$0x8480];
	v10 =	vmax.f32 v48, $0.0e+00;
	v32 =	vadd.f32 v24, v3;
	v36 =	vadd.f32 v29, v3  }
0x1b7: {  	s31 =	sor.u32 $0x1810, s0;
	v42 =	vld [tilespmem:s26+$0x8480];
	v8 =	vmax.f32 v8, $0.0e+00;
	v40 =	vadd.f32 v30, v3;
	v4 =	vadd.f32 v11, v4  }
0x1b8: {  	s29 =	sor.u32 $0x1870, s0;
	v9 =	vmax.f32 v9, $0.0e+00;
	v46 =	vld [tilespmem:s31+$0x8480];
	v5 =	vadd.f32 v10, v5;
	v6 =	vadd.f32 v8, v6  }
0x1b9: {  	s26 =	sor.u32 $0x1820, s0;
	v16 =	vld [tilespmem:s29+$0x8480];
	v12 =	vmax.f32 v60, $0.0e+00;
	v11 =	vadd.f32 v51, v3;
	v8 =	vadd.f32 v54, v3  }
0x1ba: {  	s29 =	sor.u32 $0x1C30, s0;
	v47 =	vld [tilespmem:s26+$0x8480];
	v10 =	vmax.f32 v61, $0.0e+00;
	v7 =	vadd.f32 v55, v7;
	v45 =	vadd.f32 v37, v3  }
0x1bb: {  	s30 =	sor.u32 $0x1840, s0;
	v63 =	vld [tilespmem:s29+$0x8480];
	v35 =	vmax.f32 v32, $0.0e+00;
	v53 =	vadd.f32 v43, v3;
	v4 =	vadd.f32 v9, v4  }
0x1bc: {  	s31 =	sor.u32 $0x1850, s0;
	v51 =	vld [tilespmem:s30+$0x8480];
	v39 =	vmax.f32 v36, $0.0e+00;
	v5 =	vadd.f32 v59, v5;
	v6 =	vadd.f32 v12, v6  }
0x1bd: {  	s26 =	sor.u32 $0x1860, s0;
	v54 =	vld [tilespmem:s31+$0x8480];
	v11 =	vmax.f32 v11, $0.0e+00;
	v9 =	vadd.f32 v58, v3;
	v58 =	vadd.f32 v50, v3  }
0x1be: {  	v56 =	vld [tilespmem:s26+$0x8480];
	s26 =	sor.u32 $0x1C20, s0;
	v8 =	vmax.f32 v8, $0.0e+00;
	v7 =	vadd.f32 v11, v7;
	v11 =	vadd.f32 v18, v3  }
0x1bf: {  	v61 =	vld [tilespmem:s26+$0x8480];
	s26 =	sadd.s32 $0x1, s25;
	v12 =	vmax.f32 v27, $0.0e+00;
	v49 =	vadd.f32 v42, v3;
	v55 =	vadd.f32 v46, v3  }
0x1c0: {  	v17 =	vmov s26;
	v23 =	vadd.f32 v16, v3;
	v4 =	vadd.f32 v10, v4  }
0x1c1: {  	v48 =	vmax.f32 v45, $0.0e+00;
	v5 =	vadd.f32 v8, v5;
	v6 =	vadd.f32 v22, v6  }
0x1c2: {  	s30 =	sor.u32 $0x1C00, s0;
	v9 =	vmax.f32 v9, $0.0e+00;
	v8 =	vadd.f32 v21, v3;
	v30 =	vadd.f32 v63, v3  }
0x1c3: {  	s31 =	sor.u32 $0x1C10, s0;
	v57 =	vld [tilespmem:s30+$0x8480];
	v10 =	vmax.f32 v28, $0.0e+00;
	v7 =	vadd.f32 v9, v7;
	v9 =	vadd.f32 v25, v3  }
0x1c4: {  	v59 =	vld [tilespmem:s31+$0x8480];
	v11 =	vmax.f32 v11, $0.0e+00;
	v60 =	vadd.f32 v51, v3;
	v62 =	vadd.f32 v54, v3  }
0x1c5: {  	v52 =	vmax.f32 v49, $0.0e+00;
	v20 =	vadd.f32 v56, v3;
	v4 =	vadd.f32 v26, v4  }
0x1c6: {  	s31 =	sor.u32 $0x1C50, s0;
	v27 =	vmax.f32 v23, $0.0e+00;
	v5 =	vadd.f32 v12, v5;
	v6 =	vadd.f32 v11, v6  }
0x1c7: {  	v24 =	vld [tilespmem:s31+$0x8480];
	v8 =	vmax.f32 v8, $0.0e+00;
	v11 =	vadd.f32 v31, v3;
	v12 =	vmax.f32 v40, $0.0e+00  }
0x1c8: {  	v26 =	vadd.f32 v57, v3;
	v7 =	vadd.f32 v10, v7;
	v9 =	vmax.f32 v9, $0.0e+00  }
0x1c9: {  	s29 =	sadd.s32 $0xFFFFFF00, s22;
	v10 =	vmax.f32 v41, $0.0e+00;
	v28 =	vadd.f32 v59, v3;
	v4 =	vadd.f32 v8, v4  }
0x1ca: {  	s1 =	sand.u32 $0x280, s29;
	v22 =	vmax.f32 v62, $0.0e+00;
	v5 =	vadd.f32 v35, v5;
	v6 =	vadd.f32 v9, v6  }
0x1cb: {  	s29 =	sadd.s32 s1, s28;
	v25 =	vmax.f32 v20, $0.0e+00;
	v8 =	vadd.f32 v34, v3;
	v9 =	vadd.f32 v38, v3  }
0x1cc: {  	v33 =	vld [tilespmem:s29+$0x10];
	v11 =	vmax.f32 v11, $0.0e+00;
	v32 =	vadd.f32 v24, v3;
	v7 =	vadd.f32 v39, v7  }
0x1cd: {  	s30 =	sor.u32 $0x1C40, s0;
	v18 =	vld [tilespmem:s29+$0x430];
	v34 =	vmax.f32 v30, $0.0e+00;
	v4 =	vadd.f32 v12, v4;
	v5 =	vadd.f32 v11, v5  }
0x1ce: {  	v21 =	vld [tilespmem:s30+$0x8480];
	v8 =	vmax.f32 v8, $0.0e+00;
	v6 =	vadd.f32 v10, v6;
	v9 =	vmax.f32 v9, $0.0e+00  }
0x1cf: {  	v63 =	vld [tilespmem:s29+$0x810];
	v11 =	vadd.f32 v44, v3;
	v12 =	vmax.f32 v53, $0.0e+00;
	v7 =	vadd.f32 v8, v7  }
0x1d0: {  	v49 =	vld [tilespmem:s29+$0x420];
	v10 =	vmax.f32 v55, $0.0e+00;
	v8 =	vadd.f32 v47, v3;
	v4 =	vadd.f32 v48, v4  }
0x1d1: {  	v31 =	vld [tilespmem:s29+$0x0];
	v5 =	vadd.f32 v9, v5;
	v6 =	vadd.f32 v52, v6;
	v11 =	vmax.f32 v11, $0.0e+00  }
0x1d2: {  	v41 =	vld [tilespmem:s29+$0x40];
	v7 =	vadd.f32 v12, v7;
	v8 =	vmax.f32 v8, $0.0e+00;
	v4 =	vadd.f32 v11, v4  }
0x1d3: {  	v35 =	vld [tilespmem:s29+$0x20];
	v5 =	vadd.f32 v10, v5;
	v6 =	vadd.f32 v8, v6;
	v10 =	vmax.f32 v58, $0.0e+00  }
0x1d4: {  	v39 =	vld [tilespmem:s29+$0x30];
	v9 =	vadd.f32 v61, v3;
	v8 =	vmax.f32 v60, $0.0e+00;
	v7 =	vadd.f32 v10, v7  }
0x1d5: {  	v29 =	vmax.f32 v28, $0.0e+00;
	v4 =	vadd.f32 v8, v4;
	v8 =	vadd.f32 v25, v6;
	v6 =	vld.idx.msk [tilespmem:v17+s15+$0x0], $0xffff  }
0x1d6: {  	v13 =	vadd.f32 v21, v3;
	v21 =	vld [tilespmem:s29+$0x820];
	v10 =	vmax.f32 v26, $0.0e+00;
	v5 =	vadd.f32 v22, v5  }
0x1d7: {  	v44 =	vld [tilespmem:s29+$0x60];
	v9 =	vmax.f32 v9, $0.0e+00;
	v7 =	vadd.f32 v27, v7;
	v4 =	vadd.f32 v10, v4  }
0x1d8: {  	v36 =	vmax.f32 v13, $0.0e+00;
	v47 =	vld [tilespmem:s29+$0x400];
	v5 =	vadd.f32 v29, v5;
	v8 =	vadd.f32 v9, v8  }
0x1d9: {  	v37 =	vmax.f32 v32, $0.0e+00;
	v48 =	vld [tilespmem:s29+$0x410];
	v7 =	vadd.f32 v34, v7;
	v4 =	vadd.f32 v36, v4  }
0x1da: {  	v53 =	vld [tilespmem:s29+$0x450];
	v5 =	vadd.f32 v37, v5;
	v40 =	vadd.f32 v31, v6  }
0x1db: {  	v58 =	vld [tilespmem:s29+$0x470];
	v43 =	vadd.f32 v33, v6;
	v10 =	vadd.f32 v35, v6  }
0x1dc: {  	v25 =	vld [tilespmem:s29+$0x840];
	v9 =	vadd.f32 v39, v6;
	v12 =	vadd.f32 v41, v6  }
0x1dd: {  	s0 =	sor.u32 $0x1C58, s0;
	v42 =	vld [tilespmem:s29+$0x50];
	v15 =	vadd.f32 v44, v6;
	v14 =	vadd.f32 v47, v6  }
0x1de: {  	v38 =	vld [tilespmem:s0+$0x8480];
	v52 =	vadd.f32 v48, v6;
	v57 =	vadd.f32 v49, v6  }
0x1df: {  	v45 =	vld [tilespmem:s29+$0x70];
	v61 =	vadd.f32 v18, v6;
	v62 =	vadd.f32 v53, v6  }
0x1e0: {  	v23 =	vld [tilespmem:s29+$0x830];
	v24 =	vadd.f32 v58, v6;
	v28 =	vadd.f32 v63, v6  }
0x1e1: {  	v29 =	vld [tilespmem:s29+$0x860];
	v32 =	vadd.f32 v21, v6;
	v33 =	vadd.f32 v25, v6  }
0x1e2: {  	v51 =	vld [tilespmem:s29+$0x440];
	v4 =	vadd.f32 v5, v4;
	v5 =	vadd.f32 v7, v8  }
0x1e3: {  	s30 =	sand.u32 $0x7, s24;
	v54 =	vld [tilespmem:s29+$0x460];
	v7 =	vadd.f32 v38, v3;
	v8 =	vadd.f32 v42, v6  }
0x1e4: {  	s0 =	sshll.u32 s30, $0x7;
	v34 =	vld [tilespmem:s29+$0xC00];
	v11 =	vmax.f32 v40, $0.0e+00;
	v46 =	vmax.f32 v43, $0.0e+00;
	v10 =	vmax.f32 v10, $0.0e+00  }
0x1e5: {  	v59 =	vld [tilespmem:s29+$0x800];
	s30 =	sadd.s32 s23, s0;
	v9 =	vmax.f32 v9, $0.0e+00;
	v12 =	vmax.f32 v12, $0.0e+00;
	v50 =	vmax.f32 v15, $0.0e+00  }
0x1e6: {  	v30 =	vld [tilespmem:s29+$0x870];
	s0 =	sadd.s32 $0x80, s30;
	v55 =	vmax.f32 v14, $0.0e+00;
	v14 =	vadd.f32 v23, v6;
	v37 =	vadd.f32 v29, v6  }
0x1e7: {  	s31 =	sor.u32 $0x1000, s0;
	v35 =	vld [tilespmem:s29+$0xC10];
	v56 =	vmax.f32 v52, $0.0e+00;
	v3 =	vadd.f32 $0.0e+00, v11;
	v13 =	vadd.f32 $0.0e+00, v46  }
0x1e8: {  	v48 =	vld [tilespmem:s31+$0x8480];
	v60 =	vmax.f32 v57, $0.0e+00;
	v10 =	vadd.f32 $0.0e+00, v10;
	v9 =	vadd.f32 $0.0e+00, v9  }
0x1e9: {  	v38 =	vld [tilespmem:s29+$0xC30];
	v15 =	vmax.f32 v61, $0.0e+00;
	v11 =	vadd.f32 v45, v6;
	v41 =	vadd.f32 v34, v6  }
0x1ea: {  	v42 =	vld [tilespmem:s29+$0xC50];
	v8 =	vmax.f32 v8, $0.0e+00;
	v4 =	vadd.f32 v4, v5;
	v3 =	vadd.f32 v12, v3  }
0x1eb: {  	v47 =	vld [tilespmem:s29+$0xC70];
	v22 =	vmax.f32 v62, $0.0e+00;
	v8 =	vadd.f32 v8, v13;
	v10 =	vadd.f32 v50, v10  }
0x1ec: {  	v26 =	vld [tilespmem:s29+$0x850];
	v27 =	vmax.f32 v24, $0.0e+00;
	v13 =	vadd.f32 v51, v6;
	v12 =	vadd.f32 v59, v6  }
0x1ed: {  	v36 =	vld [tilespmem:s29+$0xC20];
	v11 =	vmax.f32 v11, $0.0e+00;
	v45 =	vadd.f32 v35, v6;
	v58 =	vadd.f32 v48, v6  }
0x1ee: {  	v39 =	vld [tilespmem:s29+$0xC40];
	v31 =	vmax.f32 v28, $0.0e+00;
	v9 =	vadd.f32 v11, v9;
	v11 =	vadd.f32 v54, v6  }
0x1ef: {  	s31 =	sor.u32 $0x1020, s0;
	v43 =	vld [tilespmem:s29+$0xC60];
	v14 =	vmax.f32 v14, $0.0e+00;
	v46 =	vadd.f32 v38, v6;
	v50 =	vadd.f32 v42, v6  }
0x1f0: {  	s29 =	sor.u32 $0x1010, s0;
	v40 =	vmax.f32 v37, $0.0e+00;
	v51 =	vld [tilespmem:s31+$0x8480];
	v54 =	vadd.f32 v47, v6;
	v3 =	vadd.f32 v55, v3  }
0x1f1: {  	v49 =	vld [tilespmem:s29+$0x8480];
	s29 =	sor.u32 $0x1030, s0;
	v8 =	vadd.f32 v56, v8;
	v10 =	vadd.f32 v60, v10;
	v13 =	vmax.f32 v13, $0.0e+00  }
0x1f2: {  	v52 =	vld [tilespmem:s29+$0x8480];
	s31 =	sor.u32 $0x1040, s0;
	v9 =	vadd.f32 v15, v9;
	v11 =	vmax.f32 v11, $0.0e+00;
	v3 =	vadd.f32 v13, v3  }
0x1f3: {  	s29 =	sor.u32 $0x1050, s0;
	v44 =	vmax.f32 v41, $0.0e+00;
	v55 =	vld [tilespmem:s31+$0x8480];
	v8 =	vadd.f32 v22, v8;
	v10 =	vadd.f32 v11, v10  }
0x1f4: {  	v12 =	vmax.f32 v12, $0.0e+00;
	v56 =	vld [tilespmem:s29+$0x8480];
	s31 =	sor.u32 $0x1060, s0;
	v11 =	vadd.f32 v26, v6;
	v9 =	vadd.f32 v27, v9  }
0x1f5: {  	s29 =	sor.u32 $0x1070, s0;
	v15 =	vmax.f32 v32, $0.0e+00;
	v60 =	vld [tilespmem:s31+$0x8480];
	v59 =	vadd.f32 v51, v6;
	v3 =	vadd.f32 v12, v3  }
0x1f6: {  	v53 =	vmax.f32 v50, $0.0e+00;
	v61 =	vld [tilespmem:s29+$0x8480];
	s31 =	sor.u32 $0x1400, s0;
	v8 =	vadd.f32 v31, v8;
	v10 =	vadd.f32 v15, v10  }
0x1f7: {  	s29 =	sor.u32 $0x1410, s0;
	v13 =	vmax.f32 v33, $0.0e+00;
	v62 =	vld [tilespmem:s31+$0x8480];
	v12 =	vadd.f32 v30, v6;
	v9 =	vadd.f32 v14, v9  }
0x1f8: {  	v20 =	vld [tilespmem:s29+$0x8480];
	s31 =	sor.u32 $0x1420, s0;
	v11 =	vmax.f32 v11, $0.0e+00;
	v14 =	vadd.f32 v36, v6;
	v63 =	vadd.f32 v55, v6  }
0x1f9: {  	v57 =	vmax.f32 v54, $0.0e+00;
	s29 =	sor.u32 $0x1430, s0;
	v21 =	vld [tilespmem:s31+$0x8480];
	v3 =	vadd.f32 v13, v3;
	v8 =	vadd.f32 v11, v8  }
0x1fa: {  	v24 =	vld [tilespmem:s29+$0x8480];
	s31 =	sor.u32 $0x1440, s0;
	v15 =	vmax.f32 v45, $0.0e+00;
	v10 =	vadd.f32 v40, v10;
	v11 =	vadd.f32 v39, v6  }
0x1fb: {  	s29 =	sor.u32 $0x1450, s0;
	v25 =	vld [tilespmem:s31+$0x8480];
	v12 =	vmax.f32 v12, $0.0e+00;
	v23 =	vadd.f32 v60, v6;
	v27 =	vadd.f32 v61, v6  }
0x1fc: {  	v29 =	vld [tilespmem:s29+$0x8480];
	s31 =	sor.u32 $0x1460, s0;
	v13 =	vmax.f32 v46, $0.0e+00;
	v9 =	vadd.f32 v12, v9;
	v12 =	vadd.f32 v43, v6  }
0x1fd: {  	s29 =	sor.u32 $0x1470, s0;
	v30 =	vld [tilespmem:s31+$0x8480];
	v14 =	vmax.f32 v14, $0.0e+00;
	v28 =	vadd.f32 v20, v6;
	v3 =	vadd.f32 v44, v3  }
0x1fe: {  	v31 =	vld [tilespmem:s29+$0x8480];
	s31 =	sor.u32 $0x1800, s0;
	v22 =	vmax.f32 v63, $0.0e+00;
	v8 =	vadd.f32 v15, v8;
	v10 =	vadd.f32 v14, v10  }
0x1ff: {  	s29 =	sor.u32 $0x1810, s0;
	v33 =	vld [tilespmem:s31+$0x8480];
	v11 =	vmax.f32 v11, $0.0e+00;
	v14 =	vadd.f32 v49, v6;
	v15 =	vmax.f32 v58, $0.0e+00  }
0x200: {  	v34 =	vld [tilespmem:s29+$0x8480];
	s31 =	sor.u32 $0x1820, s0;
	v26 =	vmax.f32 v23, $0.0e+00;
	v32 =	vadd.f32 v24, v6;
	v9 =	vadd.f32 v13, v9  }
0x201: {  	s29 =	sor.u32 $0x1830, s0;
	v37 =	vld [tilespmem:s31+$0x8480];
	v12 =	vmax.f32 v12, $0.0e+00;
	v36 =	vadd.f32 v29, v6;
	v3 =	vadd.f32 v11, v3  }
0x202: {  	v38 =	vld [tilespmem:s29+$0x8480];
	s31 =	sor.u32 $0x1840, s0;
	v13 =	vmax.f32 v59, $0.0e+00;
	v8 =	vadd.f32 v53, v8;
	v10 =	vadd.f32 v12, v10  }
0x203: {  	s29 =	sor.u32 $0x1850, s0;
	v42 =	vld [tilespmem:s31+$0x8480];
	v14 =	vmax.f32 v14, $0.0e+00;
	v11 =	vadd.f32 v52, v6;
	v12 =	vadd.f32 v56, v6  }
0x204: {  	v43 =	vld [tilespmem:s29+$0x8480];
	s31 =	sor.u32 $0x1860, s0;
	v35 =	vmax.f32 v32, $0.0e+00;
	v40 =	vadd.f32 v30, v6;
	v9 =	vadd.f32 v57, v9  }
0x205: {  	s29 =	sor.u32 $0x1870, s0;
	v44 =	vld [tilespmem:s31+$0x8480];
	v39 =	vmax.f32 v36, $0.0e+00;
	v41 =	vadd.f32 v33, v6;
	v3 =	vadd.f32 v15, v3  }
0x206: {  	v46 =	vld [tilespmem:s29+$0x8480];
	s29 =	sor.u32 $0x1C10, s0;
	v8 =	vadd.f32 v14, v8;
	v11 =	vmax.f32 v11, $0.0e+00;
	v10 =	vadd.f32 v13, v10  }
0x207: {  	s1 =	sor.u32 $0x1C50, s0;
	v50 =	vld [tilespmem:s29+$0x8480];
	v12 =	vmax.f32 v12, $0.0e+00;
	v14 =	vadd.f32 v62, v6;
	v45 =	vadd.f32 v37, v6  }
0x208: {  	s29 =	sor.u32 $0x1C40, s0;
	v56 =	vld [tilespmem:s1+$0x8480];
	v15 =	vmax.f32 v27, $0.0e+00;
	v9 =	vadd.f32 v11, v9;
	v11 =	vadd.f32 v21, v6  }
0x209: {  	s31 =	sor.u32 $0x1C00, s0;
	v54 =	vld [tilespmem:s29+$0x8480];
	s29 =	sadd.s32 $0x2, s25;
	v13 =	vmax.f32 v28, $0.0e+00;
	v49 =	vadd.f32 v42, v6;
	v53 =	vadd.f32 v43, v6  }
0x20a: {  	v47 =	vld [tilespmem:s31+$0x8480];
	s31 =	sor.u32 $0x1C20, s0;
	v19 =	vmov s29;
	v3 =	vadd.f32 v22, v3;
	v8 =	vadd.f32 v12, v8  }
0x20b: {  	v51 =	vld [tilespmem:s31+$0x8480];
	s31 =	sor.u32 $0x1C30, s0;
	v10 =	vadd.f32 v26, v10;
	v14 =	vmax.f32 v14, $0.0e+00;
	v12 =	vadd.f32 v25, v6  }
0x20c: {  	v20 =	vld [tilespmem:s31+$0x8480];
	v48 =	vmax.f32 v45, $0.0e+00;
	v55 =	vadd.f32 v46, v6;
	v9 =	vadd.f32 v15, v9  }
0x20d: {  	v11 =	vmax.f32 v11, $0.0e+00;
	v57 =	vadd.f32 v50, v6;
	v16 =	vadd.f32 v56, v6  }
0x20e: {  	s31 =	sadd.s32 $0xFFFFFF80, s22;
	v15 =	vmax.f32 v40, $0.0e+00;
	v3 =	vadd.f32 v14, v3;
	v8 =	vadd.f32 v13, v8  }
0x20f: {  	s0 =	sor.u32 $0x1C58, s0;
	s1 =	sand.u32 $0x300, s31;
	v52 =	vmax.f32 v49, $0.0e+00;
	v10 =	vadd.f32 v11, v10;
	v14 =	vadd.f32 v31, v6  }
0x210: {  	v58 =	vld [tilespmem:s0+$0x8480];
	s0 =	sor.u32 s1, s28;
	v12 =	vmax.f32 v12, $0.0e+00;
	v11 =	vadd.f32 v34, v6;
	v59 =	vadd.f32 v54, v6  }
0x211: {  	v61 =	vld [tilespmem:s0+$0x0];
	v13 =	vmax.f32 v41, $0.0e+00;
	v9 =	vadd.f32 v35, v9;
	v60 =	vadd.f32 v20, v6  }
0x212: {  	v62 =	vld [tilespmem:s0+$0x10];
	v16 =	vmax.f32 v16, $0.0e+00;
	v20 =	vmax.f32 v7, $0.0e+00;
	v3 =	vadd.f32 v12, v3  }
0x213: {  	v63 =	vld [tilespmem:s0+$0x20];
	v8 =	vadd.f32 v39, v8;
	v14 =	vmax.f32 v14, $0.0e+00;
	v10 =	vadd.f32 v15, v10  }
0x214: {  	v22 =	vld [tilespmem:s0+$0x40];
	v11 =	vmax.f32 v11, $0.0e+00;
	v12 =	vadd.f32 v38, v6;
	v9 =	vadd.f32 v14, v9  }
0x215: {  	v25 =	vld [tilespmem:s0+$0x50];
	v15 =	vmax.f32 v53, $0.0e+00;
	v14 =	vadd.f32 v44, v6;
	v3 =	vadd.f32 v13, v3  }
0x216: {  	v28 =	vld [tilespmem:s0+$0x60];
	v8 =	vadd.f32 v11, v8;
	v12 =	vmax.f32 v12, $0.0e+00;
	v10 =	vadd.f32 v48, v10  }
0x217: {  	v29 =	vld [tilespmem:s0+$0x70];
	v11 =	vadd.f32 v47, v6;
	v13 =	vmax.f32 v55, $0.0e+00;
	v9 =	vadd.f32 v12, v9  }
0x218: {  	v30 =	vld [tilespmem:s0+$0x400];
	v14 =	vmax.f32 v14, $0.0e+00;
	v12 =	vadd.f32 v51, v6;
	v3 =	vadd.f32 v52, v3  }
0x219: {  	v32 =	vld [tilespmem:s0+$0x420];
	v8 =	vadd.f32 v15, v8;
	v10 =	vadd.f32 v14, v10;
	v11 =	vmax.f32 v11, $0.0e+00  }
0x21a: {  	v36 =	vld [tilespmem:s0+$0x450];
	v9 =	vadd.f32 v13, v9;
	v13 =	vmax.f32 v57, $0.0e+00;
	v12 =	vmax.f32 v12, $0.0e+00  }
0x21b: {  	v11 =	vadd.f32 v11, v3;
	v3 =	vld.idx.msk [tilespmem:v19+s15+$0x0], $0xffff;
	v8 =	vadd.f32 v13, v8;
	v13 =	vmax.f32 v60, $0.0e+00  }
0x21c: {  	v15 =	vmax.f32 v59, $0.0e+00;
	v10 =	vadd.f32 v12, v10;
	v19 =	vld [tilespmem:s0+$0x30];
	v9 =	vadd.f32 v13, v9  }
0x21d: {  	v42 =	vld [tilespmem:s0+$0x470];
	v5 =	vsel vm0, $0x0, v20;
	v11 =	vadd.f32 v15, v11;
	v8 =	vadd.f32 v16, v8  }
0x21e: {  	v45 =	vld [tilespmem:s0+$0x810];
	v4 =	vadd.f32 v4, v5;
	v6 =	vadd.f32 v58, v6  }
0x21f: {  	v31 =	vld [tilespmem:s0+$0x410];
	v9 =	vadd.f32 v9, v10;
	v21 =	vadd.f32 v8, v11  }
0x220: {  	v35 =	vld [tilespmem:s0+$0x440];
	v23 =	vadd.f32 v61, v3;
	v24 =	vadd.f32 v62, v3  }
0x221: {  	v50 =	vld [tilespmem:s0+$0x830];
	v27 =	vadd.f32 v63, v3;
	v12 =	vadd.f32 v19, v3  }
0x222: {  	v55 =	vld [tilespmem:s0+$0x860];
	v8 =	vadd.f32 v22, v3;
	v13 =	vadd.f32 v25, v3  }
0x223: {  	v51 =	vld [tilespmem:s0+$0x840];
	v10 =	vadd.f32 v28, v3;
	v14 =	vadd.f32 v29, v3  }
0x224: {  	v34 =	vadd.f32 v30, v3;
	v16 =	vadd.f32 v31, v3  }
0x225: {  	v41 =	vadd.f32 v32, v3;
	v15 =	vadd.f32 v35, v3  }
0x226: {  	v48 =	vadd.f32 v36, v3;
	v49 =	vadd.f32 v42, v3  }
0x227: {  	v59 =	vld [tilespmem:s0+$0xC00];
	v54 =	vadd.f32 v45, v3;
	v58 =	vadd.f32 v50, v3  }
0x228: {  	v33 =	vld [tilespmem:s0+$0x430];
	v62 =	vadd.f32 v51, v3;
	v63 =	vadd.f32 v55, v3  }
0x229: {  	v43 =	vld [tilespmem:s0+$0x800];
	v5 =	vadd.f32 v21, v9;
	v26 =	vmax.f32 v23, $0.0e+00;
	v11 =	vmax.f32 v24, $0.0e+00  }
0x22a: {  	v46 =	vld [tilespmem:s0+$0x820];
	v9 =	vmax.f32 v27, $0.0e+00;
	v12 =	vmax.f32 v12, $0.0e+00;
	v8 =	vmax.f32 v8, $0.0e+00  }
0x22b: {  	s31 =	sand.u32 $0x3, s21;
	v39 =	vld [tilespmem:s0+$0x460];
	v13 =	vmax.f32 v13, $0.0e+00;
	v10 =	vmax.f32 v10, $0.0e+00;
	v14 =	vmax.f32 v14, $0.0e+00  }
0x22c: {  	s1 =	sshll.u32 s31, $0x8;
	v53 =	vld [tilespmem:s0+$0x850];
	v38 =	vmax.f32 v34, $0.0e+00;
	v24 =	vadd.f32 v59, v3;
	v7 =	vadd.f32 $0.0e+00, v26  }
0x22d: {  	s1 =	sadd.s32 s23, s1;
	v22 =	vld [tilespmem:s0+$0xC30];
	v40 =	vmax.f32 v16, $0.0e+00;
	v11 =	vadd.f32 $0.0e+00, v11;
	v9 =	vadd.f32 $0.0e+00, v9  }
0x22e: {  	s31 =	sadd.s32 $0x100, s1;
	v25 =	vld [tilespmem:s0+$0xC50];
	v44 =	vmax.f32 v41, $0.0e+00;
	v12 =	vadd.f32 $0.0e+00, v12;
	v7 =	vadd.f32 v8, v7  }
0x22f: {  	s1 =	sor.u32 $0x1000, s31;
	v21 =	vld [tilespmem:s0+$0xC20];
	v47 =	vmax.f32 v15, $0.0e+00;
	v11 =	vadd.f32 v13, v11;
	v9 =	vadd.f32 v10, v9  }
0x230: {  	v30 =	vld [tilespmem:s1+$0x8480];
	s1 =	sor.u32 $0x1010, s31;
	v15 =	vmax.f32 v48, $0.0e+00;
	v37 =	vadd.f32 v14, v12;
	v8 =	vadd.f32 v33, v3  }
0x231: {  	v52 =	vmax.f32 v49, $0.0e+00;
	v34 =	vld [tilespmem:s1+$0x8480];
	v13 =	vadd.f32 v39, v3;
	v12 =	vadd.f32 v43, v3  }
0x232: {  	v29 =	vld [tilespmem:s0+$0xC70];
	v57 =	vmax.f32 v54, $0.0e+00;
	s1 =	sor.u32 $0x1020, s31;
	v10 =	vadd.f32 v46, v3;
	v14 =	vadd.f32 v53, v3  }
0x233: {  	v61 =	vmax.f32 v58, $0.0e+00;
	v35 =	vld [tilespmem:s1+$0x8480];
	v32 =	vadd.f32 v22, v3;
	v33 =	vadd.f32 v25, v3  }
0x234: {  	v27 =	vmax.f32 v24, $0.0e+00;
	v28 =	vadd.f32 v21, v3;
	v7 =	vadd.f32 v38, v7  }
0x235: {  	v56 =	vld [tilespmem:s0+$0x870];
	v11 =	vadd.f32 v40, v11;
	v8 =	vmax.f32 v8, $0.0e+00;
	v9 =	vadd.f32 v44, v9  }
0x236: {  	v60 =	vld [tilespmem:s0+$0xC10];
	s1 =	sor.u32 $0x1030, s31;
	v13 =	vmax.f32 v13, $0.0e+00;
	v12 =	vmax.f32 v12, $0.0e+00;
	v41 =	vadd.f32 v34, v3  }
0x237: {  	v36 =	vld [tilespmem:s1+$0x8480];
	s1 =	sor.u32 $0x1040, s31;
	v10 =	vmax.f32 v10, $0.0e+00;
	v8 =	vadd.f32 v8, v37;
	v37 =	vadd.f32 v29, v3  }
0x238: {  	v14 =	vmax.f32 v14, $0.0e+00;
	v38 =	vld [tilespmem:s1+$0x8480];
	v45 =	vadd.f32 v35, v3;
	v7 =	vadd.f32 v47, v7  }
0x239: {  	v23 =	vld [tilespmem:s0+$0xC40];
	v31 =	vmax.f32 v28, $0.0e+00;
	v11 =	vadd.f32 v15, v11;
	v9 =	vadd.f32 v13, v9  }
0x23a: {  	v26 =	vld [tilespmem:s0+$0xC60];
	s1 =	sor.u32 $0x1050, s31;
	v15 =	vmax.f32 v62, $0.0e+00;
	v8 =	vadd.f32 v52, v8;
	v7 =	vadd.f32 v12, v7  }
0x23b: {  	v39 =	vld [tilespmem:s1+$0x8480];
	s1 =	sor.u32 $0x1060, s31;
	v13 =	vmax.f32 v63, $0.0e+00;
	v11 =	vadd.f32 v57, v11;
	v9 =	vadd.f32 v10, v9  }
0x23c: {  	v42 =	vld [tilespmem:s1+$0x8480];
	s1 =	sor.u32 $0x1070, s31;
	v44 =	vmax.f32 v41, $0.0e+00;
	v12 =	vadd.f32 v56, v3;
	v10 =	vadd.f32 v60, v3  }
0x23d: {  	v40 =	vmax.f32 v37, $0.0e+00;
	v43 =	vld [tilespmem:s1+$0x8480];
	s1 =	sor.u32 $0x1400, s31;
	v8 =	vadd.f32 v61, v8;
	v46 =	vadd.f32 v38, v3  }
0x23e: {  	v47 =	vld [tilespmem:s1+$0x8480];
	s1 =	sor.u32 $0x1410, s31;
	v7 =	vadd.f32 v15, v7;
	v11 =	vadd.f32 v14, v11;
	v12 =	vmax.f32 v12, $0.0e+00  }
0x23f: {  	v48 =	vld [tilespmem:s1+$0x8480];
	s1 =	sor.u32 $0x1420, s31;
	v9 =	vadd.f32 v13, v9;
	v10 =	vmax.f32 v10, $0.0e+00;
	v14 =	vadd.f32 v23, v3  }
0x240: {  	v15 =	vmax.f32 v32, $0.0e+00;
	v49 =	vld [tilespmem:s1+$0x8480];
	s1 =	sor.u32 $0x1430, s31;
	v8 =	vadd.f32 v12, v8;
	v12 =	vadd.f32 v26, v3  }
0x241: {  	s0 =	sadd.s32 $0x3, s25;
	v13 =	vmax.f32 v33, $0.0e+00;
	v50 =	vadd.f32 v42, v3;
	v51 =	vld [tilespmem:s1+$0x8480];
	s1 =	sor.u32 $0x1440, s31;
	v7 =	vadd.f32 v27, v7  }
0x242: {  	v33 =	vmov s0;
	v10 =	vadd.f32 v10, v11;
	v9 =	vadd.f32 v31, v9;
	v52 =	vld [tilespmem:s1+$0x8480];
	s1 =	sor.u32 $0x1450, s31  }
0x243: {  	v14 =	vmax.f32 v14, $0.0e+00;
	v11 =	vadd.f32 v30, v3;
	v8 =	vadd.f32 v15, v8;
	v55 =	vld [tilespmem:s1+$0x8480];
	s1 =	sor.u32 $0x1460, s31  }
0x244: {  	v12 =	vmax.f32 v12, $0.0e+00;
	v54 =	vadd.f32 v47, v3;
	v7 =	vadd.f32 v14, v7;
	v56 =	vld [tilespmem:s1+$0x8480];
	s1 =	sor.u32 $0x1470, s31  }
0x245: {  	v15 =	vmax.f32 v45, $0.0e+00;
	v10 =	vadd.f32 v13, v10;
	v9 =	vadd.f32 v12, v9;
	v60 =	vld [tilespmem:s1+$0x8480];
	s1 =	sor.u32 $0x1800, s31  }
0x246: {  	v53 =	vmax.f32 v50, $0.0e+00;
	v14 =	vadd.f32 v36, v3;
	v12 =	vadd.f32 v39, v3;
	v61 =	vld [tilespmem:s1+$0x8480];
	s1 =	sor.u32 $0x1810, s31  }
0x247: {  	v11 =	vmax.f32 v11, $0.0e+00;
	v58 =	vadd.f32 v48, v3;
	v8 =	vadd.f32 v40, v8;
	v62 =	vld [tilespmem:s1+$0x8480];
	s1 =	sor.u32 $0x1820, s31  }
0x248: {  	v13 =	vmax.f32 v46, $0.0e+00;
	v7 =	vadd.f32 v11, v7;
	v10 =	vadd.f32 v44, v10;
	v20 =	vld [tilespmem:s1+$0x8480];
	s1 =	sor.u32 $0x1830, s31  }
0x249: {  	v14 =	vmax.f32 v14, $0.0e+00;
	v9 =	vadd.f32 v15, v9;
	v11 =	vadd.f32 v43, v3;
	v21 =	vld [tilespmem:s1+$0x8480];
	s1 =	sor.u32 $0x1840, s31  }
0x24a: {  	v57 =	vmax.f32 v54, $0.0e+00;
	v59 =	vadd.f32 v51, v3;
	v8 =	vadd.f32 v14, v8;
	v24 =	vld [tilespmem:s1+$0x8480];
	s1 =	sor.u32 $0x1850, s31  }
0x24b: {  	v12 =	vmax.f32 v12, $0.0e+00;
	v14 =	vadd.f32 v49, v3;
	v7 =	vadd.f32 v13, v7;
	v27 =	vld [tilespmem:s1+$0x8480];
	s1 =	sor.u32 $0x1860, s31  }
0x24c: {  	v10 =	vadd.f32 v12, v10;
	v11 =	vmax.f32 v11, $0.0e+00;
	v9 =	vadd.f32 v53, v9;
	v29 =	vld [tilespmem:s1+$0x8480];
	s1 =	sor.u32 $0x1870, s31  }
0x24d: {  	v15 =	vmax.f32 v58, $0.0e+00;
	v12 =	vadd.f32 v52, v3;
	v8 =	vadd.f32 v11, v8;
	v30 =	vld [tilespmem:s1+$0x8480];
	s1 =	sor.u32 $0x1C00, s31  }
0x24e: {  	v14 =	vmax.f32 v14, $0.0e+00;
	v11 =	vadd.f32 v56, v3;
	v7 =	vadd.f32 v57, v7;
	v31 =	vld [tilespmem:s1+$0x8480];
	s1 =	sor.u32 $0x1C10, s31  }
0x24f: {  	v9 =	vadd.f32 v14, v9;
	v12 =	vmax.f32 v12, $0.0e+00;
	v26 =	vadd.f32 v61, v3;
	v32 =	vld [tilespmem:s1+$0x8480];
	s1 =	sor.u32 $0x1C20, s31  }
0x250: {  	v10 =	vadd.f32 v15, v10;
	v11 =	vmax.f32 v11, $0.0e+00;
	v7 =	vadd.f32 v12, v7;
	v34 =	vld [tilespmem:s1+$0x8480];
	s1 =	sor.u32 $0x1C40, s31  }
0x251: {  	v9 =	vadd.f32 v11, v9;
	v15 =	vmax.f32 v26, $0.0e+00;
	v11 =	vadd.f32 v24, v3;
	v36 =	vld [tilespmem:s1+$0x8480];
	s1 =	sor.u32 $0x1C50, s31  }
0x252: {  	v13 =	vmax.f32 v59, $0.0e+00;
	v63 =	vadd.f32 v55, v3;
	v7 =	vadd.f32 v15, v7;
	v38 =	vld [tilespmem:s1+$0x8480];
	s1 =	sor.u32 $0x1C30, s31  }
0x253: {  	v23 =	vadd.f32 v60, v3;
	v8 =	vadd.f32 v13, v8;
	v11 =	vmax.f32 v11, $0.0e+00;
	v39 =	vld [tilespmem:s1+$0x8480];
	s1 =	sand.u32 $0x380, s22  }
0x254: {  	v22 =	vmax.f32 v63, $0.0e+00;
	v14 =	vadd.f32 v62, v3;
	v11 =	vadd.f32 v11, v7;
	v7 =	vld.idx.msk [tilespmem:v33+s15+$0x0], $0xffff;
	s1 =	sadd.s32 s1, s28  }
0x255: {  	v10 =	vadd.f32 v22, v10;
	v25 =	vmax.f32 v23, $0.0e+00;
	v28 =	vadd.f32 v20, v3;
	v43 =	vld [tilespmem:s1+$0x0]  }
0x256: {  	v8 =	vadd.f32 v25, v8;
	v14 =	vmax.f32 v14, $0.0e+00;
	v12 =	vadd.f32 v21, v3;
	v44 =	vld [tilespmem:s1+$0x10]  }
0x257: {  	v10 =	vadd.f32 v14, v10;
	v13 =	vmax.f32 v28, $0.0e+00;
	v35 =	vadd.f32 v27, v3;
	v47 =	vld [tilespmem:s1+$0x20]  }
0x258: {  	v12 =	vmax.f32 v12, $0.0e+00;
	v9 =	vadd.f32 v13, v9;
	v16 =	vadd.f32 v29, v3;
	v49 =	vld [tilespmem:s1+$0x30]  }
0x259: {  	v8 =	vadd.f32 v12, v8;
	v37 =	vadd.f32 v30, v3;
	v13 =	vmax.f32 v35, $0.0e+00;
	v52 =	vld [tilespmem:s1+$0x40]  }
0x25a: {  	v16 =	vmax.f32 v16, $0.0e+00;
	v14 =	vadd.f32 v31, v3;
	v10 =	vadd.f32 v13, v10;
	v53 =	vld [tilespmem:s1+$0x50]  }
0x25b: {  	v9 =	vadd.f32 v16, v9;
	v40 =	vmax.f32 v37, $0.0e+00;
	v42 =	vadd.f32 v32, v3;
	v54 =	vld [tilespmem:s1+$0x60]  }
0x25c: {  	v8 =	vadd.f32 v40, v8;
	v41 =	vmax.f32 v14, $0.0e+00;
	v12 =	vadd.f32 v34, v3;
	v61 =	vld [tilespmem:s1+$0x410]  }
0x25d: {  	v62 =	vld [tilespmem:s1+$0x420];
	v11 =	vadd.f32 v41, v11;
	v14 =	vmax.f32 v42, $0.0e+00;
	v45 =	vadd.f32 v36, v3  }
0x25e: {  	v21 =	vld [tilespmem:s1+$0x430];
	v46 =	vadd.f32 v38, v3;
	v10 =	vadd.f32 v14, v10  }
0x25f: {  	v22 =	vld [tilespmem:s1+$0x440];
	v12 =	vmax.f32 v12, $0.0e+00;
	v48 =	vadd.f32 v39, v3;
	v50 =	vmax.f32 v45, $0.0e+00  }
0x260: {  	v63 =	vld [tilespmem:s1+$0x450];
	v9 =	vadd.f32 v12, v9;
	v51 =	vmax.f32 v46, $0.0e+00;
	v11 =	vadd.f32 v50, v11  }
0x261: {  	v26 =	vld [tilespmem:s1+$0x470];
	v10 =	vadd.f32 v51, v10;
	v15 =	vadd.f32 v43, v7  }
0x262: {  	v28 =	vld [tilespmem:s1+$0x800];
	v55 =	vadd.f32 v44, v7;
	v58 =	vadd.f32 v47, v7  }
0x263: {  	v30 =	vld [tilespmem:s1+$0x810];
	v60 =	vadd.f32 v49, v7;
	v17 =	vadd.f32 v52, v7  }
0x264: {  	v33 =	vld [tilespmem:s1+$0x820];
	v12 =	vadd.f32 v53, v7;
	v16 =	vadd.f32 v54, v7  }
0x265: {  	v36 =	vld [tilespmem:s1+$0x830];
	v25 =	vadd.f32 v61, v7;
	v27 =	vadd.f32 v62, v7  }
0x266: {  	v29 =	vadd.f32 v21, v7;
	v32 =	vadd.f32 v22, v7  }
0x267: {  	v56 =	vld [tilespmem:s1+$0x70];
	v35 =	vadd.f32 v63, v7;
	v40 =	vadd.f32 v26, v7  }
0x268: {  	v59 =	vld [tilespmem:s1+$0x400];
	v14 =	vmax.f32 v48, $0.0e+00;
	v43 =	vadd.f32 v28, v7;
	v46 =	vadd.f32 v30, v7  }
0x269: {  	v24 =	vld [tilespmem:s1+$0x460];
	v49 =	vadd.f32 v33, v7;
	v14 =	vadd.f32 v14, v8  }
0x26a: {  	v38 =	vld [tilespmem:s1+$0x840];
	v52 =	vadd.f32 v36, v7;
	v8 =	vadd.f32 v10, v11  }
0x26b: {  	v57 =	vmax.f32 v15, $0.0e+00;
	v10 =	vmax.f32 v55, $0.0e+00;
	v18 =	vmax.f32 v60, $0.0e+00  }
0x26c: {  	v41 =	vld [tilespmem:s1+$0x850];
	v17 =	vmax.f32 v17, $0.0e+00;
	v12 =	vmax.f32 v12, $0.0e+00;
	v11 =	vadd.f32 v56, v7  }
0x26d: {  	v50 =	vld [tilespmem:s1+$0xC00];
	v23 =	vmax.f32 v16, $0.0e+00;
	v15 =	vadd.f32 v59, v7;
	v31 =	vmax.f32 v27, $0.0e+00  }
0x26e: {  	v44 =	vld [tilespmem:s1+$0x860];
	v34 =	vmax.f32 v29, $0.0e+00;
	v37 =	vmax.f32 v32, $0.0e+00;
	v16 =	vadd.f32 v24, v7  }
0x26f: {  	v47 =	vld [tilespmem:s1+$0x870];
	v39 =	vmax.f32 v35, $0.0e+00;
	v55 =	vadd.f32 v38, v7;
	v9 =	vadd.f32 v14, v9  }
0x270: {  	v53 =	vld [tilespmem:s1+$0xC10];
	v45 =	vmax.f32 v40, $0.0e+00;
	v13 =	vadd.f32 $0.0e+00, v57;
	v10 =	vadd.f32 $0.0e+00, v10  }
0x271: {  	v14 =	vmax.f32 v58, $0.0e+00;
	v18 =	vadd.f32 $0.0e+00, v18;
	v58 =	vadd.f32 v41, v7  }
0x272: {  	v48 =	vmax.f32 v43, $0.0e+00;
	v56 =	vld [tilespmem:s1+$0xC20];
	v14 =	vadd.f32 $0.0e+00, v14;
	v27 =	vadd.f32 v50, v7  }
0x273: {  	v59 =	vld [tilespmem:s1+$0xC30];
	v11 =	vmax.f32 v11, $0.0e+00;
	v13 =	vadd.f32 v17, v13;
	v10 =	vadd.f32 v12, v10  }
0x274: {  	v51 =	vmax.f32 v46, $0.0e+00;
	v11 =	vadd.f32 v11, v18;
	v61 =	vadd.f32 v44, v7  }
0x275: {  	v62 =	vld [tilespmem:s1+$0xC40];
	v15 =	vmax.f32 v15, $0.0e+00;
	v24 =	vadd.f32 v47, v7;
	v30 =	vadd.f32 v53, v7  }
0x276: {  	v28 =	vld [tilespmem:s1+$0xC60];
	v12 =	vadd.f32 v23, v14;
	v14 =	vmax.f32 v25, $0.0e+00;
	v13 =	vadd.f32 v15, v13  }
0x277: {  	v54 =	vmax.f32 v49, $0.0e+00;
	v10 =	vadd.f32 v14, v10;
	v11 =	vadd.f32 v34, v11  }
0x278: {  	s28 =	sadd.s32 $0x180, s30;
	v57 =	vmax.f32 v52, $0.0e+00;
	v33 =	vadd.f32 v56, v7;
	v36 =	vadd.f32 v59, v7  }
0x279: {  	s30 =	sor.u32 $0x1000, s28;
	v42 =	vmax.f32 v16, $0.0e+00;
	v25 =	vld [tilespmem:s1+$0xC50];
	v12 =	vadd.f32 v31, v12;
	v13 =	vadd.f32 v37, v13  }
0x27a: {  	v60 =	vmax.f32 v55, $0.0e+00;
	v34 =	vld [tilespmem:s30+$0x8480];
	v10 =	vadd.f32 v39, v10;
	v11 =	vadd.f32 v45, v11  }
0x27b: {  	v63 =	vmax.f32 v58, $0.0e+00;
	v39 =	vadd.f32 v62, v7;
	v45 =	vadd.f32 v28, v7  }
0x27c: {  	v32 =	vmax.f32 v27, $0.0e+00;
	s30 =	sor.u32 $0x1010, s28;
	v31 =	vld [tilespmem:s1+$0xC70];
	v12 =	vadd.f32 v42, v12;
	v13 =	vadd.f32 v48, v13  }
0x27d: {  	v26 =	vmax.f32 v61, $0.0e+00;
	v37 =	vld [tilespmem:s30+$0x8480];
	v10 =	vadd.f32 v51, v10;
	v11 =	vadd.f32 v57, v11  }
0x27e: {  	v29 =	vmax.f32 v24, $0.0e+00;
	s30 =	sor.u32 $0x1020, s28;
	v42 =	vadd.f32 v25, v7;
	v12 =	vadd.f32 v54, v12  }
0x27f: {  	v35 =	vmax.f32 v30, $0.0e+00;
	v40 =	vld [tilespmem:s30+$0x8480];
	s30 =	sor.u32 $0x1030, s28;
	v51 =	vadd.f32 v34, v7;
	v13 =	vadd.f32 v60, v13  }
0x280: {  	v38 =	vmax.f32 v33, $0.0e+00;
	v43 =	vld [tilespmem:s30+$0x8480];
	v10 =	vadd.f32 v63, v10;
	v11 =	vadd.f32 v29, v11  }
0x281: {  	v41 =	vmax.f32 v36, $0.0e+00;
	s30 =	sor.u32 $0x1040, s28;
	v48 =	vadd.f32 v31, v7;
	v12 =	vadd.f32 v26, v12  }
0x282: {  	v44 =	vmax.f32 v39, $0.0e+00;
	v46 =	vld [tilespmem:s30+$0x8480];
	s30 =	sor.u32 $0x1050, s28;
	v54 =	vadd.f32 v37, v7;
	v13 =	vadd.f32 v32, v13  }
0x283: {  	v50 =	vmax.f32 v45, $0.0e+00;
	v49 =	vld [tilespmem:s30+$0x8480];
	s30 =	sor.u32 $0x1060, s28;
	v10 =	vadd.f32 v35, v10;
	v11 =	vadd.f32 v41, v11  }
0x284: {  	v47 =	vmax.f32 v42, $0.0e+00;
	v52 =	vld [tilespmem:s30+$0x8480];
	s30 =	sor.u32 $0x1070, s28;
	v57 =	vadd.f32 v40, v7;
	v12 =	vadd.f32 v38, v12  }
0x285: {  	v53 =	vmax.f32 v48, $0.0e+00;
	v55 =	vld [tilespmem:s30+$0x8480];
	s30 =	sor.u32 $0x1400, s28;
	v60 =	vadd.f32 v43, v7;
	v13 =	vadd.f32 v44, v13  }
0x286: {  	v56 =	vmax.f32 v51, $0.0e+00;
	v58 =	vld [tilespmem:s30+$0x8480];
	s30 =	sor.u32 $0x1410, s28;
	v10 =	vadd.f32 v47, v10;
	v11 =	vadd.f32 v53, v11  }
0x287: {  	v59 =	vmax.f32 v54, $0.0e+00;
	v61 =	vld [tilespmem:s30+$0x8480];
	s30 =	sor.u32 $0x1420, s28;
	v63 =	vadd.f32 v46, v7;
	v12 =	vadd.f32 v50, v12  }
0x288: {  	v24 =	vld [tilespmem:s30+$0x8480];
	s30 =	sor.u32 $0x1430, s28;
	v25 =	vmax.f32 v60, $0.0e+00;
	v26 =	vadd.f32 v49, v7;
	v13 =	vadd.f32 v56, v13  }
0x289: {  	v62 =	vmax.f32 v57, $0.0e+00;
	v10 =	vadd.f32 v59, v10;
	v27 =	vld [tilespmem:s30+$0x8480];
	s30 =	sor.u32 $0x1440, s28;
	v11 =	vadd.f32 v25, v11  }
0x28a: {  	v28 =	vmax.f32 v63, $0.0e+00;
	v29 =	vadd.f32 v52, v7;
	v12 =	vadd.f32 v62, v12;
	v30 =	vld [tilespmem:s30+$0x8480];
	s30 =	sor.u32 $0x1450, s28  }
0x28b: {  	v31 =	vmax.f32 v26, $0.0e+00;
	v32 =	vadd.f32 v55, v7;
	v13 =	vadd.f32 v28, v13;
	v33 =	vld [tilespmem:s30+$0x8480];
	s30 =	sor.u32 $0x1460, s28  }
0x28c: {  	v10 =	vadd.f32 v31, v10;
	v34 =	vmax.f32 v29, $0.0e+00;
	v35 =	vadd.f32 v58, v7;
	v36 =	vld [tilespmem:s30+$0x8480];
	s30 =	sor.u32 $0x1470, s28  }
0x28d: {  	v12 =	vadd.f32 v34, v12;
	v37 =	vmax.f32 v32, $0.0e+00;
	v38 =	vadd.f32 v61, v7;
	v39 =	vld [tilespmem:s30+$0x8480];
	s30 =	sor.u32 $0x1800, s28  }
0x28e: {  	v11 =	vadd.f32 v37, v11;
	v40 =	vmax.f32 v35, $0.0e+00;
	v41 =	vadd.f32 v24, v7;
	v42 =	vld [tilespmem:s30+$0x8480];
	s30 =	sor.u32 $0x1810, s28  }
0x28f: {  	v13 =	vadd.f32 v40, v13;
	v43 =	vmax.f32 v38, $0.0e+00;
	v44 =	vadd.f32 v27, v7;
	v45 =	vld [tilespmem:s30+$0x8480];
	s30 =	sor.u32 $0x1820, s28  }
0x290: {  	v10 =	vadd.f32 v43, v10;
	v46 =	vmax.f32 v41, $0.0e+00;
	v47 =	vadd.f32 v30, v7;
	v48 =	vld [tilespmem:s30+$0x8480];
	s30 =	sor.u32 $0x1830, s28  }
0x291: {  	v12 =	vadd.f32 v46, v12;
	v49 =	vmax.f32 v44, $0.0e+00;
	v50 =	vadd.f32 v33, v7;
	v51 =	vld [tilespmem:s30+$0x8480];
	s30 =	sor.u32 $0x1840, s28  }
0x292: {  	v11 =	vadd.f32 v49, v11;
	v52 =	vmax.f32 v47, $0.0e+00;
	v53 =	vadd.f32 v36, v7;
	v54 =	vld [tilespmem:s30+$0x8480];
	s30 =	sor.u32 $0x1850, s28  }
0x293: {  	v13 =	vadd.f32 v52, v13;
	v55 =	vmax.f32 v50, $0.0e+00;
	v56 =	vadd.f32 v39, v7;
	v57 =	vld [tilespmem:s30+$0x8480];
	s30 =	sor.u32 $0x1860, s28  }
0x294: {  	v10 =	vadd.f32 v55, v10;
	v58 =	vmax.f32 v53, $0.0e+00;
	v59 =	vadd.f32 v42, v7;
	v60 =	vld [tilespmem:s30+$0x8480];
	s30 =	sor.u32 $0x1870, s28  }
0x295: {  	v12 =	vadd.f32 v58, v12;
	v61 =	vmax.f32 v56, $0.0e+00;
	v62 =	vadd.f32 v45, v7;
	v63 =	vld [tilespmem:s30+$0x8480];
	s30 =	sor.u32 $0x1C00, s28  }
0x296: {  	v11 =	vadd.f32 v61, v11;
	v24 =	vmax.f32 v59, $0.0e+00;
	v25 =	vadd.f32 v48, v7;
	v26 =	vld [tilespmem:s30+$0x8480];
	s30 =	sor.u32 $0x1C10, s28  }
0x297: {  	v13 =	vadd.f32 v24, v13;
	v27 =	vmax.f32 v62, $0.0e+00;
	v28 =	vadd.f32 v51, v7;
	v29 =	vld [tilespmem:s30+$0x8480];
	s30 =	sor.u32 $0x1C20, s28  }
0x298: {  	v10 =	vadd.f32 v27, v10;
	v30 =	vmax.f32 v25, $0.0e+00;
	v31 =	vadd.f32 v54, v7;
	v32 =	vld [tilespmem:s30+$0x8480];
	s30 =	sor.u32 $0x1C40, s28  }
0x299: {  	v12 =	vadd.f32 v30, v12;
	v33 =	vmax.f32 v28, $0.0e+00;
	v34 =	vadd.f32 v57, v7;
	v35 =	vld [tilespmem:s30+$0x8480];
	s30 =	sor.u32 $0x1C50, s28  }
0x29a: {  	v11 =	vadd.f32 v33, v11;
	v36 =	vmax.f32 v31, $0.0e+00;
	v37 =	vadd.f32 v60, v7;
	v38 =	vld [tilespmem:s30+$0x8480];
	s30 =	sor.u32 $0x1C30, s28  }
0x29b: {  	v13 =	vadd.f32 v36, v13;
	v39 =	vmax.f32 v34, $0.0e+00;
	v44 =	vadd.f32 v63, v7;
	v41 =	vld [tilespmem:s30+$0x8480]  }
0x29c: {  	v40 =	vadd.f32 v26, v7;
	v10 =	vadd.f32 v39, v10;
	v42 =	vmax.f32 v37, $0.0e+00  }
0x29d: {  	s30 =	sor.u32 $0x1C58, s31;
	v43 =	vadd.f32 v29, v7;
	v12 =	vadd.f32 v42, v12;
	v14 =	vmax.f32 v44, $0.0e+00  }
0x29e: {  	s31 =	sor.u32 $0x1C58, s28;
	v47 =	vld [tilespmem:s30+$0x8480];
	v15 =	vmax.f32 v40, $0.0e+00;
	v49 =	vadd.f32 v32, v7;
	v11 =	vadd.f32 v14, v11  }
0x29f: {  	v50 =	vld [tilespmem:s31+$0x8480];
	v13 =	vadd.f32 v15, v13;
	v45 =	vmax.f32 v43, $0.0e+00;
	v46 =	vadd.f32 v35, v7  }
0x2a0: {  	v48 =	vadd.f32 v38, v7;
	v52 =	vmax.f32 v49, $0.0e+00;
	v18 =	vadd.f32 v41, v7  }
0x2a1: {  	v10 =	vadd.f32 v45, v10;
	v16 =	vmax.f32 v46, $0.0e+00;
	v12 =	vadd.f32 v52, v12  }
0x2a2: {  	v13 =	vadd.f32 v16, v13;
	v51 =	vmax.f32 v48, $0.0e+00;
	v53 =	vmax.f32 v18, $0.0e+00  }
0x2a3: {  	v10 =	vadd.f32 v51, v10;
	v11 =	vadd.f32 v53, v11  }
0x2a4: {  	v6 =	vmax.f32 v6, $0.0e+00;
	v3 =	vadd.f32 v47, v3;
	v7 =	vadd.f32 v50, v7  }
0x2a5: {  	v6 =	vsel vm0, $0x0, v6;
	v10 =	vadd.f32 v10, v13;
	v11 =	vadd.f32 v11, v12  }
0x2a6: {  	v5 =	vadd.f32 v5, v6;
	v54 =	vadd.f32 v8, v9;
	v3 =	vmax.f32 v3, $0.0e+00  }
0x2a7: {  	v7 =	vmax.f32 v7, $0.0e+00;
	v3 =	vsel vm0, $0x0, v3;
	v55 =	vadd.f32 v10, v11  }
0x2a8: {  	(xrf2) =	vadd.scan.msk.f32 $0xffff, v4;
	v56 =	vsel vm0, $0x0, v7;
	v3 =	vadd.f32 v54, v3  }
0x2a9: {  	(xrf2) =	vadd.scan.msk.f32 $0xffff, v5;
	v4 =	vadd.f32 v55, v56  }
0x2aa: {  	(xrf2) =	vadd.scan.msk.f32 $0xffff, v3  }
0x2ab: {  	(xrf2) =	vadd.scan.msk.f32 $0xffff, v4;
	_ =	sdelay $0x6  }
0x2ac: {  	v57 =	vor.u32 s25, v2;
	v3, _, _ =	vpop (xrf2)  }
0x2ad: {  	v58 =	vor.u32 s26, v2;
	v5, _, _ =	vpop (xrf2);
	v3 =	vadd.f32 $-1.000000000e+00, v3  }
0x2ae: {  	v60 =	vor.u32 s29, v2;
	v5 =	vadd.f32 $-1.000000000e+00, v5;
	v59, _, _ =	vpop (xrf2)  }
0x2af: {  	p1 =	slt.u32 s25, $0x1C;
	v62 =	vor.u32 s0, v2;
	v3 =	vmul.f32 $1.000000050e-03, v3;
	v7 =	vadd.f32 $-1.000000000e+00, v59;
	v61, _, _ =	vpop (xrf2)  }
.Ltmp1:
0x2b0: {  	v5 =	vmul.f32 $1.000000050e-03, v5;
	v9 =	vadd.f32 $-1.000000000e+00, v61;
	(pc) =	sbr.rel @p1 .LBB2_5-.Ltmp1, $4  }
0x2b1: {  	[tilespmem:v57+s16+$0x0] =	vst.idx.msk vm1, v3;
	v3 =	vmul.f32 $1.000000050e-03, v7  }
0x2b2: {  	[tilespmem:v58+s16+$0x0] =	vst.idx.msk vm1, v5;
	v63 =	vmul.f32 $1.000000050e-03, v9  }
0x2b3: {  	p0 =	por !p0, !p0;
	s24 =	sadd.s32 $0x4, s24;
	s21 =	sadd.s32 $0x2, s21;
	[tilespmem:v60+s16+$0x0] =	vst.idx.msk vm1, v3  }
0x2b4: {  	s23 =	sadd.s32 $0x1000, s23;
	s22 =	sadd.s32 $0x200, s22;
	s25 =	sadd.s32 $0x4, s25;
	[tilespmem:v62+s16+$0x0] =	vst.idx.msk vm1, v63  }
0x2b5: {  	s19 =	sadd.s32 $0x1, s19  }
0x2b6: {  	p0 =	sne.s32 s19, $0x7  }
.Ltmp2:
0x2b7: {  	_ = 	snop;
	(pc) =	sbr.rel @p0 .LBB2_2-.Ltmp2, $4  }
0x2b8: {  	s0 =	sadd.s32 s20, s8  }
0x2b9: {  	s0 =	sshll.u32 s0, $0x7  }
0x2ba: {  	s0 =	sadd.s32 s3, s0  }
0x2bb: {  	[tilespmem:s13], [sflag:$0x2] =	stream.linear.gather [hbm4b:s0+s2], $0x8000, $0x38;
	[tilespmem:$0x10480] =	vst v63  }
0x2bc: {  	_ =	swait.ge [sflag:s14], $0x8000  }
0x2bd: {  	[sflag:s14] =	ssyncset.done $0x0  }
0x2be: {  	[sflag:s14] =	ssyncadd.s32 $0xFFFF8000  }
0x2bf: {  	v2 =	vld [tilespmem:$0x1C0];
	_ =	sdelay $0x4  }
0x2c0: {  	v3 =	vshll.u32 v2, $0x3  }
0x2c1: {  	v2 =	vand.u32 $0x7F, v2;
	v3 =	vand.u32 $0xFFFFFC00, v3  }
0x2c2: {  	v2 =	vor.u32 v2, v3  }
0x2c3: {  	v3 =	vld [tilespmem:$0x1D0];
	v2 =	vadd.s32 v0, v2;
	_ =	sdelay $0x4  }
0x2c4: {  	v4 =	vshll.u32 v3, $0x3;
	v2 =	vld.idx.msk [tilespmem:v2+s12+$0x0], $0xffff  }
0x2c5: {  	v3 =	vand.u32 $0x7F, v3;
	v4 =	vand.u32 $0xFFFFFC00, v4  }
0x2c6: {  	v3 =	vor.u32 v3, v4  }
0x2c7: {  	v3 =	vadd.s32 v1, v3;
	_ =	sdelay $0x1  }
0x2c8: {  	v2 =	vsub.f32 $1.000000000e+00, v2;
	_ =	sdelay $0x1  }
0x2c9: {  	[tilespmem:$0x400] =	vst v2  }
0x2ca: {  	v2 =	vld.idx.msk [tilespmem:v3+s12+$0x0], $0xffff;
	_ =	sdelay $0x4  }
0x2cb: {  	v2 =	vsub.f32 $1.000000000e+00, v2  }
0x2cc: {  	s19 =	simm.s32 $0x180;
	s20 =	simm.s32 $0x0;
	p0 =	por $0x0, $0x0  }
0x2cd: {  	s21 =	simm.s32 $0x0;
	s22 =	simm.s32 $0x0;
	s23 =	simm.s32 $0x0;
	[tilespmem:$0x410] =	vst v2  }
.LBB2_8:
0x2ce: {  	s0 =	sand.u32 $0x6000, s21;
	s1 =	sadd.s32 $0xFFFFFE80, s19  }
0x2cf: {  	s1 =	sand.u32 $0x200, s1;
	s24 =	sor.u32 $0x480, s0  }
0x2d0: {  	s0 =	sor.u32 s1, s24  }
0x2d1: {  	v3 =	vld [tilespmem:s0+$0x0]  }
0x2d2: {  	v5 =	vld [tilespmem:s0+$0x10]  }
0x2d3: {  	v6 =	vld [tilespmem:s0+$0x20]  }
0x2d4: {  	v7 =	vld [tilespmem:s0+$0x30]  }
0x2d5: {  	v8 =	vld [tilespmem:s0+$0x40]  }
0x2d6: {  	v9 =	vld [tilespmem:s0+$0x50]  }
0x2d7: {  	v10 =	vld [tilespmem:s0+$0x60]  }
0x2d8: {  	v11 =	vld [tilespmem:s0+$0x70]  }
0x2d9: {  	v12 =	vld [tilespmem:s0+$0x400]  }
0x2da: {  	v13 =	vld [tilespmem:s0+$0x410]  }
0x2db: {  	v14 =	vld [tilespmem:s0+$0x420]  }
0x2dc: {  	v53 =	vld [tilespmem:s0+$0x430]  }
0x2dd: {  	v15 =	vld [tilespmem:s0+$0x440]  }
0x2de: {  	v54 =	vld [tilespmem:s0+$0x450]  }
0x2df: {  	v58 =	vld [tilespmem:s0+$0x460]  }
0x2e0: {  	v2 =	vmov s23;
	v59 =	vld [tilespmem:s0+$0x470]  }
0x2e1: {  	v62 =	vld [tilespmem:s0+$0x800]  }
0x2e2: {  	v63 =	vld [tilespmem:s0+$0x810]  }
0x2e3: {  	v19 =	vld [tilespmem:s0+$0x820]  }
0x2e4: {  	v20 =	vld [tilespmem:s0+$0x830]  }
0x2e5: {  	v4 =	vld.idx.msk [tilespmem:v2+s15+$0x0], $0xffff  }
0x2e6: {  	v22 =	vld [tilespmem:s0+$0x840]  }
0x2e7: {  	v24 =	vld [tilespmem:s0+$0x850]  }
0x2e8: {  	v25 =	vld [tilespmem:s0+$0x860]  }
0x2e9: {  	v28 =	vld [tilespmem:s0+$0x870]  }
0x2ea: {  	v29 =	vld [tilespmem:s0+$0xC00];
	v3 =	vadd.f32 v3, v4  }
0x2eb: {  	v33 =	vld [tilespmem:s0+$0xC10];
	v5 =	vadd.f32 v5, v4;
	v6 =	vadd.f32 v6, v4  }
0x2ec: {  	v34 =	vld [tilespmem:s0+$0xC20];
	v7 =	vadd.f32 v7, v4;
	v8 =	vadd.f32 v8, v4  }
0x2ed: {  	v35 =	vld [tilespmem:s0+$0xC30];
	v9 =	vadd.f32 v9, v4;
	v10 =	vadd.f32 v10, v4  }
0x2ee: {  	s1 =	simm.s32 $0x1;
	v37 =	vld [tilespmem:s0+$0xC40];
	v52 =	vadd.f32 v11, v4;
	v12 =	vadd.f32 v12, v4  }
0x2ef: {  	s1 =	simm.s32 @!p0 $0x0;
	v38 =	vld [tilespmem:s0+$0xC50];
	v56 =	vadd.f32 v13, v4;
	v57 =	vadd.f32 v14, v4  }
0x2f0: {  	v41 =	vld [tilespmem:s0+$0xC60];
	s1 =	sshll.u32 s1, $0x9;
	v11 =	vadd.f32 v53, v4;
	v17 =	vadd.f32 v15, v4  }
0x2f1: {  	v42 =	vld [tilespmem:s0+$0xC70];
	s0 =	sadd.s32 s1, s21;
	v18 =	vadd.f32 v58, v4;
	v23 =	vadd.f32 v62, v4  }
0x2f2: {  	s1 =	sor.u32 $0x1000, s0;
	v27 =	vadd.f32 v19, v4;
	v31 =	vadd.f32 v20, v4  }
0x2f3: {  	s28 =	sor.u32 $0x1010, s0;
	v46 =	vld [tilespmem:s1+$0x480];
	v32 =	vadd.f32 v24, v4;
	v36 =	vadd.f32 v28, v4  }
0x2f4: {  	s30 =	sor.u32 $0x1030, s0;
	v47 =	vld [tilespmem:s28+$0x480];
	v40 =	vadd.f32 v33, v4;
	v44 =	vadd.f32 v34, v4  }
0x2f5: {  	v50 =	vld [tilespmem:s30+$0x480];
	v45 =	vadd.f32 v37, v4;
	v49 =	vadd.f32 v41, v4  }
0x2f6: {  	v3 =	vmax.f32 v3, $0.0e+00;
	v5 =	vmax.f32 v5, $0.0e+00;
	v6 =	vmax.f32 v6, $0.0e+00  }
0x2f7: {  	v7 =	vmax.f32 v7, $0.0e+00;
	v8 =	vmax.f32 v8, $0.0e+00;
	v9 =	vmax.f32 v9, $0.0e+00  }
0x2f8: {  	v10 =	vmax.f32 v10, $0.0e+00;
	v55 =	vmax.f32 v12, $0.0e+00;
	v60 =	vmax.f32 v56, $0.0e+00  }
0x2f9: {  	v61 =	vmax.f32 v57, $0.0e+00;
	v11 =	vmax.f32 v11, $0.0e+00;
	v53 =	vadd.f32 v46, v4  }
0x2fa: {  	v12 =	vmax.f32 v17, $0.0e+00;
	v57 =	vadd.f32 v47, v4;
	v58 =	vadd.f32 v50, v4  }
0x2fb: {  	v21 =	vmax.f32 v18, $0.0e+00;
	v3 =	vadd.f32 $0.0e+00, v3;
	v5 =	vadd.f32 $0.0e+00, v5  }
0x2fc: {  	v26 =	vmax.f32 v23, $0.0e+00;
	v6 =	vadd.f32 $0.0e+00, v6;
	v7 =	vadd.f32 $0.0e+00, v7  }
0x2fd: {  	s29 =	sor.u32 $0x1020, s0;
	v30 =	vmax.f32 v27, $0.0e+00;
	v3 =	vadd.f32 v8, v3;
	v5 =	vadd.f32 v9, v5  }
0x2fe: {  	s31 =	sor.u32 $0x1040, s0;
	v48 =	vld [tilespmem:s29+$0x480];
	v6 =	vadd.f32 v10, v6;
	v8 =	vmax.f32 v52, $0.0e+00;
	v9 =	vadd.f32 v54, v4  }
0x2ff: {  	s25 =	sor.u32 $0x1050, s0;
	v51 =	vld [tilespmem:s31+$0x480];
	v39 =	vmax.f32 v36, $0.0e+00;
	v10 =	vadd.f32 v63, v4;
	v7 =	vadd.f32 v8, v7  }
0x300: {  	s31 =	sor.u32 $0x1420, s0;
	v43 =	vmax.f32 v40, $0.0e+00;
	v54 =	vld [tilespmem:s25+$0x480];
	v8 =	vadd.f32 v59, v4;
	v3 =	vadd.f32 v55, v3  }
0x301: {  	s28 =	sor.u32 $0x1070, s0;
	v56 =	vmax.f32 v53, $0.0e+00;
	v63 =	vld [tilespmem:s31+$0x480];
	v5 =	vadd.f32 v60, v5;
	v6 =	vadd.f32 v61, v6  }
0x302: {  	s25 =	sor.u32 $0x1430, s0;
	v59 =	vld [tilespmem:s28+$0x480];
	v9 =	vmax.f32 v9, $0.0e+00;
	v7 =	vadd.f32 v11, v7;
	v11 =	vadd.f32 v22, v4  }
0x303: {  	s29 =	sor.u32 $0x1400, s0;
	v52 =	vmax.f32 v49, $0.0e+00;
	v16 =	vld [tilespmem:s25+$0x480];
	v3 =	vadd.f32 v12, v3;
	v5 =	vadd.f32 v9, v5  }
0x304: {  	s25 =	sor.u32 $0x1810, s0;
	v60 =	vld [tilespmem:s29+$0x480];
	v8 =	vmax.f32 v8, $0.0e+00;
	v6 =	vadd.f32 v21, v6;
	v9 =	vadd.f32 v29, v4  }
0x305: {  	s26 =	sor.u32 $0x1060, s0;
	v10 =	vmax.f32 v10, $0.0e+00;
	v28 =	vld [tilespmem:s25+$0x480];
	v7 =	vadd.f32 v8, v7;
	v8 =	vadd.f32 v25, v4  }
0x306: {  	v55 =	vld [tilespmem:s26+$0x480];
	s26 =	sor.u32 $0x1440, s0;
	v12 =	vmax.f32 v31, $0.0e+00;
	v62 =	vadd.f32 v54, v4;
	v23 =	vadd.f32 v63, v4  }
0x307: {  	s29 =	sor.u32 $0x1460, s0;
	v19 =	vld [tilespmem:s26+$0x480];
	v11 =	vmax.f32 v11, $0.0e+00;
	v3 =	vadd.f32 v26, v3;
	v5 =	vadd.f32 v10, v5  }
0x308: {  	s30 =	sor.u32 $0x1410, s0;
	v24 =	vld [tilespmem:s29+$0x480];
	v6 =	vadd.f32 v30, v6;
	v10 =	vmax.f32 v32, $0.0e+00;
	v18 =	vadd.f32 v59, v4  }
0x309: {  	s28 =	sor.u32 $0x1450, s0;
	v61 =	vld [tilespmem:s30+$0x480];
	v9 =	vmax.f32 v9, $0.0e+00;
	v7 =	vadd.f32 v12, v7;
	v22 =	vadd.f32 v60, v4  }
0x30a: {  	v20 =	vld [tilespmem:s28+$0x480];
	s30 =	sor.u32 $0x1470, s0;
	v8 =	vmax.f32 v8, $0.0e+00;
	v37 =	vadd.f32 v28, v4;
	v3 =	vadd.f32 v11, v3  }
0x30b: {  	s28 =	sor.u32 $0x1830, s0;
	v25 =	vld [tilespmem:s30+$0x480];
	v12 =	vmax.f32 v44, $0.0e+00;
	v5 =	vadd.f32 v10, v5;
	v6 =	vadd.f32 v8, v6  }
0x30c: {  	s30 =	sor.u32 $0x1850, s0;
	v32 =	vld [tilespmem:s28+$0x480];
	v17 =	vmax.f32 v62, $0.0e+00;
	v11 =	vadd.f32 v35, v4;
	v8 =	vadd.f32 v38, v4  }
0x30d: {  	s26 =	sor.u32 $0x1820, s0;
	v36 =	vld [tilespmem:s30+$0x480];
	v10 =	vmax.f32 v45, $0.0e+00;
	v27 =	vadd.f32 v19, v4;
	v31 =	vadd.f32 v24, v4  }
0x30e: {  	s31 =	sor.u32 $0x1800, s0;
	v29 =	vld [tilespmem:s26+$0x480];
	v21 =	vmax.f32 v18, $0.0e+00;
	v7 =	vadd.f32 v39, v7;
	v3 =	vadd.f32 v9, v3  }
0x30f: {  	v26 =	vld [tilespmem:s31+$0x480];
	s28 =	sor.u32 $0x1C10, s0;
	v5 =	vadd.f32 v43, v5;
	v11 =	vmax.f32 v11, $0.0e+00;
	v6 =	vadd.f32 v12, v6  }
0x310: {  	s31 =	sor.u32 $0x1860, s0;
	v41 =	vld [tilespmem:s28+$0x480];
	v8 =	vmax.f32 v8, $0.0e+00;
	v9 =	vadd.f32 v42, v4;
	v35 =	vadd.f32 v25, v4  }
0x311: {  	s29 =	sor.u32 $0x1840, s0;
	v38 =	vld [tilespmem:s31+$0x480];
	v12 =	vmax.f32 v57, $0.0e+00;
	v7 =	vadd.f32 v11, v7;
	v11 =	vadd.f32 v48, v4  }
0x312: {  	v33 =	vld [tilespmem:s29+$0x480];
	s26 =	sor.u32 $0x1C00, s0;
	v30 =	vmax.f32 v27, $0.0e+00;
	v40 =	vadd.f32 v32, v4;
	v15 =	vadd.f32 v36, v4  }
0x313: {  	s31 =	sor.u32 $0x1C40, s0;
	v39 =	vld [tilespmem:s26+$0x480];
	v34 =	vmax.f32 v31, $0.0e+00;
	v3 =	vadd.f32 v10, v3;
	v5 =	vadd.f32 v8, v5  }
0x314: {  	s29 =	sor.u32 $0x1C20, s0;
	v45 =	vld [tilespmem:s31+$0x480];
	v9 =	vmax.f32 v9, $0.0e+00;
	v6 =	vadd.f32 v52, v6;
	v8 =	vadd.f32 v51, v4  }
0x315: {  	v42 =	vld [tilespmem:s29+$0x480];
	v10 =	vmax.f32 v58, $0.0e+00;
	v52 =	vadd.f32 v41, v4;
	v7 =	vadd.f32 v9, v7  }
0x316: {  	v11 =	vmax.f32 v11, $0.0e+00;
	v9 =	vadd.f32 v55, v4;
	v44 =	vadd.f32 v38, v4  }
0x317: {  	s26 =	sor.u32 $0x1C50, s0;
	v46 =	vmax.f32 v15, $0.0e+00;
	v3 =	vadd.f32 v56, v3;
	v5 =	vadd.f32 v12, v5  }
0x318: {  	v48 =	vld [tilespmem:s26+$0x480];
	v6 =	vadd.f32 v11, v6;
	v8 =	vmax.f32 v8, $0.0e+00;
	v11 =	vadd.f32 v61, v4  }
0x319: {  	v12 =	vmax.f32 v22, $0.0e+00;
	v50 =	vadd.f32 v39, v4;
	v13 =	vadd.f32 v45, v4  }
0x31a: {  	v7 =	vadd.f32 v10, v7;
	v9 =	vmax.f32 v9, $0.0e+00;
	v53 =	vadd.f32 v42, v4  }
0x31b: {  	v10 =	vmax.f32 v23, $0.0e+00;
	v3 =	vadd.f32 v8, v3;
	v5 =	vadd.f32 v17, v5  }
0x31c: {  	v49 =	vmax.f32 v44, $0.0e+00;
	v6 =	vadd.f32 v9, v6;
	v8 =	vadd.f32 v16, v4  }
0x31d: {  	s25 =	sor.u32 $0x1870, s0;
	s30 =	sor.u32 $0x1C30, s0;
	s0 =	sor.u32 $0x1C58, s0;
	v11 =	vmax.f32 v11, $0.0e+00;
	v9 =	vadd.f32 v20, v4;
	v56 =	vadd.f32 v48, v4  }
0x31e: {  	s28 =	sadd.s32 $0xFFFFFF00, s19;
	v63 =	vld [tilespmem:s0+$0x480];
	v61 =	vmax.f32 v13, $0.0e+00;
	v7 =	vadd.f32 v21, v7;
	v3 =	vadd.f32 v12, v3  }
0x31f: {  	s1 =	sand.u32 $0x280, s28;
	v16 =	vld [tilespmem:s25+$0x480];
	v5 =	vadd.f32 v11, v5;
	v8 =	vmax.f32 v8, $0.0e+00;
	v6 =	vadd.f32 v10, v6  }
0x320: {  	s26 =	sadd.s32 s1, s24;
	v17 =	vld [tilespmem:s30+$0x480];
	v9 =	vmax.f32 v9, $0.0e+00;
	v11 =	vadd.f32 v26, v4;
	v7 =	vadd.f32 v8, v7  }
0x321: {  	v57 =	vld [tilespmem:s26+$0x10];
	v12 =	vmax.f32 v35, $0.0e+00;
	v8 =	vadd.f32 v29, v4;
	v3 =	vadd.f32 v30, v3  }
0x322: {  	v60 =	vld [tilespmem:s26+$0x20];
	v10 =	vmax.f32 v52, $0.0e+00;
	v5 =	vadd.f32 v9, v5;
	v6 =	vadd.f32 v34, v6  }
0x323: {  	v28 =	vld [tilespmem:s26+$0x70];
	v11 =	vmax.f32 v11, $0.0e+00;
	v9 =	vadd.f32 v33, v4;
	v7 =	vadd.f32 v12, v7  }
0x324: {  	v31 =	vld [tilespmem:s26+$0x410];
	v47 =	vadd.f32 v16, v4;
	v11 =	vadd.f32 v11, v3;
	v3 =	vmax.f32 v37, $0.0e+00  }
0x325: {  	v18 =	vld [tilespmem:s26+$0x420];
	s25 =	sadd.s32 $0x1, s23;
	v54 =	vadd.f32 v17, v4;
	v5 =	vadd.f32 v3, v5;
	v3 =	vmax.f32 v8, $0.0e+00  }
0x326: {  	v19 =	vld [tilespmem:s26+$0x430];
	v8 =	vmax.f32 v40, $0.0e+00;
	v6 =	vadd.f32 v3, v6;
	v3 =	vmov s25  }
0x327: {  	v55 =	vld [tilespmem:s26+$0x0];
	v12 =	vmax.f32 v53, $0.0e+00;
	v43 =	vmax.f32 v9, $0.0e+00;
	v7 =	vadd.f32 v8, v7  }
0x328: {  	v22 =	vld [tilespmem:s26+$0x40];
	v51 =	vmax.f32 v47, $0.0e+00;
	v11 =	vadd.f32 v43, v11;
	v5 =	vadd.f32 v46, v5  }
0x329: {  	v45 =	vld [tilespmem:s26+$0x810];
	v9 =	vmax.f32 v50, $0.0e+00;
	v6 =	vadd.f32 v49, v6;
	v7 =	vadd.f32 v51, v7  }
0x32a: {  	v23 =	vld [tilespmem:s26+$0x50];
	v59 =	vmax.f32 v54, $0.0e+00;
	v9 =	vadd.f32 v9, v11;
	v5 =	vadd.f32 v10, v5  }
0x32b: {  	v62 =	vmax.f32 v56, $0.0e+00;
	v58 =	vadd.f32 v12, v6;
	v7 =	vadd.f32 v59, v7;
	v8 =	vld.idx.msk [tilespmem:v3+s15+$0x0], $0xffff  }
0x32c: {  	v20 =	vld [tilespmem:s26+$0x30];
	v6 =	vadd.f32 v61, v9;
	v5 =	vadd.f32 v62, v5  }
0x32d: {  	v26 =	vld [tilespmem:s26+$0x60]  }
0x32e: {  	v35 =	vld [tilespmem:s26+$0x450];
	v7 =	vadd.f32 v7, v58;
	v6 =	vadd.f32 v5, v6  }
0x32f: {  	v30 =	vld [tilespmem:s26+$0x400];
	v9 =	vadd.f32 v63, v4  }
0x330: {  	v50 =	vld [tilespmem:s26+$0x840];
	v6 =	vadd.f32 v6, v7;
	v21 =	vadd.f32 v55, v8  }
0x331: {  	v40 =	vld [tilespmem:s26+$0x470];
	v25 =	vadd.f32 v57, v8;
	v11 =	vadd.f32 v60, v8  }
0x332: {  	v54 =	vld [tilespmem:s26+$0x860];
	v12 =	vadd.f32 v20, v8;
	v14 =	vadd.f32 v22, v8  }
0x333: {  	v46 =	vld [tilespmem:s26+$0x820];
	v5 =	vadd.f32 v23, v8;
	v16 =	vadd.f32 v26, v8  }
0x334: {  	v59 =	vld [tilespmem:s26+$0xC00];
	v10 =	vadd.f32 v28, v8;
	v15 =	vadd.f32 v30, v8  }
0x335: {  	v63 =	vld [tilespmem:s26+$0xC30];
	v34 =	vadd.f32 v31, v8;
	v39 =	vadd.f32 v18, v8  }
0x336: {  	v43 =	vadd.f32 v19, v8;
	v44 =	vadd.f32 v35, v8  }
0x337: {  	v36 =	vld [tilespmem:s26+$0x460];
	v49 =	vadd.f32 v40, v8;
	v53 =	vadd.f32 v45, v8  }
0x338: {  	v48 =	vld [tilespmem:s26+$0x830];
	v57 =	vadd.f32 v46, v8;
	v58 =	vadd.f32 v50, v8  }
0x339: {  	v41 =	vld [tilespmem:s26+$0x800];
	v62 =	vadd.f32 v54, v8;
	v23 =	vadd.f32 v59, v8  }
0x33a: {  	s29 =	sand.u32 $0x7, s22;
	v33 =	vld [tilespmem:s26+$0x440];
	v28 =	vadd.f32 v63, v8;
	v24 =	vmax.f32 v21, $0.0e+00;
	v29 =	vmax.f32 v25, $0.0e+00  }
0x33b: {  	s0 =	sshll.u32 s29, $0x7;
	v51 =	vld [tilespmem:s26+$0x850];
	v11 =	vmax.f32 v11, $0.0e+00;
	v12 =	vmax.f32 v12, $0.0e+00;
	v14 =	vmax.f32 v14, $0.0e+00  }
0x33c: {  	s25 =	sadd.s32 s21, s0;
	v61 =	vld [tilespmem:s26+$0xC20];
	v5 =	vmax.f32 v5, $0.0e+00;
	v32 =	vmax.f32 v16, $0.0e+00;
	v10 =	vmax.f32 v10, $0.0e+00  }
0x33d: {  	s0 =	sadd.s32 $0x80, s25;
	v55 =	vld [tilespmem:s26+$0x870];
	v37 =	vmax.f32 v15, $0.0e+00;
	v38 =	vmax.f32 v34, $0.0e+00;
	v15 =	vadd.f32 v48, v8  }
0x33e: {  	s30 =	sor.u32 $0x1000, s0;
	v60 =	vld [tilespmem:s26+$0xC10];
	v42 =	vmax.f32 v39, $0.0e+00;
	v27 =	vadd.f32 $0.0e+00, v24;
	v13 =	vadd.f32 $0.0e+00, v29  }
0x33f: {  	s31 =	sor.u32 $0x1010, s0;
	v30 =	vld [tilespmem:s30+$0x480];
	v16 =	vmax.f32 v43, $0.0e+00;
	v11 =	vadd.f32 $0.0e+00, v11;
	v12 =	vadd.f32 $0.0e+00, v12  }
0x340: {  	v31 =	vld [tilespmem:s31+$0x480];
	v47 =	vmax.f32 v44, $0.0e+00;
	v4 =	vadd.f32 v14, v27;
	v5 =	vadd.f32 v5, v13  }
0x341: {  	v52 =	vmax.f32 v49, $0.0e+00;
	v24 =	vld [tilespmem:s26+$0xC50];
	v11 =	vadd.f32 v32, v11;
	v10 =	vadd.f32 v10, v12  }
0x342: {  	v56 =	vmax.f32 v53, $0.0e+00;
	v29 =	vld [tilespmem:s26+$0xC70];
	v14 =	vadd.f32 v33, v8;
	v12 =	vadd.f32 v36, v8  }
0x343: {  	v21 =	vld [tilespmem:s26+$0xC40];
	v22 =	vmax.f32 v62, $0.0e+00;
	v13 =	vadd.f32 v41, v8;
	v27 =	vadd.f32 v60, v8  }
0x344: {  	v25 =	vld [tilespmem:s26+$0xC60];
	v26 =	vmax.f32 v23, $0.0e+00;
	s26 =	sor.u32 $0x1020, s0;
	v40 =	vadd.f32 v30, v8;
	v4 =	vadd.f32 v37, v4  }
0x345: {  	s28 =	sor.u32 $0x1030, s0;
	v15 =	vmax.f32 v15, $0.0e+00;
	v33 =	vld [tilespmem:s26+$0x480];
	v5 =	vadd.f32 v38, v5;
	v11 =	vadd.f32 v42, v11  }
0x346: {  	v34 =	vld [tilespmem:s28+$0x480];
	s26 =	sor.u32 $0x1070, s0;
	v14 =	vmax.f32 v14, $0.0e+00;
	v10 =	vadd.f32 v16, v10;
	v32 =	vadd.f32 v24, v8  }
0x347: {  	s29 =	sor.u32 $0x1040, s0;
	v43 =	vld [tilespmem:s26+$0x480];
	v12 =	vmax.f32 v12, $0.0e+00;
	v36 =	vadd.f32 v29, v8;
	v4 =	vadd.f32 v14, v4  }
0x348: {  	s31 =	sor.u32 $0x1060, s0;
	v13 =	vmax.f32 v13, $0.0e+00;
	v37 =	vld [tilespmem:s29+$0x480];
	v5 =	vadd.f32 v47, v5;
	v11 =	vadd.f32 v12, v11  }
0x349: {  	s28 =	sor.u32 $0x1400, s0;
	v16 =	vmax.f32 v57, $0.0e+00;
	v42 =	vld [tilespmem:s31+$0x480];
	v10 =	vadd.f32 v52, v10;
	v12 =	vadd.f32 v51, v8  }
0x34a: {  	v44 =	vld [tilespmem:s28+$0x480];
	s29 =	sor.u32 $0x1410, s0;
	v14 =	vmax.f32 v58, $0.0e+00;
	v41 =	vadd.f32 v33, v8;
	v4 =	vadd.f32 v13, v4  }
0x34b: {  	s31 =	sor.u32 $0x1430, s0;
	v46 =	vld [tilespmem:s29+$0x480];
	v35 =	vmax.f32 v32, $0.0e+00;
	v5 =	vadd.f32 v56, v5;
	v11 =	vadd.f32 v16, v11  }
0x34c: {  	s30 =	sor.u32 $0x1050, s0;
	v50 =	vld [tilespmem:s31+$0x480];
	v39 =	vmax.f32 v36, $0.0e+00;
	v10 =	vadd.f32 v15, v10;
	v13 =	vadd.f32 v55, v8  }
0x34d: {  	v38 =	vld [tilespmem:s30+$0x480];
	s31 =	sor.u32 $0x1800, s0;
	v12 =	vmax.f32 v12, $0.0e+00;
	v15 =	vadd.f32 v61, v8;
	v53 =	vadd.f32 v43, v8  }
0x34e: {  	s26 =	sor.u32 $0x1440, s0;
	v59 =	vld [tilespmem:s31+$0x480];
	v16 =	vmax.f32 v27, $0.0e+00;
	v45 =	vadd.f32 v37, v8;
	v49 =	vadd.f32 v42, v8  }
0x34f: {  	v51 =	vld [tilespmem:s26+$0x480];
	s26 =	sor.u32 $0x1810, s0;
	v4 =	vadd.f32 v14, v4;
	v5 =	vadd.f32 v12, v5;
	v13 =	vmax.f32 v13, $0.0e+00  }
0x350: {  	s28 =	sor.u32 $0x1450, s0;
	v60 =	vld [tilespmem:s26+$0x480];
	v11 =	vadd.f32 v22, v11;
	v15 =	vmax.f32 v15, $0.0e+00;
	v12 =	vadd.f32 v21, v8  }
0x351: {  	s29 =	sor.u32 $0x1460, s0;
	v55 =	vld [tilespmem:s28+$0x480];
	v14 =	vmax.f32 v28, $0.0e+00;
	v54 =	vadd.f32 v46, v8;
	v58 =	vadd.f32 v50, v8  }
0x352: {  	s26 =	sor.u32 $0x1860, s0;
	v56 =	vld [tilespmem:s29+$0x480];
	v10 =	vadd.f32 v13, v10;
	v13 =	vadd.f32 v25, v8;
	v48 =	vmax.f32 v45, $0.0e+00  }
0x353: {  	s28 =	sor.u32 $0x1820, s0;
	v27 =	vld [tilespmem:s26+$0x480];
	v52 =	vmax.f32 v49, $0.0e+00;
	v24 =	vadd.f32 v59, v8;
	v4 =	vadd.f32 v26, v4  }
0x354: {  	s26 =	sor.u32 $0x1C40, s0;
	v63 =	vld [tilespmem:s28+$0x480];
	v49 =	vmax.f32 v9, $0.0e+00;
	v5 =	vadd.f32 v16, v5;
	v11 =	vadd.f32 v15, v11  }
0x355: {  	s28 =	sor.u32 $0x1870, s0;
	v37 =	vld [tilespmem:s26+$0x480];
	v12 =	vmax.f32 v12, $0.0e+00;
	v15 =	vadd.f32 v31, v8;
	v16 =	vmax.f32 v40, $0.0e+00  }
0x356: {  	s30 =	sor.u32 $0x1420, s0;
	v29 =	vld [tilespmem:s28+$0x480];
	v61 =	vmax.f32 v58, $0.0e+00;
	v10 =	vadd.f32 v14, v10;
	v62 =	vadd.f32 v55, v8  }
0x357: {  	v47 =	vld [tilespmem:s30+$0x480];
	s30 =	sor.u32 $0x1470, s0;
	v13 =	vmax.f32 v13, $0.0e+00;
	v23 =	vadd.f32 v56, v8;
	v4 =	vadd.f32 v12, v4  }
0x358: {  	v57 =	vld [tilespmem:s30+$0x480];
	s30 =	sor.u32 $0x1840, s0;
	v7 =	vsel vm0, $0x0, v49;
	v5 =	vadd.f32 v35, v5;
	v11 =	vadd.f32 v13, v11  }
0x359: {  	s28 =	sor.u32 $0x1C50, s0;
	v25 =	vld [tilespmem:s30+$0x480];
	v14 =	vmax.f32 v41, $0.0e+00;
	v12 =	vadd.f32 v34, v8;
	v13 =	vadd.f32 v38, v8  }
0x35a: {  	s31 =	sor.u32 $0x1850, s0;
	v20 =	vld [tilespmem:s28+$0x480];
	v15 =	vmax.f32 v15, $0.0e+00;
	v28 =	vadd.f32 v63, v8;
	v42 =	vadd.f32 v37, v8  }
0x35b: {  	s30 =	sor.u32 $0x1C10, s0;
	v26 =	vld [tilespmem:s31+$0x480];
	v10 =	vadd.f32 v39, v10;
	v22 =	vmax.f32 v62, $0.0e+00;
	v17 =	vadd.f32 v29, v8  }
0x35c: {  	v33 =	vld [tilespmem:s30+$0x480];
	v4 =	vadd.f32 v16, v4;
	v5 =	vadd.f32 v15, v5;
	v12 =	vmax.f32 v12, $0.0e+00  }
0x35d: {  	v11 =	vadd.f32 v14, v11;
	v13 =	vmax.f32 v13, $0.0e+00;
	v15 =	vadd.f32 v44, v8  }
0x35e: {  	v16 =	vmax.f32 v53, $0.0e+00;
	v14 =	vmax.f32 v54, $0.0e+00;
	v32 =	vadd.f32 v25, v8  }
0x35f: {  	v31 =	vmax.f32 v28, $0.0e+00;
	v43 =	vadd.f32 v20, v8;
	v10 =	vadd.f32 v12, v10  }
0x360: {  	s29 =	sor.u32 $0x1830, s0;
	v12 =	vadd.f32 v47, v8;
	v36 =	vadd.f32 v26, v8;
	v38 =	vmax.f32 v17, $0.0e+00  }
0x361: {  	v21 =	vld [tilespmem:s29+$0x480];
	s31 =	sor.u32 $0x1C20, s0;
	v40 =	vadd.f32 v33, v8;
	v17 =	vmax.f32 v42, $0.0e+00;
	v4 =	vadd.f32 v48, v4  }
0x362: {  	s29 =	sor.u32 $0x1C00, s0;
	v34 =	vld [tilespmem:s31+$0x480];
	s31 =	sadd.s32 $0xFFFFFF80, s19;
	v5 =	vadd.f32 v13, v5;
	v11 =	vadd.f32 v52, v11;
	v15 =	vmax.f32 v15, $0.0e+00  }
0x363: {  	v30 =	vld [tilespmem:s29+$0x480];
	s30 =	sor.u32 $0x1C30, s0;
	s0 =	sor.u32 $0x1C58, s0;
	s1 =	sand.u32 $0x300, s31;
	v13 =	vadd.f32 v51, v8;
	v35 =	vmax.f32 v32, $0.0e+00;
	v18 =	vmax.f32 v43, $0.0e+00  }
0x364: {  	v41 =	vld [tilespmem:s0+$0x480];
	s0 =	sor.u32 s1, s24;
	v10 =	vadd.f32 v16, v10;
	v12 =	vmax.f32 v12, $0.0e+00;
	v4 =	vadd.f32 v15, v4  }
0x365: {  	v45 =	vld [tilespmem:s0+$0x0];
	v16 =	vmax.f32 v23, $0.0e+00;
	v5 =	vadd.f32 v14, v5;
	v11 =	vadd.f32 v12, v11  }
0x366: {  	v46 =	vld [tilespmem:s0+$0x10];
	v13 =	vmax.f32 v13, $0.0e+00;
	v15 =	vadd.f32 v57, v8;
	v12 =	vadd.f32 v60, v8  }
0x367: {  	v47 =	vld [tilespmem:s0+$0x20];
	v14 =	vmax.f32 v24, $0.0e+00;
	v10 =	vadd.f32 v61, v10;
	v4 =	vadd.f32 v13, v4  }
0x368: {  	v54 =	vld [tilespmem:s0+$0x50];
	v5 =	vadd.f32 v22, v5;
	v15 =	vmax.f32 v15, $0.0e+00;
	v11 =	vadd.f32 v16, v11  }
0x369: {  	v58 =	vld [tilespmem:s0+$0x70];
	v12 =	vmax.f32 v12, $0.0e+00;
	v13 =	vadd.f32 v21, v8;
	v10 =	vadd.f32 v15, v10  }
0x36a: {  	v16 =	vmax.f32 v36, $0.0e+00;
	v21 =	vld [tilespmem:s30+$0x480];
	v15 =	vadd.f32 v27, v8;
	v4 =	vadd.f32 v14, v4  }
0x36b: {  	s29 =	sadd.s32 $0x2, s23;
	v59 =	vld [tilespmem:s0+$0x400];
	v5 =	vadd.f32 v12, v5;
	v13 =	vmax.f32 v13, $0.0e+00;
	v11 =	vadd.f32 v31, v11  }
0x36c: {  	v62 =	vld [tilespmem:s0+$0x430];
	v12 =	vadd.f32 v30, v8;
	v14 =	vadd.f32 v35, v4;
	v4 =	vmov s29  }
0x36d: {  	v25 =	vld [tilespmem:s0+$0x450];
	v10 =	vadd.f32 v13, v10;
	v15 =	vmax.f32 v15, $0.0e+00;
	v13 =	vadd.f32 v34, v8  }
0x36e: {  	v28 =	vld [tilespmem:s0+$0x460];
	v16 =	vadd.f32 v16, v5;
	v11 =	vadd.f32 v15, v11;
	v39 =	vmax.f32 v12, $0.0e+00  }
0x36f: {  	v49 =	vld [tilespmem:s0+$0xC00];
	v12 =	vmax.f32 v40, $0.0e+00;
	v44 =	vadd.f32 v21, v8;
	v14 =	vadd.f32 v39, v14  }
0x370: {  	v48 =	vld [tilespmem:s0+$0x30];
	v10 =	vadd.f32 v38, v10;
	v13 =	vmax.f32 v13, $0.0e+00;
	v12 =	vadd.f32 v12, v16  }
0x371: {  	v11 =	vadd.f32 v13, v11;
	v16 =	vmax.f32 v44, $0.0e+00;
	v14 =	vadd.f32 v17, v14;
	v5 =	vld.idx.msk [tilespmem:v4+s15+$0x0], $0xffff  }
0x372: {  	v51 =	vld [tilespmem:s0+$0x40];
	v12 =	vadd.f32 v18, v12;
	v10 =	vadd.f32 v16, v10  }
0x373: {  	v57 =	vld [tilespmem:s0+$0x60]  }
0x374: {  	v60 =	vld [tilespmem:s0+$0x410];
	v50 =	vadd.f32 v12, v14;
	v10 =	vadd.f32 v10, v11  }
0x375: {  	v6 =	vadd.f32 v6, v7;
	v24 =	vld [tilespmem:s0+$0x440];
	v8 =	vadd.f32 v41, v8  }
0x376: {  	v61 =	vld [tilespmem:s0+$0x420];
	v7 =	vadd.f32 v50, v10;
	v52 =	vadd.f32 v45, v5  }
0x377: {  	v31 =	vld [tilespmem:s0+$0x470];
	v53 =	vadd.f32 v46, v5;
	v56 =	vadd.f32 v47, v5  }
0x378: {  	v35 =	vld [tilespmem:s0+$0x810];
	v13 =	vadd.f32 v48, v5;
	v12 =	vadd.f32 v51, v5  }
0x379: {  	v40 =	vld [tilespmem:s0+$0x830];
	v16 =	vadd.f32 v54, v5;
	v11 =	vadd.f32 v57, v5  }
0x37a: {  	v33 =	vld [tilespmem:s0+$0x800];
	v15 =	vadd.f32 v58, v5;
	v63 =	vadd.f32 v59, v5  }
0x37b: {  	v41 =	vld [tilespmem:s0+$0x840];
	v18 =	vadd.f32 v60, v5;
	v30 =	vadd.f32 v61, v5  }
0x37c: {  	v43 =	vld [tilespmem:s0+$0x850];
	v17 =	vadd.f32 v24, v5;
	v38 =	vadd.f32 v25, v5  }
0x37d: {  	v36 =	vld [tilespmem:s0+$0x820];
	v39 =	vadd.f32 v31, v5;
	v44 =	vadd.f32 v35, v5  }
0x37e: {  	v50 =	vld [tilespmem:s0+$0xC10];
	v48 =	vadd.f32 v40, v5;
	v57 =	vadd.f32 v49, v5;
	v55 =	vmax.f32 v52, $0.0e+00  }
0x37f: {  	s26 =	sand.u32 $0x3, s20;
	v45 =	vld [tilespmem:s0+$0x860];
	v14 =	vmax.f32 v53, $0.0e+00;
	v10 =	vmax.f32 v56, $0.0e+00;
	v13 =	vmax.f32 v13, $0.0e+00  }
0x380: {  	s1 =	sshll.u32 s26, $0x8;
	v46 =	vld [tilespmem:s0+$0x870];
	v12 =	vmax.f32 v12, $0.0e+00;
	v16 =	vmax.f32 v16, $0.0e+00;
	v52 =	vadd.f32 v41, v5  }
0x381: {  	s1 =	sadd.s32 s21, s1;
	v54 =	vld [tilespmem:s0+$0xC20];
	v11 =	vmax.f32 v11, $0.0e+00;
	v9 =	vadd.f32 $0.0e+00, v55;
	v14 =	vadd.f32 $0.0e+00, v14  }
0x382: {  	s26 =	sadd.s32 $0x100, s1;
	v58 =	vld [tilespmem:s0+$0xC50];
	v15 =	vmax.f32 v15, $0.0e+00;
	v10 =	vadd.f32 $0.0e+00, v10;
	v13 =	vadd.f32 $0.0e+00, v13  }
0x383: {  	s29 =	sor.u32 $0x1010, s26;
	v59 =	vld [tilespmem:s0+$0xC60];
	v27 =	vmax.f32 v63, $0.0e+00;
	v9 =	vadd.f32 v12, v9;
	v14 =	vadd.f32 v16, v14  }
0x384: {  	v25 =	vld [tilespmem:s29+$0x480];
	v29 =	vmax.f32 v18, $0.0e+00;
	v10 =	vadd.f32 v11, v10;
	v26 =	vadd.f32 v15, v13  }
0x385: {  	v34 =	vmax.f32 v30, $0.0e+00;
	v56 =	vld [tilespmem:s0+$0xC40];
	v12 =	vadd.f32 v62, v5;
	v15 =	vadd.f32 v28, v5  }
0x386: {  	s28 =	sor.u32 $0x1000, s26;
	v37 =	vmax.f32 v17, $0.0e+00;
	v55 =	vld [tilespmem:s0+$0xC30];
	v16 =	vadd.f32 v43, v5;
	v53 =	vadd.f32 v45, v5  }
0x387: {  	v17 =	vmax.f32 v38, $0.0e+00;
	v63 =	vld [tilespmem:s28+$0x480];
	s28 =	sor.u32 $0x1050, s26;
	v61 =	vadd.f32 v54, v5;
	v24 =	vadd.f32 v58, v5  }
0x388: {  	v42 =	vmax.f32 v39, $0.0e+00;
	v30 =	vld [tilespmem:s28+$0x480];
	v9 =	vadd.f32 v27, v9;
	v32 =	vadd.f32 v29, v14  }
0x389: {  	s28 =	sor.u32 $0x1420, s26;
	v62 =	vld [tilespmem:s0+$0xC70];
	v12 =	vmax.f32 v12, $0.0e+00;
	v10 =	vadd.f32 v34, v10;
	v14 =	vadd.f32 v33, v5  }
0x38a: {  	s31 =	sor.u32 $0x1030, s26;
	v47 =	vmax.f32 v44, $0.0e+00;
	v40 =	vld [tilespmem:s28+$0x480];
	v11 =	vadd.f32 v12, v26;
	v12 =	vadd.f32 v36, v5  }
0x38b: {  	s1 =	sor.u32 $0x1040, s26;
	v15 =	vmax.f32 v15, $0.0e+00;
	v27 =	vld [tilespmem:s31+$0x480];
	v23 =	vadd.f32 v55, v5;
	v9 =	vadd.f32 v37, v9  }
0x38c: {  	s29 =	sor.u32 $0x1060, s26;
	v51 =	vmax.f32 v48, $0.0e+00;
	v29 =	vld [tilespmem:s1+$0x480];
	v13 =	vadd.f32 v17, v32;
	v10 =	vadd.f32 v15, v10  }
0x38d: {  	s30 =	sor.u32 $0x1020, s26;
	v33 =	vld [tilespmem:s29+$0x480];
	v14 =	vmax.f32 v14, $0.0e+00;
	v32 =	vadd.f32 v25, v5;
	v11 =	vadd.f32 v42, v11  }
0x38e: {  	s31 =	sor.u32 $0x1400, s26;
	v26 =	vld [tilespmem:s30+$0x480];
	v12 =	vmax.f32 v12, $0.0e+00;
	v28 =	vadd.f32 v62, v5;
	v9 =	vadd.f32 v14, v9  }
0x38f: {  	v60 =	vmax.f32 v57, $0.0e+00;
	s1 =	sor.u32 $0x1410, s26;
	v38 =	vld [tilespmem:s31+$0x480];
	v13 =	vadd.f32 v47, v13;
	v10 =	vadd.f32 v12, v10  }
0x390: {  	v16 =	vmax.f32 v16, $0.0e+00;
	s30 =	sor.u32 $0x1070, s26;
	v39 =	vld [tilespmem:s1+$0x480];
	v14 =	vadd.f32 v46, v5;
	v12 =	vadd.f32 v50, v5  }
0x391: {  	s29 =	sor.u32 $0x1430, s26;
	v17 =	vmax.f32 v52, $0.0e+00;
	v34 =	vld [tilespmem:s30+$0x480];
	v11 =	vadd.f32 v51, v11;
	v37 =	vadd.f32 v29, v5  }
0x392: {  	v15 =	vmax.f32 v53, $0.0e+00;
	s30 =	sor.u32 $0x1440, s26;
	v42 =	vld [tilespmem:s29+$0x480];
	v41 =	vadd.f32 v33, v5;
	v9 =	vadd.f32 v17, v9  }
0x393: {  	v22 =	vmax.f32 v61, $0.0e+00;
	s31 =	sor.u32 $0x1450, s26;
	v43 =	vld [tilespmem:s30+$0x480];
	v13 =	vadd.f32 v16, v13;
	v10 =	vadd.f32 v15, v10  }
0x394: {  	s29 =	sor.u32 $0x1800, s26;
	v35 =	vmax.f32 v32, $0.0e+00;
	v46 =	vld [tilespmem:s31+$0x480];
	v16 =	vadd.f32 v56, v5;
	v36 =	vadd.f32 v26, v5  }
0x395: {  	s30 =	sor.u32 $0x1810, s26;
	v52 =	vld [tilespmem:s29+$0x480];
	v14 =	vmax.f32 v14, $0.0e+00;
	v45 =	vadd.f32 v38, v5;
	v49 =	vadd.f32 v39, v5  }
0x396: {  	s28 =	sor.u32 $0x1470, s26;
	v53 =	vld [tilespmem:s30+$0x480];
	v12 =	vmax.f32 v12, $0.0e+00;
	v11 =	vadd.f32 v14, v11;
	v14 =	vadd.f32 v59, v5  }
0x397: {  	s31 =	sor.u32 $0x1820, s26;
	v31 =	vmax.f32 v28, $0.0e+00;
	v51 =	vld [tilespmem:s28+$0x480];
	v9 =	vadd.f32 v60, v9;
	v12 =	vadd.f32 v12, v13  }
0x398: {  	s29 =	sor.u32 $0x1850, s26;
	v55 =	vld [tilespmem:s31+$0x480];
	v17 =	vmax.f32 v23, $0.0e+00;
	v10 =	vadd.f32 v22, v10;
	v13 =	vadd.f32 v63, v5  }
0x399: {  	s30 =	sor.u32 $0x1860, s26;
	v62 =	vld [tilespmem:s29+$0x480];
	v15 =	vmax.f32 v24, $0.0e+00;
	v50 =	vadd.f32 v42, v5;
	v11 =	vadd.f32 v17, v11  }
0x39a: {  	s31 =	sor.u32 $0x1870, s26;
	v24 =	vld [tilespmem:s30+$0x480];
	v16 =	vmax.f32 v16, $0.0e+00;
	v54 =	vadd.f32 v46, v5;
	v61 =	vadd.f32 v52, v5  }
0x39b: {  	v25 =	vld [tilespmem:s31+$0x480];
	v14 =	vmax.f32 v14, $0.0e+00;
	v9 =	vadd.f32 v16, v9;
	v12 =	vadd.f32 v15, v12  }
0x39c: {  	s1 =	sor.u32 $0x1460, s26;
	v44 =	vmax.f32 v41, $0.0e+00;
	v10 =	vadd.f32 v14, v10;
	v16 =	vadd.f32 v27, v5  }
0x39d: {  	v47 =	vld [tilespmem:s1+$0x480];
	s1 =	sor.u32 $0x1830, s26;
	v48 =	vmax.f32 v45, $0.0e+00;
	v14 =	vadd.f32 v30, v5;
	v58 =	vadd.f32 v51, v5  }
0x39e: {  	v56 =	vld [tilespmem:s1+$0x480];
	s1 =	sor.u32 $0x1C00, s26;
	v17 =	vmax.f32 v36, $0.0e+00;
	v63 =	vadd.f32 v55, v5;
	v29 =	vadd.f32 v62, v5  }
0x39f: {  	v26 =	vld [tilespmem:s1+$0x480];
	s1 =	sor.u32 $0x1C50, s26;
	v13 =	vmax.f32 v13, $0.0e+00;
	v11 =	vadd.f32 v31, v11;
	v18 =	vadd.f32 v24, v5  }
0x3a0: {  	v32 =	vld [tilespmem:s1+$0x480];
	v15 =	vmax.f32 v37, $0.0e+00;
	v31 =	vadd.f32 v25, v5;
	v9 =	vadd.f32 v13, v9  }
0x3a1: {  	v12 =	vadd.f32 v35, v12;
	v16 =	vmax.f32 v16, $0.0e+00;
	v10 =	vadd.f32 v17, v10  }
0x3a2: {  	s28 =	sor.u32 $0x1840, s26;
	v57 =	vmax.f32 v54, $0.0e+00;
	v13 =	vadd.f32 v34, v5;
	v11 =	vadd.f32 v16, v11  }
0x3a3: {  	v59 =	vld [tilespmem:s28+$0x480];
	s28 =	sor.u32 $0x1C10, s26;
	v14 =	vmax.f32 v14, $0.0e+00;
	v16 =	vadd.f32 v40, v5;
	v9 =	vadd.f32 v15, v9  }
0x3a4: {  	s31 =	sor.u32 $0x1C40, s26;
	v27 =	vld [tilespmem:s28+$0x480];
	v17 =	vmax.f32 v49, $0.0e+00;
	v12 =	vadd.f32 v14, v12;
	v14 =	vadd.f32 v43, v5  }
0x3a5: {  	v30 =	vld [tilespmem:s31+$0x480];
	s28 =	sor.u32 $0x1C30, s26;
	v60 =	vmax.f32 v58, $0.0e+00;
	v20 =	vadd.f32 v32, v5;
	v9 =	vadd.f32 v48, v9  }
0x3a6: {  	v22 =	vld [tilespmem:s28+$0x480];
	v13 =	vmax.f32 v13, $0.0e+00;
	v10 =	vadd.f32 v44, v10;
	v14 =	vmax.f32 v14, $0.0e+00  }
0x3a7: {  	v11 =	vadd.f32 v13, v11;
	v16 =	vmax.f32 v16, $0.0e+00;
	v9 =	vadd.f32 v14, v9  }
0x3a8: {  	s29 =	sadd.s32 $0x3, s23;
	v13 =	vadd.f32 v47, v5;
	v12 =	vadd.f32 v17, v12;
	v17 =	vmax.f32 v61, $0.0e+00  }
0x3a9: {  	s30 =	sor.u32 $0x1C20, s26;
	v34 =	vadd.f32 v27, v5;
	v17 =	vadd.f32 v17, v9;
	v9 =	vmov s29;
	s29 =	sand.u32 $0x380, s19  }
0x3aa: {  	v28 =	vld [tilespmem:s30+$0x480];
	v18 =	vmax.f32 v18, $0.0e+00;
	v19 =	vadd.f32 v30, v5;
	v10 =	vadd.f32 v16, v10;
	s30 =	sadd.s32 s29, s24  }
0x3ab: {  	v15 =	vmax.f32 v50, $0.0e+00;
	v16 =	vadd.f32 v53, v5;
	v38 =	vadd.f32 v22, v5;
	v35 =	vld [tilespmem:s30+$0x0]  }
0x3ac: {  	v11 =	vadd.f32 v15, v11;
	v13 =	vmax.f32 v13, $0.0e+00;
	v12 =	vadd.f32 v57, v12;
	v36 =	vld [tilespmem:s30+$0x10]  }
0x3ad: {  	v15 =	vmax.f32 v63, $0.0e+00;
	v10 =	vadd.f32 v13, v10;
	v14 =	vadd.f32 v56, v5;
	v37 =	vld [tilespmem:s30+$0x20]  }
0x3ae: {  	v16 =	vmax.f32 v16, $0.0e+00;
	v13 =	vadd.f32 v59, v5;
	v11 =	vadd.f32 v60, v11;
	v39 =	vld [tilespmem:s30+$0x30]  }
0x3af: {  	v12 =	vadd.f32 v16, v12;
	v14 =	vmax.f32 v14, $0.0e+00;
	v10 =	vadd.f32 v15, v10;
	v42 =	vld [tilespmem:s30+$0x40]  }
0x3b0: {  	v13 =	vmax.f32 v13, $0.0e+00;
	v16 =	vadd.f32 v26, v5;
	v11 =	vadd.f32 v14, v11;
	v43 =	vld [tilespmem:s30+$0x50]  }
0x3b1: {  	v15 =	vmax.f32 v29, $0.0e+00;
	v14 =	vadd.f32 v28, v5;
	v13 =	vadd.f32 v13, v17;
	v44 =	vld [tilespmem:s30+$0x60]  }
0x3b2: {  	v12 =	vadd.f32 v15, v12;
	v33 =	vadd.f32 v18, v10;
	v17 =	vmax.f32 v31, $0.0e+00;
	v46 =	vld [tilespmem:s30+$0x70]  }
0x3b3: {  	v16 =	vmax.f32 v16, $0.0e+00;
	v51 =	vld [tilespmem:s30+$0x410];
	v11 =	vadd.f32 v17, v11;
	v17 =	vmax.f32 v34, $0.0e+00  }
0x3b4: {  	v13 =	vadd.f32 v16, v13;
	v12 =	vadd.f32 v17, v12;
	v10 =	vld.idx.msk [tilespmem:v9+s15+$0x0], $0xffff  }
0x3b5: {  	v41 =	vmax.f32 v20, $0.0e+00;
	v40 =	vmax.f32 v19, $0.0e+00;
	v23 =	vld [tilespmem:s30+$0x420];
	v14 =	vmax.f32 v14, $0.0e+00  }
0x3b6: {  	v24 =	vld [tilespmem:s30+$0x430];
	v17 =	vmax.f32 v38, $0.0e+00;
	v13 =	vadd.f32 v40, v13;
	v12 =	vadd.f32 v41, v12  }
0x3b7: {  	v25 =	vld [tilespmem:s30+$0x440];
	v14 =	vadd.f32 v14, v33;
	v17 =	vadd.f32 v17, v11  }
0x3b8: {  	v52 =	vld [tilespmem:s30+$0x450];
	v11 =	vadd.f32 v12, v13  }
0x3b9: {  	v56 =	vld [tilespmem:s30+$0x470];
	v12 =	vadd.f32 v17, v14;
	v18 =	vadd.f32 v35, v10  }
0x3ba: {  	v58 =	vld [tilespmem:s30+$0x800];
	v45 =	vadd.f32 v36, v10;
	v48 =	vadd.f32 v37, v10  }
0x3bb: {  	v60 =	vld [tilespmem:s30+$0x810];
	v50 =	vadd.f32 v39, v10;
	v20 =	vadd.f32 v42, v10  }
0x3bc: {  	v63 =	vld [tilespmem:s30+$0x820];
	v15 =	vadd.f32 v43, v10;
	v19 =	vadd.f32 v44, v10  }
0x3bd: {  	v28 =	vld [tilespmem:s30+$0x830];
	v16 =	vadd.f32 v46, v10;
	v55 =	vadd.f32 v51, v10  }
0x3be: {  	v49 =	vld [tilespmem:s30+$0x400];
	v57 =	vadd.f32 v23, v10;
	v59 =	vadd.f32 v24, v10  }
0x3bf: {  	v54 =	vld [tilespmem:s30+$0x460];
	v62 =	vadd.f32 v25, v10;
	v27 =	vadd.f32 v52, v10  }
0x3c0: {  	v30 =	vld [tilespmem:s30+$0x840];
	v32 =	vadd.f32 v56, v10;
	v35 =	vadd.f32 v58, v10  }
0x3c1: {  	v33 =	vld [tilespmem:s30+$0x850];
	v38 =	vadd.f32 v60, v10;
	v41 =	vadd.f32 v63, v10  }
0x3c2: {  	v36 =	vld [tilespmem:s30+$0x860];
	v44 =	vadd.f32 v28, v10;
	v47 =	vmax.f32 v18, $0.0e+00;
	v13 =	vmax.f32 v45, $0.0e+00  }
0x3c3: {  	v39 =	vld [tilespmem:s30+$0x870];
	v17 =	vmax.f32 v48, $0.0e+00;
	v21 =	vmax.f32 v50, $0.0e+00;
	v20 =	vmax.f32 v20, $0.0e+00  }
0x3c4: {  	v42 =	vld [tilespmem:s30+$0xC00];
	v15 =	vmax.f32 v15, $0.0e+00;
	v53 =	vmax.f32 v19, $0.0e+00;
	v18 =	vadd.f32 v49, v10  }
0x3c5: {  	v51 =	vld [tilespmem:s30+$0xC30];
	v16 =	vmax.f32 v16, $0.0e+00;
	v61 =	vmax.f32 v57, $0.0e+00;
	v19 =	vadd.f32 v54, v10  }
0x3c6: {  	v60 =	vld [tilespmem:s30+$0xC60];
	v26 =	vmax.f32 v59, $0.0e+00;
	v50 =	vadd.f32 v33, v10;
	v14 =	vadd.f32 $0.0e+00, v47  }
0x3c7: {  	v63 =	vld [tilespmem:s30+$0xC70];
	v29 =	vmax.f32 v62, $0.0e+00;
	v13 =	vadd.f32 $0.0e+00, v13;
	v17 =	vadd.f32 $0.0e+00, v17  }
0x3c8: {  	v31 =	vmax.f32 v27, $0.0e+00;
	v45 =	vld [tilespmem:s30+$0xC10];
	v21 =	vadd.f32 $0.0e+00, v21;
	v47 =	vadd.f32 v30, v10  }
0x3c9: {  	v37 =	vmax.f32 v32, $0.0e+00;
	v48 =	vld [tilespmem:s30+$0xC20];
	v14 =	vadd.f32 v20, v14;
	v13 =	vadd.f32 v15, v13  }
0x3ca: {  	s0 =	sadd.s32 $0x180, s25;
	v46 =	vmax.f32 v41, $0.0e+00;
	v54 =	vld [tilespmem:s30+$0xC40];
	v15 =	vadd.f32 v53, v17;
	v16 =	vadd.f32 v16, v21  }
0x3cb: {  	s24 =	sor.u32 $0x1010, s0;
	v49 =	vmax.f32 v44, $0.0e+00;
	v57 =	vld [tilespmem:s30+$0xC50];
	v53 =	vadd.f32 v36, v10;
	v56 =	vadd.f32 v39, v10  }
0x3cc: {  	s31 =	sor.u32 $0x1000, s0;
	v33 =	vld [tilespmem:s24+$0x480];
	v18 =	vmax.f32 v18, $0.0e+00;
	v59 =	vadd.f32 v42, v10;
	v32 =	vadd.f32 v51, v10  }
0x3cd: {  	s25 =	sor.u32 $0x1020, s0;
	v30 =	vld [tilespmem:s31+$0x480];
	v17 =	vmax.f32 v55, $0.0e+00;
	v41 =	vadd.f32 v60, v10;
	v44 =	vadd.f32 v63, v10  }
0x3ce: {  	s28 =	sor.u32 $0x1030, s0;
	v40 =	vmax.f32 v35, $0.0e+00;
	v36 =	vld [tilespmem:s25+$0x480];
	v14 =	vadd.f32 v18, v14;
	v13 =	vadd.f32 v17, v13  }
0x3cf: {  	s29 =	sor.u32 $0x1040, s0;
	v43 =	vmax.f32 v38, $0.0e+00;
	v39 =	vld [tilespmem:s28+$0x480];
	v15 =	vadd.f32 v61, v15;
	v16 =	vadd.f32 v26, v16  }
0x3d0: {  	s24 =	sor.u32 $0x1070, s0;
	v34 =	vmax.f32 v19, $0.0e+00;
	v42 =	vld [tilespmem:s29+$0x480];
	v62 =	vadd.f32 v45, v10;
	v35 =	vadd.f32 v54, v10  }
0x3d1: {  	v55 =	vmax.f32 v50, $0.0e+00;
	v51 =	vld [tilespmem:s24+$0x480];
	s29 =	sor.u32 $0x1420, s0;
	v38 =	vadd.f32 v57, v10;
	v50 =	vadd.f32 v33, v10  }
0x3d2: {  	s30 =	sor.u32 $0x1050, s0;
	v52 =	vmax.f32 v47, $0.0e+00;
	v60 =	vld [tilespmem:s29+$0x480];
	v47 =	vadd.f32 v30, v10;
	v14 =	vadd.f32 v29, v14  }
0x3d3: {  	s25 =	sor.u32 $0x1400, s0;
	v58 =	vmax.f32 v53, $0.0e+00;
	v45 =	vld [tilespmem:s30+$0x480];
	v13 =	vadd.f32 v31, v13;
	v15 =	vadd.f32 v34, v15  }
0x3d4: {  	s28 =	sor.u32 $0x1410, s0;
	v61 =	vmax.f32 v56, $0.0e+00;
	v54 =	vld [tilespmem:s25+$0x480];
	v16 =	vadd.f32 v37, v16;
	v29 =	vadd.f32 v48, v10  }
0x3d5: {  	s24 =	sor.u32 $0x1450, s0;
	v28 =	vmax.f32 v59, $0.0e+00;
	v57 =	vld [tilespmem:s28+$0x480];
	v53 =	vadd.f32 v36, v10;
	v56 =	vadd.f32 v39, v10  }
0x3d6: {  	s30 =	sor.u32 $0x1430, s0;
	v33 =	vld [tilespmem:s24+$0x480];
	v37 =	vmax.f32 v32, $0.0e+00;
	v59 =	vadd.f32 v42, v10;
	v32 =	vadd.f32 v51, v10  }
0x3d7: {  	s31 =	sor.u32 $0x1060, s0;
	v63 =	vld [tilespmem:s30+$0x480];
	v14 =	vadd.f32 v40, v14;
	v13 =	vadd.f32 v43, v13  }
0x3d8: {  	v31 =	vmax.f32 v62, $0.0e+00;
	v48 =	vld [tilespmem:s31+$0x480];
	s31 =	sor.u32 $0x1440, s0;
	v15 =	vadd.f32 v46, v15;
	v16 =	vadd.f32 v49, v16  }
0x3d9: {  	s25 =	sor.u32 $0x1460, s0;
	v30 =	vld [tilespmem:s31+$0x480];
	v34 =	vmax.f32 v29, $0.0e+00;
	v46 =	vmax.f32 v41, $0.0e+00;
	v41 =	vadd.f32 v60, v10  }
0x3da: {  	s28 =	sor.u32 $0x1470, s0;
	v36 =	vld [tilespmem:s25+$0x480];
	v40 =	vmax.f32 v35, $0.0e+00;
	v62 =	vadd.f32 v45, v10;
	v35 =	vadd.f32 v54, v10  }
0x3db: {  	s29 =	sor.u32 $0x1800, s0;
	v39 =	vld [tilespmem:s28+$0x480];
	v43 =	vmax.f32 v38, $0.0e+00;
	v38 =	vadd.f32 v57, v10;
	v14 =	vadd.f32 v52, v14  }
0x3dc: {  	s24 =	sor.u32 $0x1830, s0;
	v42 =	vld [tilespmem:s29+$0x480];
	v49 =	vmax.f32 v44, $0.0e+00;
	v13 =	vadd.f32 v55, v13;
	v15 =	vadd.f32 v58, v15  }
0x3dd: {  	v51 =	vld [tilespmem:s24+$0x480];
	s29 =	sor.u32 $0x1860, s0;
	v16 =	vadd.f32 v61, v16;
	v52 =	vmax.f32 v47, $0.0e+00;
	v44 =	vadd.f32 v63, v10  }
0x3de: {  	v60 =	vld [tilespmem:s29+$0x480];
	v55 =	vmax.f32 v50, $0.0e+00;
	v50 =	vadd.f32 v33, v10;
	v29 =	vadd.f32 v48, v10  }
0x3df: {  	s30 =	sor.u32 $0x1810, s0;
	v58 =	vmax.f32 v53, $0.0e+00;
	v14 =	vadd.f32 v28, v14;
	v13 =	vadd.f32 v31, v13  }
0x3e0: {  	s25 =	sor.u32 $0x1840, s0;
	v45 =	vld [tilespmem:s30+$0x480];
	v61 =	vmax.f32 v56, $0.0e+00;
	v15 =	vadd.f32 v34, v15;
	v16 =	vadd.f32 v37, v16  }
0x3e1: {  	s28 =	sor.u32 $0x1850, s0;
	v54 =	vld [tilespmem:s25+$0x480];
	v28 =	vmax.f32 v59, $0.0e+00;
	v47 =	vadd.f32 v30, v10;
	v53 =	vadd.f32 v36, v10  }
0x3e2: {  	v57 =	vld [tilespmem:s28+$0x480];
	v31 =	vmax.f32 v62, $0.0e+00;
	v56 =	vadd.f32 v39, v10;
	v59 =	vadd.f32 v42, v10  }
0x3e3: {  	v37 =	vmax.f32 v32, $0.0e+00;
	v30 =	vadd.f32 v51, v10;
	v39 =	vadd.f32 v60, v10  }
0x3e4: {  	s31 =	sor.u32 $0x1820, s0;
	v34 =	vmax.f32 v29, $0.0e+00;
	v14 =	vadd.f32 v40, v14;
	v13 =	vadd.f32 v43, v13  }
0x3e5: {  	v48 =	vld [tilespmem:s31+$0x480];
	v15 =	vadd.f32 v46, v15;
	v16 =	vadd.f32 v49, v16;
	v40 =	vmax.f32 v35, $0.0e+00  }
0x3e6: {  	v43 =	vmax.f32 v38, $0.0e+00;
	v46 =	vmax.f32 v41, $0.0e+00;
	v62 =	vadd.f32 v45, v10  }
0x3e7: {  	v49 =	vmax.f32 v44, $0.0e+00;
	v33 =	vadd.f32 v54, v10;
	v36 =	vadd.f32 v57, v10  }
0x3e8: {  	s30 =	sor.u32 $0x1870, s0;
	v26 =	vmax.f32 v59, $0.0e+00;
	v14 =	vadd.f32 v52, v14;
	v13 =	vadd.f32 v55, v13  }
0x3e9: {  	v63 =	vld [tilespmem:s30+$0x480];
	s31 =	sor.u32 $0x1C00, s0;
	v35 =	vmax.f32 v30, $0.0e+00;
	v15 =	vadd.f32 v58, v15;
	v16 =	vadd.f32 v61, v16  }
0x3ea: {  	s24 =	sor.u32 $0x1C10, s0;
	v44 =	vmax.f32 v39, $0.0e+00;
	v27 =	vadd.f32 v48, v10;
	v14 =	vadd.f32 v28, v14;
	v28 =	vld [tilespmem:s31+$0x480]  }
0x3eb: {  	s25 =	sor.u32 $0x1C20, s0;
	v52 =	vmax.f32 v47, $0.0e+00;
	v13 =	vadd.f32 v31, v13;
	v15 =	vadd.f32 v34, v15;
	v31 =	vld [tilespmem:s24+$0x480]  }
0x3ec: {  	s28 =	sor.u32 $0x1C40, s0;
	v55 =	vmax.f32 v50, $0.0e+00;
	v16 =	vadd.f32 v37, v16;
	v34 =	vld [tilespmem:s25+$0x480];
	v14 =	vadd.f32 v40, v14  }
0x3ed: {  	v58 =	vmax.f32 v53, $0.0e+00;
	v37 =	vld [tilespmem:s28+$0x480];
	v13 =	vadd.f32 v43, v13;
	v15 =	vadd.f32 v46, v15  }
0x3ee: {  	s29 =	sor.u32 $0x1C50, s0;
	v61 =	vmax.f32 v56, $0.0e+00;
	v16 =	vadd.f32 v49, v16;
	v46 =	vadd.f32 v63, v10  }
0x3ef: {  	s30 =	sor.u32 $0x1C30, s0;
	v29 =	vmax.f32 v62, $0.0e+00;
	v40 =	vld [tilespmem:s29+$0x480];
	v14 =	vadd.f32 v52, v14;
	v13 =	vadd.f32 v55, v13  }
0x3f0: {  	v38 =	vmax.f32 v33, $0.0e+00;
	v43 =	vld [tilespmem:s30+$0x480];
	v15 =	vadd.f32 v58, v15;
	v16 =	vadd.f32 v61, v16  }
0x3f1: {  	v41 =	vmax.f32 v36, $0.0e+00;
	v42 =	vadd.f32 v28, v10;
	v45 =	vadd.f32 v31, v10  }
0x3f2: {  	v32 =	vmax.f32 v27, $0.0e+00;
	v48 =	vadd.f32 v37, v10;
	v51 =	vadd.f32 v34, v10  }
0x3f3: {  	v17 =	vmax.f32 v46, $0.0e+00;
	v14 =	vadd.f32 v26, v14;
	v13 =	vadd.f32 v29, v13  }
0x3f4: {  	s31 =	sor.u32 $0x1C58, s26;
	v15 =	vadd.f32 v32, v15;
	v16 =	vadd.f32 v35, v16;
	v18 =	vmax.f32 v42, $0.0e+00  }
0x3f5: {  	s0 =	sor.u32 $0x1C58, s0;
	v49 =	vld [tilespmem:s31+$0x480];
	v47 =	vmax.f32 v45, $0.0e+00;
	v50 =	vadd.f32 v40, v10;
	v21 =	vadd.f32 v43, v10  }
0x3f6: {  	v52 =	vld [tilespmem:s0+$0x480];
	v19 =	vmax.f32 v48, $0.0e+00;
	v14 =	vadd.f32 v38, v14;
	v13 =	vadd.f32 v41, v13  }
0x3f7: {  	v54 =	vmax.f32 v51, $0.0e+00;
	v15 =	vadd.f32 v44, v15;
	v16 =	vadd.f32 v17, v16  }
0x3f8: {  	v55 =	vmax.f32 v21, $0.0e+00;
	v14 =	vadd.f32 v18, v14;
	v13 =	vadd.f32 v47, v13  }
0x3f9: {  	v53 =	vmax.f32 v50, $0.0e+00;
	v15 =	vadd.f32 v54, v15;
	v16 =	vadd.f32 v55, v16  }
0x3fa: {  	v14 =	vadd.f32 v19, v14;
	v13 =	vadd.f32 v53, v13  }
0x3fb: {  	v8 =	vmax.f32 v8, $0.0e+00;
	v5 =	vadd.f32 v49, v5;
	v10 =	vadd.f32 v52, v10  }
0x3fc: {  	v8 =	vsel vm0, $0x0, v8;
	v56 =	vadd.f32 v16, v15;
	v13 =	vadd.f32 v13, v14  }
0x3fd: {  	v7 =	vadd.f32 v7, v8;
	v57 =	vadd.f32 v11, v12;
	v5 =	vmax.f32 v5, $0.0e+00  }
0x3fe: {  	v5 =	vsel vm0, $0x0, v5;
	v10 =	vmax.f32 v10, $0.0e+00;
	v58 =	vadd.f32 v13, v56  }
0x3ff: {  	(xrf2) =	vadd.scan.msk.f32 $0xffff, v6;
	v5 =	vadd.f32 v57, v5;
	v59 =	vsel vm0, $0x0, v10  }
0x400: {  	(xrf2) =	vadd.scan.msk.f32 $0xffff, v7;
	v6 =	vadd.f32 v58, v59  }
0x401: {  	(xrf2) =	vadd.scan.msk.f32 $0xffff, v5  }
0x402: {  	(xrf2) =	vadd.scan.msk.f32 $0xffff, v6;
	_ =	sdelay $0x6  }
0x403: {  	v2 =	vor.u32 $0x1C0, v2;
	v60, _, _ =	vpop (xrf2)  }
0x404: {  	v3 =	vor.u32 $0x1C0, v3;
	v61, _, _ =	vpop (xrf2);
	v5 =	vadd.f32 $-1.000000000e+00, v60  }
0x405: {  	v4 =	vor.u32 $0x1C0, v4;
	v6 =	vadd.f32 $-1.000000000e+00, v61;
	v62, _, _ =	vpop (xrf2)  }
0x406: {  	p1 =	slt.u32 s23, $0x1C;
	v9 =	vor.u32 $0x1C0, v9;
	v5 =	vmul.f32 $1.000000050e-03, v5;
	v7 =	vadd.f32 $-1.000000000e+00, v62;
	v63, _, _ =	vpop (xrf2)  }
.Ltmp3:
0x407: {  	v6 =	vmul.f32 $1.000000050e-03, v6;
	v8 =	vadd.f32 $-1.000000000e+00, v63;
	(pc) =	sbr.rel @p1 .LBB2_8-.Ltmp3, $4  }
0x408: {  	[tilespmem:v2+s16+$0x0] =	vst.idx.msk vm1, v5;
	v2 =	vmul.f32 $1.000000050e-03, v7  }
0x409: {  	[tilespmem:v3+s16+$0x0] =	vst.idx.msk vm1, v6;
	v3 =	vmul.f32 $1.000000050e-03, v8  }
0x40a: {  	p0 =	por !p0, !p0;
	s22 =	sadd.s32 $0x4, s22;
	s20 =	sadd.s32 $0x2, s20;
	[tilespmem:v4+s16+$0x0] =	vst.idx.msk vm1, v2  }
0x40b: {  	s21 =	sadd.s32 $0x1000, s21;
	s23 =	sadd.s32 $0x4, s23;
	s19 =	sadd.s32 $0x200, s19;
	[tilespmem:v9+s16+$0x0] =	vst.idx.msk vm1, v3  }
0x40c: {  	_ =	swait.ge [sflag:s17], $0x8000  }
0x40d: {  	[sflag:s17] =	ssyncset.done $0x0  }
0x40e: {  	[sflag:s17] =	ssyncadd.s32 $0xFFFF8000  }
0x40f: {  	v2 =	vld [tilespmem:$0x1E0];
	_ =	sdelay $0x4  }
0x410: {  	v3 =	vshll.u32 v2, $0x3  }
0x411: {  	v2 =	vand.u32 $0x7F, v2;
	v3 =	vand.u32 $0xFFFFFC00, v3  }
0x412: {  	v2 =	vor.u32 v2, v3  }
0x413: {  	v3 =	vld [tilespmem:$0x1F0];
	v2 =	vadd.s32 v0, v2;
	_ =	sdelay $0x4  }
0x414: {  	v4 =	vshll.u32 v3, $0x3;
	v2 =	vld.idx.msk [tilespmem:v2+s13+$0x0], $0xffff  }
0x415: {  	v3 =	vand.u32 $0x7F, v3;
	v4 =	vand.u32 $0xFFFFFC00, v4  }
0x416: {  	v3 =	vor.u32 v3, v4  }
0x417: {  	v3 =	vadd.s32 v1, v3;
	_ =	sdelay $0x1  }
0x418: {  	v2 =	vsub.f32 $1.000000000e+00, v2;
	_ =	sdelay $0x1  }
0x419: {  	[tilespmem:$0x400] =	vst v2  }
0x41a: {  	v2 =	vld.idx.msk [tilespmem:v3+s13+$0x0], $0xffff;
	_ =	sdelay $0x4  }
0x41b: {  	v2 =	vsub.f32 $1.000000000e+00, v2  }
0x41c: {  	s19 =	simm.s32 $0x180;
	s20 =	simm.s32 $0x0;
	p0 =	por $0x0, $0x0  }
0x41d: {  	s21 =	simm.s32 $0x0;
	s22 =	simm.s32 $0x0;
	s23 =	simm.s32 $0x0;
	[tilespmem:$0x410] =	vst v2  }
.LBB2_10:
0x41e: {  	s0 =	sand.u32 $0x6000, s21;
	s1 =	sadd.s32 $0xFFFFFE80, s19  }
0x41f: {  	s1 =	sand.u32 $0x200, s1;
	s24 =	sor.u32 $0x8480, s0  }
0x420: {  	s0 =	sor.u32 s1, s24  }
0x421: {  	v3 =	vld [tilespmem:s0+$0x0]  }
0x422: {  	v5 =	vld [tilespmem:s0+$0x10]  }
0x423: {  	v6 =	vld [tilespmem:s0+$0x20]  }
0x424: {  	v7 =	vld [tilespmem:s0+$0x30]  }
0x425: {  	v8 =	vld [tilespmem:s0+$0x40]  }
0x426: {  	v9 =	vld [tilespmem:s0+$0x50]  }
0x427: {  	v10 =	vld [tilespmem:s0+$0x60]  }
0x428: {  	v11 =	vld [tilespmem:s0+$0x70]  }
0x429: {  	v12 =	vld [tilespmem:s0+$0x400]  }
0x42a: {  	v13 =	vld [tilespmem:s0+$0x410]  }
0x42b: {  	v14 =	vld [tilespmem:s0+$0x420]  }
0x42c: {  	v53 =	vld [tilespmem:s0+$0x430]  }
0x42d: {  	v15 =	vld [tilespmem:s0+$0x440]  }
0x42e: {  	v54 =	vld [tilespmem:s0+$0x450]  }
0x42f: {  	v58 =	vld [tilespmem:s0+$0x460]  }
0x430: {  	v2 =	vmov s23;
	v59 =	vld [tilespmem:s0+$0x470]  }
0x431: {  	v62 =	vld [tilespmem:s0+$0x800]  }
0x432: {  	v63 =	vld [tilespmem:s0+$0x810]  }
0x433: {  	v19 =	vld [tilespmem:s0+$0x820]  }
0x434: {  	v20 =	vld [tilespmem:s0+$0x830]  }
0x435: {  	v4 =	vld.idx.msk [tilespmem:v2+s15+$0x0], $0xffff  }
0x436: {  	v22 =	vld [tilespmem:s0+$0x840]  }
0x437: {  	v24 =	vld [tilespmem:s0+$0x850]  }
0x438: {  	v25 =	vld [tilespmem:s0+$0x860]  }
0x439: {  	v28 =	vld [tilespmem:s0+$0x870]  }
0x43a: {  	v29 =	vld [tilespmem:s0+$0xC00];
	v3 =	vadd.f32 v3, v4  }
0x43b: {  	v33 =	vld [tilespmem:s0+$0xC10];
	v5 =	vadd.f32 v5, v4;
	v6 =	vadd.f32 v6, v4  }
0x43c: {  	v34 =	vld [tilespmem:s0+$0xC20];
	v7 =	vadd.f32 v7, v4;
	v8 =	vadd.f32 v8, v4  }
0x43d: {  	v35 =	vld [tilespmem:s0+$0xC30];
	v9 =	vadd.f32 v9, v4;
	v10 =	vadd.f32 v10, v4  }
0x43e: {  	s1 =	simm.s32 $0x1;
	v37 =	vld [tilespmem:s0+$0xC40];
	v52 =	vadd.f32 v11, v4;
	v12 =	vadd.f32 v12, v4  }
0x43f: {  	s1 =	simm.s32 @!p0 $0x0;
	v38 =	vld [tilespmem:s0+$0xC50];
	v56 =	vadd.f32 v13, v4;
	v57 =	vadd.f32 v14, v4  }
0x440: {  	v41 =	vld [tilespmem:s0+$0xC60];
	s1 =	sshll.u32 s1, $0x9;
	v11 =	vadd.f32 v53, v4;
	v17 =	vadd.f32 v15, v4  }
0x441: {  	v42 =	vld [tilespmem:s0+$0xC70];
	s0 =	sadd.s32 s1, s21;
	v18 =	vadd.f32 v58, v4;
	v23 =	vadd.f32 v62, v4  }
0x442: {  	s1 =	sor.u32 $0x1000, s0;
	v27 =	vadd.f32 v19, v4;
	v31 =	vadd.f32 v20, v4  }
0x443: {  	s28 =	sor.u32 $0x1010, s0;
	v46 =	vld [tilespmem:s1+$0x8480];
	v32 =	vadd.f32 v24, v4;
	v36 =	vadd.f32 v28, v4  }
0x444: {  	s30 =	sor.u32 $0x1030, s0;
	v47 =	vld [tilespmem:s28+$0x8480];
	v40 =	vadd.f32 v33, v4;
	v44 =	vadd.f32 v34, v4  }
0x445: {  	v50 =	vld [tilespmem:s30+$0x8480];
	v45 =	vadd.f32 v37, v4;
	v49 =	vadd.f32 v41, v4  }
0x446: {  	v3 =	vmax.f32 v3, $0.0e+00;
	v5 =	vmax.f32 v5, $0.0e+00;
	v6 =	vmax.f32 v6, $0.0e+00  }
0x447: {  	v7 =	vmax.f32 v7, $0.0e+00;
	v8 =	vmax.f32 v8, $0.0e+00;
	v9 =	vmax.f32 v9, $0.0e+00  }
0x448: {  	v10 =	vmax.f32 v10, $0.0e+00;
	v55 =	vmax.f32 v12, $0.0e+00;
	v60 =	vmax.f32 v56, $0.0e+00  }
0x449: {  	v61 =	vmax.f32 v57, $0.0e+00;
	v11 =	vmax.f32 v11, $0.0e+00;
	v53 =	vadd.f32 v46, v4  }
0x44a: {  	v12 =	vmax.f32 v17, $0.0e+00;
	v57 =	vadd.f32 v47, v4;
	v58 =	vadd.f32 v50, v4  }
0x44b: {  	v21 =	vmax.f32 v18, $0.0e+00;
	v3 =	vadd.f32 $0.0e+00, v3;
	v5 =	vadd.f32 $0.0e+00, v5  }
0x44c: {  	v26 =	vmax.f32 v23, $0.0e+00;
	v6 =	vadd.f32 $0.0e+00, v6;
	v7 =	vadd.f32 $0.0e+00, v7  }
0x44d: {  	s29 =	sor.u32 $0x1020, s0;
	v30 =	vmax.f32 v27, $0.0e+00;
	v3 =	vadd.f32 v8, v3;
	v5 =	vadd.f32 v9, v5  }
0x44e: {  	s31 =	sor.u32 $0x1040, s0;
	v48 =	vld [tilespmem:s29+$0x8480];
	v6 =	vadd.f32 v10, v6;
	v8 =	vmax.f32 v52, $0.0e+00;
	v9 =	vadd.f32 v54, v4  }
0x44f: {  	s25 =	sor.u32 $0x1050, s0;
	v51 =	vld [tilespmem:s31+$0x8480];
	v39 =	vmax.f32 v36, $0.0e+00;
	v10 =	vadd.f32 v63, v4;
	v7 =	vadd.f32 v8, v7  }
0x450: {  	s31 =	sor.u32 $0x1420, s0;
	v43 =	vmax.f32 v40, $0.0e+00;
	v54 =	vld [tilespmem:s25+$0x8480];
	v8 =	vadd.f32 v59, v4;
	v3 =	vadd.f32 v55, v3  }
0x451: {  	s28 =	sor.u32 $0x1070, s0;
	v56 =	vmax.f32 v53, $0.0e+00;
	v63 =	vld [tilespmem:s31+$0x8480];
	v5 =	vadd.f32 v60, v5;
	v6 =	vadd.f32 v61, v6  }
0x452: {  	s25 =	sor.u32 $0x1430, s0;
	v59 =	vld [tilespmem:s28+$0x8480];
	v9 =	vmax.f32 v9, $0.0e+00;
	v7 =	vadd.f32 v11, v7;
	v11 =	vadd.f32 v22, v4  }
0x453: {  	s29 =	sor.u32 $0x1400, s0;
	v52 =	vmax.f32 v49, $0.0e+00;
	v16 =	vld [tilespmem:s25+$0x8480];
	v3 =	vadd.f32 v12, v3;
	v5 =	vadd.f32 v9, v5  }
0x454: {  	s25 =	sor.u32 $0x1810, s0;
	v60 =	vld [tilespmem:s29+$0x8480];
	v8 =	vmax.f32 v8, $0.0e+00;
	v6 =	vadd.f32 v21, v6;
	v9 =	vadd.f32 v29, v4  }
0x455: {  	s26 =	sor.u32 $0x1060, s0;
	v10 =	vmax.f32 v10, $0.0e+00;
	v28 =	vld [tilespmem:s25+$0x8480];
	v7 =	vadd.f32 v8, v7;
	v8 =	vadd.f32 v25, v4  }
0x456: {  	v55 =	vld [tilespmem:s26+$0x8480];
	s26 =	sor.u32 $0x1440, s0;
	v12 =	vmax.f32 v31, $0.0e+00;
	v62 =	vadd.f32 v54, v4;
	v23 =	vadd.f32 v63, v4  }
0x457: {  	s29 =	sor.u32 $0x1460, s0;
	v19 =	vld [tilespmem:s26+$0x8480];
	v11 =	vmax.f32 v11, $0.0e+00;
	v3 =	vadd.f32 v26, v3;
	v5 =	vadd.f32 v10, v5  }
0x458: {  	s30 =	sor.u32 $0x1410, s0;
	v24 =	vld [tilespmem:s29+$0x8480];
	v6 =	vadd.f32 v30, v6;
	v10 =	vmax.f32 v32, $0.0e+00;
	v18 =	vadd.f32 v59, v4  }
0x459: {  	s28 =	sor.u32 $0x1450, s0;
	v61 =	vld [tilespmem:s30+$0x8480];
	v9 =	vmax.f32 v9, $0.0e+00;
	v7 =	vadd.f32 v12, v7;
	v22 =	vadd.f32 v60, v4  }
0x45a: {  	v20 =	vld [tilespmem:s28+$0x8480];
	s30 =	sor.u32 $0x1470, s0;
	v8 =	vmax.f32 v8, $0.0e+00;
	v37 =	vadd.f32 v28, v4;
	v3 =	vadd.f32 v11, v3  }
0x45b: {  	s28 =	sor.u32 $0x1830, s0;
	v25 =	vld [tilespmem:s30+$0x8480];
	v12 =	vmax.f32 v44, $0.0e+00;
	v5 =	vadd.f32 v10, v5;
	v6 =	vadd.f32 v8, v6  }
0x45c: {  	s30 =	sor.u32 $0x1850, s0;
	v32 =	vld [tilespmem:s28+$0x8480];
	v17 =	vmax.f32 v62, $0.0e+00;
	v11 =	vadd.f32 v35, v4;
	v8 =	vadd.f32 v38, v4  }
0x45d: {  	s26 =	sor.u32 $0x1820, s0;
	v36 =	vld [tilespmem:s30+$0x8480];
	v10 =	vmax.f32 v45, $0.0e+00;
	v27 =	vadd.f32 v19, v4;
	v31 =	vadd.f32 v24, v4  }
0x45e: {  	s31 =	sor.u32 $0x1800, s0;
	v29 =	vld [tilespmem:s26+$0x8480];
	v21 =	vmax.f32 v18, $0.0e+00;
	v7 =	vadd.f32 v39, v7;
	v3 =	vadd.f32 v9, v3  }
0x45f: {  	v26 =	vld [tilespmem:s31+$0x8480];
	s28 =	sor.u32 $0x1C10, s0;
	v5 =	vadd.f32 v43, v5;
	v11 =	vmax.f32 v11, $0.0e+00;
	v6 =	vadd.f32 v12, v6  }
0x460: {  	s31 =	sor.u32 $0x1860, s0;
	v41 =	vld [tilespmem:s28+$0x8480];
	v8 =	vmax.f32 v8, $0.0e+00;
	v9 =	vadd.f32 v42, v4;
	v35 =	vadd.f32 v25, v4  }
0x461: {  	s29 =	sor.u32 $0x1840, s0;
	v38 =	vld [tilespmem:s31+$0x8480];
	v12 =	vmax.f32 v57, $0.0e+00;
	v7 =	vadd.f32 v11, v7;
	v11 =	vadd.f32 v48, v4  }
0x462: {  	v33 =	vld [tilespmem:s29+$0x8480];
	s26 =	sor.u32 $0x1C00, s0;
	v30 =	vmax.f32 v27, $0.0e+00;
	v40 =	vadd.f32 v32, v4;
	v15 =	vadd.f32 v36, v4  }
0x463: {  	s31 =	sor.u32 $0x1C40, s0;
	v39 =	vld [tilespmem:s26+$0x8480];
	v34 =	vmax.f32 v31, $0.0e+00;
	v3 =	vadd.f32 v10, v3;
	v5 =	vadd.f32 v8, v5  }
0x464: {  	s29 =	sor.u32 $0x1C20, s0;
	v45 =	vld [tilespmem:s31+$0x8480];
	v9 =	vmax.f32 v9, $0.0e+00;
	v6 =	vadd.f32 v52, v6;
	v8 =	vadd.f32 v51, v4  }
0x465: {  	v42 =	vld [tilespmem:s29+$0x8480];
	v10 =	vmax.f32 v58, $0.0e+00;
	v52 =	vadd.f32 v41, v4;
	v7 =	vadd.f32 v9, v7  }
0x466: {  	v11 =	vmax.f32 v11, $0.0e+00;
	v9 =	vadd.f32 v55, v4;
	v44 =	vadd.f32 v38, v4  }
0x467: {  	s26 =	sor.u32 $0x1C50, s0;
	v46 =	vmax.f32 v15, $0.0e+00;
	v3 =	vadd.f32 v56, v3;
	v5 =	vadd.f32 v12, v5  }
0x468: {  	v48 =	vld [tilespmem:s26+$0x8480];
	v6 =	vadd.f32 v11, v6;
	v8 =	vmax.f32 v8, $0.0e+00;
	v11 =	vadd.f32 v61, v4  }
0x469: {  	v12 =	vmax.f32 v22, $0.0e+00;
	v50 =	vadd.f32 v39, v4;
	v13 =	vadd.f32 v45, v4  }
0x46a: {  	v7 =	vadd.f32 v10, v7;
	v9 =	vmax.f32 v9, $0.0e+00;
	v53 =	vadd.f32 v42, v4  }
0x46b: {  	v10 =	vmax.f32 v23, $0.0e+00;
	v3 =	vadd.f32 v8, v3;
	v5 =	vadd.f32 v17, v5  }
0x46c: {  	v49 =	vmax.f32 v44, $0.0e+00;
	v6 =	vadd.f32 v9, v6;
	v8 =	vadd.f32 v16, v4  }
0x46d: {  	s25 =	sor.u32 $0x1870, s0;
	s30 =	sor.u32 $0x1C30, s0;
	s0 =	sor.u32 $0x1C58, s0;
	v11 =	vmax.f32 v11, $0.0e+00;
	v9 =	vadd.f32 v20, v4;
	v56 =	vadd.f32 v48, v4  }
0x46e: {  	s28 =	sadd.s32 $0xFFFFFF00, s19;
	v63 =	vld [tilespmem:s0+$0x8480];
	v61 =	vmax.f32 v13, $0.0e+00;
	v7 =	vadd.f32 v21, v7;
	v3 =	vadd.f32 v12, v3  }
0x46f: {  	s1 =	sand.u32 $0x280, s28;
	v16 =	vld [tilespmem:s25+$0x8480];
	v5 =	vadd.f32 v11, v5;
	v8 =	vmax.f32 v8, $0.0e+00;
	v6 =	vadd.f32 v10, v6  }
0x470: {  	s26 =	sadd.s32 s1, s24;
	v17 =	vld [tilespmem:s30+$0x8480];
	v9 =	vmax.f32 v9, $0.0e+00;
	v11 =	vadd.f32 v26, v4;
	v7 =	vadd.f32 v8, v7  }
0x471: {  	v57 =	vld [tilespmem:s26+$0x10];
	v12 =	vmax.f32 v35, $0.0e+00;
	v8 =	vadd.f32 v29, v4;
	v3 =	vadd.f32 v30, v3  }
0x472: {  	v60 =	vld [tilespmem:s26+$0x20];
	v10 =	vmax.f32 v52, $0.0e+00;
	v5 =	vadd.f32 v9, v5;
	v6 =	vadd.f32 v34, v6  }
0x473: {  	v28 =	vld [tilespmem:s26+$0x70];
	v11 =	vmax.f32 v11, $0.0e+00;
	v9 =	vadd.f32 v33, v4;
	v7 =	vadd.f32 v12, v7  }
0x474: {  	v31 =	vld [tilespmem:s26+$0x410];
	v47 =	vadd.f32 v16, v4;
	v11 =	vadd.f32 v11, v3;
	v3 =	vmax.f32 v37, $0.0e+00  }
0x475: {  	v18 =	vld [tilespmem:s26+$0x420];
	s25 =	sadd.s32 $0x1, s23;
	v54 =	vadd.f32 v17, v4;
	v5 =	vadd.f32 v3, v5;
	v3 =	vmax.f32 v8, $0.0e+00  }
0x476: {  	v19 =	vld [tilespmem:s26+$0x430];
	v8 =	vmax.f32 v40, $0.0e+00;
	v6 =	vadd.f32 v3, v6;
	v3 =	vmov s25  }
0x477: {  	v55 =	vld [tilespmem:s26+$0x0];
	v12 =	vmax.f32 v53, $0.0e+00;
	v43 =	vmax.f32 v9, $0.0e+00;
	v7 =	vadd.f32 v8, v7  }
0x478: {  	v22 =	vld [tilespmem:s26+$0x40];
	v51 =	vmax.f32 v47, $0.0e+00;
	v11 =	vadd.f32 v43, v11;
	v5 =	vadd.f32 v46, v5  }
0x479: {  	v45 =	vld [tilespmem:s26+$0x810];
	v9 =	vmax.f32 v50, $0.0e+00;
	v6 =	vadd.f32 v49, v6;
	v7 =	vadd.f32 v51, v7  }
0x47a: {  	v23 =	vld [tilespmem:s26+$0x50];
	v59 =	vmax.f32 v54, $0.0e+00;
	v9 =	vadd.f32 v9, v11;
	v5 =	vadd.f32 v10, v5  }
0x47b: {  	v62 =	vmax.f32 v56, $0.0e+00;
	v58 =	vadd.f32 v12, v6;
	v7 =	vadd.f32 v59, v7;
	v8 =	vld.idx.msk [tilespmem:v3+s15+$0x0], $0xffff  }
0x47c: {  	v20 =	vld [tilespmem:s26+$0x30];
	v6 =	vadd.f32 v61, v9;
	v5 =	vadd.f32 v62, v5  }
0x47d: {  	v26 =	vld [tilespmem:s26+$0x60]  }
0x47e: {  	v35 =	vld [tilespmem:s26+$0x450];
	v7 =	vadd.f32 v7, v58;
	v6 =	vadd.f32 v5, v6  }
0x47f: {  	v30 =	vld [tilespmem:s26+$0x400];
	v9 =	vadd.f32 v63, v4  }
0x480: {  	v50 =	vld [tilespmem:s26+$0x840];
	v6 =	vadd.f32 v6, v7;
	v21 =	vadd.f32 v55, v8  }
0x481: {  	v40 =	vld [tilespmem:s26+$0x470];
	v25 =	vadd.f32 v57, v8;
	v11 =	vadd.f32 v60, v8  }
0x482: {  	v54 =	vld [tilespmem:s26+$0x860];
	v12 =	vadd.f32 v20, v8;
	v14 =	vadd.f32 v22, v8  }
0x483: {  	v46 =	vld [tilespmem:s26+$0x820];
	v5 =	vadd.f32 v23, v8;
	v16 =	vadd.f32 v26, v8  }
0x484: {  	v59 =	vld [tilespmem:s26+$0xC00];
	v10 =	vadd.f32 v28, v8;
	v15 =	vadd.f32 v30, v8  }
0x485: {  	v63 =	vld [tilespmem:s26+$0xC30];
	v34 =	vadd.f32 v31, v8;
	v39 =	vadd.f32 v18, v8  }
0x486: {  	v43 =	vadd.f32 v19, v8;
	v44 =	vadd.f32 v35, v8  }
0x487: {  	v36 =	vld [tilespmem:s26+$0x460];
	v49 =	vadd.f32 v40, v8;
	v53 =	vadd.f32 v45, v8  }
0x488: {  	v48 =	vld [tilespmem:s26+$0x830];
	v57 =	vadd.f32 v46, v8;
	v58 =	vadd.f32 v50, v8  }
0x489: {  	v41 =	vld [tilespmem:s26+$0x800];
	v62 =	vadd.f32 v54, v8;
	v23 =	vadd.f32 v59, v8  }
0x48a: {  	s29 =	sand.u32 $0x7, s22;
	v33 =	vld [tilespmem:s26+$0x440];
	v28 =	vadd.f32 v63, v8;
	v24 =	vmax.f32 v21, $0.0e+00;
	v29 =	vmax.f32 v25, $0.0e+00  }
0x48b: {  	s0 =	sshll.u32 s29, $0x7;
	v51 =	vld [tilespmem:s26+$0x850];
	v11 =	vmax.f32 v11, $0.0e+00;
	v12 =	vmax.f32 v12, $0.0e+00;
	v14 =	vmax.f32 v14, $0.0e+00  }
0x48c: {  	s25 =	sadd.s32 s21, s0;
	v61 =	vld [tilespmem:s26+$0xC20];
	v5 =	vmax.f32 v5, $0.0e+00;
	v32 =	vmax.f32 v16, $0.0e+00;
	v10 =	vmax.f32 v10, $0.0e+00  }
0x48d: {  	s0 =	sadd.s32 $0x80, s25;
	v55 =	vld [tilespmem:s26+$0x870];
	v37 =	vmax.f32 v15, $0.0e+00;
	v38 =	vmax.f32 v34, $0.0e+00;
	v15 =	vadd.f32 v48, v8  }
0x48e: {  	s30 =	sor.u32 $0x1000, s0;
	v60 =	vld [tilespmem:s26+$0xC10];
	v42 =	vmax.f32 v39, $0.0e+00;
	v27 =	vadd.f32 $0.0e+00, v24;
	v13 =	vadd.f32 $0.0e+00, v29  }
0x48f: {  	s31 =	sor.u32 $0x1010, s0;
	v30 =	vld [tilespmem:s30+$0x8480];
	v16 =	vmax.f32 v43, $0.0e+00;
	v11 =	vadd.f32 $0.0e+00, v11;
	v12 =	vadd.f32 $0.0e+00, v12  }
0x490: {  	v31 =	vld [tilespmem:s31+$0x8480];
	v47 =	vmax.f32 v44, $0.0e+00;
	v4 =	vadd.f32 v14, v27;
	v5 =	vadd.f32 v5, v13  }
0x491: {  	v52 =	vmax.f32 v49, $0.0e+00;
	v24 =	vld [tilespmem:s26+$0xC50];
	v11 =	vadd.f32 v32, v11;
	v10 =	vadd.f32 v10, v12  }
0x492: {  	v56 =	vmax.f32 v53, $0.0e+00;
	v29 =	vld [tilespmem:s26+$0xC70];
	v14 =	vadd.f32 v33, v8;
	v12 =	vadd.f32 v36, v8  }
0x493: {  	v21 =	vld [tilespmem:s26+$0xC40];
	v22 =	vmax.f32 v62, $0.0e+00;
	v13 =	vadd.f32 v41, v8;
	v27 =	vadd.f32 v60, v8  }
0x494: {  	v25 =	vld [tilespmem:s26+$0xC60];
	v26 =	vmax.f32 v23, $0.0e+00;
	s26 =	sor.u32 $0x1020, s0;
	v40 =	vadd.f32 v30, v8;
	v4 =	vadd.f32 v37, v4  }
0x495: {  	s28 =	sor.u32 $0x1030, s0;
	v15 =	vmax.f32 v15, $0.0e+00;
	v33 =	vld [tilespmem:s26+$0x8480];
	v5 =	vadd.f32 v38, v5;
	v11 =	vadd.f32 v42, v11  }
0x496: {  	v34 =	vld [tilespmem:s28+$0x8480];
	s26 =	sor.u32 $0x1070, s0;
	v14 =	vmax.f32 v14, $0.0e+00;
	v10 =	vadd.f32 v16, v10;
	v32 =	vadd.f32 v24, v8  }
0x497: {  	s29 =	sor.u32 $0x1040, s0;
	v43 =	vld [tilespmem:s26+$0x8480];
	v12 =	vmax.f32 v12, $0.0e+00;
	v36 =	vadd.f32 v29, v8;
	v4 =	vadd.f32 v14, v4  }
0x498: {  	s31 =	sor.u32 $0x1060, s0;
	v13 =	vmax.f32 v13, $0.0e+00;
	v37 =	vld [tilespmem:s29+$0x8480];
	v5 =	vadd.f32 v47, v5;
	v11 =	vadd.f32 v12, v11  }
0x499: {  	s28 =	sor.u32 $0x1400, s0;
	v16 =	vmax.f32 v57, $0.0e+00;
	v42 =	vld [tilespmem:s31+$0x8480];
	v10 =	vadd.f32 v52, v10;
	v12 =	vadd.f32 v51, v8  }
0x49a: {  	v44 =	vld [tilespmem:s28+$0x8480];
	s29 =	sor.u32 $0x1410, s0;
	v14 =	vmax.f32 v58, $0.0e+00;
	v41 =	vadd.f32 v33, v8;
	v4 =	vadd.f32 v13, v4  }
0x49b: {  	s31 =	sor.u32 $0x1430, s0;
	v46 =	vld [tilespmem:s29+$0x8480];
	v35 =	vmax.f32 v32, $0.0e+00;
	v5 =	vadd.f32 v56, v5;
	v11 =	vadd.f32 v16, v11  }
0x49c: {  	s30 =	sor.u32 $0x1050, s0;
	v50 =	vld [tilespmem:s31+$0x8480];
	v39 =	vmax.f32 v36, $0.0e+00;
	v10 =	vadd.f32 v15, v10;
	v13 =	vadd.f32 v55, v8  }
0x49d: {  	v38 =	vld [tilespmem:s30+$0x8480];
	s31 =	sor.u32 $0x1800, s0;
	v12 =	vmax.f32 v12, $0.0e+00;
	v15 =	vadd.f32 v61, v8;
	v53 =	vadd.f32 v43, v8  }
0x49e: {  	s26 =	sor.u32 $0x1440, s0;
	v59 =	vld [tilespmem:s31+$0x8480];
	v16 =	vmax.f32 v27, $0.0e+00;
	v45 =	vadd.f32 v37, v8;
	v49 =	vadd.f32 v42, v8  }
0x49f: {  	v51 =	vld [tilespmem:s26+$0x8480];
	s26 =	sor.u32 $0x1810, s0;
	v4 =	vadd.f32 v14, v4;
	v5 =	vadd.f32 v12, v5;
	v13 =	vmax.f32 v13, $0.0e+00  }
0x4a0: {  	s28 =	sor.u32 $0x1450, s0;
	v60 =	vld [tilespmem:s26+$0x8480];
	v11 =	vadd.f32 v22, v11;
	v15 =	vmax.f32 v15, $0.0e+00;
	v12 =	vadd.f32 v21, v8  }
0x4a1: {  	s29 =	sor.u32 $0x1460, s0;
	v55 =	vld [tilespmem:s28+$0x8480];
	v14 =	vmax.f32 v28, $0.0e+00;
	v54 =	vadd.f32 v46, v8;
	v58 =	vadd.f32 v50, v8  }
0x4a2: {  	s26 =	sor.u32 $0x1860, s0;
	v56 =	vld [tilespmem:s29+$0x8480];
	v10 =	vadd.f32 v13, v10;
	v13 =	vadd.f32 v25, v8;
	v48 =	vmax.f32 v45, $0.0e+00  }
0x4a3: {  	s28 =	sor.u32 $0x1820, s0;
	v27 =	vld [tilespmem:s26+$0x8480];
	v52 =	vmax.f32 v49, $0.0e+00;
	v24 =	vadd.f32 v59, v8;
	v4 =	vadd.f32 v26, v4  }
0x4a4: {  	s26 =	sor.u32 $0x1C40, s0;
	v63 =	vld [tilespmem:s28+$0x8480];
	v49 =	vmax.f32 v9, $0.0e+00;
	v5 =	vadd.f32 v16, v5;
	v11 =	vadd.f32 v15, v11  }
0x4a5: {  	s28 =	sor.u32 $0x1870, s0;
	v37 =	vld [tilespmem:s26+$0x8480];
	v12 =	vmax.f32 v12, $0.0e+00;
	v15 =	vadd.f32 v31, v8;
	v16 =	vmax.f32 v40, $0.0e+00  }
0x4a6: {  	s30 =	sor.u32 $0x1420, s0;
	v29 =	vld [tilespmem:s28+$0x8480];
	v61 =	vmax.f32 v58, $0.0e+00;
	v10 =	vadd.f32 v14, v10;
	v62 =	vadd.f32 v55, v8  }
0x4a7: {  	v47 =	vld [tilespmem:s30+$0x8480];
	s30 =	sor.u32 $0x1470, s0;
	v13 =	vmax.f32 v13, $0.0e+00;
	v23 =	vadd.f32 v56, v8;
	v4 =	vadd.f32 v12, v4  }
0x4a8: {  	v57 =	vld [tilespmem:s30+$0x8480];
	s30 =	sor.u32 $0x1840, s0;
	v7 =	vsel vm0, $0x0, v49;
	v5 =	vadd.f32 v35, v5;
	v11 =	vadd.f32 v13, v11  }
0x4a9: {  	s28 =	sor.u32 $0x1C50, s0;
	v25 =	vld [tilespmem:s30+$0x8480];
	v14 =	vmax.f32 v41, $0.0e+00;
	v12 =	vadd.f32 v34, v8;
	v13 =	vadd.f32 v38, v8  }
0x4aa: {  	s31 =	sor.u32 $0x1850, s0;
	v20 =	vld [tilespmem:s28+$0x8480];
	v15 =	vmax.f32 v15, $0.0e+00;
	v28 =	vadd.f32 v63, v8;
	v42 =	vadd.f32 v37, v8  }
0x4ab: {  	s30 =	sor.u32 $0x1C10, s0;
	v26 =	vld [tilespmem:s31+$0x8480];
	v10 =	vadd.f32 v39, v10;
	v22 =	vmax.f32 v62, $0.0e+00;
	v17 =	vadd.f32 v29, v8  }
0x4ac: {  	v33 =	vld [tilespmem:s30+$0x8480];
	v4 =	vadd.f32 v16, v4;
	v5 =	vadd.f32 v15, v5;
	v12 =	vmax.f32 v12, $0.0e+00  }
0x4ad: {  	v11 =	vadd.f32 v14, v11;
	v13 =	vmax.f32 v13, $0.0e+00;
	v15 =	vadd.f32 v44, v8  }
0x4ae: {  	v16 =	vmax.f32 v53, $0.0e+00;
	v14 =	vmax.f32 v54, $0.0e+00;
	v32 =	vadd.f32 v25, v8  }
0x4af: {  	v31 =	vmax.f32 v28, $0.0e+00;
	v43 =	vadd.f32 v20, v8;
	v10 =	vadd.f32 v12, v10  }
0x4b0: {  	s29 =	sor.u32 $0x1830, s0;
	v12 =	vadd.f32 v47, v8;
	v36 =	vadd.f32 v26, v8;
	v38 =	vmax.f32 v17, $0.0e+00  }
0x4b1: {  	v21 =	vld [tilespmem:s29+$0x8480];
	s31 =	sor.u32 $0x1C20, s0;
	v40 =	vadd.f32 v33, v8;
	v17 =	vmax.f32 v42, $0.0e+00;
	v4 =	vadd.f32 v48, v4  }
0x4b2: {  	s29 =	sor.u32 $0x1C00, s0;
	v34 =	vld [tilespmem:s31+$0x8480];
	s31 =	sadd.s32 $0xFFFFFF80, s19;
	v5 =	vadd.f32 v13, v5;
	v11 =	vadd.f32 v52, v11;
	v15 =	vmax.f32 v15, $0.0e+00  }
0x4b3: {  	v30 =	vld [tilespmem:s29+$0x8480];
	s30 =	sor.u32 $0x1C30, s0;
	s0 =	sor.u32 $0x1C58, s0;
	s1 =	sand.u32 $0x300, s31;
	v13 =	vadd.f32 v51, v8;
	v35 =	vmax.f32 v32, $0.0e+00;
	v18 =	vmax.f32 v43, $0.0e+00  }
0x4b4: {  	v41 =	vld [tilespmem:s0+$0x8480];
	s0 =	sor.u32 s1, s24;
	v10 =	vadd.f32 v16, v10;
	v12 =	vmax.f32 v12, $0.0e+00;
	v4 =	vadd.f32 v15, v4  }
0x4b5: {  	v45 =	vld [tilespmem:s0+$0x0];
	v16 =	vmax.f32 v23, $0.0e+00;
	v5 =	vadd.f32 v14, v5;
	v11 =	vadd.f32 v12, v11  }
0x4b6: {  	v46 =	vld [tilespmem:s0+$0x10];
	v13 =	vmax.f32 v13, $0.0e+00;
	v15 =	vadd.f32 v57, v8;
	v12 =	vadd.f32 v60, v8  }
0x4b7: {  	v47 =	vld [tilespmem:s0+$0x20];
	v14 =	vmax.f32 v24, $0.0e+00;
	v10 =	vadd.f32 v61, v10;
	v4 =	vadd.f32 v13, v4  }
0x4b8: {  	v54 =	vld [tilespmem:s0+$0x50];
	v5 =	vadd.f32 v22, v5;
	v15 =	vmax.f32 v15, $0.0e+00;
	v11 =	vadd.f32 v16, v11  }
0x4b9: {  	v58 =	vld [tilespmem:s0+$0x70];
	v12 =	vmax.f32 v12, $0.0e+00;
	v13 =	vadd.f32 v21, v8;
	v10 =	vadd.f32 v15, v10  }
0x4ba: {  	v16 =	vmax.f32 v36, $0.0e+00;
	v21 =	vld [tilespmem:s30+$0x8480];
	v15 =	vadd.f32 v27, v8;
	v4 =	vadd.f32 v14, v4  }
0x4bb: {  	s29 =	sadd.s32 $0x2, s23;
	v59 =	vld [tilespmem:s0+$0x400];
	v5 =	vadd.f32 v12, v5;
	v13 =	vmax.f32 v13, $0.0e+00;
	v11 =	vadd.f32 v31, v11  }
0x4bc: {  	v62 =	vld [tilespmem:s0+$0x430];
	v12 =	vadd.f32 v30, v8;
	v14 =	vadd.f32 v35, v4;
	v4 =	vmov s29  }
0x4bd: {  	v25 =	vld [tilespmem:s0+$0x450];
	v10 =	vadd.f32 v13, v10;
	v15 =	vmax.f32 v15, $0.0e+00;
	v13 =	vadd.f32 v34, v8  }
0x4be: {  	v28 =	vld [tilespmem:s0+$0x460];
	v16 =	vadd.f32 v16, v5;
	v11 =	vadd.f32 v15, v11;
	v39 =	vmax.f32 v12, $0.0e+00  }
0x4bf: {  	v49 =	vld [tilespmem:s0+$0xC00];
	v12 =	vmax.f32 v40, $0.0e+00;
	v44 =	vadd.f32 v21, v8;
	v14 =	vadd.f32 v39, v14  }
0x4c0: {  	v48 =	vld [tilespmem:s0+$0x30];
	v10 =	vadd.f32 v38, v10;
	v13 =	vmax.f32 v13, $0.0e+00;
	v12 =	vadd.f32 v12, v16  }
0x4c1: {  	v11 =	vadd.f32 v13, v11;
	v16 =	vmax.f32 v44, $0.0e+00;
	v14 =	vadd.f32 v17, v14;
	v5 =	vld.idx.msk [tilespmem:v4+s15+$0x0], $0xffff  }
0x4c2: {  	v51 =	vld [tilespmem:s0+$0x40];
	v12 =	vadd.f32 v18, v12;
	v10 =	vadd.f32 v16, v10  }
0x4c3: {  	v57 =	vld [tilespmem:s0+$0x60]  }
0x4c4: {  	v60 =	vld [tilespmem:s0+$0x410];
	v50 =	vadd.f32 v12, v14;
	v10 =	vadd.f32 v10, v11  }
0x4c5: {  	v6 =	vadd.f32 v6, v7;
	v24 =	vld [tilespmem:s0+$0x440];
	v8 =	vadd.f32 v41, v8  }
0x4c6: {  	v61 =	vld [tilespmem:s0+$0x420];
	v7 =	vadd.f32 v50, v10;
	v52 =	vadd.f32 v45, v5  }
0x4c7: {  	v31 =	vld [tilespmem:s0+$0x470];
	v53 =	vadd.f32 v46, v5;
	v56 =	vadd.f32 v47, v5  }
0x4c8: {  	v35 =	vld [tilespmem:s0+$0x810];
	v13 =	vadd.f32 v48, v5;
	v12 =	vadd.f32 v51, v5  }
0x4c9: {  	v40 =	vld [tilespmem:s0+$0x830];
	v16 =	vadd.f32 v54, v5;
	v11 =	vadd.f32 v57, v5  }
0x4ca: {  	v33 =	vld [tilespmem:s0+$0x800];
	v15 =	vadd.f32 v58, v5;
	v63 =	vadd.f32 v59, v5  }
0x4cb: {  	v41 =	vld [tilespmem:s0+$0x840];
	v18 =	vadd.f32 v60, v5;
	v30 =	vadd.f32 v61, v5  }
0x4cc: {  	v43 =	vld [tilespmem:s0+$0x850];
	v17 =	vadd.f32 v24, v5;
	v38 =	vadd.f32 v25, v5  }
0x4cd: {  	v36 =	vld [tilespmem:s0+$0x820];
	v39 =	vadd.f32 v31, v5;
	v44 =	vadd.f32 v35, v5  }
0x4ce: {  	v50 =	vld [tilespmem:s0+$0xC10];
	v48 =	vadd.f32 v40, v5;
	v57 =	vadd.f32 v49, v5;
	v55 =	vmax.f32 v52, $0.0e+00  }
0x4cf: {  	s26 =	sand.u32 $0x3, s20;
	v45 =	vld [tilespmem:s0+$0x860];
	v14 =	vmax.f32 v53, $0.0e+00;
	v10 =	vmax.f32 v56, $0.0e+00;
	v13 =	vmax.f32 v13, $0.0e+00  }
0x4d0: {  	s1 =	sshll.u32 s26, $0x8;
	v46 =	vld [tilespmem:s0+$0x870];
	v12 =	vmax.f32 v12, $0.0e+00;
	v16 =	vmax.f32 v16, $0.0e+00;
	v52 =	vadd.f32 v41, v5  }
0x4d1: {  	s1 =	sadd.s32 s21, s1;
	v54 =	vld [tilespmem:s0+$0xC20];
	v11 =	vmax.f32 v11, $0.0e+00;
	v9 =	vadd.f32 $0.0e+00, v55;
	v14 =	vadd.f32 $0.0e+00, v14  }
0x4d2: {  	s26 =	sadd.s32 $0x100, s1;
	v58 =	vld [tilespmem:s0+$0xC50];
	v15 =	vmax.f32 v15, $0.0e+00;
	v10 =	vadd.f32 $0.0e+00, v10;
	v13 =	vadd.f32 $0.0e+00, v13  }
0x4d3: {  	s29 =	sor.u32 $0x1010, s26;
	v59 =	vld [tilespmem:s0+$0xC60];
	v27 =	vmax.f32 v63, $0.0e+00;
	v9 =	vadd.f32 v12, v9;
	v14 =	vadd.f32 v16, v14  }
0x4d4: {  	v25 =	vld [tilespmem:s29+$0x8480];
	v29 =	vmax.f32 v18, $0.0e+00;
	v10 =	vadd.f32 v11, v10;
	v26 =	vadd.f32 v15, v13  }
0x4d5: {  	v34 =	vmax.f32 v30, $0.0e+00;
	v56 =	vld [tilespmem:s0+$0xC40];
	v12 =	vadd.f32 v62, v5;
	v15 =	vadd.f32 v28, v5  }
0x4d6: {  	s28 =	sor.u32 $0x1000, s26;
	v37 =	vmax.f32 v17, $0.0e+00;
	v55 =	vld [tilespmem:s0+$0xC30];
	v16 =	vadd.f32 v43, v5;
	v53 =	vadd.f32 v45, v5  }
0x4d7: {  	v17 =	vmax.f32 v38, $0.0e+00;
	v63 =	vld [tilespmem:s28+$0x8480];
	s28 =	sor.u32 $0x1050, s26;
	v61 =	vadd.f32 v54, v5;
	v24 =	vadd.f32 v58, v5  }
0x4d8: {  	v42 =	vmax.f32 v39, $0.0e+00;
	v30 =	vld [tilespmem:s28+$0x8480];
	v9 =	vadd.f32 v27, v9;
	v32 =	vadd.f32 v29, v14  }
0x4d9: {  	s28 =	sor.u32 $0x1420, s26;
	v62 =	vld [tilespmem:s0+$0xC70];
	v12 =	vmax.f32 v12, $0.0e+00;
	v10 =	vadd.f32 v34, v10;
	v14 =	vadd.f32 v33, v5  }
0x4da: {  	s31 =	sor.u32 $0x1030, s26;
	v47 =	vmax.f32 v44, $0.0e+00;
	v40 =	vld [tilespmem:s28+$0x8480];
	v11 =	vadd.f32 v12, v26;
	v12 =	vadd.f32 v36, v5  }
0x4db: {  	s1 =	sor.u32 $0x1040, s26;
	v15 =	vmax.f32 v15, $0.0e+00;
	v27 =	vld [tilespmem:s31+$0x8480];
	v23 =	vadd.f32 v55, v5;
	v9 =	vadd.f32 v37, v9  }
0x4dc: {  	s29 =	sor.u32 $0x1060, s26;
	v51 =	vmax.f32 v48, $0.0e+00;
	v29 =	vld [tilespmem:s1+$0x8480];
	v13 =	vadd.f32 v17, v32;
	v10 =	vadd.f32 v15, v10  }
0x4dd: {  	s30 =	sor.u32 $0x1020, s26;
	v33 =	vld [tilespmem:s29+$0x8480];
	v14 =	vmax.f32 v14, $0.0e+00;
	v32 =	vadd.f32 v25, v5;
	v11 =	vadd.f32 v42, v11  }
0x4de: {  	s31 =	sor.u32 $0x1400, s26;
	v26 =	vld [tilespmem:s30+$0x8480];
	v12 =	vmax.f32 v12, $0.0e+00;
	v28 =	vadd.f32 v62, v5;
	v9 =	vadd.f32 v14, v9  }
0x4df: {  	v60 =	vmax.f32 v57, $0.0e+00;
	s1 =	sor.u32 $0x1410, s26;
	v38 =	vld [tilespmem:s31+$0x8480];
	v13 =	vadd.f32 v47, v13;
	v10 =	vadd.f32 v12, v10  }
0x4e0: {  	v16 =	vmax.f32 v16, $0.0e+00;
	s30 =	sor.u32 $0x1070, s26;
	v39 =	vld [tilespmem:s1+$0x8480];
	v14 =	vadd.f32 v46, v5;
	v12 =	vadd.f32 v50, v5  }
0x4e1: {  	s29 =	sor.u32 $0x1430, s26;
	v17 =	vmax.f32 v52, $0.0e+00;
	v34 =	vld [tilespmem:s30+$0x8480];
	v11 =	vadd.f32 v51, v11;
	v37 =	vadd.f32 v29, v5  }
0x4e2: {  	v15 =	vmax.f32 v53, $0.0e+00;
	s30 =	sor.u32 $0x1440, s26;
	v42 =	vld [tilespmem:s29+$0x8480];
	v41 =	vadd.f32 v33, v5;
	v9 =	vadd.f32 v17, v9  }
0x4e3: {  	v22 =	vmax.f32 v61, $0.0e+00;
	s31 =	sor.u32 $0x1450, s26;
	v43 =	vld [tilespmem:s30+$0x8480];
	v13 =	vadd.f32 v16, v13;
	v10 =	vadd.f32 v15, v10  }
0x4e4: {  	s29 =	sor.u32 $0x1800, s26;
	v35 =	vmax.f32 v32, $0.0e+00;
	v46 =	vld [tilespmem:s31+$0x8480];
	v16 =	vadd.f32 v56, v5;
	v36 =	vadd.f32 v26, v5  }
0x4e5: {  	s30 =	sor.u32 $0x1810, s26;
	v52 =	vld [tilespmem:s29+$0x8480];
	v14 =	vmax.f32 v14, $0.0e+00;
	v45 =	vadd.f32 v38, v5;
	v49 =	vadd.f32 v39, v5  }
0x4e6: {  	s28 =	sor.u32 $0x1470, s26;
	v53 =	vld [tilespmem:s30+$0x8480];
	v12 =	vmax.f32 v12, $0.0e+00;
	v11 =	vadd.f32 v14, v11;
	v14 =	vadd.f32 v59, v5  }
0x4e7: {  	s31 =	sor.u32 $0x1820, s26;
	v31 =	vmax.f32 v28, $0.0e+00;
	v51 =	vld [tilespmem:s28+$0x8480];
	v9 =	vadd.f32 v60, v9;
	v12 =	vadd.f32 v12, v13  }
0x4e8: {  	s29 =	sor.u32 $0x1850, s26;
	v55 =	vld [tilespmem:s31+$0x8480];
	v17 =	vmax.f32 v23, $0.0e+00;
	v10 =	vadd.f32 v22, v10;
	v13 =	vadd.f32 v63, v5  }
0x4e9: {  	s30 =	sor.u32 $0x1860, s26;
	v62 =	vld [tilespmem:s29+$0x8480];
	v15 =	vmax.f32 v24, $0.0e+00;
	v50 =	vadd.f32 v42, v5;
	v11 =	vadd.f32 v17, v11  }
0x4ea: {  	s31 =	sor.u32 $0x1870, s26;
	v24 =	vld [tilespmem:s30+$0x8480];
	v16 =	vmax.f32 v16, $0.0e+00;
	v54 =	vadd.f32 v46, v5;
	v61 =	vadd.f32 v52, v5  }
0x4eb: {  	v25 =	vld [tilespmem:s31+$0x8480];
	v14 =	vmax.f32 v14, $0.0e+00;
	v9 =	vadd.f32 v16, v9;
	v12 =	vadd.f32 v15, v12  }
0x4ec: {  	s1 =	sor.u32 $0x1460, s26;
	v44 =	vmax.f32 v41, $0.0e+00;
	v10 =	vadd.f32 v14, v10;
	v16 =	vadd.f32 v27, v5  }
0x4ed: {  	v47 =	vld [tilespmem:s1+$0x8480];
	s1 =	sor.u32 $0x1830, s26;
	v48 =	vmax.f32 v45, $0.0e+00;
	v14 =	vadd.f32 v30, v5;
	v58 =	vadd.f32 v51, v5  }
0x4ee: {  	v56 =	vld [tilespmem:s1+$0x8480];
	s1 =	sor.u32 $0x1C00, s26;
	v17 =	vmax.f32 v36, $0.0e+00;
	v63 =	vadd.f32 v55, v5;
	v29 =	vadd.f32 v62, v5  }
0x4ef: {  	v26 =	vld [tilespmem:s1+$0x8480];
	s1 =	sor.u32 $0x1C50, s26;
	v13 =	vmax.f32 v13, $0.0e+00;
	v11 =	vadd.f32 v31, v11;
	v18 =	vadd.f32 v24, v5  }
0x4f0: {  	v32 =	vld [tilespmem:s1+$0x8480];
	v15 =	vmax.f32 v37, $0.0e+00;
	v31 =	vadd.f32 v25, v5;
	v9 =	vadd.f32 v13, v9  }
0x4f1: {  	v12 =	vadd.f32 v35, v12;
	v16 =	vmax.f32 v16, $0.0e+00;
	v10 =	vadd.f32 v17, v10  }
0x4f2: {  	s28 =	sor.u32 $0x1840, s26;
	v57 =	vmax.f32 v54, $0.0e+00;
	v13 =	vadd.f32 v34, v5;
	v11 =	vadd.f32 v16, v11  }
0x4f3: {  	v59 =	vld [tilespmem:s28+$0x8480];
	s28 =	sor.u32 $0x1C10, s26;
	v14 =	vmax.f32 v14, $0.0e+00;
	v16 =	vadd.f32 v40, v5;
	v9 =	vadd.f32 v15, v9  }
0x4f4: {  	s31 =	sor.u32 $0x1C40, s26;
	v27 =	vld [tilespmem:s28+$0x8480];
	v17 =	vmax.f32 v49, $0.0e+00;
	v12 =	vadd.f32 v14, v12;
	v14 =	vadd.f32 v43, v5  }
0x4f5: {  	v30 =	vld [tilespmem:s31+$0x8480];
	s28 =	sor.u32 $0x1C30, s26;
	v60 =	vmax.f32 v58, $0.0e+00;
	v20 =	vadd.f32 v32, v5;
	v9 =	vadd.f32 v48, v9  }
0x4f6: {  	v22 =	vld [tilespmem:s28+$0x8480];
	v13 =	vmax.f32 v13, $0.0e+00;
	v10 =	vadd.f32 v44, v10;
	v14 =	vmax.f32 v14, $0.0e+00  }
0x4f7: {  	v11 =	vadd.f32 v13, v11;
	v16 =	vmax.f32 v16, $0.0e+00;
	v9 =	vadd.f32 v14, v9  }
0x4f8: {  	s29 =	sadd.s32 $0x3, s23;
	v13 =	vadd.f32 v47, v5;
	v12 =	vadd.f32 v17, v12;
	v17 =	vmax.f32 v61, $0.0e+00  }
0x4f9: {  	s30 =	sor.u32 $0x1C20, s26;
	v34 =	vadd.f32 v27, v5;
	v17 =	vadd.f32 v17, v9;
	v9 =	vmov s29;
	s29 =	sand.u32 $0x380, s19  }
0x4fa: {  	v28 =	vld [tilespmem:s30+$0x8480];
	v18 =	vmax.f32 v18, $0.0e+00;
	v19 =	vadd.f32 v30, v5;
	v10 =	vadd.f32 v16, v10;
	s30 =	sadd.s32 s29, s24  }
0x4fb: {  	v15 =	vmax.f32 v50, $0.0e+00;
	v16 =	vadd.f32 v53, v5;
	v38 =	vadd.f32 v22, v5;
	v35 =	vld [tilespmem:s30+$0x0]  }
0x4fc: {  	v11 =	vadd.f32 v15, v11;
	v13 =	vmax.f32 v13, $0.0e+00;
	v12 =	vadd.f32 v57, v12;
	v36 =	vld [tilespmem:s30+$0x10]  }
0x4fd: {  	v15 =	vmax.f32 v63, $0.0e+00;
	v10 =	vadd.f32 v13, v10;
	v14 =	vadd.f32 v56, v5;
	v37 =	vld [tilespmem:s30+$0x20]  }
0x4fe: {  	v16 =	vmax.f32 v16, $0.0e+00;
	v13 =	vadd.f32 v59, v5;
	v11 =	vadd.f32 v60, v11;
	v39 =	vld [tilespmem:s30+$0x30]  }
0x4ff: {  	v12 =	vadd.f32 v16, v12;
	v14 =	vmax.f32 v14, $0.0e+00;
	v10 =	vadd.f32 v15, v10;
	v42 =	vld [tilespmem:s30+$0x40]  }
0x500: {  	v13 =	vmax.f32 v13, $0.0e+00;
	v16 =	vadd.f32 v26, v5;
	v11 =	vadd.f32 v14, v11;
	v43 =	vld [tilespmem:s30+$0x50]  }
0x501: {  	v15 =	vmax.f32 v29, $0.0e+00;
	v14 =	vadd.f32 v28, v5;
	v13 =	vadd.f32 v13, v17;
	v44 =	vld [tilespmem:s30+$0x60]  }
0x502: {  	v12 =	vadd.f32 v15, v12;
	v33 =	vadd.f32 v18, v10;
	v17 =	vmax.f32 v31, $0.0e+00;
	v46 =	vld [tilespmem:s30+$0x70]  }
0x503: {  	v16 =	vmax.f32 v16, $0.0e+00;
	v51 =	vld [tilespmem:s30+$0x410];
	v11 =	vadd.f32 v17, v11;
	v17 =	vmax.f32 v34, $0.0e+00  }
0x504: {  	v13 =	vadd.f32 v16, v13;
	v12 =	vadd.f32 v17, v12;
	v10 =	vld.idx.msk [tilespmem:v9+s15+$0x0], $0xffff  }
0x505: {  	v41 =	vmax.f32 v20, $0.0e+00;
	v40 =	vmax.f32 v19, $0.0e+00;
	v23 =	vld [tilespmem:s30+$0x420];
	v14 =	vmax.f32 v14, $0.0e+00  }
0x506: {  	v24 =	vld [tilespmem:s30+$0x430];
	v17 =	vmax.f32 v38, $0.0e+00;
	v13 =	vadd.f32 v40, v13;
	v12 =	vadd.f32 v41, v12  }
0x507: {  	v25 =	vld [tilespmem:s30+$0x440];
	v14 =	vadd.f32 v14, v33;
	v17 =	vadd.f32 v17, v11  }
0x508: {  	v52 =	vld [tilespmem:s30+$0x450];
	v11 =	vadd.f32 v12, v13  }
0x509: {  	v56 =	vld [tilespmem:s30+$0x470];
	v12 =	vadd.f32 v17, v14;
	v18 =	vadd.f32 v35, v10  }
0x50a: {  	v58 =	vld [tilespmem:s30+$0x800];
	v45 =	vadd.f32 v36, v10;
	v48 =	vadd.f32 v37, v10  }
0x50b: {  	v60 =	vld [tilespmem:s30+$0x810];
	v50 =	vadd.f32 v39, v10;
	v20 =	vadd.f32 v42, v10  }
0x50c: {  	v63 =	vld [tilespmem:s30+$0x820];
	v15 =	vadd.f32 v43, v10;
	v19 =	vadd.f32 v44, v10  }
0x50d: {  	v28 =	vld [tilespmem:s30+$0x830];
	v16 =	vadd.f32 v46, v10;
	v55 =	vadd.f32 v51, v10  }
0x50e: {  	v49 =	vld [tilespmem:s30+$0x400];
	v57 =	vadd.f32 v23, v10;
	v59 =	vadd.f32 v24, v10  }
0x50f: {  	v54 =	vld [tilespmem:s30+$0x460];
	v62 =	vadd.f32 v25, v10;
	v27 =	vadd.f32 v52, v10  }
0x510: {  	v30 =	vld [tilespmem:s30+$0x840];
	v32 =	vadd.f32 v56, v10;
	v35 =	vadd.f32 v58, v10  }
0x511: {  	v33 =	vld [tilespmem:s30+$0x850];
	v38 =	vadd.f32 v60, v10;
	v41 =	vadd.f32 v63, v10  }
0x512: {  	v36 =	vld [tilespmem:s30+$0x860];
	v44 =	vadd.f32 v28, v10;
	v47 =	vmax.f32 v18, $0.0e+00;
	v13 =	vmax.f32 v45, $0.0e+00  }
0x513: {  	v39 =	vld [tilespmem:s30+$0x870];
	v17 =	vmax.f32 v48, $0.0e+00;
	v21 =	vmax.f32 v50, $0.0e+00;
	v20 =	vmax.f32 v20, $0.0e+00  }
0x514: {  	v42 =	vld [tilespmem:s30+$0xC00];
	v15 =	vmax.f32 v15, $0.0e+00;
	v53 =	vmax.f32 v19, $0.0e+00;
	v18 =	vadd.f32 v49, v10  }
0x515: {  	v51 =	vld [tilespmem:s30+$0xC30];
	v16 =	vmax.f32 v16, $0.0e+00;
	v61 =	vmax.f32 v57, $0.0e+00;
	v19 =	vadd.f32 v54, v10  }
0x516: {  	v60 =	vld [tilespmem:s30+$0xC60];
	v26 =	vmax.f32 v59, $0.0e+00;
	v50 =	vadd.f32 v33, v10;
	v14 =	vadd.f32 $0.0e+00, v47  }
0x517: {  	v63 =	vld [tilespmem:s30+$0xC70];
	v29 =	vmax.f32 v62, $0.0e+00;
	v13 =	vadd.f32 $0.0e+00, v13;
	v17 =	vadd.f32 $0.0e+00, v17  }
0x518: {  	v31 =	vmax.f32 v27, $0.0e+00;
	v45 =	vld [tilespmem:s30+$0xC10];
	v21 =	vadd.f32 $0.0e+00, v21;
	v47 =	vadd.f32 v30, v10  }
0x519: {  	v37 =	vmax.f32 v32, $0.0e+00;
	v48 =	vld [tilespmem:s30+$0xC20];
	v14 =	vadd.f32 v20, v14;
	v13 =	vadd.f32 v15, v13  }
0x51a: {  	s0 =	sadd.s32 $0x180, s25;
	v46 =	vmax.f32 v41, $0.0e+00;
	v54 =	vld [tilespmem:s30+$0xC40];
	v15 =	vadd.f32 v53, v17;
	v16 =	vadd.f32 v16, v21  }
0x51b: {  	s24 =	sor.u32 $0x1010, s0;
	v49 =	vmax.f32 v44, $0.0e+00;
	v57 =	vld [tilespmem:s30+$0xC50];
	v53 =	vadd.f32 v36, v10;
	v56 =	vadd.f32 v39, v10  }
0x51c: {  	s31 =	sor.u32 $0x1000, s0;
	v33 =	vld [tilespmem:s24+$0x8480];
	v18 =	vmax.f32 v18, $0.0e+00;
	v59 =	vadd.f32 v42, v10;
	v32 =	vadd.f32 v51, v10  }
0x51d: {  	s25 =	sor.u32 $0x1020, s0;
	v30 =	vld [tilespmem:s31+$0x8480];
	v17 =	vmax.f32 v55, $0.0e+00;
	v41 =	vadd.f32 v60, v10;
	v44 =	vadd.f32 v63, v10  }
0x51e: {  	s28 =	sor.u32 $0x1030, s0;
	v40 =	vmax.f32 v35, $0.0e+00;
	v36 =	vld [tilespmem:s25+$0x8480];
	v14 =	vadd.f32 v18, v14;
	v13 =	vadd.f32 v17, v13  }
0x51f: {  	s29 =	sor.u32 $0x1040, s0;
	v43 =	vmax.f32 v38, $0.0e+00;
	v39 =	vld [tilespmem:s28+$0x8480];
	v15 =	vadd.f32 v61, v15;
	v16 =	vadd.f32 v26, v16  }
0x520: {  	s24 =	sor.u32 $0x1070, s0;
	v34 =	vmax.f32 v19, $0.0e+00;
	v42 =	vld [tilespmem:s29+$0x8480];
	v62 =	vadd.f32 v45, v10;
	v35 =	vadd.f32 v54, v10  }
0x521: {  	v55 =	vmax.f32 v50, $0.0e+00;
	v51 =	vld [tilespmem:s24+$0x8480];
	s29 =	sor.u32 $0x1420, s0;
	v38 =	vadd.f32 v57, v10;
	v50 =	vadd.f32 v33, v10  }
0x522: {  	s30 =	sor.u32 $0x1050, s0;
	v52 =	vmax.f32 v47, $0.0e+00;
	v60 =	vld [tilespmem:s29+$0x8480];
	v47 =	vadd.f32 v30, v10;
	v14 =	vadd.f32 v29, v14  }
0x523: {  	s25 =	sor.u32 $0x1400, s0;
	v58 =	vmax.f32 v53, $0.0e+00;
	v45 =	vld [tilespmem:s30+$0x8480];
	v13 =	vadd.f32 v31, v13;
	v15 =	vadd.f32 v34, v15  }
0x524: {  	s28 =	sor.u32 $0x1410, s0;
	v61 =	vmax.f32 v56, $0.0e+00;
	v54 =	vld [tilespmem:s25+$0x8480];
	v16 =	vadd.f32 v37, v16;
	v29 =	vadd.f32 v48, v10  }
0x525: {  	s24 =	sor.u32 $0x1450, s0;
	v28 =	vmax.f32 v59, $0.0e+00;
	v57 =	vld [tilespmem:s28+$0x8480];
	v53 =	vadd.f32 v36, v10;
	v56 =	vadd.f32 v39, v10  }
0x526: {  	s30 =	sor.u32 $0x1430, s0;
	v33 =	vld [tilespmem:s24+$0x8480];
	v37 =	vmax.f32 v32, $0.0e+00;
	v59 =	vadd.f32 v42, v10;
	v32 =	vadd.f32 v51, v10  }
0x527: {  	s31 =	sor.u32 $0x1060, s0;
	v63 =	vld [tilespmem:s30+$0x8480];
	v14 =	vadd.f32 v40, v14;
	v13 =	vadd.f32 v43, v13  }
0x528: {  	v31 =	vmax.f32 v62, $0.0e+00;
	v48 =	vld [tilespmem:s31+$0x8480];
	s31 =	sor.u32 $0x1440, s0;
	v15 =	vadd.f32 v46, v15;
	v16 =	vadd.f32 v49, v16  }
0x529: {  	s25 =	sor.u32 $0x1460, s0;
	v30 =	vld [tilespmem:s31+$0x8480];
	v34 =	vmax.f32 v29, $0.0e+00;
	v46 =	vmax.f32 v41, $0.0e+00;
	v41 =	vadd.f32 v60, v10  }
0x52a: {  	s28 =	sor.u32 $0x1470, s0;
	v36 =	vld [tilespmem:s25+$0x8480];
	v40 =	vmax.f32 v35, $0.0e+00;
	v62 =	vadd.f32 v45, v10;
	v35 =	vadd.f32 v54, v10  }
0x52b: {  	s29 =	sor.u32 $0x1800, s0;
	v39 =	vld [tilespmem:s28+$0x8480];
	v43 =	vmax.f32 v38, $0.0e+00;
	v38 =	vadd.f32 v57, v10;
	v14 =	vadd.f32 v52, v14  }
0x52c: {  	s24 =	sor.u32 $0x1830, s0;
	v42 =	vld [tilespmem:s29+$0x8480];
	v49 =	vmax.f32 v44, $0.0e+00;
	v13 =	vadd.f32 v55, v13;
	v15 =	vadd.f32 v58, v15  }
0x52d: {  	v51 =	vld [tilespmem:s24+$0x8480];
	s29 =	sor.u32 $0x1860, s0;
	v16 =	vadd.f32 v61, v16;
	v52 =	vmax.f32 v47, $0.0e+00;
	v44 =	vadd.f32 v63, v10  }
0x52e: {  	v60 =	vld [tilespmem:s29+$0x8480];
	v55 =	vmax.f32 v50, $0.0e+00;
	v50 =	vadd.f32 v33, v10;
	v29 =	vadd.f32 v48, v10  }
0x52f: {  	s30 =	sor.u32 $0x1810, s0;
	v58 =	vmax.f32 v53, $0.0e+00;
	v14 =	vadd.f32 v28, v14;
	v13 =	vadd.f32 v31, v13  }
0x530: {  	s25 =	sor.u32 $0x1840, s0;
	v45 =	vld [tilespmem:s30+$0x8480];
	v61 =	vmax.f32 v56, $0.0e+00;
	v15 =	vadd.f32 v34, v15;
	v16 =	vadd.f32 v37, v16  }
0x531: {  	s28 =	sor.u32 $0x1850, s0;
	v54 =	vld [tilespmem:s25+$0x8480];
	v28 =	vmax.f32 v59, $0.0e+00;
	v47 =	vadd.f32 v30, v10;
	v53 =	vadd.f32 v36, v10  }
0x532: {  	v57 =	vld [tilespmem:s28+$0x8480];
	v31 =	vmax.f32 v62, $0.0e+00;
	v56 =	vadd.f32 v39, v10;
	v59 =	vadd.f32 v42, v10  }
0x533: {  	v37 =	vmax.f32 v32, $0.0e+00;
	v30 =	vadd.f32 v51, v10;
	v39 =	vadd.f32 v60, v10  }
0x534: {  	s31 =	sor.u32 $0x1820, s0;
	v34 =	vmax.f32 v29, $0.0e+00;
	v14 =	vadd.f32 v40, v14;
	v13 =	vadd.f32 v43, v13  }
0x535: {  	v48 =	vld [tilespmem:s31+$0x8480];
	v15 =	vadd.f32 v46, v15;
	v16 =	vadd.f32 v49, v16;
	v40 =	vmax.f32 v35, $0.0e+00  }
0x536: {  	v43 =	vmax.f32 v38, $0.0e+00;
	v46 =	vmax.f32 v41, $0.0e+00;
	v62 =	vadd.f32 v45, v10  }
0x537: {  	v49 =	vmax.f32 v44, $0.0e+00;
	v33 =	vadd.f32 v54, v10;
	v36 =	vadd.f32 v57, v10  }
0x538: {  	s30 =	sor.u32 $0x1870, s0;
	v26 =	vmax.f32 v59, $0.0e+00;
	v14 =	vadd.f32 v52, v14;
	v13 =	vadd.f32 v55, v13  }
0x539: {  	v63 =	vld [tilespmem:s30+$0x8480];
	s31 =	sor.u32 $0x1C00, s0;
	v35 =	vmax.f32 v30, $0.0e+00;
	v15 =	vadd.f32 v58, v15;
	v16 =	vadd.f32 v61, v16  }
0x53a: {  	s24 =	sor.u32 $0x1C10, s0;
	v44 =	vmax.f32 v39, $0.0e+00;
	v27 =	vadd.f32 v48, v10;
	v14 =	vadd.f32 v28, v14;
	v28 =	vld [tilespmem:s31+$0x8480]  }
0x53b: {  	s25 =	sor.u32 $0x1C20, s0;
	v52 =	vmax.f32 v47, $0.0e+00;
	v13 =	vadd.f32 v31, v13;
	v15 =	vadd.f32 v34, v15;
	v31 =	vld [tilespmem:s24+$0x8480]  }
0x53c: {  	s28 =	sor.u32 $0x1C40, s0;
	v55 =	vmax.f32 v50, $0.0e+00;
	v16 =	vadd.f32 v37, v16;
	v34 =	vld [tilespmem:s25+$0x8480];
	v14 =	vadd.f32 v40, v14  }
0x53d: {  	v58 =	vmax.f32 v53, $0.0e+00;
	v37 =	vld [tilespmem:s28+$0x8480];
	v13 =	vadd.f32 v43, v13;
	v15 =	vadd.f32 v46, v15  }
0x53e: {  	s29 =	sor.u32 $0x1C50, s0;
	v61 =	vmax.f32 v56, $0.0e+00;
	v16 =	vadd.f32 v49, v16;
	v46 =	vadd.f32 v63, v10  }
0x53f: {  	s30 =	sor.u32 $0x1C30, s0;
	v29 =	vmax.f32 v62, $0.0e+00;
	v40 =	vld [tilespmem:s29+$0x8480];
	v14 =	vadd.f32 v52, v14;
	v13 =	vadd.f32 v55, v13  }
0x540: {  	v38 =	vmax.f32 v33, $0.0e+00;
	v43 =	vld [tilespmem:s30+$0x8480];
	v15 =	vadd.f32 v58, v15;
	v16 =	vadd.f32 v61, v16  }
0x541: {  	v41 =	vmax.f32 v36, $0.0e+00;
	v42 =	vadd.f32 v28, v10;
	v45 =	vadd.f32 v31, v10  }
0x542: {  	v32 =	vmax.f32 v27, $0.0e+00;
	v48 =	vadd.f32 v37, v10;
	v51 =	vadd.f32 v34, v10  }
0x543: {  	v17 =	vmax.f32 v46, $0.0e+00;
	v14 =	vadd.f32 v26, v14;
	v13 =	vadd.f32 v29, v13  }
0x544: {  	s31 =	sor.u32 $0x1C58, s26;
	v15 =	vadd.f32 v32, v15;
	v16 =	vadd.f32 v35, v16;
	v18 =	vmax.f32 v42, $0.0e+00  }
0x545: {  	s0 =	sor.u32 $0x1C58, s0;
	v49 =	vld [tilespmem:s31+$0x8480];
	v47 =	vmax.f32 v45, $0.0e+00;
	v50 =	vadd.f32 v40, v10;
	v21 =	vadd.f32 v43, v10  }
0x546: {  	v52 =	vld [tilespmem:s0+$0x8480];
	v19 =	vmax.f32 v48, $0.0e+00;
	v14 =	vadd.f32 v38, v14;
	v13 =	vadd.f32 v41, v13  }
0x547: {  	v54 =	vmax.f32 v51, $0.0e+00;
	v15 =	vadd.f32 v44, v15;
	v16 =	vadd.f32 v17, v16  }
0x548: {  	v55 =	vmax.f32 v21, $0.0e+00;
	v14 =	vadd.f32 v18, v14;
	v13 =	vadd.f32 v47, v13  }
0x549: {  	v53 =	vmax.f32 v50, $0.0e+00;
	v15 =	vadd.f32 v54, v15;
	v16 =	vadd.f32 v55, v16  }
0x54a: {  	v14 =	vadd.f32 v19, v14;
	v13 =	vadd.f32 v53, v13  }
0x54b: {  	v8 =	vmax.f32 v8, $0.0e+00;
	v5 =	vadd.f32 v49, v5;
	v10 =	vadd.f32 v52, v10  }
0x54c: {  	v8 =	vsel vm0, $0x0, v8;
	v56 =	vadd.f32 v16, v15;
	v13 =	vadd.f32 v13, v14  }
0x54d: {  	v7 =	vadd.f32 v7, v8;
	v57 =	vadd.f32 v11, v12;
	v5 =	vmax.f32 v5, $0.0e+00  }
0x54e: {  	v5 =	vsel vm0, $0x0, v5;
	v10 =	vmax.f32 v10, $0.0e+00;
	v58 =	vadd.f32 v13, v56  }
0x54f: {  	(xrf2) =	vadd.scan.msk.f32 $0xffff, v6;
	v5 =	vadd.f32 v57, v5;
	v59 =	vsel vm0, $0x0, v10  }
0x550: {  	(xrf2) =	vadd.scan.msk.f32 $0xffff, v7;
	v6 =	vadd.f32 v58, v59  }
0x551: {  	(xrf2) =	vadd.scan.msk.f32 $0xffff, v5  }
0x552: {  	(xrf2) =	vadd.scan.msk.f32 $0xffff, v6;
	_ =	sdelay $0x6  }
0x553: {  	v2 =	vor.u32 $0x1E0, v2;
	v60, _, _ =	vpop (xrf2)  }
0x554: {  	v3 =	vor.u32 $0x1E0, v3;
	v61, _, _ =	vpop (xrf2);
	v5 =	vadd.f32 $-1.000000000e+00, v60  }
0x555: {  	v4 =	vor.u32 $0x1E0, v4;
	v6 =	vadd.f32 $-1.000000000e+00, v61;
	v62, _, _ =	vpop (xrf2)  }
0x556: {  	p1 =	slt.u32 s23, $0x1C;
	v9 =	vor.u32 $0x1E0, v9;
	v5 =	vmul.f32 $1.000000050e-03, v5;
	v7 =	vadd.f32 $-1.000000000e+00, v62;
	v63, _, _ =	vpop (xrf2)  }
.Ltmp4:
0x557: {  	v6 =	vmul.f32 $1.000000050e-03, v6;
	v8 =	vadd.f32 $-1.000000000e+00, v63;
	(pc) =	sbr.rel @p1 .LBB2_10-.Ltmp4, $4  }
0x558: {  	[tilespmem:v2+s16+$0x0] =	vst.idx.msk vm1, v5;
	v2 =	vmul.f32 $1.000000050e-03, v7  }
0x559: {  	[tilespmem:v3+s16+$0x0] =	vst.idx.msk vm1, v6;
	v3 =	vmul.f32 $1.000000050e-03, v8  }
0x55a: {  	p0 =	por !p0, !p0;
	s22 =	sadd.s32 $0x4, s22;
	s20 =	sadd.s32 $0x2, s20;
	[tilespmem:v4+s16+$0x0] =	vst.idx.msk vm1, v2  }
0x55b: {  	s21 =	sadd.s32 $0x1000, s21;
	s23 =	sadd.s32 $0x4, s23;
	s19 =	sadd.s32 $0x200, s19;
	[tilespmem:v9+s16+$0x0] =	vst.idx.msk vm1, v3  }
0x55c: {  	s18 =	sadd.s32 $0x1, s18  }
0x55d: {  	p0 =	sne.s32 s18, s10  }
.Ltmp5:
0x55e: {  	_ = 	snop;
	(pc) =	sbr.rel @p0 .LBB2_1-.Ltmp5, $4  }
0x55f: {  	[hbm4b:s9+s2] =	stream.linear.scatter [tilespmem:s16], [sflag:$0x3], $0x200, $0x38;
	[tilespmem:$0x10480] =	vst v63  }
0x560: {  	_ =	swait.ge [sflag:s11], $0x200  }
0x561: {  	[sflag:s11] =	ssyncset.done $0x0  }
0x562: {  	[sflag:s11] =	ssyncadd.s32 $0xFFFFFE00  }
0x563: {  	_ =	sfence.sel $0x180000  }
0x564: {  	[bflag:$0x0] =	sbarrier.arrive $0xFFFF  }
0x565: {  	_ =	strace $0x90000047  }
0x566: {  	s0 =	stileid.u32;
	[bflag:$0x2] =	sbarrier.arrive $0xFFFF  }
0x567: {  	p0 =	sne.s32 s0, $0x0;
	s0 =	rddreg [dreg:$0x3]  }
0x568: {  	s0 =	sadd.s32 @!p0 $0x100000, s0  }
0x569: {  	[sflag:s0] =	ssyncadd.tile.s32 @!p0 $0x1;
	_ =	shalt  }
.Lfunc_end2:
_tile_overlayer_lowered:
.L_overlay_start_2:
0x56a: {  	(tag) =	ssettag $0x2  }
0x56b: {  	s0 =	rddreg [dreg:$0x0];
	s2 =	stileid.u32  }
0x56c: {  	s1 =	rddreg [dreg:$0x1];
	p0 =	sne.s32 s2, $0x0  }
0x56d: {  	s3 =	rddreg [dreg:$0x2];
	[bflag:$0x3] =	sbarrier.arrive $0xFFFF;
	s2 =	simm.s32 @!p0 $0x1C03  }
0x56e: {  	[timem:s3], [sflag:s2] =	dma.local @!p0 [hbm:s0], s1  }
0x56f: {  	s0 =	simm.s32 @!p0 $0x3  }
0x570: {  	_ =	swait.ge @!p0 [sflag:s0], s1  }
0x571: {  	s1 =	ssub.s32 @!p0 $0x0, s1;
	[sflag:s0] =	ssyncset.done @!p0 $0x0  }
0x572: {  	[sflag:s0] =	ssyncadd.s32 @!p0 s1  }
0x573: {  	[bflag:$0x3] =	sbarrier.arrive $0xFFFF  }
0x574: {  	_ =	shalt  }

</sc_bundles>
